<compile_context>
chip_gen: v7x
topology: tpu7x:2x2x1
jax: 0.10.2.dev20260603
libtpu: 0.0.44.dev20260713+nightly
codegen_flags: <defaults>
</compile_context>

<pallas_src>
import jax
import jax.numpy as jnp
from jax import lax
from jax.experimental import pallas as pl
from jax.experimental.pallas import tpu as pltpu
from jax.experimental.pallas import tpu_sc as plsc

_NEIGHBORS = (0, 5, 11, 17)
_TIME_LEN = 9
_E = 16
_D = 128
_NB = 4
_FLAT = _TIME_LEN * _NB * _D
_H = 512
_KL_W = 0.01
_NWORK = 32
_T_TOT = 64
_J_TOT = 24


def _sc_gather(t_ref, x_ref, out_ref, t_vmem, idx_scr, rows_v, sem):
    pltpu.sync_copy(t_ref, t_vmem)
    t_vec = t_vmem[...]
    iota16 = lax.iota(jnp.int32, 16)
    wid = lax.axis_index("s") * 2 + lax.axis_index("c")
    B = rows_v.shape[0]
    for item in range(_TIME_LEN * _NB):
        ti, nb = divmod(item, _NB)
        j = _NEIGHBORS[nb]

        @pl.when(wid == (item % _NWORK))
        def _copy(ti=ti, j=j, item=item):
            for r in range(B // 16):
                idx_scr[pl.ds(r * 16, 16)] = (
                    (iota16 + r * 16) * (_T_TOT * _J_TOT)
                    + (t_vec + ti) * _J_TOT + j)
            pltpu.async_copy(x_ref.at[idx_scr], rows_v, sem).wait()
            pltpu.sync_copy(rows_v, out_ref.at[:, pl.ds(item * _D, _D)])


def _moe_kernel(flat_ref, wg_ref, bg_ref, w1a_ref, w1b_ref, b1_ref,
                w2_ref, b2_ref, w3_ref, b3_ref, wt_ref, loss_ref, idx_ref,
                flatb_scr, g_scr, mse_scr, tgt_scr):
    e = pl.program_id(0)
    dt_half = _TIME_LEN // 2

    @pl.when(e == 0)
    def _route():
        flat = flat_ref[...]
        flatb = flat.astype(jnp.bfloat16)
        flatb_scr[...] = flatb

        logits = jnp.dot(flatb, wg_ref[...].astype(jnp.bfloat16),
                         preferred_element_type=jnp.float32) + bg_ref[...]
        m = jnp.max(logits, axis=-1, keepdims=True)
        ex = jnp.exp(logits - m)
        g = ex / jnp.sum(ex, axis=-1, keepdims=True)
        g_scr[...] = g

        lane = jax.lax.broadcasted_iota(jnp.int32, logits.shape, 1)
        is_max = logits == jnp.max(logits, axis=-1, keepdims=True)
        idx = jnp.min(jnp.where(is_max, lane, _E), axis=-1)
        idx_ref[0, :] = idx

        center = flat[:, dt_half * _NB * _D:(dt_half + 1) * _NB * _D]
        tgt_scr[...] = jnp.dot(center.astype(jnp.bfloat16),
                               wt_ref[...].astype(jnp.bfloat16),
                               preferred_element_type=jnp.float32)
        mse_scr[...] = jnp.zeros_like(mse_scr)

    flatb = flatb_scr[...]
    hh = _H // 2
    h0 = jnp.dot(flatb, w1a_ref[0].astype(jnp.bfloat16),
                 preferred_element_type=jnp.float32) + b1_ref[0, :, :hh]
    h1 = jnp.dot(flatb, w1b_ref[0].astype(jnp.bfloat16),
                 preferred_element_type=jnp.float32) + b1_ref[0, :, hh:]
    h0 = jnp.maximum(h0, 0.0).astype(jnp.bfloat16)
    h1 = jnp.maximum(h1, 0.0).astype(jnp.bfloat16)
    h = (jnp.dot(h0, w2_ref[0, :hh, :].astype(jnp.bfloat16),
                 preferred_element_type=jnp.float32)
         + jnp.dot(h1, w2_ref[0, hh:, :].astype(jnp.bfloat16),
                   preferred_element_type=jnp.float32)) + b2_ref[0]
    h = jnp.maximum(h, 0.0)
    y = jnp.dot(h.astype(jnp.bfloat16), w3_ref[0].astype(jnp.bfloat16),
                preferred_element_type=jnp.float32) + b3_ref[0]
    mse_e = jnp.mean((y - tgt_scr[...]) ** 2, axis=-1)
    onehot = (jax.lax.broadcasted_iota(jnp.int32, (1, _E), 1) == e
              ).astype(jnp.float32)
    mse_scr[...] += mse_e[:, None] * onehot

    @pl.when(e == _E - 1)
    def _finalize():
        g = g_scr[...]
        B = g.shape[0]
        weighted = jnp.sum(g * mse_scr[...]) / B
        usage = jnp.sum(g, axis=0, keepdims=True) / B
        kl = jnp.sum(usage * (jnp.log(usage + 1e-9) - jnp.log(1.0 / _E)))
        loss_ref[...] = jnp.reshape(weighted + _KL_W * kl, (1, 1))


def kernel(x, t, Wg, bg, W1, b1, W2, b2, W3, b3, Wt):
    B = x.shape[0]
    t_arr = (jnp.asarray(t, jnp.int32) - _TIME_LEN // 2).reshape(1)
    bg2 = bg.reshape(1, _E)
    b1r = b1.reshape(_E, 1, _H)
    b2r = b2.reshape(_E, 1, _H)
    b3r = b3.reshape(_E, 1, _D)

    mesh = plsc.VectorSubcoreMesh(core_axis_name="c", subcore_axis_name="s")
    t_arr16 = jnp.full((16,), t_arr[0], jnp.int32)
    x_flat = x.reshape(B * _T_TOT * _J_TOT, _D)
    flat = pl.kernel(
        _sc_gather,
        out_type=jax.ShapeDtypeStruct((B, _FLAT), jnp.float32),
        mesh=mesh,
        scratch_types=[pltpu.VMEM((16,), jnp.int32),
                       pltpu.VMEM((B,), jnp.int32),
                       pltpu.VMEM((B, _D), jnp.float32),
                       pltpu.SemaphoreType.DMA],
    )(t_arr16, x_flat)

    loss, idx = pl.pallas_call(
        _moe_kernel,
        grid=(_E,),
        in_specs=[
            pl.BlockSpec((B, _FLAT), lambda e: (0, 0)),
            pl.BlockSpec((_FLAT, _E), lambda e: (0, 0)),
            pl.BlockSpec((1, _E), lambda e: (0, 0)),
            pl.BlockSpec((1, _FLAT, _H // 2), lambda e: (e, 0, 0)),
            pl.BlockSpec((1, _FLAT, _H // 2), lambda e: (e, 0, 1)),
            pl.BlockSpec((1, 1, _H), lambda e: (e, 0, 0)),
            pl.BlockSpec((1, _H, _H), lambda e: (e, 0, 0)),
            pl.BlockSpec((1, 1, _H), lambda e: (e, 0, 0)),
            pl.BlockSpec((1, _H, _D), lambda e: (e, 0, 0)),
            pl.BlockSpec((1, 1, _D), lambda e: (e, 0, 0)),
            pl.BlockSpec((_NB * _D, _D), lambda e: (0, 0)),
        ],
        out_specs=[
            pl.BlockSpec((1, 1), lambda e: (0, 0)),
            pl.BlockSpec((1, B), lambda e: (0, 0)),
        ],
        out_shape=[
            jax.ShapeDtypeStruct((1, 1), jnp.float32),
            jax.ShapeDtypeStruct((1, B), jnp.int32),
        ],
        scratch_shapes=[
            pltpu.VMEM((B, _FLAT), jnp.bfloat16),
            pltpu.VMEM((B, _E), jnp.float32),
            pltpu.VMEM((B, _E), jnp.float32),
            pltpu.VMEM((B, _D), jnp.float32),
        ],
        compiler_params=pltpu.CompilerParams(
            dimension_semantics=("arbitrary",),
        ),
    )(flat, Wg, bg2, W1, W1, b1r, W2, b2r, W3, b3r, Wt)
    return loss.reshape(()), idx.reshape(B)

# --- scband reference (transcript-rebuilt; emitter-appended) ---
"""Pipeline reference for scband-globalmonopoly-mo-e-77386720739409 (READ-ONLY COPY).

The authoritative reference and input builder live on the scoring server;
editing this copy changes nothing except your own understanding.
"""

import jax, jax.numpy as jnp
import numpy as np

NEIGHBORS = jnp.array([0, 5, 11, 17])
TIME_LEN = 9
NUM_EXPERTS = 16
D_IN = 128
D_OUT = 128
HIDDEN = 512
KL_WEIGHT = 0.01


def setup_inputs(seed: int = 0):
    key = jax.random.key(seed)
    ks = jax.random.split(key, 12)
    B, T, J = 64, 64, 24
    n_nb = 4
    flat = TIME_LEN * n_nb * D_IN  # 4608
    cflat = n_nb * D_IN            # 512
    x = jax.random.normal(ks[0], (B, T, J, D_IN), dtype=jnp.float32)
    Wg = jax.random.normal(ks[1], (flat, NUM_EXPERTS), dtype=jnp.float32) * (1.0 / np.sqrt(flat))
    bg = jnp.zeros((NUM_EXPERTS,), jnp.float32)
    W1 = jax.random.normal(ks[2], (NUM_EXPERTS, flat, HIDDEN), dtype=jnp.float32) * (1.0 / np.sqrt(flat))
    b1 = jnp.zeros((NUM_EXPERTS, HIDDEN), jnp.float32)
    W2 = jax.random.normal(ks[3], (NUM_EXPERTS, HIDDEN, HIDDEN), dtype=jnp.float32) * (1.0 / np.sqrt(HIDDEN))
    b2 = jnp.zeros((NUM_EXPERTS, HIDDEN), jnp.float32)
    W3 = jax.random.normal(ks[4], (NUM_EXPERTS, HIDDEN, D_OUT), dtype=jnp.float32) * (1.0 / np.sqrt(HIDDEN))
    b3 = jnp.zeros((NUM_EXPERTS, D_OUT), jnp.float32)
    Wt = jax.random.normal(ks[5], (cflat, D_OUT), dtype=jnp.float32) * (1.0 / np.sqrt(cflat))
    return {"x": x, "t": 32, "Wg": Wg, "bg": bg, "W1": W1, "b1": b1, "W2": W2, "b2": b2, "W3": W3, "b3": b3, "Wt": Wt}


def reference(x, t, Wg, bg, W1, b1, W2, b2, W3, b3, Wt):
    # get_t_j_loss: slice temporal window around t, gather neighbor joints
    dt_half = TIME_LEN // 2
    dx = jax.lax.dynamic_slice_in_dim(x, t - dt_half, TIME_LEN, axis=1)  # [B, T_m, J, d]
    dx = dx[:, :, NEIGHBORS, :]                     # [B, T_m, n_nb, d]
    B = dx.shape[0]
    flat = dx.reshape(B, -1)                        # [B, T_m*n_nb*d]
    # router (monopoly = top-1 expert)
    logits = flat @ Wg + bg                         # [B, E]
    g = jax.nn.softmax(logits, axis=-1)
    expert_idx = jnp.argmax(logits, axis=-1)        # [B]
    # all-expert MLP forward (dense compute)
    h = jnp.einsum('bf,efh->beh', flat, W1) + b1[None]
    h = jax.nn.relu(h)
    h = jnp.einsum('beh,ehk->bek', h, W2) + b2[None]
    h = jax.nn.relu(h)
    y = jnp.einsum('beh,ehd->bed', h, W3) + b3[None]  # [B, E, d_out]
    # target: projection of center-frame neighbor features
    center = dx[:, dt_half].reshape(B, -1)          # [B, n_nb*d]
    tgt = center @ Wt                               # [B, d_out]
    mse = jnp.mean((y - tgt[:, None, :]) ** 2, axis=-1)  # [B, E]
    weighted = jnp.mean(jnp.sum(g * mse, axis=-1))
    usage = jnp.mean(g, axis=0)
    kl = jnp.sum(usage * (jnp.log(usage + 1e-9) - jnp.log(1.0 / NUM_EXPERTS)))
    loss = weighted + KL_WEIGHT * kl
    return loss, expert_idx

if __name__ == "__main__":
    import jax
    _d = setup_inputs()
    print(jax.jit(kernel)(*tuple(_d.values())))

</pallas_src>

<mosaic_0001>
#map = affine_map<(d0, d1) -> (0)>
#map1 = affine_map<(d0, d1) -> (0, 0)>
module attributes {stable_mosaic.version = 14 : i64} {
  func.func @_sc_gather(%arg0: i32, %arg1: i32, %arg2: memref<16xi32, #tpu.memory_space<hbm>>, %arg3: memref<98304x128xf32, #tpu.memory_space<hbm>>, %arg4: memref<64x4608xf32, #tpu.memory_space<hbm>>, %arg5: memref<16xi32, #tpu.memory_space<vmem>>, %arg6: memref<64xi32, #tpu.memory_space<vmem>>, %arg7: memref<64x128xf32, #tpu.memory_space<vmem>>, %arg8: memref<!tpu.dma_semaphore, #tpu.memory_space<semaphore_mem>>) attributes {dimension_semantics = [#tpu.dimension_semantics<core_parallel>, #tpu.dimension_semantics<subcore_parallel>], iteration_bounds = array<i64: 2, 16>, scalar_prefetch = 0 : i64, scratch_operands = 4 : i64, tpu.core_type = #tpu.core_type<sc_vector_subcore>, window_params = [{transform_indices = #map}, {transform_indices = #map1}, {transform_indices = #map1}]} {
    "tpu.region"() ({
      %run_scoped3A = tpu.sem_alloc : memref<!tpu.dma_semaphore, #tpu.memory_space<semaphore_mem>>
      tpu.enqueue_dma source(%arg2 : memref<16xi32, #tpu.memory_space<hbm>>) target(%arg5 : memref<16xi32, #tpu.memory_space<vmem>>) target_semaphore(%run_scoped3A : memref<!tpu.dma_semaphore, #tpu.memory_space<semaphore_mem>>)
      tpu.wait_dma2 semaphore(%run_scoped3A : memref<!tpu.dma_semaphore, #tpu.memory_space<semaphore_mem>>) src(%arg2 : memref<16xi32, #tpu.memory_space<hbm>>) dst(%arg5 : memref<16xi32, #tpu.memory_space<vmem>>)
      tpu.yield
    }) : () -> ()
    %get3A = arith.constant 0 : index
    %get3A_0 = tpu.vector_load %arg5[%get3A] {strides = array<i32>} : memref<16xi32, #tpu.memory_space<vmem>>, vector<16xi32>,
    %get3A_1 = vector.shape_cast %get3A_0 : vector<16xi32> to vector<16xi32>
    %iota3A = tpu.iota {dimensions = array<i32: 0>} : vector<16xi32>
    %mul3A = arith.constant 2 : i32
    %mul3A_2 = arith.muli %arg1, %mul3A : i32
    %add3A = arith.addi %mul3A_2, %arg0 : i32
    %eq3A = arith.constant 0 : i32
    %eq3A_3 = arith.cmpi eq, %add3A, %eq3A : i32
    %convert_element_type3A = arith.extui %eq3A_3 : i1 to i32
    %cond3A = arith.constant 0 : i32
    %cond3A_4 = arith.cmpi ne, %convert_element_type3A, %cond3A : i32
    scf.if %cond3A_4 {
      %add3A_180 = arith.constant 0 : i32
      %add3A_181 = vector.broadcast %add3A_180 : i32 to vector<16xi32>
      %add3A_182 = arith.addi %iota3A, %add3A_181 : vector<16xi32>
      %mul3A_183 = arith.constant 1536 : i32
      %mul3A_184 = vector.broadcast %mul3A_183 : i32 to vector<16xi32>
      %mul3A_185 = arith.muli %add3A_182, %mul3A_184 : vector<16xi32>
      %add3A_186 = arith.constant 0 : i32
      %add3A_187 = vector.broadcast %add3A_186 : i32 to vector<16xi32>
      %add3A_188 = arith.addi %get3A_1, %add3A_187 : vector<16xi32>
      %mul3A_189 = arith.constant 24 : i32
      %mul3A_190 = vector.broadcast %mul3A_189 : i32 to vector<16xi32>
      %mul3A_191 = arith.muli %add3A_188, %mul3A_190 : vector<16xi32>
      %add3A_192 = arith.addi %mul3A_185, %mul3A_191 : vector<16xi32>
      %add3A_193 = arith.constant 0 : i32
      %add3A_194 = vector.broadcast %add3A_193 : i32 to vector<16xi32>
      %add3A_195 = arith.addi %add3A_192, %add3A_194 : vector<16xi32>
      %swap3A = arith.constant 0 : index
      %swap3A_196 = tpu.vector_load %arg6[%swap3A] {strides = array<i32>} : memref<64xi32, #tpu.memory_space<vmem>>, vector<16xi32>,
      %swap3A_197 = vector.shape_cast %swap3A_196 : vector<16xi32> to vector<16xi32>
      %swap3A_198 = vector.shape_cast %add3A_195 : vector<16xi32> to vector<16xi32>
      tpu.vector_store %arg6[%swap3A], %swap3A_198 {strides = array<i32>} : memref<64xi32, #tpu.memory_space<vmem>>, vector<16xi32>,
      %add3A_199 = arith.constant 16 : i32
      %add3A_200 = vector.broadcast %add3A_199 : i32 to vector<16xi32>
      %add3A_201 = arith.addi %iota3A, %add3A_200 : vector<16xi32>
      %mul3A_202 = arith.constant 1536 : i32
      %mul3A_203 = vector.broadcast %mul3A_202 : i32 to vector<16xi32>
      %mul3A_204 = arith.muli %add3A_201, %mul3A_203 : vector<16xi32>
      %add3A_205 = arith.constant 0 : i32
      %add3A_206 = vector.broadcast %add3A_205 : i32 to vector<16xi32>
      %add3A_207 = arith.addi %get3A_1, %add3A_206 : vector<16xi32>
      %mul3A_208 = arith.constant 24 : i32
      %mul3A_209 = vector.broadcast %mul3A_208 : i32 to vector<16xi32>
      %mul3A_210 = arith.muli %add3A_207, %mul3A_209 : vector<16xi32>
      %add3A_211 = arith.addi %mul3A_204, %mul3A_210 : vector<16xi32>
      %add3A_212 = arith.constant 0 : i32
      %add3A_213 = vector.broadcast %add3A_212 : i32 to vector<16xi32>
      %add3A_214 = arith.addi %add3A_211, %add3A_213 : vector<16xi32>
      %swap3A_215 = arith.constant 16 : index
      %swap3A_216 = tpu.vector_load %arg6[%swap3A_215] {strides = array<i32>} : memref<64xi32, #tpu.memory_space<vmem>>, vector<16xi32>,
      %swap3A_217 = vector.shape_cast %swap3A_216 : vector<16xi32> to vector<16xi32>
      %swap3A_218 = vector.shape_cast %add3A_214 : vector<16xi32> to vector<16xi32>
      tpu.vector_store %arg6[%swap3A_215], %swap3A_218 {strides = array<i32>} : memref<64xi32, #tpu.memory_space<vmem>>, vector<16xi32>,
      %add3A_219 = arith.constant 32 : i32
      %add3A_220 = vector.broadcast %add3A_219 : i32 to vector<16xi32>
      %add3A_221 = arith.addi %iota3A, %add3A_220 : vector<16xi32>
      %mul3A_222 = arith.constant 1536 : i32
      %mul3A_223 = vector.broadcast %mul3A_222 : i32 to vector<16xi32>
      %mul3A_224 = arith.muli %add3A_221, %mul3A_223 : vector<16xi32>
      %add3A_225 = arith.constant 0 : i32
      %add3A_226 = vector.broadcast %add3A_225 : i32 to vector<16xi32>
      %add3A_227 = arith.addi %get3A_1, %add3A_226 : vector<16xi32>
      %mul3A_228 = arith.constant 24 : i32
      %mul3A_229 = vector.broadcast %mul3A_228 : i32 to vector<16xi32>
      %mul3A_230 = arith.muli %add3A_227, %mul3A_229 : vector<16xi32>
      %add3A_231 = arith.addi %mul3A_224, %mul3A_230 : vector<16xi32>
      %add3A_232 = arith.constant 0 : i32
      %add3A_233 = vector.broadcast %add3A_232 : i32 to vector<16xi32>
      %add3A_234 = arith.addi %add3A_231, %add3A_233 : vector<16xi32>
      %swap3A_235 = arith.constant 32 : index
      %swap3A_236 = tpu.vector_load %arg6[%swap3A_235] {strides = array<i32>} : memref<64xi32, #tpu.memory_space<vmem>>, vector<16xi32>,
      %swap3A_237 = vector.shape_cast %swap3A_236 : vector<16xi32> to vector<16xi32>
      %swap3A_238 = vector.shape_cast %add3A_234 : vector<16xi32> to vector<16xi32>
      tpu.vector_store %arg6[%swap3A_235], %swap3A_238 {strides = array<i32>} : memref<64xi32, #tpu.memory_space<vmem>>, vector<16xi32>,
      %add3A_239 = arith.constant 48 : i32
      %add3A_240 = vector.broadcast %add3A_239 : i32 to vector<16xi32>
      %add3A_241 = arith.addi %iota3A, %add3A_240 : vector<16xi32>
      %mul3A_242 = arith.constant 1536 : i32
      %mul3A_243 = vector.broadcast %mul3A_242 : i32 to vector<16xi32>
      %mul3A_244 = arith.muli %add3A_241, %mul3A_243 : vector<16xi32>
      %add3A_245 = arith.constant 0 : i32
      %add3A_246 = vector.broadcast %add3A_245 : i32 to vector<16xi32>
      %add3A_247 = arith.addi %get3A_1, %add3A_246 : vector<16xi32>
      %mul3A_248 = arith.constant 24 : i32
      %mul3A_249 = vector.broadcast %mul3A_248 : i32 to vector<16xi32>
      %mul3A_250 = arith.muli %add3A_247, %mul3A_249 : vector<16xi32>
      %add3A_251 = arith.addi %mul3A_244, %mul3A_250 : vector<16xi32>
      %add3A_252 = arith.constant 0 : i32
      %add3A_253 = vector.broadcast %add3A_252 : i32 to vector<16xi32>
      %add3A_254 = arith.addi %add3A_251, %add3A_253 : vector<16xi32>
      %swap3A_255 = arith.constant 48 : index
      %swap3A_256 = tpu.vector_load %arg6[%swap3A_255] {strides = array<i32>} : memref<64xi32, #tpu.memory_space<vmem>>, vector<16xi32>,
      %swap3A_257 = vector.shape_cast %swap3A_256 : vector<16xi32> to vector<16xi32>
      %swap3A_258 = vector.shape_cast %add3A_254 : vector<16xi32> to vector<16xi32>
      tpu.vector_store %arg6[%swap3A_255], %swap3A_258 {strides = array<i32>} : memref<64xi32, #tpu.memory_space<vmem>>, vector<16xi32>,
      %dma_start3A = arith.constant 0 : i32
      %dma_start3A_259 = arith.constant 0 : i32
      %dma_start3A_260 = tpu.memref_slice %arg3[%dma_start3A, %dma_start3A_259] : memref<98304x128xf32, #tpu.memory_space<hbm>> -> memref<98304x128xf32, #tpu.memory_space<hbm>>
      tpu.enqueue_indirect_dma source(%dma_start3A_260 : memref<98304x128xf32, #tpu.memory_space<hbm>>) target(%arg7 : memref<64x128xf32, #tpu.memory_space<vmem>>) offsets(%arg6 : memref<64xi32, #tpu.memory_space<vmem>>) semaphore(%arg8 : memref<!tpu.dma_semaphore, #tpu.memory_space<semaphore_mem>>)
      %dma_wait3A = arith.constant 0 : i32
      %dma_wait3A_261 = arith.constant 0 : i32
      %dma_wait3A_262 = tpu.memref_slice %arg3[%dma_wait3A, %dma_wait3A_261] : memref<98304x128xf32, #tpu.memory_space<hbm>> -> memref<98304x128xf32, #tpu.memory_space<hbm>>
      tpu.wait_indirect_dma semaphore(%arg8 : memref<!tpu.dma_semaphore, #tpu.memory_space<semaphore_mem>>) src(%dma_wait3A_262 : memref<98304x128xf32, #tpu.memory_space<hbm>>) dst(%arg7 : memref<64x128xf32, #tpu.memory_space<vmem>>)
      "tpu.region"() ({
        %run_scoped3A = tpu.sem_alloc : memref<!tpu.dma_semaphore, #tpu.memory_space<semaphore_mem>>
        %dma_start3A_263 = arith.constant 0 : i32
        %dma_start3A_264 = arith.constant 0 : i32
        %dma_start3A_265 = tpu.memref_slice %arg4[%dma_start3A_263, %dma_start3A_264] : memref<64x4608xf32, #tpu.memory_space<hbm>> -> memref<64x128xf32, #tpu.memory_space<hbm>>
        %dma_start3A_266 = arith.constant 0 : i32
        %dma_start3A_267 = arith.constant 0 : i32
        %dma_start3A_268 = tpu.memref_slice %arg4[%dma_start3A_266, %dma_start3A_267] : memref<64x4608xf32, #tpu.memory_space<hbm>> -> memref<64x128xf32, #tpu.memory_space<hbm>>
        tpu.enqueue_dma source(%arg7 : memref<64x128xf32, #tpu.memory_space<vmem>>) target(%dma_start3A_268 : memref<64x128xf32, #tpu.memory_space<hbm>>) target_semaphore(%run_scoped3A : memref<!tpu.dma_semaphore, #tpu.memory_space<semaphore_mem>>)
        %dma_wait3A_269 = arith.constant 0 : i32
        %dma_wait3A_270 = arith.constant 0 : i32
        %dma_wait3A_271 = tpu.memref_slice %arg4[%dma_wait3A_269, %dma_wait3A_270] : memref<64x4608xf32, #tpu.memory_space<hbm>> -> memref<64x128xf32, #tpu.memory_space<hbm>>
        %dma_wait3A_272 = arith.constant 0 : i32
        %dma_wait3A_273 = arith.constant 0 : i32
        %dma_wait3A_274 = tpu.memref_slice %arg4[%dma_wait3A_272, %dma_wait3A_273] : memref<64x4608xf32, #tpu.memory_space<hbm>> -> memref<64x128xf32, #tpu.memory_space<hbm>>
        tpu.wait_dma2 semaphore(%run_scoped3A : memref<!tpu.dma_semaphore, #tpu.memory_space<semaphore_mem>>) src(%arg7 : memref<64x128xf32, #tpu.memory_space<vmem>>) dst(%dma_wait3A_274 : memref<64x128xf32, #tpu.memory_space<hbm>>)
        tpu.yield
      }) : () -> ()
    } else {
    }
    %eq3A_5 = arith.constant 1 : i32
    %eq3A_6 = arith.cmpi eq, %add3A, %eq3A_5 : i32
    %convert_element_type3A_7 = arith.extui %eq3A_6 : i1 to i32
    %cond3A_8 = arith.constant 0 : i32
    %cond3A_9 = arith.cmpi ne, %convert_element_type3A_7, %cond3A_8 : i32
    scf.if %cond3A_9 {
      %add3A_180 = arith.constant 0 : i32
      %add3A_181 = vector.broadcast %add3A_180 : i32 to vector<16xi32>
      %add3A_182 = arith.addi %iota3A, %add3A_181 : vector<16xi32>
      %mul3A_183 = arith.constant 1536 : i32
      %mul3A_184 = vector.broadcast %mul3A_183 : i32 to vector<16xi32>
      %mul3A_185 = arith.muli %add3A_182, %mul3A_184 : vector<16xi32>
      %add3A_186 = arith.constant 0 : i32
      %add3A_187 = vector.broadcast %add3A_186 : i32 to vector<16xi32>
      %add3A_188 = arith.addi %get3A_1, %add3A_187 : vector<16xi32>
      %mul3A_189 = arith.constant 24 : i32
      %mul3A_190 = vector.broadcast %mul3A_189 : i32 to vector<16xi32>
      %mul3A_191 = arith.muli %add3A_188, %mul3A_190 : vector<16xi32>
      %add3A_192 = arith.addi %mul3A_185, %mul3A_191 : vector<16xi32>
      %add3A_193 = arith.constant 5 : i32
      %add3A_194 = vector.broadcast %add3A_193 : i32 to vector<16xi32>
      %add3A_195 = arith.addi %add3A_192, %add3A_194 : vector<16xi32>
      %swap3A = arith.constant 0 : index
      %swap3A_196 = tpu.vector_load %arg6[%swap3A] {strides = array<i32>} : memref<64xi32, #tpu.memory_space<vmem>>, vector<16xi32>,
      %swap3A_197 = vector.shape_cast %swap3A_196 : vector<16xi32> to vector<16xi32>
      %swap3A_198 = vector.shape_cast %add3A_195 : vector<16xi32> to vector<16xi32>
      tpu.vector_store %arg6[%swap3A], %swap3A_198 {strides = array<i32>} : memref<64xi32, #tpu.memory_space<vmem>>, vector<16xi32>,
      %add3A_199 = arith.constant 16 : i32
      %add3A_200 = vector.broadcast %add3A_199 : i32 to vector<16xi32>
      %add3A_201 = arith.addi %iota3A, %add3A_200 : vector<16xi32>
      %mul3A_202 = arith.constant 1536 : i32
      %mul3A_203 = vector.broadcast %mul3A_202 : i32 to vector<16xi32>
      %mul3A_204 = arith.muli %add3A_201, %mul3A_203 : vector<16xi32>
      %add3A_205 = arith.constant 0 : i32
      %add3A_206 = vector.broadcast %add3A_205 : i32 to vector<16xi32>
      %add3A_207 = arith.addi %get3A_1, %add3A_206 : vector<16xi32>
      %mul3A_208 = arith.constant 24 : i32
      %mul3A_209 = vector.broadcast %mul3A_208 : i32 to vector<16xi32>
      %mul3A_210 = arith.muli %add3A_207, %mul3A_209 : vector<16xi32>
      %add3A_211 = arith.addi %mul3A_204, %mul3A_210 : vector<16xi32>
      %add3A_212 = arith.constant 5 : i32
      %add3A_213 = vector.broadcast %add3A_212 : i32 to vector<16xi32>
      %add3A_214 = arith.addi %add3A_211, %add3A_213 : vector<16xi32>
      %swap3A_215 = arith.constant 16 : index
      %swap3A_216 = tpu.vector_load %arg6[%swap3A_215] {strides = array<i32>} : memref<64xi32, #tpu.memory_space<vmem>>, vector<16xi32>,
      %swap3A_217 = vector.shape_cast %swap3A_216 : vector<16xi32> to vector<16xi32>
      %swap3A_218 = vector.shape_cast %add3A_214 : vector<16xi32> to vector<16xi32>
      tpu.vector_store %arg6[%swap3A_215], %swap3A_218 {strides = array<i32>} : memref<64xi32, #tpu.memory_space<vmem>>, vector<16xi32>,
      %add3A_219 = arith.constant 32 : i32
      %add3A_220 = vector.broadcast %add3A_219 : i32 to vector<16xi32>
      %add3A_221 = arith.addi %iota3A, %add3A_220 : vector<16xi32>
      %mul3A_222 = arith.constant 1536 : i32
      %mul3A_223 = vector.broadcast %mul3A_222 : i32 to vector<16xi32>
      %mul3A_224 = arith.muli %add3A_221, %mul3A_223 : vector<16xi32>
      %add3A_225 = arith.constant 0 : i32
      %add3A_226 = vector.broadcast %add3A_225 : i32 to vector<16xi32>
      %add3A_227 = arith.addi %get3A_1, %add3A_226 : vector<16xi32>
      %mul3A_228 = arith.constant 24 : i32
      %mul3A_229 = vector.broadcast %mul3A_228 : i32 to vector<16xi32>
      %mul3A_230 = arith.muli %add3A_227, %mul3A_229 : vector<16xi32>
      %add3A_231 = arith.addi %mul3A_224, %mul3A_230 : vector<16xi32>
      %add3A_232 = arith.constant 5 : i32
      %add3A_233 = vector.broadcast %add3A_232 : i32 to vector<16xi32>
      %add3A_234 = arith.addi %add3A_231, %add3A_233 : vector<16xi32>
      %swap3A_235 = arith.constant 32 : index
      %swap3A_236 = tpu.vector_load %arg6[%swap3A_235] {strides = array<i32>} : memref<64xi32, #tpu.memory_space<vmem>>, vector<16xi32>,
      %swap3A_237 = vector.shape_cast %swap3A_236 : vector<16xi32> to vector<16xi32>
      %swap3A_238 = vector.shape_cast %add3A_234 : vector<16xi32> to vector<16xi32>
      tpu.vector_store %arg6[%swap3A_235], %swap3A_238 {strides = array<i32>} : memref<64xi32, #tpu.memory_space<vmem>>, vector<16xi32>,
      %add3A_239 = arith.constant 48 : i32
      %add3A_240 = vector.broadcast %add3A_239 : i32 to vector<16xi32>
      %add3A_241 = arith.addi %iota3A, %add3A_240 : vector<16xi32>
      %mul3A_242 = arith.constant 1536 : i32
      %mul3A_243 = vector.broadcast %mul3A_242 : i32 to vector<16xi32>
      %mul3A_244 = arith.muli %add3A_241, %mul3A_243 : vector<16xi32>
      %add3A_245 = arith.constant 0 : i32
      %add3A_246 = vector.broadcast %add3A_245 : i32 to vector<16xi32>
      %add3A_247 = arith.addi %get3A_1, %add3A_246 : vector<16xi32>
      %mul3A_248 = arith.constant 24 : i32
      %mul3A_249 = vector.broadcast %mul3A_248 : i32 to vector<16xi32>
      %mul3A_250 = arith.muli %add3A_247, %mul3A_249 : vector<16xi32>
      %add3A_251 = arith.addi %mul3A_244, %mul3A_250 : vector<16xi32>
      %add3A_252 = arith.constant 5 : i32
      %add3A_253 = vector.broadcast %add3A_252 : i32 to vector<16xi32>
      %add3A_254 = arith.addi %add3A_251, %add3A_253 : vector<16xi32>
      %swap3A_255 = arith.constant 48 : index
      %swap3A_256 = tpu.vector_load %arg6[%swap3A_255] {strides = array<i32>} : memref<64xi32, #tpu.memory_space<vmem>>, vector<16xi32>,
      %swap3A_257 = vector.shape_cast %swap3A_256 : vector<16xi32> to vector<16xi32>
      %swap3A_258 = vector.shape_cast %add3A_254 : vector<16xi32> to vector<16xi32>
      tpu.vector_store %arg6[%swap3A_255], %swap3A_258 {strides = array<i32>} : memref<64xi32, #tpu.memory_space<vmem>>, vector<16xi32>,
      %dma_start3A = arith.constant 0 : i32
      %dma_start3A_259 = arith.constant 0 : i32
      %dma_start3A_260 = tpu.memref_slice %arg3[%dma_start3A, %dma_start3A_259] : memref<98304x128xf32, #tpu.memory_space<hbm>> -> memref<98304x128xf32, #tpu.memory_space<hbm>>
      tpu.enqueue_indirect_dma source(%dma_start3A_260 : memref<98304x128xf32, #tpu.memory_space<hbm>>) target(%arg7 : memref<64x128xf32, #tpu.memory_space<vmem>>) offsets(%arg6 : memref<64xi32, #tpu.memory_space<vmem>>) semaphore(%arg8 : memref<!tpu.dma_semaphore, #tpu.memory_space<semaphore_mem>>)
      %dma_wait3A = arith.constant 0 : i32
      %dma_wait3A_261 = arith.constant 0 : i32
      %dma_wait3A_262 = tpu.memref_slice %arg3[%dma_wait3A, %dma_wait3A_261] : memref<98304x128xf32, #tpu.memory_space<hbm>> -> memref<98304x128xf32, #tpu.memory_space<hbm>>
      tpu.wait_indirect_dma semaphore(%arg8 : memref<!tpu.dma_semaphore, #tpu.memory_space<semaphore_mem>>) src(%dma_wait3A_262 : memref<98304x128xf32, #tpu.memory_space<hbm>>) dst(%arg7 : memref<64x128xf32, #tpu.memory_space<vmem>>)
      "tpu.region"() ({
        %run_scoped3A = tpu.sem_alloc : memref<!tpu.dma_semaphore, #tpu.memory_space<semaphore_mem>>
        %dma_start3A_263 = arith.constant 0 : i32
        %dma_start3A_264 = arith.constant 128 : i32
        %dma_start3A_265 = tpu.memref_slice %arg4[%dma_start3A_263, %dma_start3A_264] : memref<64x4608xf32, #tpu.memory_space<hbm>> -> memref<64x128xf32, #tpu.memory_space<hbm>>
        %dma_start3A_266 = arith.constant 0 : i32
        %dma_start3A_267 = arith.constant 128 : i32
        %dma_start3A_268 = tpu.memref_slice %arg4[%dma_start3A_266, %dma_start3A_267] : memref<64x4608xf32, #tpu.memory_space<hbm>> -> memref<64x128xf32, #tpu.memory_space<hbm>>
        tpu.enqueue_dma source(%arg7 : memref<64x128xf32, #tpu.memory_space<vmem>>) target(%dma_start3A_268 : memref<64x128xf32, #tpu.memory_space<hbm>>) target_semaphore(%run_scoped3A : memref<!tpu.dma_semaphore, #tpu.memory_space<semaphore_mem>>)
        %dma_wait3A_269 = arith.constant 0 : i32
        %dma_wait3A_270 = arith.constant 128 : i32
        %dma_wait3A_271 = tpu.memref_slice %arg4[%dma_wait3A_269, %dma_wait3A_270] : memref<64x4608xf32, #tpu.memory_space<hbm>> -> memref<64x128xf32, #tpu.memory_space<hbm>>
        %dma_wait3A_272 = arith.constant 0 : i32
        %dma_wait3A_273 = arith.constant 128 : i32
        %dma_wait3A_274 = tpu.memref_slice %arg4[%dma_wait3A_272, %dma_wait3A_273] : memref<64x4608xf32, #tpu.memory_space<hbm>> -> memref<64x128xf32, #tpu.memory_space<hbm>>
        tpu.wait_dma2 semaphore(%run_scoped3A : memref<!tpu.dma_semaphore, #tpu.memory_space<semaphore_mem>>) src(%arg7 : memref<64x128xf32, #tpu.memory_space<vmem>>) dst(%dma_wait3A_274 : memref<64x128xf32, #tpu.memory_space<hbm>>)
        tpu.yield
      }) : () -> ()
    } else {
    }
    %eq3A_10 = arith.constant 2 : i32
    %eq3A_11 = arith.cmpi eq, %add3A, %eq3A_10 : i32
    %convert_element_type3A_12 = arith.extui %eq3A_11 : i1 to i32
    %cond3A_13 = arith.constant 0 : i32
    %cond3A_14 = arith.cmpi ne, %convert_element_type3A_12, %cond3A_13 : i32
    scf.if %cond3A_14 {
      %add3A_180 = arith.constant 0 : i32
      %add3A_181 = vector.broadcast %add3A_180 : i32 to vector<16xi32>
      %add3A_182 = arith.addi %iota3A, %add3A_181 : vector<16xi32>
      %mul3A_183 = arith.constant 1536 : i32
      %mul3A_184 = vector.broadcast %mul3A_183 : i32 to vector<16xi32>
      %mul3A_185 = arith.muli %add3A_182, %mul3A_184 : vector<16xi32>
      %add3A_186 = arith.constant 0 : i32
      %add3A_187 = vector.broadcast %add3A_186 : i32 to vector<16xi32>
      %add3A_188 = arith.addi %get3A_1, %add3A_187 : vector<16xi32>
      %mul3A_189 = arith.constant 24 : i32
      %mul3A_190 = vector.broadcast %mul3A_189 : i32 to vector<16xi32>
      %mul3A_191 = arith.muli %add3A_188, %mul3A_190 : vector<16xi32>
      %add3A_192 = arith.addi %mul3A_185, %mul3A_191 : vector<16xi32>
      %add3A_193 = arith.constant 11 : i32
      %add3A_194 = vector.broadcast %add3A_193 : i32 to vector<16xi32>
      %add3A_195 = arith.addi %add3A_192, %add3A_194 : vector<16xi32>
      %swap3A = arith.constant 0 : index
      %swap3A_196 = tpu.vector_load %arg6[%swap3A] {strides = array<i32>} : memref<64xi32, #tpu.memory_space<vmem>>, vector<16xi32>,
      %swap3A_197 = vector.shape_cast %swap3A_196 : vector<16xi32> to vector<16xi32>
      %swap3A_198 = vector.shape_cast %add3A_195 : vector<16xi32> to vector<16xi32>
      tpu.vector_store %arg6[%swap3A], %swap3A_198 {strides = array<i32>} : memref<64xi32, #tpu.memory_space<vmem>>, vector<16xi32>,
      %add3A_199 = arith.constant 16 : i32
      %add3A_200 = vector.broadcast %add3A_199 : i32 to vector<16xi32>
      %add3A_201 = arith.addi %iota3A, %add3A_200 : vector<16xi32>
      %mul3A_202 = arith.constant 1536 : i32
      %mul3A_203 = vector.broadcast %mul3A_202 : i32 to vector<16xi32>
      %mul3A_204 = arith.muli %add3A_201, %mul3A_203 : vector<16xi32>
      %add3A_205 = arith.constant 0 : i32
      %add3A_206 = vector.broadcast %add3A_205 : i32 to vector<16xi32>
      %add3A_207 = arith.addi %get3A_1, %add3A_206 : vector<16xi32>
      %mul3A_208 = arith.constant 24 : i32
      %mul3A_209 = vector.broadcast %mul3A_208 : i32 to vector<16xi32>
      %mul3A_210 = arith.muli %add3A_207, %mul3A_209 : vector<16xi32>
      %add3A_211 = arith.addi %mul3A_204, %mul3A_210 : vector<16xi32>
      %add3A_212 = arith.constant 11 : i32
      %add3A_213 = vector.broadcast %add3A_212 : i32 to vector<16xi32>
      %add3A_214 = arith.addi %add3A_211, %add3A_213 : vector<16xi32>
      %swap3A_215 = arith.constant 16 : index
      %swap3A_216 = tpu.vector_load %arg6[%swap3A_215] {strides = array<i32>} : memref<64xi32, #tpu.memory_space<vmem>>, vector<16xi32>,
      %swap3A_217 = vector.shape_cast %swap3A_216 : vector<16xi32> to vector<16xi32>
      %swap3A_218 = vector.shape_cast %add3A_214 : vector<16xi32> to vector<16xi32>
      tpu.vector_store %arg6[%swap3A_215], %swap3A_218 {strides = array<i32>} : memref<64xi32, #tpu.memory_space<vmem>>, vector<16xi32>,
      %add3A_219 = arith.constant 32 : i32
      %add3A_220 = vector.broadcast %add3A_219 : i32 to vector<16xi32>
      %add3A_221 = arith.addi %iota3A, %add3A_220 : vector<16xi32>
      %mul3A_222 = arith.constant 1536 : i32
      %mul3A_223 = vector.broadcast %mul3A_222 : i32 to vector<16xi32>
      %mul3A_224 = arith.muli %add3A_221, %mul3A_223 : vector<16xi32>
      %add3A_225 = arith.constant 0 : i32
      %add3A_226 = vector.broadcast %add3A_225 : i32 to vector<16xi32>
      %add3A_227 = arith.addi %get3A_1, %add3A_226 : vector<16xi32>
      %mul3A_228 = arith.constant 24 : i32
      %mul3A_229 = vector.broadcast %mul3A_228 : i32 to vector<16xi32>
      %mul3A_230 = arith.muli %add3A_227, %mul3A_229 : vector<16xi32>
      %add3A_231 = arith.addi %mul3A_224, %mul3A_230 : vector<16xi32>
      %add3A_232 = arith.constant 11 : i32
      %add3A_233 = vector.broadcast %add3A_232 : i32 to vector<16xi32>
      %add3A_234 = arith.addi %add3A_231, %add3A_233 : vector<16xi32>
      %swap3A_235 = arith.constant 32 : index
      %swap3A_236 = tpu.vector_load %arg6[%swap3A_235] {strides = array<i32>} : memref<64xi32, #tpu.memory_space<vmem>>, vector<16xi32>,
      %swap3A_237 = vector.shape_cast %swap3A_236 : vector<16xi32> to vector<16xi32>
      %swap3A_238 = vector.shape_cast %add3A_234 : vector<16xi32> to vector<16xi32>
      tpu.vector_store %arg6[%swap3A_235], %swap3A_238 {strides = array<i32>} : memref<64xi32, #tpu.memory_space<vmem>>, vector<16xi32>,
      %add3A_239 = arith.constant 48 : i32
      %add3A_240 = vector.broadcast %add3A_239 : i32 to vector<16xi32>
      %add3A_241 = arith.addi %iota3A, %add3A_240 : vector<16xi32>
      %mul3A_242 = arith.constant 1536 : i32
      %mul3A_243 = vector.broadcast %mul3A_242 : i32 to vector<16xi32>
      %mul3A_244 = arith.muli %add3A_241, %mul3A_243 : vector<16xi32>
      %add3A_245 = arith.constant 0 : i32
      %add3A_246 = vector.broadcast %add3A_245 : i32 to vector<16xi32>
      %add3A_247 = arith.addi %get3A_1, %add3A_246 : vector<16xi32>
      %mul3A_248 = arith.constant 24 : i32
      %mul3A_249 = vector.broadcast %mul3A_248 : i32 to vector<16xi32>
      %mul3A_250 = arith.muli %add3A_247, %mul3A_249 : vector<16xi32>
      %add3A_251 = arith.addi %mul3A_244, %mul3A_250 : vector<16xi32>
      %add3A_252 = arith.constant 11 : i32
      %add3A_253 = vector.broadcast %add3A_252 : i32 to vector<16xi32>
      %add3A_254 = arith.addi %add3A_251, %add3A_253 : vector<16xi32>
      %swap3A_255 = arith.constant 48 : index
      %swap3A_256 = tpu.vector_load %arg6[%swap3A_255] {strides = array<i32>} : memref<64xi32, #tpu.memory_space<vmem>>, vector<16xi32>,
      %swap3A_257 = vector.shape_cast %swap3A_256 : vector<16xi32> to vector<16xi32>
      %swap3A_258 = vector.shape_cast %add3A_254 : vector<16xi32> to vector<16xi32>
      tpu.vector_store %arg6[%swap3A_255], %swap3A_258 {strides = array<i32>} : memref<64xi32, #tpu.memory_space<vmem>>, vector<16xi32>,
      %dma_start3A = arith.constant 0 : i32
      %dma_start3A_259 = arith.constant 0 : i32
      %dma_start3A_260 = tpu.memref_slice %arg3[%dma_start3A, %dma_start3A_259] : memref<98304x128xf32, #tpu.memory_space<hbm>> -> memref<98304x128xf32, #tpu.memory_space<hbm>>
      tpu.enqueue_indirect_dma source(%dma_start3A_260 : memref<98304x128xf32, #tpu.memory_space<hbm>>) target(%arg7 : memref<64x128xf32, #tpu.memory_space<vmem>>) offsets(%arg6 : memref<64xi32, #tpu.memory_space<vmem>>) semaphore(%arg8 : memref<!tpu.dma_semaphore, #tpu.memory_space<semaphore_mem>>)
      %dma_wait3A = arith.constant 0 : i32
      %dma_wait3A_261 = arith.constant 0 : i32
      %dma_wait3A_262 = tpu.memref_slice %arg3[%dma_wait3A, %dma_wait3A_261] : memref<98304x128xf32, #tpu.memory_space<hbm>> -> memref<98304x128xf32, #tpu.memory_space<hbm>>
      tpu.wait_indirect_dma semaphore(%arg8 : memref<!tpu.dma_semaphore, #tpu.memory_space<semaphore_mem>>) src(%dma_wait3A_262 : memref<98304x128xf32, #tpu.memory_space<hbm>>) dst(%arg7 : memref<64x128xf32, #tpu.memory_space<vmem>>)
      "tpu.region"() ({
        %run_scoped3A = tpu.sem_alloc : memref<!tpu.dma_semaphore, #tpu.memory_space<semaphore_mem>>
        %dma_start3A_263 = arith.constant 0 : i32
        %dma_start3A_264 = arith.constant 256 : i32
        %dma_start3A_265 = tpu.memref_slice %arg4[%dma_start3A_263, %dma_start3A_264] : memref<64x4608xf32, #tpu.memory_space<hbm>> -> memref<64x128xf32, #tpu.memory_space<hbm>>
        %dma_start3A_266 = arith.constant 0 : i32
        %dma_start3A_267 = arith.constant 256 : i32
        %dma_start3A_268 = tpu.memref_slice %arg4[%dma_start3A_266, %dma_start3A_267] : memref<64x4608xf32, #tpu.memory_space<hbm>> -> memref<64x128xf32, #tpu.memory_space<hbm>>
        tpu.enqueue_dma source(%arg7 : memref<64x128xf32, #tpu.memory_space<vmem>>) target(%dma_start3A_268 : memref<64x128xf32, #tpu.memory_space<hbm>>) target_semaphore(%run_scoped3A : memref<!tpu.dma_semaphore, #tpu.memory_space<semaphore_mem>>)
        %dma_wait3A_269 = arith.constant 0 : i32
        %dma_wait3A_270 = arith.constant 256 : i32
        %dma_wait3A_271 = tpu.memref_slice %arg4[%dma_wait3A_269, %dma_wait3A_270] : memref<64x4608xf32, #tpu.memory_space<hbm>> -> memref<64x128xf32, #tpu.memory_space<hbm>>
        %dma_wait3A_272 = arith.constant 0 : i32
        %dma_wait3A_273 = arith.constant 256 : i32
        %dma_wait3A_274 = tpu.memref_slice %arg4[%dma_wait3A_272, %dma_wait3A_273] : memref<64x4608xf32, #tpu.memory_space<hbm>> -> memref<64x128xf32, #tpu.memory_space<hbm>>
        tpu.wait_dma2 semaphore(%run_scoped3A : memref<!tpu.dma_semaphore, #tpu.memory_space<semaphore_mem>>) src(%arg7 : memref<64x128xf32, #tpu.memory_space<vmem>>) dst(%dma_wait3A_274 : memref<64x128xf32, #tpu.memory_space<hbm>>)
        tpu.yield
      }) : () -> ()
    } else {
    }
    %eq3A_15 = arith.constant 3 : i32
    %eq3A_16 = arith.cmpi eq, %add3A, %eq3A_15 : i32
    %convert_element_type3A_17 = arith.extui %eq3A_16 : i1 to i32
    %cond3A_18 = arith.constant 0 : i32
    %cond3A_19 = arith.cmpi ne, %convert_element_type3A_17, %cond3A_18 : i32
    scf.if %cond3A_19 {
      %add3A_180 = arith.constant 0 : i32
      %add3A_181 = vector.broadcast %add3A_180 : i32 to vector<16xi32>
      %add3A_182 = arith.addi %iota3A, %add3A_181 : vector<16xi32>
      %mul3A_183 = arith.constant 1536 : i32
      %mul3A_184 = vector.broadcast %mul3A_183 : i32 to vector<16xi32>
      %mul3A_185 = arith.muli %add3A_182, %mul3A_184 : vector<16xi32>
      %add3A_186 = arith.constant 0 : i32
      %add3A_187 = vector.broadcast %add3A_186 : i32 to vector<16xi32>
      %add3A_188 = arith.addi %get3A_1, %add3A_187 : vector<16xi32>
      %mul3A_189 = arith.constant 24 : i32
      %mul3A_190 = vector.broadcast %mul3A_189 : i32 to vector<16xi32>
      %mul3A_191 = arith.muli %add3A_188, %mul3A_190 : vector<16xi32>
      %add3A_192 = arith.addi %mul3A_185, %mul3A_191 : vector<16xi32>
      %add3A_193 = arith.constant 17 : i32
      %add3A_194 = vector.broadcast %add3A_193 : i32 to vector<16xi32>
      %add3A_195 = arith.addi %add3A_192, %add3A_194 : vector<16xi32>
      %swap3A = arith.constant 0 : index
      %swap3A_196 = tpu.vector_load %arg6[%swap3A] {strides = array<i32>} : memref<64xi32, #tpu.memory_space<vmem>>, vector<16xi32>,
      %swap3A_197 = vector.shape_cast %swap3A_196 : vector<16xi32> to vector<16xi32>
      %swap3A_198 = vector.shape_cast %add3A_195 : vector<16xi32> to vector<16xi32>
      tpu.vector_store %arg6[%swap3A], %swap3A_198 {strides = array<i32>} : memref<64xi32, #tpu.memory_space<vmem>>, vector<16xi32>,
      %add3A_199 = arith.constant 16 : i32
      %add3A_200 = vector.broadcast %add3A_199 : i32 to vector<16xi32>
      %add3A_201 = arith.addi %iota3A, %add3A_200 : vector<16xi32>
      %mul3A_202 = arith.constant 1536 : i32
      %mul3A_203 = vector.broadcast %mul3A_202 : i32 to vector<16xi32>
      %mul3A_204 = arith.muli %add3A_201, %mul3A_203 : vector<16xi32>
      %add3A_205 = arith.constant 0 : i32
      %add3A_206 = vector.broadcast %add3A_205 : i32 to vector<16xi32>
      %add3A_207 = arith.addi %get3A_1, %add3A_206 : vector<16xi32>
      %mul3A_208 = arith.constant 24 : i32
      %mul3A_209 = vector.broadcast %mul3A_208 : i32 to vector<16xi32>
      %mul3A_210 = arith.muli %add3A_207, %mul3A_209 : vector<16xi32>
      %add3A_211 = arith.addi %mul3A_204, %mul3A_210 : vector<16xi32>
      %add3A_212 = arith.constant 17 : i32
      %add3A_213 = vector.broadcast %add3A_212 : i32 to vector<16xi32>
      %add3A_214 = arith.addi %add3A_211, %add3A_213 : vector<16xi32>
      %swap3A_215 = arith.constant 16 : index
      %swap3A_216 = tpu.vector_load %arg6[%swap3A_215] {strides = array<i32>} : memref<64xi32, #tpu.memory_space<vmem>>, vector<16xi32>,
      %swap3A_217 = vector.shape_cast %swap3A_216 : vector<16xi32> to vector<16xi32>
      %swap3A_218 = vector.shape_cast %add3A_214 : vector<16xi32> to vector<16xi32>
      tpu.vector_store %arg6[%swap3A_215], %swap3A_218 {strides = array<i32>} : memref<64xi32, #tpu.memory_space<vmem>>, vector<16xi32>,
      %add3A_219 = arith.constant 32 : i32
      %add3A_220 = vector.broadcast %add3A_219 : i32 to vector<16xi32>
      %add3A_221 = arith.addi %iota3A, %add3A_220 : vector<16xi32>
      %mul3A_222 = arith.constant 1536 : i32
      %mul3A_223 = vector.broadcast %mul3A_222 : i32 to vector<16xi32>
      %mul3A_224 = arith.muli %add3A_221, %mul3A_223 : vector<16xi32>
      %add3A_225 = arith.constant 0 : i32
      %add3A_226 = vector.broadcast %add3A_225 : i32 to vector<16xi32>
      %add3A_227 = arith.addi %get3A_1, %add3A_226 : vector<16xi32>
      %mul3A_228 = arith.constant 24 : i32
      %mul3A_229 = vector.broadcast %mul3A_228 : i32 to vector<16xi32>
      %mul3A_230 = arith.muli %add3A_227, %mul3A_229 : vector<16xi32>
      %add3A_231 = arith.addi %mul3A_224, %mul3A_230 : vector<16xi32>
      %add3A_232 = arith.constant 17 : i32
      %add3A_233 = vector.broadcast %add3A_232 : i32 to vector<16xi32>
      %add3A_234 = arith.addi %add3A_231, %add3A_233 : vector<16xi32>
      %swap3A_235 = arith.constant 32 : index
      %swap3A_236 = tpu.vector_load %arg6[%swap3A_235] {strides = array<i32>} : memref<64xi32, #tpu.memory_space<vmem>>, vector<16xi32>,
      %swap3A_237 = vector.shape_cast %swap3A_236 : vector<16xi32> to vector<16xi32>
      %swap3A_238 = vector.shape_cast %add3A_234 : vector<16xi32> to vector<16xi32>
      tpu.vector_store %arg6[%swap3A_235], %swap3A_238 {strides = array<i32>} : memref<64xi32, #tpu.memory_space<vmem>>, vector<16xi32>,
      %add3A_239 = arith.constant 48 : i32
      %add3A_240 = vector.broadcast %add3A_239 : i32 to vector<16xi32>
      %add3A_241 = arith.addi %iota3A, %add3A_240 : vector<16xi32>
      %mul3A_242 = arith.constant 1536 : i32
      %mul3A_243 = vector.broadcast %mul3A_242 : i32 to vector<16xi32>
      %mul3A_244 = arith.muli %add3A_241, %mul3A_243 : vector<16xi32>
      %add3A_245 = arith.constant 0 : i32
      %add3A_246 = vector.broadcast %add3A_245 : i32 to vector<16xi32>
      %add3A_247 = arith.addi %get3A_1, %add3A_246 : vector<16xi32>
      %mul3A_248 = arith.constant 24 : i32
      %mul3A_249 = vector.broadcast %mul3A_248 : i32 to vector<16xi32>
      %mul3A_250 = arith.muli %add3A_247, %mul3A_249 : vector<16xi32>
      %add3A_251 = arith.addi %mul3A_244, %mul3A_250 : vector<16xi32>
      %add3A_252 = arith.constant 17 : i32
      %add3A_253 = vector.broadcast %add3A_252 : i32 to vector<16xi32>
      %add3A_254 = arith.addi %add3A_251, %add3A_253 : vector<16xi32>
      %swap3A_255 = arith.constant 48 : index
      %swap3A_256 = tpu.vector_load %arg6[%swap3A_255] {strides = array<i32>} : memref<64xi32, #tpu.memory_space<vmem>>, vector<16xi32>,
      %swap3A_257 = vector.shape_cast %swap3A_256 : vector<16xi32> to vector<16xi32>
      %swap3A_258 = vector.shape_cast %add3A_254 : vector<16xi32> to vector<16xi32>
      tpu.vector_store %arg6[%swap3A_255], %swap3A_258 {strides = array<i32>} : memref<64xi32, #tpu.memory_space<vmem>>, vector<16xi32>,
      %dma_start3A = arith.constant 0 : i32
      %dma_start3A_259 = arith.constant 0 : i32
      %dma_start3A_260 = tpu.memref_slice %arg3[%dma_start3A, %dma_start3A_259] : memref<98304x128xf32, #tpu.memory_space<hbm>> -> memref<98304x128xf32, #tpu.memory_space<hbm>>
      tpu.enqueue_indirect_dma source(%dma_start3A_260 : memref<98304x128xf32, #tpu.memory_space<hbm>>) target(%arg7 : memref<64x128xf32, #tpu.memory_space<vmem>>) offsets(%arg6 : memref<64xi32, #tpu.memory_space<vmem>>) semaphore(%arg8 : memref<!tpu.dma_semaphore, #tpu.memory_space<semaphore_mem>>)
      %dma_wait3A = arith.constant 0 : i32
      %dma_wait3A_261 = arith.constant 0 : i32
      %dma_wait3A_262 = tpu.memref_slice %arg3[%dma_wait3A, %dma_wait3A_261] : memref<98304x128xf32, #tpu.memory_space<hbm>> -> memref<98304x128xf32, #tpu.memory_space<hbm>>
      tpu.wait_indirect_dma semaphore(%arg8 : memref<!tpu.dma_semaphore, #tpu.memory_space<semaphore_mem>>) src(%dma_wait3A_262 : memref<98304x128xf32, #tpu.memory_space<hbm>>) dst(%arg7 : memref<64x128xf32, #tpu.memory_space<vmem>>)
      "tpu.region"() ({
        %run_scoped3A = tpu.sem_alloc : memref<!tpu.dma_semaphore, #tpu.memory_space<semaphore_mem>>
        %dma_start3A_263 = arith.constant 0 : i32
        %dma_start3A_264 = arith.constant 384 : i32
        %dma_start3A_265 = tpu.memref_slice %arg4[%dma_start3A_263, %dma_start3A_264] : memref<64x4608xf32, #tpu.memory_space<hbm>> -> memref<64x128xf32, #tpu.memory_space<hbm>>
        %dma_start3A_266 = arith.constant 0 : i32
        %dma_start3A_267 = arith.constant 384 : i32
        %dma_start3A_268 = tpu.memref_slice %arg4[%dma_start3A_266, %dma_start3A_267] : memref<64x4608xf32, #tpu.memory_space<hbm>> -> memref<64x128xf32, #tpu.memory_space<hbm>>
        tpu.enqueue_dma source(%arg7 : memref<64x128xf32, #tpu.memory_space<vmem>>) target(%dma_start3A_268 : memref<64x128xf32, #tpu.memory_space<hbm>>) target_semaphore(%run_scoped3A : memref<!tpu.dma_semaphore, #tpu.memory_space<semaphore_mem>>)
        %dma_wait3A_269 = arith.constant 0 : i32
        %dma_wait3A_270 = arith.constant 384 : i32
        %dma_wait3A_271 = tpu.memref_slice %arg4[%dma_wait3A_269, %dma_wait3A_270] : memref<64x4608xf32, #tpu.memory_space<hbm>> -> memref<64x128xf32, #tpu.memory_space<hbm>>
        %dma_wait3A_272 = arith.constant 0 : i32
        %dma_wait3A_273 = arith.constant 384 : i32
        %dma_wait3A_274 = tpu.memref_slice %arg4[%dma_wait3A_272, %dma_wait3A_273] : memref<64x4608xf32, #tpu.memory_space<hbm>> -> memref<64x128xf32, #tpu.memory_space<hbm>>
        tpu.wait_dma2 semaphore(%run_scoped3A : memref<!tpu.dma_semaphore, #tpu.memory_space<semaphore_mem>>) src(%arg7 : memref<64x128xf32, #tpu.memory_space<vmem>>) dst(%dma_wait3A_274 : memref<64x128xf32, #tpu.memory_space<hbm>>)
        tpu.yield
      }) : () -> ()
    } else {
    }
    %eq3A_20 = arith.constant 4 : i32
    %eq3A_21 = arith.cmpi eq, %add3A, %eq3A_20 : i32
    %convert_element_type3A_22 = arith.extui %eq3A_21 : i1 to i32
    %cond3A_23 = arith.constant 0 : i32
    %cond3A_24 = arith.cmpi ne, %convert_element_type3A_22, %cond3A_23 : i32
    scf.if %cond3A_24 {
      %add3A_180 = arith.constant 0 : i32
      %add3A_181 = vector.broadcast %add3A_180 : i32 to vector<16xi32>
      %add3A_182 = arith.addi %iota3A, %add3A_181 : vector<16xi32>
      %mul3A_183 = arith.constant 1536 : i32
      %mul3A_184 = vector.broadcast %mul3A_183 : i32 to vector<16xi32>
      %mul3A_185 = arith.muli %add3A_182, %mul3A_184 : vector<16xi32>
      %add3A_186 = arith.constant 1 : i32
      %add3A_187 = vector.broadcast %add3A_186 : i32 to vector<16xi32>
      %add3A_188 = arith.addi %get3A_1, %add3A_187 : vector<16xi32>
      %mul3A_189 = arith.constant 24 : i32
      %mul3A_190 = vector.broadcast %mul3A_189 : i32 to vector<16xi32>
      %mul3A_191 = arith.muli %add3A_188, %mul3A_190 : vector<16xi32>
      %add3A_192 = arith.addi %mul3A_185, %mul3A_191 : vector<16xi32>
      %add3A_193 = arith.constant 0 : i32
      %add3A_194 = vector.broadcast %add3A_193 : i32 to vector<16xi32>
      %add3A_195 = arith.addi %add3A_192, %add3A_194 : vector<16xi32>
      %swap3A = arith.constant 0 : index
      %swap3A_196 = tpu.vector_load %arg6[%swap3A] {strides = array<i32>} : memref<64xi32, #tpu.memory_space<vmem>>, vector<16xi32>,
      %swap3A_197 = vector.shape_cast %swap3A_196 : vector<16xi32> to vector<16xi32>
      %swap3A_198 = vector.shape_cast %add3A_195 : vector<16xi32> to vector<16xi32>
      tpu.vector_store %arg6[%swap3A], %swap3A_198 {strides = array<i32>} : memref<64xi32, #tpu.memory_space<vmem>>, vector<16xi32>,
      %add3A_199 = arith.constant 16 : i32
      %add3A_200 = vector.broadcast %add3A_199 : i32 to vector<16xi32>
      %add3A_201 = arith.addi %iota3A, %add3A_200 : vector<16xi32>
      %mul3A_202 = arith.constant 1536 : i32
      %mul3A_203 = vector.broadcast %mul3A_202 : i32 to vector<16xi32>
      %mul3A_204 = arith.muli %add3A_201, %mul3A_203 : vector<16xi32>
      %add3A_205 = arith.constant 1 : i32
      %add3A_206 = vector.broadcast %add3A_205 : i32 to vector<16xi32>
      %add3A_207 = arith.addi %get3A_1, %add3A_206 : vector<16xi32>
      %mul3A_208 = arith.constant 24 : i32
      %mul3A_209 = vector.broadcast %mul3A_208 : i32 to vector<16xi32>
      %mul3A_210 = arith.muli %add3A_207, %mul3A_209 : vector<16xi32>
      %add3A_211 = arith.addi %mul3A_204, %mul3A_210 : vector<16xi32>
      %add3A_212 = arith.constant 0 : i32
      %add3A_213 = vector.broadcast %add3A_212 : i32 to vector<16xi32>
      %add3A_214 = arith.addi %add3A_211, %add3A_213 : vector<16xi32>
      %swap3A_215 = arith.constant 16 : index
      %swap3A_216 = tpu.vector_load %arg6[%swap3A_215] {strides = array<i32>} : memref<64xi32, #tpu.memory_space<vmem>>, vector<16xi32>,
      %swap3A_217 = vector.shape_cast %swap3A_216 : vector<16xi32> to vector<16xi32>
      %swap3A_218 = vector.shape_cast %add3A_214 : vector<16xi32> to vector<16xi32>
      tpu.vector_store %arg6[%swap3A_215], %swap3A_218 {strides = array<i32>} : memref<64xi32, #tpu.memory_space<vmem>>, vector<16xi32>,
      %add3A_219 = arith.constant 32 : i32
      %add3A_220 = vector.broadcast %add3A_219 : i32 to vector<16xi32>
      %add3A_221 = arith.addi %iota3A, %add3A_220 : vector<16xi32>
      %mul3A_222 = arith.constant 1536 : i32
      %mul3A_223 = vector.broadcast %mul3A_222 : i32 to vector<16xi32>
      %mul3A_224 = arith.muli %add3A_221, %mul3A_223 : vector<16xi32>
      %add3A_225 = arith.constant 1 : i32
      %add3A_226 = vector.broadcast %add3A_225 : i32 to vector<16xi32>
      %add3A_227 = arith.addi %get3A_1, %add3A_226 : vector<16xi32>
      %mul3A_228 = arith.constant 24 : i32
      %mul3A_229 = vector.broadcast %mul3A_228 : i32 to vector<16xi32>
      %mul3A_230 = arith.muli %add3A_227, %mul3A_229 : vector<16xi32>
      %add3A_231 = arith.addi %mul3A_224, %mul3A_230 : vector<16xi32>
      %add3A_232 = arith.constant 0 : i32
      %add3A_233 = vector.broadcast %add3A_232 : i32 to vector<16xi32>
      %add3A_234 = arith.addi %add3A_231, %add3A_233 : vector<16xi32>
      %swap3A_235 = arith.constant 32 : index
      %swap3A_236 = tpu.vector_load %arg6[%swap3A_235] {strides = array<i32>} : memref<64xi32, #tpu.memory_space<vmem>>, vector<16xi32>,
      %swap3A_237 = vector.shape_cast %swap3A_236 : vector<16xi32> to vector<16xi32>
      %swap3A_238 = vector.shape_cast %add3A_234 : vector<16xi32> to vector<16xi32>
      tpu.vector_store %arg6[%swap3A_235], %swap3A_238 {strides = array<i32>} : memref<64xi32, #tpu.memory_space<vmem>>, vector<16xi32>,
      %add3A_239 = arith.constant 48 : i32
      %add3A_240 = vector.broadcast %add3A_239 : i32 to vector<16xi32>
      %add3A_241 = arith.addi %iota3A, %add3A_240 : vector<16xi32>
      %mul3A_242 = arith.constant 1536 : i32
      %mul3A_243 = vector.broadcast %mul3A_242 : i32 to vector<16xi32>
      %mul3A_244 = arith.muli %add3A_241, %mul3A_243 : vector<16xi32>
      %add3A_245 = arith.constant 1 : i32
      %add3A_246 = vector.broadcast %add3A_245 : i32 to vector<16xi32>
      %add3A_247 = arith.addi %get3A_1, %add3A_246 : vector<16xi32>
      %mul3A_248 = arith.constant 24 : i32
      %mul3A_249 = vector.broadcast %mul3A_248 : i32 to vector<16xi32>
      %mul3A_250 = arith.muli %add3A_247, %mul3A_249 : vector<16xi32>
      %add3A_251 = arith.addi %mul3A_244, %mul3A_250 : vector<16xi32>
      %add3A_252 = arith.constant 0 : i32
      %add3A_253 = vector.broadcast %add3A_252 : i32 to vector<16xi32>
      %add3A_254 = arith.addi %add3A_251, %add3A_253 : vector<16xi32>
      %swap3A_255 = arith.constant 48 : index
      %swap3A_256 = tpu.vector_load %arg6[%swap3A_255] {strides = array<i32>} : memref<64xi32, #tpu.memory_space<vmem>>, vector<16xi32>,
      %swap3A_257 = vector.shape_cast %swap3A_256 : vector<16xi32> to vector<16xi32>
      %swap3A_258 = vector.shape_cast %add3A_254 : vector<16xi32> to vector<16xi32>
      tpu.vector_store %arg6[%swap3A_255], %swap3A_258 {strides = array<i32>} : memref<64xi32, #tpu.memory_space<vmem>>, vector<16xi32>,
      %dma_start3A = arith.constant 0 : i32
      %dma_start3A_259 = arith.constant 0 : i32
      %dma_start3A_260 = tpu.memref_slice %arg3[%dma_start3A, %dma_start3A_259] : memref<98304x128xf32, #tpu.memory_space<hbm>> -> memref<98304x128xf32, #tpu.memory_space<hbm>>
      tpu.enqueue_indirect_dma source(%dma_start3A_260 : memref<98304x128xf32, #tpu.memory_space<hbm>>) target(%arg7 : memref<64x128xf32, #tpu.memory_space<vmem>>) offsets(%arg6 : memref<64xi32, #tpu.memory_space<vmem>>) semaphore(%arg8 : memref<!tpu.dma_semaphore, #tpu.memory_space<semaphore_mem>>)
      %dma_wait3A = arith.constant 0 : i32
      %dma_wait3A_261 = arith.constant 0 : i32
      %dma_wait3A_262 = tpu.memref_slice %arg3[%dma_wait3A, %dma_wait3A_261] : memref<98304x128xf32, #tpu.memory_space<hbm>> -> memref<98304x128xf32, #tpu.memory_space<hbm>>
      tpu.wait_indirect_dma semaphore(%arg8 : memref<!tpu.dma_semaphore, #tpu.memory_space<semaphore_mem>>) src(%dma_wait3A_262 : memref<98304x128xf32, #tpu.memory_space<hbm>>) dst(%arg7 : memref<64x128xf32, #tpu.memory_space<vmem>>)
      "tpu.region"() ({
        %run_scoped3A = tpu.sem_alloc : memref<!tpu.dma_semaphore, #tpu.memory_space<semaphore_mem>>
        %dma_start3A_263 = arith.constant 0 : i32
        %dma_start3A_264 = arith.constant 512 : i32
        %dma_start3A_265 = tpu.memref_slice %arg4[%dma_start3A_263, %dma_start3A_264] : memref<64x4608xf32, #tpu.memory_space<hbm>> -> memref<64x128xf32, #tpu.memory_space<hbm>>
        %dma_start3A_266 = arith.constant 0 : i32
        %dma_start3A_267 = arith.constant 512 : i32
        %dma_start3A_268 = tpu.memref_slice %arg4[%dma_start3A_266, %dma_start3A_267] : memref<64x4608xf32, #tpu.memory_space<hbm>> -> memref<64x128xf32, #tpu.memory_space<hbm>>
        tpu.enqueue_dma source(%arg7 : memref<64x128xf32, #tpu.memory_space<vmem>>) target(%dma_start3A_268 : memref<64x128xf32, #tpu.memory_space<hbm>>) target_semaphore(%run_scoped3A : memref<!tpu.dma_semaphore, #tpu.memory_space<semaphore_mem>>)
        %dma_wait3A_269 = arith.constant 0 : i32
        %dma_wait3A_270 = arith.constant 512 : i32
        %dma_wait3A_271 = tpu.memref_slice %arg4[%dma_wait3A_269, %dma_wait3A_270] : memref<64x4608xf32, #tpu.memory_space<hbm>> -> memref<64x128xf32, #tpu.memory_space<hbm>>
        %dma_wait3A_272 = arith.constant 0 : i32
        %dma_wait3A_273 = arith.constant 512 : i32
        %dma_wait3A_274 = tpu.memref_slice %arg4[%dma_wait3A_272, %dma_wait3A_273] : memref<64x4608xf32, #tpu.memory_space<hbm>> -> memref<64x128xf32, #tpu.memory_space<hbm>>
        tpu.wait_dma2 semaphore(%run_scoped3A : memref<!tpu.dma_semaphore, #tpu.memory_space<semaphore_mem>>) src(%arg7 : memref<64x128xf32, #tpu.memory_space<vmem>>) dst(%dma_wait3A_274 : memref<64x128xf32, #tpu.memory_space<hbm>>)
        tpu.yield
      }) : () -> ()
    } else {
    }
    %eq3A_25 = arith.constant 5 : i32
    %eq3A_26 = arith.cmpi eq, %add3A, %eq3A_25 : i32
    %convert_element_type3A_27 = arith.extui %eq3A_26 : i1 to i32
    %cond3A_28 = arith.constant 0 : i32
    %cond3A_29 = arith.cmpi ne, %convert_element_type3A_27, %cond3A_28 : i32
    scf.if %cond3A_29 {
      %add3A_180 = arith.constant 0 : i32
      %add3A_181 = vector.broadcast %add3A_180 : i32 to vector<16xi32>
      %add3A_182 = arith.addi %iota3A, %add3A_181 : vector<16xi32>
      %mul3A_183 = arith.constant 1536 : i32
      %mul3A_184 = vector.broadcast %mul3A_183 : i32 to vector<16xi32>
      %mul3A_185 = arith.muli %add3A_182, %mul3A_184 : vector<16xi32>
      %add3A_186 = arith.constant 1 : i32
      %add3A_187 = vector.broadcast %add3A_186 : i32 to vector<16xi32>
      %add3A_188 = arith.addi %get3A_1, %add3A_187 : vector<16xi32>
      %mul3A_189 = arith.constant 24 : i32
      %mul3A_190 = vector.broadcast %mul3A_189 : i32 to vector<16xi32>
      %mul3A_191 = arith.muli %add3A_188, %mul3A_190 : vector<16xi32>
      %add3A_192 = arith.addi %mul3A_185, %mul3A_191 : vector<16xi32>
      %add3A_193 = arith.constant 5 : i32
      %add3A_194 = vector.broadcast %add3A_193 : i32 to vector<16xi32>
      %add3A_195 = arith.addi %add3A_192, %add3A_194 : vector<16xi32>
      %swap3A = arith.constant 0 : index
      %swap3A_196 = tpu.vector_load %arg6[%swap3A] {strides = array<i32>} : memref<64xi32, #tpu.memory_space<vmem>>, vector<16xi32>,
      %swap3A_197 = vector.shape_cast %swap3A_196 : vector<16xi32> to vector<16xi32>
      %swap3A_198 = vector.shape_cast %add3A_195 : vector<16xi32> to vector<16xi32>
      tpu.vector_store %arg6[%swap3A], %swap3A_198 {strides = array<i32>} : memref<64xi32, #tpu.memory_space<vmem>>, vector<16xi32>,
      %add3A_199 = arith.constant 16 : i32
      %add3A_200 = vector.broadcast %add3A_199 : i32 to vector<16xi32>
      %add3A_201 = arith.addi %iota3A, %add3A_200 : vector<16xi32>
      %mul3A_202 = arith.constant 1536 : i32
      %mul3A_203 = vector.broadcast %mul3A_202 : i32 to vector<16xi32>
      %mul3A_204 = arith.muli %add3A_201, %mul3A_203 : vector<16xi32>
      %add3A_205 = arith.constant 1 : i32
      %add3A_206 = vector.broadcast %add3A_205 : i32 to vector<16xi32>
      %add3A_207 = arith.addi %get3A_1, %add3A_206 : vector<16xi32>
      %mul3A_208 = arith.constant 24 : i32
      %mul3A_209 = vector.broadcast %mul3A_208 : i32 to vector<16xi32>
      %mul3A_210 = arith.muli %add3A_207, %mul3A_209 : vector<16xi32>
      %add3A_211 = arith.addi %mul3A_204, %mul3A_210 : vector<16xi32>
      %add3A_212 = arith.constant 5 : i32
      %add3A_213 = vector.broadcast %add3A_212 : i32 to vector<16xi32>
      %add3A_214 = arith.addi %add3A_211, %add3A_213 : vector<16xi32>
      %swap3A_215 = arith.constant 16 : index
      %swap3A_216 = tpu.vector_load %arg6[%swap3A_215] {strides = array<i32>} : memref<64xi32, #tpu.memory_space<vmem>>, vector<16xi32>,
      %swap3A_217 = vector.shape_cast %swap3A_216 : vector<16xi32> to vector<16xi32>
      %swap3A_218 = vector.shape_cast %add3A_214 : vector<16xi32> to vector<16xi32>
      tpu.vector_store %arg6[%swap3A_215], %swap3A_218 {strides = array<i32>} : memref<64xi32, #tpu.memory_space<vmem>>, vector<16xi32>,
      %add3A_219 = arith.constant 32 : i32
      %add3A_220 = vector.broadcast %add3A_219 : i32 to vector<16xi32>
      %add3A_221 = arith.addi %iota3A, %add3A_220 : vector<16xi32>
      %mul3A_222 = arith.constant 1536 : i32
      %mul3A_223 = vector.broadcast %mul3A_222 : i32 to vector<16xi32>
      %mul3A_224 = arith.muli %add3A_221, %mul3A_223 : vector<16xi32>
      %add3A_225 = arith.constant 1 : i32
      %add3A_226 = vector.broadcast %add3A_225 : i32 to vector<16xi32>
      %add3A_227 = arith.addi %get3A_1, %add3A_226 : vector<16xi32>
      %mul3A_228 = arith.constant 24 : i32
      %mul3A_229 = vector.broadcast %mul3A_228 : i32 to vector<16xi32>
      %mul3A_230 = arith.muli %add3A_227, %mul3A_229 : vector<16xi32>
      %add3A_231 = arith.addi %mul3A_224, %mul3A_230 : vector<16xi32>
      %add3A_232 = arith.constant 5 : i32
      %add3A_233 = vector.broadcast %add3A_232 : i32 to vector<16xi32>
      %add3A_234 = arith.addi %add3A_231, %add3A_233 : vector<16xi32>
      %swap3A_235 = arith.constant 32 : index
      %swap3A_236 = tpu.vector_load %arg6[%swap3A_235] {strides = array<i32>} : memref<64xi32, #tpu.memory_space<vmem>>, vector<16xi32>,
      %swap3A_237 = vector.shape_cast %swap3A_236 : vector<16xi32> to vector<16xi32>
      %swap3A_238 = vector.shape_cast %add3A_234 : vector<16xi32> to vector<16xi32>
      tpu.vector_store %arg6[%swap3A_235], %swap3A_238 {strides = array<i32>} : memref<64xi32, #tpu.memory_space<vmem>>, vector<16xi32>,
      %add3A_239 = arith.constant 48 : i32
      %add3A_240 = vector.broadcast %add3A_239 : i32 to vector<16xi32>
      %add3A_241 = arith.addi %iota3A, %add3A_240 : vector<16xi32>
      %mul3A_242 = arith.constant 1536 : i32
      %mul3A_243 = vector.broadcast %mul3A_242 : i32 to vector<16xi32>
      %mul3A_244 = arith.muli %add3A_241, %mul3A_243 : vector<16xi32>
      %add3A_245 = arith.constant 1 : i32
      %add3A_246 = vector.broadcast %add3A_245 : i32 to vector<16xi32>
      %add3A_247 = arith.addi %get3A_1, %add3A_246 : vector<16xi32>
      %mul3A_248 = arith.constant 24 : i32
      %mul3A_249 = vector.broadcast %mul3A_248 : i32 to vector<16xi32>
      %mul3A_250 = arith.muli %add3A_247, %mul3A_249 : vector<16xi32>
      %add3A_251 = arith.addi %mul3A_244, %mul3A_250 : vector<16xi32>
      %add3A_252 = arith.constant 5 : i32
      %add3A_253 = vector.broadcast %add3A_252 : i32 to vector<16xi32>
      %add3A_254 = arith.addi %add3A_251, %add3A_253 : vector<16xi32>
      %swap3A_255 = arith.constant 48 : index
      %swap3A_256 = tpu.vector_load %arg6[%swap3A_255] {strides = array<i32>} : memref<64xi32, #tpu.memory_space<vmem>>, vector<16xi32>,
      %swap3A_257 = vector.shape_cast %swap3A_256 : vector<16xi32> to vector<16xi32>
      %swap3A_258 = vector.shape_cast %add3A_254 : vector<16xi32> to vector<16xi32>
      tpu.vector_store %arg6[%swap3A_255], %swap3A_258 {strides = array<i32>} : memref<64xi32, #tpu.memory_space<vmem>>, vector<16xi32>,
      %dma_start3A = arith.constant 0 : i32
      %dma_start3A_259 = arith.constant 0 : i32
      %dma_start3A_260 = tpu.memref_slice %arg3[%dma_start3A, %dma_start3A_259] : memref<98304x128xf32, #tpu.memory_space<hbm>> -> memref<98304x128xf32, #tpu.memory_space<hbm>>
      tpu.enqueue_indirect_dma source(%dma_start3A_260 : memref<98304x128xf32, #tpu.memory_space<hbm>>) target(%arg7 : memref<64x128xf32, #tpu.memory_space<vmem>>) offsets(%arg6 : memref<64xi32, #tpu.memory_space<vmem>>) semaphore(%arg8 : memref<!tpu.dma_semaphore, #tpu.memory_space<semaphore_mem>>)
      %dma_wait3A = arith.constant 0 : i32
      %dma_wait3A_261 = arith.constant 0 : i32
      %dma_wait3A_262 = tpu.memref_slice %arg3[%dma_wait3A, %dma_wait3A_261] : memref<98304x128xf32, #tpu.memory_space<hbm>> -> memref<98304x128xf32, #tpu.memory_space<hbm>>
      tpu.wait_indirect_dma semaphore(%arg8 : memref<!tpu.dma_semaphore, #tpu.memory_space<semaphore_mem>>) src(%dma_wait3A_262 : memref<98304x128xf32, #tpu.memory_space<hbm>>) dst(%arg7 : memref<64x128xf32, #tpu.memory_space<vmem>>)
      "tpu.region"() ({
        %run_scoped3A = tpu.sem_alloc : memref<!tpu.dma_semaphore, #tpu.memory_space<semaphore_mem>>
        %dma_start3A_263 = arith.constant 0 : i32
        %dma_start3A_264 = arith.constant 640 : i32
        %dma_start3A_265 = tpu.memref_slice %arg4[%dma_start3A_263, %dma_start3A_264] : memref<64x4608xf32, #tpu.memory_space<hbm>> -> memref<64x128xf32, #tpu.memory_space<hbm>>
        %dma_start3A_266 = arith.constant 0 : i32
        %dma_start3A_267 = arith.constant 640 : i32
        %dma_start3A_268 = tpu.memref_slice %arg4[%dma_start3A_266, %dma_start3A_267] : memref<64x4608xf32, #tpu.memory_space<hbm>> -> memref<64x128xf32, #tpu.memory_space<hbm>>
        tpu.enqueue_dma source(%arg7 : memref<64x128xf32, #tpu.memory_space<vmem>>) target(%dma_start3A_268 : memref<64x128xf32, #tpu.memory_space<hbm>>) target_semaphore(%run_scoped3A : memref<!tpu.dma_semaphore, #tpu.memory_space<semaphore_mem>>)
        %dma_wait3A_269 = arith.constant 0 : i32
        %dma_wait3A_270 = arith.constant 640 : i32
        %dma_wait3A_271 = tpu.memref_slice %arg4[%dma_wait3A_269, %dma_wait3A_270] : memref<64x4608xf32, #tpu.memory_space<hbm>> -> memref<64x128xf32, #tpu.memory_space<hbm>>
        %dma_wait3A_272 = arith.constant 0 : i32
        %dma_wait3A_273 = arith.constant 640 : i32
        %dma_wait3A_274 = tpu.memref_slice %arg4[%dma_wait3A_272, %dma_wait3A_273] : memref<64x4608xf32, #tpu.memory_space<hbm>> -> memref<64x128xf32, #tpu.memory_space<hbm>>
        tpu.wait_dma2 semaphore(%run_scoped3A : memref<!tpu.dma_semaphore, #tpu.memory_space<semaphore_mem>>) src(%arg7 : memref<64x128xf32, #tpu.memory_space<vmem>>) dst(%dma_wait3A_274 : memref<64x128xf32, #tpu.memory_space<hbm>>)
        tpu.yield
      }) : () -> ()
    } else {
    }
    %eq3A_30 = arith.constant 6 : i32
    %eq3A_31 = arith.cmpi eq, %add3A, %eq3A_30 : i32
    %convert_element_type3A_32 = arith.extui %eq3A_31 : i1 to i32
    %cond3A_33 = arith.constant 0 : i32
    %cond3A_34 = arith.cmpi ne, %convert_element_type3A_32, %cond3A_33 : i32
    scf.if %cond3A_34 {
      %add3A_180 = arith.constant 0 : i32
      %add3A_181 = vector.broadcast %add3A_180 : i32 to vector<16xi32>
      %add3A_182 = arith.addi %iota3A, %add3A_181 : vector<16xi32>
      %mul3A_183 = arith.constant 1536 : i32
      %mul3A_184 = vector.broadcast %mul3A_183 : i32 to vector<16xi32>
      %mul3A_185 = arith.muli %add3A_182, %mul3A_184 : vector<16xi32>
      %add3A_186 = arith.constant 1 : i32
      %add3A_187 = vector.broadcast %add3A_186 : i32 to vector<16xi32>
      %add3A_188 = arith.addi %get3A_1, %add3A_187 : vector<16xi32>
      %mul3A_189 = arith.constant 24 : i32
      %mul3A_190 = vector.broadcast %mul3A_189 : i32 to vector<16xi32>
      %mul3A_191 = arith.muli %add3A_188, %mul3A_190 : vector<16xi32>
      %add3A_192 = arith.addi %mul3A_185, %mul3A_191 : vector<16xi32>
      %add3A_193 = arith.constant 11 : i32
      %add3A_194 = vector.broadcast %add3A_193 : i32 to vector<16xi32>
      %add3A_195 = arith.addi %add3A_192, %add3A_194 : vector<16xi32>
      %swap3A = arith.constant 0 : index
      %swap3A_196 = tpu.vector_load %arg6[%swap3A] {strides = array<i32>} : memref<64xi32, #tpu.memory_space<vmem>>, vector<16xi32>,
      %swap3A_197 = vector.shape_cast %swap3A_196 : vector<16xi32> to vector<16xi32>
      %swap3A_198 = vector.shape_cast %add3A_195 : vector<16xi32> to vector<16xi32>
      tpu.vector_store %arg6[%swap3A], %swap3A_198 {strides = array<i32>} : memref<64xi32, #tpu.memory_space<vmem>>, vector<16xi32>,
      %add3A_199 = arith.constant 16 : i32
      %add3A_200 = vector.broadcast %add3A_199 : i32 to vector<16xi32>
      %add3A_201 = arith.addi %iota3A, %add3A_200 : vector<16xi32>
      %mul3A_202 = arith.constant 1536 : i32
      %mul3A_203 = vector.broadcast %mul3A_202 : i32 to vector<16xi32>
      %mul3A_204 = arith.muli %add3A_201, %mul3A_203 : vector<16xi32>
      %add3A_205 = arith.constant 1 : i32
      %add3A_206 = vector.broadcast %add3A_205 : i32 to vector<16xi32>
      %add3A_207 = arith.addi %get3A_1, %add3A_206 : vector<16xi32>
      %mul3A_208 = arith.constant 24 : i32
      %mul3A_209 = vector.broadcast %mul3A_208 : i32 to vector<16xi32>
      %mul3A_210 = arith.muli %add3A_207, %mul3A_209 : vector<16xi32>
      %add3A_211 = arith.addi %mul3A_204, %mul3A_210 : vector<16xi32>
      %add3A_212 = arith.constant 11 : i32
      %add3A_213 = vector.broadcast %add3A_212 : i32 to vector<16xi32>
      %add3A_214 = arith.addi %add3A_211, %add3A_213 : vector<16xi32>
      %swap3A_215 = arith.constant 16 : index
      %swap3A_216 = tpu.vector_load %arg6[%swap3A_215] {strides = array<i32>} : memref<64xi32, #tpu.memory_space<vmem>>, vector<16xi32>,
      %swap3A_217 = vector.shape_cast %swap3A_216 : vector<16xi32> to vector<16xi32>
      %swap3A_218 = vector.shape_cast %add3A_214 : vector<16xi32> to vector<16xi32>
      tpu.vector_store %arg6[%swap3A_215], %swap3A_218 {strides = array<i32>} : memref<64xi32, #tpu.memory_space<vmem>>, vector<16xi32>,
      %add3A_219 = arith.constant 32 : i32
      %add3A_220 = vector.broadcast %add3A_219 : i32 to vector<16xi32>
      %add3A_221 = arith.addi %iota3A, %add3A_220 : vector<16xi32>
      %mul3A_222 = arith.constant 1536 : i32
      %mul3A_223 = vector.broadcast %mul3A_222 : i32 to vector<16xi32>
      %mul3A_224 = arith.muli %add3A_221, %mul3A_223 : vector<16xi32>
      %add3A_225 = arith.constant 1 : i32
      %add3A_226 = vector.broadcast %add3A_225 : i32 to vector<16xi32>
      %add3A_227 = arith.addi %get3A_1, %add3A_226 : vector<16xi32>
      %mul3A_228 = arith.constant 24 : i32
      %mul3A_229 = vector.broadcast %mul3A_228 : i32 to vector<16xi32>
      %mul3A_230 = arith.muli %add3A_227, %mul3A_229 : vector<16xi32>
      %add3A_231 = arith.addi %mul3A_224, %mul3A_230 : vector<16xi32>
      %add3A_232 = arith.constant 11 : i32
      %add3A_233 = vector.broadcast %add3A_232 : i32 to vector<16xi32>
      %add3A_234 = arith.addi %add3A_231, %add3A_233 : vector<16xi32>
      %swap3A_235 = arith.constant 32 : index
      %swap3A_236 = tpu.vector_load %arg6[%swap3A_235] {strides = array<i32>} : memref<64xi32, #tpu.memory_space<vmem>>, vector<16xi32>,
      %swap3A_237 = vector.shape_cast %swap3A_236 : vector<16xi32> to vector<16xi32>
      %swap3A_238 = vector.shape_cast %add3A_234 : vector<16xi32> to vector<16xi32>
      tpu.vector_store %arg6[%swap3A_235], %swap3A_238 {strides = array<i32>} : memref<64xi32, #tpu.memory_space<vmem>>, vector<16xi32>,
      %add3A_239 = arith.constant 48 : i32
      %add3A_240 = vector.broadcast %add3A_239 : i32 to vector<16xi32>
      %add3A_241 = arith.addi %iota3A, %add3A_240 : vector<16xi32>
      %mul3A_242 = arith.constant 1536 : i32
      %mul3A_243 = vector.broadcast %mul3A_242 : i32 to vector<16xi32>
      %mul3A_244 = arith.muli %add3A_241, %mul3A_243 : vector<16xi32>
      %add3A_245 = arith.constant 1 : i32
      %add3A_246 = vector.broadcast %add3A_245 : i32 to vector<16xi32>
      %add3A_247 = arith.addi %get3A_1, %add3A_246 : vector<16xi32>
      %mul3A_248 = arith.constant 24 : i32
      %mul3A_249 = vector.broadcast %mul3A_248 : i32 to vector<16xi32>
      %mul3A_250 = arith.muli %add3A_247, %mul3A_249 : vector<16xi32>
      %add3A_251 = arith.addi %mul3A_244, %mul3A_250 : vector<16xi32>
      %add3A_252 = arith.constant 11 : i32
      %add3A_253 = vector.broadcast %add3A_252 : i32 to vector<16xi32>
      %add3A_254 = arith.addi %add3A_251, %add3A_253 : vector<16xi32>
      %swap3A_255 = arith.constant 48 : index
      %swap3A_256 = tpu.vector_load %arg6[%swap3A_255] {strides = array<i32>} : memref<64xi32, #tpu.memory_space<vmem>>, vector<16xi32>,
      %swap3A_257 = vector.shape_cast %swap3A_256 : vector<16xi32> to vector<16xi32>
      %swap3A_258 = vector.shape_cast %add3A_254 : vector<16xi32> to vector<16xi32>
      tpu.vector_store %arg6[%swap3A_255], %swap3A_258 {strides = array<i32>} : memref<64xi32, #tpu.memory_space<vmem>>, vector<16xi32>,
      %dma_start3A = arith.constant 0 : i32
      %dma_start3A_259 = arith.constant 0 : i32
      %dma_start3A_260 = tpu.memref_slice %arg3[%dma_start3A, %dma_start3A_259] : memref<98304x128xf32, #tpu.memory_space<hbm>> -> memref<98304x128xf32, #tpu.memory_space<hbm>>
      tpu.enqueue_indirect_dma source(%dma_start3A_260 : memref<98304x128xf32, #tpu.memory_space<hbm>>) target(%arg7 : memref<64x128xf32, #tpu.memory_space<vmem>>) offsets(%arg6 : memref<64xi32, #tpu.memory_space<vmem>>) semaphore(%arg8 : memref<!tpu.dma_semaphore, #tpu.memory_space<semaphore_mem>>)
      %dma_wait3A = arith.constant 0 : i32
      %dma_wait3A_261 = arith.constant 0 : i32
      %dma_wait3A_262 = tpu.memref_slice %arg3[%dma_wait3A, %dma_wait3A_261] : memref<98304x128xf32, #tpu.memory_space<hbm>> -> memref<98304x128xf32, #tpu.memory_space<hbm>>
      tpu.wait_indirect_dma semaphore(%arg8 : memref<!tpu.dma_semaphore, #tpu.memory_space<semaphore_mem>>) src(%dma_wait3A_262 : memref<98304x128xf32, #tpu.memory_space<hbm>>) dst(%arg7 : memref<64x128xf32, #tpu.memory_space<vmem>>)
      "tpu.region"() ({
        %run_scoped3A = tpu.sem_alloc : memref<!tpu.dma_semaphore, #tpu.memory_space<semaphore_mem>>
        %dma_start3A_263 = arith.constant 0 : i32
        %dma_start3A_264 = arith.constant 768 : i32
        %dma_start3A_265 = tpu.memref_slice %arg4[%dma_start3A_263, %dma_start3A_264] : memref<64x4608xf32, #tpu.memory_space<hbm>> -> memref<64x128xf32, #tpu.memory_space<hbm>>
        %dma_start3A_266 = arith.constant 0 : i32
        %dma_start3A_267 = arith.constant 768 : i32
        %dma_start3A_268 = tpu.memref_slice %arg4[%dma_start3A_266, %dma_start3A_267] : memref<64x4608xf32, #tpu.memory_space<hbm>> -> memref<64x128xf32, #tpu.memory_space<hbm>>
        tpu.enqueue_dma source(%arg7 : memref<64x128xf32, #tpu.memory_space<vmem>>) target(%dma_start3A_268 : memref<64x128xf32, #tpu.memory_space<hbm>>) target_semaphore(%run_scoped3A : memref<!tpu.dma_semaphore, #tpu.memory_space<semaphore_mem>>)
        %dma_wait3A_269 = arith.constant 0 : i32
        %dma_wait3A_270 = arith.constant 768 : i32
        %dma_wait3A_271 = tpu.memref_slice %arg4[%dma_wait3A_269, %dma_wait3A_270] : memref<64x4608xf32, #tpu.memory_space<hbm>> -> memref<64x128xf32, #tpu.memory_space<hbm>>
        %dma_wait3A_272 = arith.constant 0 : i32
        %dma_wait3A_273 = arith.constant 768 : i32
        %dma_wait3A_274 = tpu.memref_slice %arg4[%dma_wait3A_272, %dma_wait3A_273] : memref<64x4608xf32, #tpu.memory_space<hbm>> -> memref<64x128xf32, #tpu.memory_space<hbm>>
        tpu.wait_dma2 semaphore(%run_scoped3A : memref<!tpu.dma_semaphore, #tpu.memory_space<semaphore_mem>>) src(%arg7 : memref<64x128xf32, #tpu.memory_space<vmem>>) dst(%dma_wait3A_274 : memref<64x128xf32, #tpu.memory_space<hbm>>)
        tpu.yield
      }) : () -> ()
    } else {
    }
    %eq3A_35 = arith.constant 7 : i32
    %eq3A_36 = arith.cmpi eq, %add3A, %eq3A_35 : i32
    %convert_element_type3A_37 = arith.extui %eq3A_36 : i1 to i32
    %cond3A_38 = arith.constant 0 : i32
    %cond3A_39 = arith.cmpi ne, %convert_element_type3A_37, %cond3A_38 : i32
    scf.if %cond3A_39 {
      %add3A_180 = arith.constant 0 : i32
      %add3A_181 = vector.broadcast %add3A_180 : i32 to vector<16xi32>
      %add3A_182 = arith.addi %iota3A, %add3A_181 : vector<16xi32>
      %mul3A_183 = arith.constant 1536 : i32
      %mul3A_184 = vector.broadcast %mul3A_183 : i32 to vector<16xi32>
      %mul3A_185 = arith.muli %add3A_182, %mul3A_184 : vector<16xi32>
      %add3A_186 = arith.constant 1 : i32
      %add3A_187 = vector.broadcast %add3A_186 : i32 to vector<16xi32>
      %add3A_188 = arith.addi %get3A_1, %add3A_187 : vector<16xi32>
      %mul3A_189 = arith.constant 24 : i32
      %mul3A_190 = vector.broadcast %mul3A_189 : i32 to vector<16xi32>
      %mul3A_191 = arith.muli %add3A_188, %mul3A_190 : vector<16xi32>
      %add3A_192 = arith.addi %mul3A_185, %mul3A_191 : vector<16xi32>
      %add3A_193 = arith.constant 17 : i32
      %add3A_194 = vector.broadcast %add3A_193 : i32 to vector<16xi32>
      %add3A_195 = arith.addi %add3A_192, %add3A_194 : vector<16xi32>
      %swap3A = arith.constant 0 : index
      %swap3A_196 = tpu.vector_load %arg6[%swap3A] {strides = array<i32>} : memref<64xi32, #tpu.memory_space<vmem>>, vector<16xi32>,
      %swap3A_197 = vector.shape_cast %swap3A_196 : vector<16xi32> to vector<16xi32>
      %swap3A_198 = vector.shape_cast %add3A_195 : vector<16xi32> to vector<16xi32>
      tpu.vector_store %arg6[%swap3A], %swap3A_198 {strides = array<i32>} : memref<64xi32, #tpu.memory_space<vmem>>, vector<16xi32>,
      %add3A_199 = arith.constant 16 : i32
      %add3A_200 = vector.broadcast %add3A_199 : i32 to vector<16xi32>
      %add3A_201 = arith.addi %iota3A, %add3A_200 : vector<16xi32>
      %mul3A_202 = arith.constant 1536 : i32
      %mul3A_203 = vector.broadcast %mul3A_202 : i32 to vector<16xi32>
      %mul3A_204 = arith.muli %add3A_201, %mul3A_203 : vector<16xi32>
      %add3A_205 = arith.constant 1 : i32
      %add3A_206 = vector.broadcast %add3A_205 : i32 to vector<16xi32>
      %add3A_207 = arith.addi %get3A_1, %add3A_206 : vector<16xi32>
      %mul3A_208 = arith.constant 24 : i32
      %mul3A_209 = vector.broadcast %mul3A_208 : i32 to vector<16xi32>
      %mul3A_210 = arith.muli %add3A_207, %mul3A_209 : vector<16xi32>
      %add3A_211 = arith.addi %mul3A_204, %mul3A_210 : vector<16xi32>
      %add3A_212 = arith.constant 17 : i32
      %add3A_213 = vector.broadcast %add3A_212 : i32 to vector<16xi32>
      %add3A_214 = arith.addi %add3A_211, %add3A_213 : vector<16xi32>
      %swap3A_215 = arith.constant 16 : index
      %swap3A_216 = tpu.vector_load %arg6[%swap3A_215] {strides = array<i32>} : memref<64xi32, #tpu.memory_space<vmem>>, vector<16xi32>,
      %swap3A_217 = vector.shape_cast %swap3A_216 : vector<16xi32> to vector<16xi32>
      %swap3A_218 = vector.shape_cast %add3A_214 : vector<16xi32> to vector<16xi32>
      tpu.vector_store %arg6[%swap3A_215], %swap3A_218 {strides = array<i32>} : memref<64xi32, #tpu.memory_space<vmem>>, vector<16xi32>,
      %add3A_219 = arith.constant 32 : i32
      %add3A_220 = vector.broadcast %add3A_219 : i32 to vector<16xi32>
      %add3A_221 = arith.addi %iota3A, %add3A_220 : vector<16xi32>
      %mul3A_222 = arith.constant 1536 : i32
      %mul3A_223 = vector.broadcast %mul3A_222 : i32 to vector<16xi32>
      %mul3A_224 = arith.muli %add3A_221, %mul3A_223 : vector<16xi32>
      %add3A_225 = arith.constant 1 : i32
      %add3A_226 = vector.broadcast %add3A_225 : i32 to vector<16xi32>
      %add3A_227 = arith.addi %get3A_1, %add3A_226 : vector<16xi32>
      %mul3A_228 = arith.constant 24 : i32
      %mul3A_229 = vector.broadcast %mul3A_228 : i32 to vector<16xi32>
      %mul3A_230 = arith.muli %add3A_227, %mul3A_229 : vector<16xi32>
      %add3A_231 = arith.addi %mul3A_224, %mul3A_230 : vector<16xi32>
      %add3A_232 = arith.constant 17 : i32
      %add3A_233 = vector.broadcast %add3A_232 : i32 to vector<16xi32>
      %add3A_234 = arith.addi %add3A_231, %add3A_233 : vector<16xi32>
      %swap3A_235 = arith.constant 32 : index
      %swap3A_236 = tpu.vector_load %arg6[%swap3A_235] {strides = array<i32>} : memref<64xi32, #tpu.memory_space<vmem>>, vector<16xi32>,
      %swap3A_237 = vector.shape_cast %swap3A_236 : vector<16xi32> to vector<16xi32>
      %swap3A_238 = vector.shape_cast %add3A_234 : vector<16xi32> to vector<16xi32>
      tpu.vector_store %arg6[%swap3A_235], %swap3A_238 {strides = array<i32>} : memref<64xi32, #tpu.memory_space<vmem>>, vector<16xi32>,
      %add3A_239 = arith.constant 48 : i32
      %add3A_240 = vector.broadcast %add3A_239 : i32 to vector<16xi32>
      %add3A_241 = arith.addi %iota3A, %add3A_240 : vector<16xi32>
      %mul3A_242 = arith.constant 1536 : i32
      %mul3A_243 = vector.broadcast %mul3A_242 : i32 to vector<16xi32>
      %mul3A_244 = arith.muli %add3A_241, %mul3A_243 : vector<16xi32>
      %add3A_245 = arith.constant 1 : i32
      %add3A_246 = vector.broadcast %add3A_245 : i32 to vector<16xi32>
      %add3A_247 = arith.addi %get3A_1, %add3A_246 : vector<16xi32>
      %mul3A_248 = arith.constant 24 : i32
      %mul3A_249 = vector.broadcast %mul3A_248 : i32 to vector<16xi32>
      %mul3A_250 = arith.muli %add3A_247, %mul3A_249 : vector<16xi32>
      %add3A_251 = arith.addi %mul3A_244, %mul3A_250 : vector<16xi32>
      %add3A_252 = arith.constant 17 : i32
      %add3A_253 = vector.broadcast %add3A_252 : i32 to vector<16xi32>
      %add3A_254 = arith.addi %add3A_251, %add3A_253 : vector<16xi32>
      %swap3A_255 = arith.constant 48 : index
      %swap3A_256 = tpu.vector_load %arg6[%swap3A_255] {strides = array<i32>} : memref<64xi32, #tpu.memory_space<vmem>>, vector<16xi32>,
      %swap3A_257 = vector.shape_cast %swap3A_256 : vector<16xi32> to vector<16xi32>
      %swap3A_258 = vector.shape_cast %add3A_254 : vector<16xi32> to vector<16xi32>
      tpu.vector_store %arg6[%swap3A_255], %swap3A_258 {strides = array<i32>} : memref<64xi32, #tpu.memory_space<vmem>>, vector<16xi32>,
      %dma_start3A = arith.constant 0 : i32
      %dma_start3A_259 = arith.constant 0 : i32
      %dma_start3A_260 = tpu.memref_slice %arg3[%dma_start3A, %dma_start3A_259] : memref<98304x128xf32, #tpu.memory_space<hbm>> -> memref<98304x128xf32, #tpu.memory_space<hbm>>
      tpu.enqueue_indirect_dma source(%dma_start3A_260 : memref<98304x128xf32, #tpu.memory_space<hbm>>) target(%arg7 : memref<64x128xf32, #tpu.memory_space<vmem>>) offsets(%arg6 : memref<64xi32, #tpu.memory_space<vmem>>) semaphore(%arg8 : memref<!tpu.dma_semaphore, #tpu.memory_space<semaphore_mem>>)
      %dma_wait3A = arith.constant 0 : i32
      %dma_wait3A_261 = arith.constant 0 : i32
      %dma_wait3A_262 = tpu.memref_slice %arg3[%dma_wait3A, %dma_wait3A_261] : memref<98304x128xf32, #tpu.memory_space<hbm>> -> memref<98304x128xf32, #tpu.memory_space<hbm>>
      tpu.wait_indirect_dma semaphore(%arg8 : memref<!tpu.dma_semaphore, #tpu.memory_space<semaphore_mem>>) src(%dma_wait3A_262 : memref<98304x128xf32, #tpu.memory_space<hbm>>) dst(%arg7 : memref<64x128xf32, #tpu.memory_space<vmem>>)
      "tpu.region"() ({
        %run_scoped3A = tpu.sem_alloc : memref<!tpu.dma_semaphore, #tpu.memory_space<semaphore_mem>>
        %dma_start3A_263 = arith.constant 0 : i32
        %dma_start3A_264 = arith.constant 896 : i32
        %dma_start3A_265 = tpu.memref_slice %arg4[%dma_start3A_263, %dma_start3A_264] : memref<64x4608xf32, #tpu.memory_space<hbm>> -> memref<64x128xf32, #tpu.memory_space<hbm>>
        %dma_start3A_266 = arith.constant 0 : i32
        %dma_start3A_267 = arith.constant 896 : i32
        %dma_start3A_268 = tpu.memref_slice %arg4[%dma_start3A_266, %dma_start3A_267] : memref<64x4608xf32, #tpu.memory_space<hbm>> -> memref<64x128xf32, #tpu.memory_space<hbm>>
        tpu.enqueue_dma source(%arg7 : memref<64x128xf32, #tpu.memory_space<vmem>>) target(%dma_start3A_268 : memref<64x128xf32, #tpu.memory_space<hbm>>) target_semaphore(%run_scoped3A : memref<!tpu.dma_semaphore, #tpu.memory_space<semaphore_mem>>)
        %dma_wait3A_269 = arith.constant 0 : i32
        %dma_wait3A_270 = arith.constant 896 : i32
        %dma_wait3A_271 = tpu.memref_slice %arg4[%dma_wait3A_269, %dma_wait3A_270] : memref<64x4608xf32, #tpu.memory_space<hbm>> -> memref<64x128xf32, #tpu.memory_space<hbm>>
        %dma_wait3A_272 = arith.constant 0 : i32
        %dma_wait3A_273 = arith.constant 896 : i32
        %dma_wait3A_274 = tpu.memref_slice %arg4[%dma_wait3A_272, %dma_wait3A_273] : memref<64x4608xf32, #tpu.memory_space<hbm>> -> memref<64x128xf32, #tpu.memory_space<hbm>>
        tpu.wait_dma2 semaphore(%run_scoped3A : memref<!tpu.dma_semaphore, #tpu.memory_space<semaphore_mem>>) src(%arg7 : memref<64x128xf32, #tpu.memory_space<vmem>>) dst(%dma_wait3A_274 : memref<64x128xf32, #tpu.memory_space<hbm>>)
        tpu.yield
      }) : () -> ()
    } else {
    }
    %eq3A_40 = arith.constant 8 : i32
    %eq3A_41 = arith.cmpi eq, %add3A, %eq3A_40 : i32
    %convert_element_type3A_42 = arith.extui %eq3A_41 : i1 to i32
    %cond3A_43 = arith.constant 0 : i32
    %cond3A_44 = arith.cmpi ne, %convert_element_type3A_42, %cond3A_43 : i32
    scf.if %cond3A_44 {
      %add3A_180 = arith.constant 0 : i32
      %add3A_181 = vector.broadcast %add3A_180 : i32 to vector<16xi32>
      %add3A_182 = arith.addi %iota3A, %add3A_181 : vector<16xi32>
      %mul3A_183 = arith.constant 1536 : i32
      %mul3A_184 = vector.broadcast %mul3A_183 : i32 to vector<16xi32>
      %mul3A_185 = arith.muli %add3A_182, %mul3A_184 : vector<16xi32>
      %add3A_186 = arith.constant 2 : i32
      %add3A_187 = vector.broadcast %add3A_186 : i32 to vector<16xi32>
      %add3A_188 = arith.addi %get3A_1, %add3A_187 : vector<16xi32>
      %mul3A_189 = arith.constant 24 : i32
      %mul3A_190 = vector.broadcast %mul3A_189 : i32 to vector<16xi32>
      %mul3A_191 = arith.muli %add3A_188, %mul3A_190 : vector<16xi32>
      %add3A_192 = arith.addi %mul3A_185, %mul3A_191 : vector<16xi32>
      %add3A_193 = arith.constant 0 : i32
      %add3A_194 = vector.broadcast %add3A_193 : i32 to vector<16xi32>
      %add3A_195 = arith.addi %add3A_192, %add3A_194 : vector<16xi32>
      %swap3A = arith.constant 0 : index
      %swap3A_196 = tpu.vector_load %arg6[%swap3A] {strides = array<i32>} : memref<64xi32, #tpu.memory_space<vmem>>, vector<16xi32>,
      %swap3A_197 = vector.shape_cast %swap3A_196 : vector<16xi32> to vector<16xi32>
      %swap3A_198 = vector.shape_cast %add3A_195 : vector<16xi32> to vector<16xi32>
      tpu.vector_store %arg6[%swap3A], %swap3A_198 {strides = array<i32>} : memref<64xi32, #tpu.memory_space<vmem>>, vector<16xi32>,
      %add3A_199 = arith.constant 16 : i32
      %add3A_200 = vector.broadcast %add3A_199 : i32 to vector<16xi32>
      %add3A_201 = arith.addi %iota3A, %add3A_200 : vector<16xi32>
      %mul3A_202 = arith.constant 1536 : i32
      %mul3A_203 = vector.broadcast %mul3A_202 : i32 to vector<16xi32>
      %mul3A_204 = arith.muli %add3A_201, %mul3A_203 : vector<16xi32>
      %add3A_205 = arith.constant 2 : i32
      %add3A_206 = vector.broadcast %add3A_205 : i32 to vector<16xi32>
      %add3A_207 = arith.addi %get3A_1, %add3A_206 : vector<16xi32>
      %mul3A_208 = arith.constant 24 : i32
      %mul3A_209 = vector.broadcast %mul3A_208 : i32 to vector<16xi32>
      %mul3A_210 = arith.muli %add3A_207, %mul3A_209 : vector<16xi32>
      %add3A_211 = arith.addi %mul3A_204, %mul3A_210 : vector<16xi32>
      %add3A_212 = arith.constant 0 : i32
      %add3A_213 = vector.broadcast %add3A_212 : i32 to vector<16xi32>
      %add3A_214 = arith.addi %add3A_211, %add3A_213 : vector<16xi32>
      %swap3A_215 = arith.constant 16 : index
      %swap3A_216 = tpu.vector_load %arg6[%swap3A_215] {strides = array<i32>} : memref<64xi32, #tpu.memory_space<vmem>>, vector<16xi32>,
      %swap3A_217 = vector.shape_cast %swap3A_216 : vector<16xi32> to vector<16xi32>
      %swap3A_218 = vector.shape_cast %add3A_214 : vector<16xi32> to vector<16xi32>
      tpu.vector_store %arg6[%swap3A_215], %swap3A_218 {strides = array<i32>} : memref<64xi32, #tpu.memory_space<vmem>>, vector<16xi32>,
      %add3A_219 = arith.constant 32 : i32
      %add3A_220 = vector.broadcast %add3A_219 : i32 to vector<16xi32>
      %add3A_221 = arith.addi %iota3A, %add3A_220 : vector<16xi32>
      %mul3A_222 = arith.constant 1536 : i32
      %mul3A_223 = vector.broadcast %mul3A_222 : i32 to vector<16xi32>
      %mul3A_224 = arith.muli %add3A_221, %mul3A_223 : vector<16xi32>
      %add3A_225 = arith.constant 2 : i32
      %add3A_226 = vector.broadcast %add3A_225 : i32 to vector<16xi32>
      %add3A_227 = arith.addi %get3A_1, %add3A_226 : vector<16xi32>
      %mul3A_228 = arith.constant 24 : i32
      %mul3A_229 = vector.broadcast %mul3A_228 : i32 to vector<16xi32>
      %mul3A_230 = arith.muli %add3A_227, %mul3A_229 : vector<16xi32>
      %add3A_231 = arith.addi %mul3A_224, %mul3A_230 : vector<16xi32>
      %add3A_232 = arith.constant 0 : i32
      %add3A_233 = vector.broadcast %add3A_232 : i32 to vector<16xi32>
      %add3A_234 = arith.addi %add3A_231, %add3A_233 : vector<16xi32>
      %swap3A_235 = arith.constant 32 : index
      %swap3A_236 = tpu.vector_load %arg6[%swap3A_235] {strides = array<i32>} : memref<64xi32, #tpu.memory_space<vmem>>, vector<16xi32>,
      %swap3A_237 = vector.shape_cast %swap3A_236 : vector<16xi32> to vector<16xi32>
      %swap3A_238 = vector.shape_cast %add3A_234 : vector<16xi32> to vector<16xi32>
      tpu.vector_store %arg6[%swap3A_235], %swap3A_238 {strides = array<i32>} : memref<64xi32, #tpu.memory_space<vmem>>, vector<16xi32>,
      %add3A_239 = arith.constant 48 : i32
      %add3A_240 = vector.broadcast %add3A_239 : i32 to vector<16xi32>
      %add3A_241 = arith.addi %iota3A, %add3A_240 : vector<16xi32>
      %mul3A_242 = arith.constant 1536 : i32
      %mul3A_243 = vector.broadcast %mul3A_242 : i32 to vector<16xi32>
      %mul3A_244 = arith.muli %add3A_241, %mul3A_243 : vector<16xi32>
      %add3A_245 = arith.constant 2 : i32
      %add3A_246 = vector.broadcast %add3A_245 : i32 to vector<16xi32>
      %add3A_247 = arith.addi %get3A_1, %add3A_246 : vector<16xi32>
      %mul3A_248 = arith.constant 24 : i32
      %mul3A_249 = vector.broadcast %mul3A_248 : i32 to vector<16xi32>
      %mul3A_250 = arith.muli %add3A_247, %mul3A_249 : vector<16xi32>
      %add3A_251 = arith.addi %mul3A_244, %mul3A_250 : vector<16xi32>
      %add3A_252 = arith.constant 0 : i32
      %add3A_253 = vector.broadcast %add3A_252 : i32 to vector<16xi32>
      %add3A_254 = arith.addi %add3A_251, %add3A_253 : vector<16xi32>
      %swap3A_255 = arith.constant 48 : index
      %swap3A_256 = tpu.vector_load %arg6[%swap3A_255] {strides = array<i32>} : memref<64xi32, #tpu.memory_space<vmem>>, vector<16xi32>,
      %swap3A_257 = vector.shape_cast %swap3A_256 : vector<16xi32> to vector<16xi32>
      %swap3A_258 = vector.shape_cast %add3A_254 : vector<16xi32> to vector<16xi32>
      tpu.vector_store %arg6[%swap3A_255], %swap3A_258 {strides = array<i32>} : memref<64xi32, #tpu.memory_space<vmem>>, vector<16xi32>,
      %dma_start3A = arith.constant 0 : i32
      %dma_start3A_259 = arith.constant 0 : i32
      %dma_start3A_260 = tpu.memref_slice %arg3[%dma_start3A, %dma_start3A_259] : memref<98304x128xf32, #tpu.memory_space<hbm>> -> memref<98304x128xf32, #tpu.memory_space<hbm>>
      tpu.enqueue_indirect_dma source(%dma_start3A_260 : memref<98304x128xf32, #tpu.memory_space<hbm>>) target(%arg7 : memref<64x128xf32, #tpu.memory_space<vmem>>) offsets(%arg6 : memref<64xi32, #tpu.memory_space<vmem>>) semaphore(%arg8 : memref<!tpu.dma_semaphore, #tpu.memory_space<semaphore_mem>>)
      %dma_wait3A = arith.constant 0 : i32
      %dma_wait3A_261 = arith.constant 0 : i32
      %dma_wait3A_262 = tpu.memref_slice %arg3[%dma_wait3A, %dma_wait3A_261] : memref<98304x128xf32, #tpu.memory_space<hbm>> -> memref<98304x128xf32, #tpu.memory_space<hbm>>
      tpu.wait_indirect_dma semaphore(%arg8 : memref<!tpu.dma_semaphore, #tpu.memory_space<semaphore_mem>>) src(%dma_wait3A_262 : memref<98304x128xf32, #tpu.memory_space<hbm>>) dst(%arg7 : memref<64x128xf32, #tpu.memory_space<vmem>>)
      "tpu.region"() ({
        %run_scoped3A = tpu.sem_alloc : memref<!tpu.dma_semaphore, #tpu.memory_space<semaphore_mem>>
        %dma_start3A_263 = arith.constant 0 : i32
        %dma_start3A_264 = arith.constant 1024 : i32
        %dma_start3A_265 = tpu.memref_slice %arg4[%dma_start3A_263, %dma_start3A_264] : memref<64x4608xf32, #tpu.memory_space<hbm>> -> memref<64x128xf32, #tpu.memory_space<hbm>>
        %dma_start3A_266 = arith.constant 0 : i32
        %dma_start3A_267 = arith.constant 1024 : i32
        %dma_start3A_268 = tpu.memref_slice %arg4[%dma_start3A_266, %dma_start3A_267] : memref<64x4608xf32, #tpu.memory_space<hbm>> -> memref<64x128xf32, #tpu.memory_space<hbm>>
        tpu.enqueue_dma source(%arg7 : memref<64x128xf32, #tpu.memory_space<vmem>>) target(%dma_start3A_268 : memref<64x128xf32, #tpu.memory_space<hbm>>) target_semaphore(%run_scoped3A : memref<!tpu.dma_semaphore, #tpu.memory_space<semaphore_mem>>)
        %dma_wait3A_269 = arith.constant 0 : i32
        %dma_wait3A_270 = arith.constant 1024 : i32
        %dma_wait3A_271 = tpu.memref_slice %arg4[%dma_wait3A_269, %dma_wait3A_270] : memref<64x4608xf32, #tpu.memory_space<hbm>> -> memref<64x128xf32, #tpu.memory_space<hbm>>
        %dma_wait3A_272 = arith.constant 0 : i32
        %dma_wait3A_273 = arith.constant 1024 : i32
        %dma_wait3A_274 = tpu.memref_slice %arg4[%dma_wait3A_272, %dma_wait3A_273] : memref<64x4608xf32, #tpu.memory_space<hbm>> -> memref<64x128xf32, #tpu.memory_space<hbm>>
        tpu.wait_dma2 semaphore(%run_scoped3A : memref<!tpu.dma_semaphore, #tpu.memory_space<semaphore_mem>>) src(%arg7 : memref<64x128xf32, #tpu.memory_space<vmem>>) dst(%dma_wait3A_274 : memref<64x128xf32, #tpu.memory_space<hbm>>)
        tpu.yield
      }) : () -> ()
    } else {
    }
    %eq3A_45 = arith.constant 9 : i32
    %eq3A_46 = arith.cmpi eq, %add3A, %eq3A_45 : i32
    %convert_element_type3A_47 = arith.extui %eq3A_46 : i1 to i32
    %cond3A_48 = arith.constant 0 : i32
    %cond3A_49 = arith.cmpi ne, %convert_element_type3A_47, %cond3A_48 : i32
    scf.if %cond3A_49 {
      %add3A_180 = arith.constant 0 : i32
      %add3A_181 = vector.broadcast %add3A_180 : i32 to vector<16xi32>
      %add3A_182 = arith.addi %iota3A, %add3A_181 : vector<16xi32>
      %mul3A_183 = arith.constant 1536 : i32
      %mul3A_184 = vector.broadcast %mul3A_183 : i32 to vector<16xi32>
      %mul3A_185 = arith.muli %add3A_182, %mul3A_184 : vector<16xi32>
      %add3A_186 = arith.constant 2 : i32
      %add3A_187 = vector.broadcast %add3A_186 : i32 to vector<16xi32>
      %add3A_188 = arith.addi %get3A_1, %add3A_187 : vector<16xi32>
      %mul3A_189 = arith.constant 24 : i32
      %mul3A_190 = vector.broadcast %mul3A_189 : i32 to vector<16xi32>
      %mul3A_191 = arith.muli %add3A_188, %mul3A_190 : vector<16xi32>
      %add3A_192 = arith.addi %mul3A_185, %mul3A_191 : vector<16xi32>
      %add3A_193 = arith.constant 5 : i32
      %add3A_194 = vector.broadcast %add3A_193 : i32 to vector<16xi32>
      %add3A_195 = arith.addi %add3A_192, %add3A_194 : vector<16xi32>
      %swap3A = arith.constant 0 : index
      %swap3A_196 = tpu.vector_load %arg6[%swap3A] {strides = array<i32>} : memref<64xi32, #tpu.memory_space<vmem>>, vector<16xi32>,
      %swap3A_197 = vector.shape_cast %swap3A_196 : vector<16xi32> to vector<16xi32>
      %swap3A_198 = vector.shape_cast %add3A_195 : vector<16xi32> to vector<16xi32>
      tpu.vector_store %arg6[%swap3A], %swap3A_198 {strides = array<i32>} : memref<64xi32, #tpu.memory_space<vmem>>, vector<16xi32>,
      %add3A_199 = arith.constant 16 : i32
      %add3A_200 = vector.broadcast %add3A_199 : i32 to vector<16xi32>
      %add3A_201 = arith.addi %iota3A, %add3A_200 : vector<16xi32>
      %mul3A_202 = arith.constant 1536 : i32
      %mul3A_203 = vector.broadcast %mul3A_202 : i32 to vector<16xi32>
      %mul3A_204 = arith.muli %add3A_201, %mul3A_203 : vector<16xi32>
      %add3A_205 = arith.constant 2 : i32
      %add3A_206 = vector.broadcast %add3A_205 : i32 to vector<16xi32>
      %add3A_207 = arith.addi %get3A_1, %add3A_206 : vector<16xi32>
      %mul3A_208 = arith.constant 24 : i32
      %mul3A_209 = vector.broadcast %mul3A_208 : i32 to vector<16xi32>
      %mul3A_210 = arith.muli %add3A_207, %mul3A_209 : vector<16xi32>
      %add3A_211 = arith.addi %mul3A_204, %mul3A_210 : vector<16xi32>
      %add3A_212 = arith.constant 5 : i32
      %add3A_213 = vector.broadcast %add3A_212 : i32 to vector<16xi32>
      %add3A_214 = arith.addi %add3A_211, %add3A_213 : vector<16xi32>
      %swap3A_215 = arith.constant 16 : index
      %swap3A_216 = tpu.vector_load %arg6[%swap3A_215] {strides = array<i32>} : memref<64xi32, #tpu.memory_space<vmem>>, vector<16xi32>,
      %swap3A_217 = vector.shape_cast %swap3A_216 : vector<16xi32> to vector<16xi32>
      %swap3A_218 = vector.shape_cast %add3A_214 : vector<16xi32> to vector<16xi32>
      tpu.vector_store %arg6[%swap3A_215], %swap3A_218 {strides = array<i32>} : memref<64xi32, #tpu.memory_space<vmem>>, vector<16xi32>,
      %add3A_219 = arith.constant 32 : i32
      %add3A_220 = vector.broadcast %add3A_219 : i32 to vector<16xi32>
      %add3A_221 = arith.addi %iota3A, %add3A_220 : vector<16xi32>
      %mul3A_222 = arith.constant 1536 : i32
      %mul3A_223 = vector.broadcast %mul3A_222 : i32 to vector<16xi32>
      %mul3A_224 = arith.muli %add3A_221, %mul3A_223 : vector<16xi32>
      %add3A_225 = arith.constant 2 : i32
      %add3A_226 = vector.broadcast %add3A_225 : i32 to vector<16xi32>
      %add3A_227 = arith.addi %get3A_1, %add3A_226 : vector<16xi32>
      %mul3A_228 = arith.constant 24 : i32
      %mul3A_229 = vector.broadcast %mul3A_228 : i32 to vector<16xi32>
      %mul3A_230 = arith.muli %add3A_227, %mul3A_229 : vector<16xi32>
      %add3A_231 = arith.addi %mul3A_224, %mul3A_230 : vector<16xi32>
      %add3A_232 = arith.constant 5 : i32
      %add3A_233 = vector.broadcast %add3A_232 : i32 to vector<16xi32>
      %add3A_234 = arith.addi %add3A_231, %add3A_233 : vector<16xi32>
      %swap3A_235 = arith.constant 32 : index
      %swap3A_236 = tpu.vector_load %arg6[%swap3A_235] {strides = array<i32>} : memref<64xi32, #tpu.memory_space<vmem>>, vector<16xi32>,
      %swap3A_237 = vector.shape_cast %swap3A_236 : vector<16xi32> to vector<16xi32>
      %swap3A_238 = vector.shape_cast %add3A_234 : vector<16xi32> to vector<16xi32>
      tpu.vector_store %arg6[%swap3A_235], %swap3A_238 {strides = array<i32>} : memref<64xi32, #tpu.memory_space<vmem>>, vector<16xi32>,
      %add3A_239 = arith.constant 48 : i32
      %add3A_240 = vector.broadcast %add3A_239 : i32 to vector<16xi32>
      %add3A_241 = arith.addi %iota3A, %add3A_240 : vector<16xi32>
      %mul3A_242 = arith.constant 1536 : i32
      %mul3A_243 = vector.broadcast %mul3A_242 : i32 to vector<16xi32>
      %mul3A_244 = arith.muli %add3A_241, %mul3A_243 : vector<16xi32>
      %add3A_245 = arith.constant 2 : i32
      %add3A_246 = vector.broadcast %add3A_245 : i32 to vector<16xi32>
      %add3A_247 = arith.addi %get3A_1, %add3A_246 : vector<16xi32>
      %mul3A_248 = arith.constant 24 : i32
      %mul3A_249 = vector.broadcast %mul3A_248 : i32 to vector<16xi32>
      %mul3A_250 = arith.muli %add3A_247, %mul3A_249 : vector<16xi32>
      %add3A_251 = arith.addi %mul3A_244, %mul3A_250 : vector<16xi32>
      %add3A_252 = arith.constant 5 : i32
      %add3A_253 = vector.broadcast %add3A_252 : i32 to vector<16xi32>
      %add3A_254 = arith.addi %add3A_251, %add3A_253 : vector<16xi32>
      %swap3A_255 = arith.constant 48 : index
      %swap3A_256 = tpu.vector_load %arg6[%swap3A_255] {strides = array<i32>} : memref<64xi32, #tpu.memory_space<vmem>>, vector<16xi32>,
      %swap3A_257 = vector.shape_cast %swap3A_256 : vector<16xi32> to vector<16xi32>
      %swap3A_258 = vector.shape_cast %add3A_254 : vector<16xi32> to vector<16xi32>
      tpu.vector_store %arg6[%swap3A_255], %swap3A_258 {strides = array<i32>} : memref<64xi32, #tpu.memory_space<vmem>>, vector<16xi32>,
      %dma_start3A = arith.constant 0 : i32
      %dma_start3A_259 = arith.constant 0 : i32
      %dma_start3A_260 = tpu.memref_slice %arg3[%dma_start3A, %dma_start3A_259] : memref<98304x128xf32, #tpu.memory_space<hbm>> -> memref<98304x128xf32, #tpu.memory_space<hbm>>
      tpu.enqueue_indirect_dma source(%dma_start3A_260 : memref<98304x128xf32, #tpu.memory_space<hbm>>) target(%arg7 : memref<64x128xf32, #tpu.memory_space<vmem>>) offsets(%arg6 : memref<64xi32, #tpu.memory_space<vmem>>) semaphore(%arg8 : memref<!tpu.dma_semaphore, #tpu.memory_space<semaphore_mem>>)
      %dma_wait3A = arith.constant 0 : i32
      %dma_wait3A_261 = arith.constant 0 : i32
      %dma_wait3A_262 = tpu.memref_slice %arg3[%dma_wait3A, %dma_wait3A_261] : memref<98304x128xf32, #tpu.memory_space<hbm>> -> memref<98304x128xf32, #tpu.memory_space<hbm>>
      tpu.wait_indirect_dma semaphore(%arg8 : memref<!tpu.dma_semaphore, #tpu.memory_space<semaphore_mem>>) src(%dma_wait3A_262 : memref<98304x128xf32, #tpu.memory_space<hbm>>) dst(%arg7 : memref<64x128xf32, #tpu.memory_space<vmem>>)
      "tpu.region"() ({
        %run_scoped3A = tpu.sem_alloc : memref<!tpu.dma_semaphore, #tpu.memory_space<semaphore_mem>>
        %dma_start3A_263 = arith.constant 0 : i32
        %dma_start3A_264 = arith.constant 1152 : i32
        %dma_start3A_265 = tpu.memref_slice %arg4[%dma_start3A_263, %dma_start3A_264] : memref<64x4608xf32, #tpu.memory_space<hbm>> -> memref<64x128xf32, #tpu.memory_space<hbm>>
        %dma_start3A_266 = arith.constant 0 : i32
        %dma_start3A_267 = arith.constant 1152 : i32
        %dma_start3A_268 = tpu.memref_slice %arg4[%dma_start3A_266, %dma_start3A_267] : memref<64x4608xf32, #tpu.memory_space<hbm>> -> memref<64x128xf32, #tpu.memory_space<hbm>>
        tpu.enqueue_dma source(%arg7 : memref<64x128xf32, #tpu.memory_space<vmem>>) target(%dma_start3A_268 : memref<64x128xf32, #tpu.memory_space<hbm>>) target_semaphore(%run_scoped3A : memref<!tpu.dma_semaphore, #tpu.memory_space<semaphore_mem>>)
        %dma_wait3A_269 = arith.constant 0 : i32
        %dma_wait3A_270 = arith.constant 1152 : i32
        %dma_wait3A_271 = tpu.memref_slice %arg4[%dma_wait3A_269, %dma_wait3A_270] : memref<64x4608xf32, #tpu.memory_space<hbm>> -> memref<64x128xf32, #tpu.memory_space<hbm>>
        %dma_wait3A_272 = arith.constant 0 : i32
        %dma_wait3A_273 = arith.constant 1152 : i32
        %dma_wait3A_274 = tpu.memref_slice %arg4[%dma_wait3A_272, %dma_wait3A_273] : memref<64x4608xf32, #tpu.memory_space<hbm>> -> memref<64x128xf32, #tpu.memory_space<hbm>>
        tpu.wait_dma2 semaphore(%run_scoped3A : memref<!tpu.dma_semaphore, #tpu.memory_space<semaphore_mem>>) src(%arg7 : memref<64x128xf32, #tpu.memory_space<vmem>>) dst(%dma_wait3A_274 : memref<64x128xf32, #tpu.memory_space<hbm>>)
        tpu.yield
      }) : () -> ()
    } else {
    }
    %eq3A_50 = arith.constant 10 : i32
    %eq3A_51 = arith.cmpi eq, %add3A, %eq3A_50 : i32
    %convert_element_type3A_52 = arith.extui %eq3A_51 : i1 to i32
    %cond3A_53 = arith.constant 0 : i32
    %cond3A_54 = arith.cmpi ne, %convert_element_type3A_52, %cond3A_53 : i32
    scf.if %cond3A_54 {
      %add3A_180 = arith.constant 0 : i32
      %add3A_181 = vector.broadcast %add3A_180 : i32 to vector<16xi32>
      %add3A_182 = arith.addi %iota3A, %add3A_181 : vector<16xi32>
      %mul3A_183 = arith.constant 1536 : i32
      %mul3A_184 = vector.broadcast %mul3A_183 : i32 to vector<16xi32>
      %mul3A_185 = arith.muli %add3A_182, %mul3A_184 : vector<16xi32>
      %add3A_186 = arith.constant 2 : i32
      %add3A_187 = vector.broadcast %add3A_186 : i32 to vector<16xi32>
      %add3A_188 = arith.addi %get3A_1, %add3A_187 : vector<16xi32>
      %mul3A_189 = arith.constant 24 : i32
      %mul3A_190 = vector.broadcast %mul3A_189 : i32 to vector<16xi32>
      %mul3A_191 = arith.muli %add3A_188, %mul3A_190 : vector<16xi32>
      %add3A_192 = arith.addi %mul3A_185, %mul3A_191 : vector<16xi32>
      %add3A_193 = arith.constant 11 : i32
      %add3A_194 = vector.broadcast %add3A_193 : i32 to vector<16xi32>
      %add3A_195 = arith.addi %add3A_192, %add3A_194 : vector<16xi32>
      %swap3A = arith.constant 0 : index
      %swap3A_196 = tpu.vector_load %arg6[%swap3A] {strides = array<i32>} : memref<64xi32, #tpu.memory_space<vmem>>, vector<16xi32>,
      %swap3A_197 = vector.shape_cast %swap3A_196 : vector<16xi32> to vector<16xi32>
      %swap3A_198 = vector.shape_cast %add3A_195 : vector<16xi32> to vector<16xi32>
      tpu.vector_store %arg6[%swap3A], %swap3A_198 {strides = array<i32>} : memref<64xi32, #tpu.memory_space<vmem>>, vector<16xi32>,
      %add3A_199 = arith.constant 16 : i32
      %add3A_200 = vector.broadcast %add3A_199 : i32 to vector<16xi32>
      %add3A_201 = arith.addi %iota3A, %add3A_200 : vector<16xi32>
      %mul3A_202 = arith.constant 1536 : i32
      %mul3A_203 = vector.broadcast %mul3A_202 : i32 to vector<16xi32>
      %mul3A_204 = arith.muli %add3A_201, %mul3A_203 : vector<16xi32>
      %add3A_205 = arith.constant 2 : i32
      %add3A_206 = vector.broadcast %add3A_205 : i32 to vector<16xi32>
      %add3A_207 = arith.addi %get3A_1, %add3A_206 : vector<16xi32>
      %mul3A_208 = arith.constant 24 : i32
      %mul3A_209 = vector.broadcast %mul3A_208 : i32 to vector<16xi32>
      %mul3A_210 = arith.muli %add3A_207, %mul3A_209 : vector<16xi32>
      %add3A_211 = arith.addi %mul3A_204, %mul3A_210 : vector<16xi32>
      %add3A_212 = arith.constant 11 : i32
      %add3A_213 = vector.broadcast %add3A_212 : i32 to vector<16xi32>
      %add3A_214 = arith.addi %add3A_211, %add3A_213 : vector<16xi32>
      %swap3A_215 = arith.constant 16 : index
      %swap3A_216 = tpu.vector_load %arg6[%swap3A_215] {strides = array<i32>} : memref<64xi32, #tpu.memory_space<vmem>>, vector<16xi32>,
      %swap3A_217 = vector.shape_cast %swap3A_216 : vector<16xi32> to vector<16xi32>
      %swap3A_218 = vector.shape_cast %add3A_214 : vector<16xi32> to vector<16xi32>
      tpu.vector_store %arg6[%swap3A_215], %swap3A_218 {strides = array<i32>} : memref<64xi32, #tpu.memory_space<vmem>>, vector<16xi32>,
      %add3A_219 = arith.constant 32 : i32
      %add3A_220 = vector.broadcast %add3A_219 : i32 to vector<16xi32>
      %add3A_221 = arith.addi %iota3A, %add3A_220 : vector<16xi32>
      %mul3A_222 = arith.constant 1536 : i32
      %mul3A_223 = vector.broadcast %mul3A_222 : i32 to vector<16xi32>
      %mul3A_224 = arith.muli %add3A_221, %mul3A_223 : vector<16xi32>
      %add3A_225 = arith.constant 2 : i32
      %add3A_226 = vector.broadcast %add3A_225 : i32 to vector<16xi32>
      %add3A_227 = arith.addi %get3A_1, %add3A_226 : vector<16xi32>
      %mul3A_228 = arith.constant 24 : i32
      %mul3A_229 = vector.broadcast %mul3A_228 : i32 to vector<16xi32>
      %mul3A_230 = arith.muli %add3A_227, %mul3A_229 : vector<16xi32>
      %add3A_231 = arith.addi %mul3A_224, %mul3A_230 : vector<16xi32>
      %add3A_232 = arith.constant 11 : i32
      %add3A_233 = vector.broadcast %add3A_232 : i32 to vector<16xi32>
      %add3A_234 = arith.addi %add3A_231, %add3A_233 : vector<16xi32>
      %swap3A_235 = arith.constant 32 : index
      %swap3A_236 = tpu.vector_load %arg6[%swap3A_235] {strides = array<i32>} : memref<64xi32, #tpu.memory_space<vmem>>, vector<16xi32>,
      %swap3A_237 = vector.shape_cast %swap3A_236 : vector<16xi32> to vector<16xi32>
      %swap3A_238 = vector.shape_cast %add3A_234 : vector<16xi32> to vector<16xi32>
      tpu.vector_store %arg6[%swap3A_235], %swap3A_238 {strides = array<i32>} : memref<64xi32, #tpu.memory_space<vmem>>, vector<16xi32>,
      %add3A_239 = arith.constant 48 : i32
      %add3A_240 = vector.broadcast %add3A_239 : i32 to vector<16xi32>
      %add3A_241 = arith.addi %iota3A, %add3A_240 : vector<16xi32>
      %mul3A_242 = arith.constant 1536 : i32
      %mul3A_243 = vector.broadcast %mul3A_242 : i32 to vector<16xi32>
      %mul3A_244 = arith.muli %add3A_241, %mul3A_243 : vector<16xi32>
      %add3A_245 = arith.constant 2 : i32
      %add3A_246 = vector.broadcast %add3A_245 : i32 to vector<16xi32>
      %add3A_247 = arith.addi %get3A_1, %add3A_246 : vector<16xi32>
      %mul3A_248 = arith.constant 24 : i32
      %mul3A_249 = vector.broadcast %mul3A_248 : i32 to vector<16xi32>
      %mul3A_250 = arith.muli %add3A_247, %mul3A_249 : vector<16xi32>
      %add3A_251 = arith.addi %mul3A_244, %mul3A_250 : vector<16xi32>
      %add3A_252 = arith.constant 11 : i32
      %add3A_253 = vector.broadcast %add3A_252 : i32 to vector<16xi32>
      %add3A_254 = arith.addi %add3A_251, %add3A_253 : vector<16xi32>
      %swap3A_255 = arith.constant 48 : index
      %swap3A_256 = tpu.vector_load %arg6[%swap3A_255] {strides = array<i32>} : memref<64xi32, #tpu.memory_space<vmem>>, vector<16xi32>,
      %swap3A_257 = vector.shape_cast %swap3A_256 : vector<16xi32> to vector<16xi32>
      %swap3A_258 = vector.shape_cast %add3A_254 : vector<16xi32> to vector<16xi32>
      tpu.vector_store %arg6[%swap3A_255], %swap3A_258 {strides = array<i32>} : memref<64xi32, #tpu.memory_space<vmem>>, vector<16xi32>,
      %dma_start3A = arith.constant 0 : i32
      %dma_start3A_259 = arith.constant 0 : i32
      %dma_start3A_260 = tpu.memref_slice %arg3[%dma_start3A, %dma_start3A_259] : memref<98304x128xf32, #tpu.memory_space<hbm>> -> memref<98304x128xf32, #tpu.memory_space<hbm>>
      tpu.enqueue_indirect_dma source(%dma_start3A_260 : memref<98304x128xf32, #tpu.memory_space<hbm>>) target(%arg7 : memref<64x128xf32, #tpu.memory_space<vmem>>) offsets(%arg6 : memref<64xi32, #tpu.memory_space<vmem>>) semaphore(%arg8 : memref<!tpu.dma_semaphore, #tpu.memory_space<semaphore_mem>>)
      %dma_wait3A = arith.constant 0 : i32
      %dma_wait3A_261 = arith.constant 0 : i32
      %dma_wait3A_262 = tpu.memref_slice %arg3[%dma_wait3A, %dma_wait3A_261] : memref<98304x128xf32, #tpu.memory_space<hbm>> -> memref<98304x128xf32, #tpu.memory_space<hbm>>
      tpu.wait_indirect_dma semaphore(%arg8 : memref<!tpu.dma_semaphore, #tpu.memory_space<semaphore_mem>>) src(%dma_wait3A_262 : memref<98304x128xf32, #tpu.memory_space<hbm>>) dst(%arg7 : memref<64x128xf32, #tpu.memory_space<vmem>>)
      "tpu.region"() ({
        %run_scoped3A = tpu.sem_alloc : memref<!tpu.dma_semaphore, #tpu.memory_space<semaphore_mem>>
        %dma_start3A_263 = arith.constant 0 : i32
        %dma_start3A_264 = arith.constant 1280 : i32
        %dma_start3A_265 = tpu.memref_slice %arg4[%dma_start3A_263, %dma_start3A_264] : memref<64x4608xf32, #tpu.memory_space<hbm>> -> memref<64x128xf32, #tpu.memory_space<hbm>>
        %dma_start3A_266 = arith.constant 0 : i32
        %dma_start3A_267 = arith.constant 1280 : i32
        %dma_start3A_268 = tpu.memref_slice %arg4[%dma_start3A_266, %dma_start3A_267] : memref<64x4608xf32, #tpu.memory_space<hbm>> -> memref<64x128xf32, #tpu.memory_space<hbm>>
        tpu.enqueue_dma source(%arg7 : memref<64x128xf32, #tpu.memory_space<vmem>>) target(%dma_start3A_268 : memref<64x128xf32, #tpu.memory_space<hbm>>) target_semaphore(%run_scoped3A : memref<!tpu.dma_semaphore, #tpu.memory_space<semaphore_mem>>)
        %dma_wait3A_269 = arith.constant 0 : i32
        %dma_wait3A_270 = arith.constant 1280 : i32
        %dma_wait3A_271 = tpu.memref_slice %arg4[%dma_wait3A_269, %dma_wait3A_270] : memref<64x4608xf32, #tpu.memory_space<hbm>> -> memref<64x128xf32, #tpu.memory_space<hbm>>
        %dma_wait3A_272 = arith.constant 0 : i32
        %dma_wait3A_273 = arith.constant 1280 : i32
        %dma_wait3A_274 = tpu.memref_slice %arg4[%dma_wait3A_272, %dma_wait3A_273] : memref<64x4608xf32, #tpu.memory_space<hbm>> -> memref<64x128xf32, #tpu.memory_space<hbm>>
        tpu.wait_dma2 semaphore(%run_scoped3A : memref<!tpu.dma_semaphore, #tpu.memory_space<semaphore_mem>>) src(%arg7 : memref<64x128xf32, #tpu.memory_space<vmem>>) dst(%dma_wait3A_274 : memref<64x128xf32, #tpu.memory_space<hbm>>)
        tpu.yield
      }) : () -> ()
    } else {
    }
    %eq3A_55 = arith.constant 11 : i32
    %eq3A_56 = arith.cmpi eq, %add3A, %eq3A_55 : i32
    %convert_element_type3A_57 = arith.extui %eq3A_56 : i1 to i32
    %cond3A_58 = arith.constant 0 : i32
    %cond3A_59 = arith.cmpi ne, %convert_element_type3A_57, %cond3A_58 : i32
    scf.if %cond3A_59 {
      %add3A_180 = arith.constant 0 : i32
      %add3A_181 = vector.broadcast %add3A_180 : i32 to vector<16xi32>
      %add3A_182 = arith.addi %iota3A, %add3A_181 : vector<16xi32>
      %mul3A_183 = arith.constant 1536 : i32
      %mul3A_184 = vector.broadcast %mul3A_183 : i32 to vector<16xi32>
      %mul3A_185 = arith.muli %add3A_182, %mul3A_184 : vector<16xi32>
      %add3A_186 = arith.constant 2 : i32
      %add3A_187 = vector.broadcast %add3A_186 : i32 to vector<16xi32>
      %add3A_188 = arith.addi %get3A_1, %add3A_187 : vector<16xi32>
      %mul3A_189 = arith.constant 24 : i32
      %mul3A_190 = vector.broadcast %mul3A_189 : i32 to vector<16xi32>
      %mul3A_191 = arith.muli %add3A_188, %mul3A_190 : vector<16xi32>
      %add3A_192 = arith.addi %mul3A_185, %mul3A_191 : vector<16xi32>
      %add3A_193 = arith.constant 17 : i32
      %add3A_194 = vector.broadcast %add3A_193 : i32 to vector<16xi32>
      %add3A_195 = arith.addi %add3A_192, %add3A_194 : vector<16xi32>
      %swap3A = arith.constant 0 : index
      %swap3A_196 = tpu.vector_load %arg6[%swap3A] {strides = array<i32>} : memref<64xi32, #tpu.memory_space<vmem>>, vector<16xi32>,
      %swap3A_197 = vector.shape_cast %swap3A_196 : vector<16xi32> to vector<16xi32>
      %swap3A_198 = vector.shape_cast %add3A_195 : vector<16xi32> to vector<16xi32>
      tpu.vector_store %arg6[%swap3A], %swap3A_198 {strides = array<i32>} : memref<64xi32, #tpu.memory_space<vmem>>, vector<16xi32>,
      %add3A_199 = arith.constant 16 : i32
      %add3A_200 = vector.broadcast %add3A_199 : i32 to vector<16xi32>
      %add3A_201 = arith.addi %iota3A, %add3A_200 : vector<16xi32>
      %mul3A_202 = arith.constant 1536 : i32
      %mul3A_203 = vector.broadcast %mul3A_202 : i32 to vector<16xi32>
      %mul3A_204 = arith.muli %add3A_201, %mul3A_203 : vector<16xi32>
      %add3A_205 = arith.constant 2 : i32
      %add3A_206 = vector.broadcast %add3A_205 : i32 to vector<16xi32>
      %add3A_207 = arith.addi %get3A_1, %add3A_206 : vector<16xi32>
      %mul3A_208 = arith.constant 24 : i32
      %mul3A_209 = vector.broadcast %mul3A_208 : i32 to vector<16xi32>
      %mul3A_210 = arith.muli %add3A_207, %mul3A_209 : vector<16xi32>
      %add3A_211 = arith.addi %mul3A_204, %mul3A_210 : vector<16xi32>
      %add3A_212 = arith.constant 17 : i32
      %add3A_213 = vector.broadcast %add3A_212 : i32 to vector<16xi32>
      %add3A_214 = arith.addi %add3A_211, %add3A_213 : vector<16xi32>
      %swap3A_215 = arith.constant 16 : index
      %swap3A_216 = tpu.vector_load %arg6[%swap3A_215] {strides = array<i32>} : memref<64xi32, #tpu.memory_space<vmem>>, vector<16xi32>,
      %swap3A_217 = vector.shape_cast %swap3A_216 : vector<16xi32> to vector<16xi32>
      %swap3A_218 = vector.shape_cast %add3A_214 : vector<16xi32> to vector<16xi32>
      tpu.vector_store %arg6[%swap3A_215], %swap3A_218 {strides = array<i32>} : memref<64xi32, #tpu.memory_space<vmem>>, vector<16xi32>,
      %add3A_219 = arith.constant 32 : i32
      %add3A_220 = vector.broadcast %add3A_219 : i32 to vector<16xi32>
      %add3A_221 = arith.addi %iota3A, %add3A_220 : vector<16xi32>
      %mul3A_222 = arith.constant 1536 : i32
      %mul3A_223 = vector.broadcast %mul3A_222 : i32 to vector<16xi32>
      %mul3A_224 = arith.muli %add3A_221, %mul3A_223 : vector<16xi32>
      %add3A_225 = arith.constant 2 : i32
      %add3A_226 = vector.broadcast %add3A_225 : i32 to vector<16xi32>
      %add3A_227 = arith.addi %get3A_1, %add3A_226 : vector<16xi32>
      %mul3A_228 = arith.constant 24 : i32
      %mul3A_229 = vector.broadcast %mul3A_228 : i32 to vector<16xi32>
      %mul3A_230 = arith.muli %add3A_227, %mul3A_229 : vector<16xi32>
      %add3A_231 = arith.addi %mul3A_224, %mul3A_230 : vector<16xi32>
      %add3A_232 = arith.constant 17 : i32
      %add3A_233 = vector.broadcast %add3A_232 : i32 to vector<16xi32>
      %add3A_234 = arith.addi %add3A_231, %add3A_233 : vector<16xi32>
      %swap3A_235 = arith.constant 32 : index
      %swap3A_236 = tpu.vector_load %arg6[%swap3A_235] {strides = array<i32>} : memref<64xi32, #tpu.memory_space<vmem>>, vector<16xi32>,
      %swap3A_237 = vector.shape_cast %swap3A_236 : vector<16xi32> to vector<16xi32>
      %swap3A_238 = vector.shape_cast %add3A_234 : vector<16xi32> to vector<16xi32>
      tpu.vector_store %arg6[%swap3A_235], %swap3A_238 {strides = array<i32>} : memref<64xi32, #tpu.memory_space<vmem>>, vector<16xi32>,
      %add3A_239 = arith.constant 48 : i32
      %add3A_240 = vector.broadcast %add3A_239 : i32 to vector<16xi32>
      %add3A_241 = arith.addi %iota3A, %add3A_240 : vector<16xi32>
      %mul3A_242 = arith.constant 1536 : i32
      %mul3A_243 = vector.broadcast %mul3A_242 : i32 to vector<16xi32>
      %mul3A_244 = arith.muli %add3A_241, %mul3A_243 : vector<16xi32>
      %add3A_245 = arith.constant 2 : i32
      %add3A_246 = vector.broadcast %add3A_245 : i32 to vector<16xi32>
      %add3A_247 = arith.addi %get3A_1, %add3A_246 : vector<16xi32>
      %mul3A_248 = arith.constant 24 : i32
      %mul3A_249 = vector.broadcast %mul3A_248 : i32 to vector<16xi32>
      %mul3A_250 = arith.muli %add3A_247, %mul3A_249 : vector<16xi32>
      %add3A_251 = arith.addi %mul3A_244, %mul3A_250 : vector<16xi32>
      %add3A_252 = arith.constant 17 : i32
      %add3A_253 = vector.broadcast %add3A_252 : i32 to vector<16xi32>
      %add3A_254 = arith.addi %add3A_251, %add3A_253 : vector<16xi32>
      %swap3A_255 = arith.constant 48 : index
      %swap3A_256 = tpu.vector_load %arg6[%swap3A_255] {strides = array<i32>} : memref<64xi32, #tpu.memory_space<vmem>>, vector<16xi32>,
      %swap3A_257 = vector.shape_cast %swap3A_256 : vector<16xi32> to vector<16xi32>
      %swap3A_258 = vector.shape_cast %add3A_254 : vector<16xi32> to vector<16xi32>
      tpu.vector_store %arg6[%swap3A_255], %swap3A_258 {strides = array<i32>} : memref<64xi32, #tpu.memory_space<vmem>>, vector<16xi32>,
      %dma_start3A = arith.constant 0 : i32
      %dma_start3A_259 = arith.constant 0 : i32
      %dma_start3A_260 = tpu.memref_slice %arg3[%dma_start3A, %dma_start3A_259] : memref<98304x128xf32, #tpu.memory_space<hbm>> -> memref<98304x128xf32, #tpu.memory_space<hbm>>
      tpu.enqueue_indirect_dma source(%dma_start3A_260 : memref<98304x128xf32, #tpu.memory_space<hbm>>) target(%arg7 : memref<64x128xf32, #tpu.memory_space<vmem>>) offsets(%arg6 : memref<64xi32, #tpu.memory_space<vmem>>) semaphore(%arg8 : memref<!tpu.dma_semaphore, #tpu.memory_space<semaphore_mem>>)
      %dma_wait3A = arith.constant 0 : i32
      %dma_wait3A_261 = arith.constant 0 : i32
      %dma_wait3A_262 = tpu.memref_slice %arg3[%dma_wait3A, %dma_wait3A_261] : memref<98304x128xf32, #tpu.memory_space<hbm>> -> memref<98304x128xf32, #tpu.memory_space<hbm>>
      tpu.wait_indirect_dma semaphore(%arg8 : memref<!tpu.dma_semaphore, #tpu.memory_space<semaphore_mem>>) src(%dma_wait3A_262 : memref<98304x128xf32, #tpu.memory_space<hbm>>) dst(%arg7 : memref<64x128xf32, #tpu.memory_space<vmem>>)
      "tpu.region"() ({
        %run_scoped3A = tpu.sem_alloc : memref<!tpu.dma_semaphore, #tpu.memory_space<semaphore_mem>>
        %dma_start3A_263 = arith.constant 0 : i32
        %dma_start3A_264 = arith.constant 1408 : i32
        %dma_start3A_265 = tpu.memref_slice %arg4[%dma_start3A_263, %dma_start3A_264] : memref<64x4608xf32, #tpu.memory_space<hbm>> -> memref<64x128xf32, #tpu.memory_space<hbm>>
        %dma_start3A_266 = arith.constant 0 : i32
        %dma_start3A_267 = arith.constant 1408 : i32
        %dma_start3A_268 = tpu.memref_slice %arg4[%dma_start3A_266, %dma_start3A_267] : memref<64x4608xf32, #tpu.memory_space<hbm>> -> memref<64x128xf32, #tpu.memory_space<hbm>>
        tpu.enqueue_dma source(%arg7 : memref<64x128xf32, #tpu.memory_space<vmem>>) target(%dma_start3A_268 : memref<64x128xf32, #tpu.memory_space<hbm>>) target_semaphore(%run_scoped3A : memref<!tpu.dma_semaphore, #tpu.memory_space<semaphore_mem>>)
        %dma_wait3A_269 = arith.constant 0 : i32
        %dma_wait3A_270 = arith.constant 1408 : i32
        %dma_wait3A_271 = tpu.memref_slice %arg4[%dma_wait3A_269, %dma_wait3A_270] : memref<64x4608xf32, #tpu.memory_space<hbm>> -> memref<64x128xf32, #tpu.memory_space<hbm>>
        %dma_wait3A_272 = arith.constant 0 : i32
        %dma_wait3A_273 = arith.constant 1408 : i32
        %dma_wait3A_274 = tpu.memref_slice %arg4[%dma_wait3A_272, %dma_wait3A_273] : memref<64x4608xf32, #tpu.memory_space<hbm>> -> memref<64x128xf32, #tpu.memory_space<hbm>>
        tpu.wait_dma2 semaphore(%run_scoped3A : memref<!tpu.dma_semaphore, #tpu.memory_space<semaphore_mem>>) src(%arg7 : memref<64x128xf32, #tpu.memory_space<vmem>>) dst(%dma_wait3A_274 : memref<64x128xf32, #tpu.memory_space<hbm>>)
        tpu.yield
      }) : () -> ()
    } else {
    }
    %eq3A_60 = arith.constant 12 : i32
    %eq3A_61 = arith.cmpi eq, %add3A, %eq3A_60 : i32
    %convert_element_type3A_62 = arith.extui %eq3A_61 : i1 to i32
    %cond3A_63 = arith.constant 0 : i32
    %cond3A_64 = arith.cmpi ne, %convert_element_type3A_62, %cond3A_63 : i32
    scf.if %cond3A_64 {
      %add3A_180 = arith.constant 0 : i32
      %add3A_181 = vector.broadcast %add3A_180 : i32 to vector<16xi32>
      %add3A_182 = arith.addi %iota3A, %add3A_181 : vector<16xi32>
      %mul3A_183 = arith.constant 1536 : i32
      %mul3A_184 = vector.broadcast %mul3A_183 : i32 to vector<16xi32>
      %mul3A_185 = arith.muli %add3A_182, %mul3A_184 : vector<16xi32>
      %add3A_186 = arith.constant 3 : i32
      %add3A_187 = vector.broadcast %add3A_186 : i32 to vector<16xi32>
      %add3A_188 = arith.addi %get3A_1, %add3A_187 : vector<16xi32>
      %mul3A_189 = arith.constant 24 : i32
      %mul3A_190 = vector.broadcast %mul3A_189 : i32 to vector<16xi32>
      %mul3A_191 = arith.muli %add3A_188, %mul3A_190 : vector<16xi32>
      %add3A_192 = arith.addi %mul3A_185, %mul3A_191 : vector<16xi32>
      %add3A_193 = arith.constant 0 : i32
      %add3A_194 = vector.broadcast %add3A_193 : i32 to vector<16xi32>
      %add3A_195 = arith.addi %add3A_192, %add3A_194 : vector<16xi32>
      %swap3A = arith.constant 0 : index
      %swap3A_196 = tpu.vector_load %arg6[%swap3A] {strides = array<i32>} : memref<64xi32, #tpu.memory_space<vmem>>, vector<16xi32>,
      %swap3A_197 = vector.shape_cast %swap3A_196 : vector<16xi32> to vector<16xi32>
      %swap3A_198 = vector.shape_cast %add3A_195 : vector<16xi32> to vector<16xi32>
      tpu.vector_store %arg6[%swap3A], %swap3A_198 {strides = array<i32>} : memref<64xi32, #tpu.memory_space<vmem>>, vector<16xi32>,
      %add3A_199 = arith.constant 16 : i32
      %add3A_200 = vector.broadcast %add3A_199 : i32 to vector<16xi32>
      %add3A_201 = arith.addi %iota3A, %add3A_200 : vector<16xi32>
      %mul3A_202 = arith.constant 1536 : i32
      %mul3A_203 = vector.broadcast %mul3A_202 : i32 to vector<16xi32>
      %mul3A_204 = arith.muli %add3A_201, %mul3A_203 : vector<16xi32>
      %add3A_205 = arith.constant 3 : i32
      %add3A_206 = vector.broadcast %add3A_205 : i32 to vector<16xi32>
      %add3A_207 = arith.addi %get3A_1, %add3A_206 : vector<16xi32>
      %mul3A_208 = arith.constant 24 : i32
      %mul3A_209 = vector.broadcast %mul3A_208 : i32 to vector<16xi32>
      %mul3A_210 = arith.muli %add3A_207, %mul3A_209 : vector<16xi32>
      %add3A_211 = arith.addi %mul3A_204, %mul3A_210 : vector<16xi32>
      %add3A_212 = arith.constant 0 : i32
      %add3A_213 = vector.broadcast %add3A_212 : i32 to vector<16xi32>
      %add3A_214 = arith.addi %add3A_211, %add3A_213 : vector<16xi32>
      %swap3A_215 = arith.constant 16 : index
      %swap3A_216 = tpu.vector_load %arg6[%swap3A_215] {strides = array<i32>} : memref<64xi32, #tpu.memory_space<vmem>>, vector<16xi32>,
      %swap3A_217 = vector.shape_cast %swap3A_216 : vector<16xi32> to vector<16xi32>
      %swap3A_218 = vector.shape_cast %add3A_214 : vector<16xi32> to vector<16xi32>
      tpu.vector_store %arg6[%swap3A_215], %swap3A_218 {strides = array<i32>} : memref<64xi32, #tpu.memory_space<vmem>>, vector<16xi32>,
      %add3A_219 = arith.constant 32 : i32
      %add3A_220 = vector.broadcast %add3A_219 : i32 to vector<16xi32>
      %add3A_221 = arith.addi %iota3A, %add3A_220 : vector<16xi32>
      %mul3A_222 = arith.constant 1536 : i32
      %mul3A_223 = vector.broadcast %mul3A_222 : i32 to vector<16xi32>
      %mul3A_224 = arith.muli %add3A_221, %mul3A_223 : vector<16xi32>
      %add3A_225 = arith.constant 3 : i32
      %add3A_226 = vector.broadcast %add3A_225 : i32 to vector<16xi32>
      %add3A_227 = arith.addi %get3A_1, %add3A_226 : vector<16xi32>
      %mul3A_228 = arith.constant 24 : i32
      %mul3A_229 = vector.broadcast %mul3A_228 : i32 to vector<16xi32>
      %mul3A_230 = arith.muli %add3A_227, %mul3A_229 : vector<16xi32>
      %add3A_231 = arith.addi %mul3A_224, %mul3A_230 : vector<16xi32>
      %add3A_232 = arith.constant 0 : i32
      %add3A_233 = vector.broadcast %add3A_232 : i32 to vector<16xi32>
      %add3A_234 = arith.addi %add3A_231, %add3A_233 : vector<16xi32>
      %swap3A_235 = arith.constant 32 : index
      %swap3A_236 = tpu.vector_load %arg6[%swap3A_235] {strides = array<i32>} : memref<64xi32, #tpu.memory_space<vmem>>, vector<16xi32>,
      %swap3A_237 = vector.shape_cast %swap3A_236 : vector<16xi32> to vector<16xi32>
      %swap3A_238 = vector.shape_cast %add3A_234 : vector<16xi32> to vector<16xi32>
      tpu.vector_store %arg6[%swap3A_235], %swap3A_238 {strides = array<i32>} : memref<64xi32, #tpu.memory_space<vmem>>, vector<16xi32>,
      %add3A_239 = arith.constant 48 : i32
      %add3A_240 = vector.broadcast %add3A_239 : i32 to vector<16xi32>
      %add3A_241 = arith.addi %iota3A, %add3A_240 : vector<16xi32>
      %mul3A_242 = arith.constant 1536 : i32
      %mul3A_243 = vector.broadcast %mul3A_242 : i32 to vector<16xi32>
      %mul3A_244 = arith.muli %add3A_241, %mul3A_243 : vector<16xi32>
      %add3A_245 = arith.constant 3 : i32
      %add3A_246 = vector.broadcast %add3A_245 : i32 to vector<16xi32>
      %add3A_247 = arith.addi %get3A_1, %add3A_246 : vector<16xi32>
      %mul3A_248 = arith.constant 24 : i32
      %mul3A_249 = vector.broadcast %mul3A_248 : i32 to vector<16xi32>
      %mul3A_250 = arith.muli %add3A_247, %mul3A_249 : vector<16xi32>
      %add3A_251 = arith.addi %mul3A_244, %mul3A_250 : vector<16xi32>
      %add3A_252 = arith.constant 0 : i32
      %add3A_253 = vector.broadcast %add3A_252 : i32 to vector<16xi32>
      %add3A_254 = arith.addi %add3A_251, %add3A_253 : vector<16xi32>
      %swap3A_255 = arith.constant 48 : index
      %swap3A_256 = tpu.vector_load %arg6[%swap3A_255] {strides = array<i32>} : memref<64xi32, #tpu.memory_space<vmem>>, vector<16xi32>,
      %swap3A_257 = vector.shape_cast %swap3A_256 : vector<16xi32> to vector<16xi32>
      %swap3A_258 = vector.shape_cast %add3A_254 : vector<16xi32> to vector<16xi32>
      tpu.vector_store %arg6[%swap3A_255], %swap3A_258 {strides = array<i32>} : memref<64xi32, #tpu.memory_space<vmem>>, vector<16xi32>,
      %dma_start3A = arith.constant 0 : i32
      %dma_start3A_259 = arith.constant 0 : i32
      %dma_start3A_260 = tpu.memref_slice %arg3[%dma_start3A, %dma_start3A_259] : memref<98304x128xf32, #tpu.memory_space<hbm>> -> memref<98304x128xf32, #tpu.memory_space<hbm>>
      tpu.enqueue_indirect_dma source(%dma_start3A_260 : memref<98304x128xf32, #tpu.memory_space<hbm>>) target(%arg7 : memref<64x128xf32, #tpu.memory_space<vmem>>) offsets(%arg6 : memref<64xi32, #tpu.memory_space<vmem>>) semaphore(%arg8 : memref<!tpu.dma_semaphore, #tpu.memory_space<semaphore_mem>>)
      %dma_wait3A = arith.constant 0 : i32
      %dma_wait3A_261 = arith.constant 0 : i32
      %dma_wait3A_262 = tpu.memref_slice %arg3[%dma_wait3A, %dma_wait3A_261] : memref<98304x128xf32, #tpu.memory_space<hbm>> -> memref<98304x128xf32, #tpu.memory_space<hbm>>
      tpu.wait_indirect_dma semaphore(%arg8 : memref<!tpu.dma_semaphore, #tpu.memory_space<semaphore_mem>>) src(%dma_wait3A_262 : memref<98304x128xf32, #tpu.memory_space<hbm>>) dst(%arg7 : memref<64x128xf32, #tpu.memory_space<vmem>>)
      "tpu.region"() ({
        %run_scoped3A = tpu.sem_alloc : memref<!tpu.dma_semaphore, #tpu.memory_space<semaphore_mem>>
        %dma_start3A_263 = arith.constant 0 : i32
        %dma_start3A_264 = arith.constant 1536 : i32
        %dma_start3A_265 = tpu.memref_slice %arg4[%dma_start3A_263, %dma_start3A_264] : memref<64x4608xf32, #tpu.memory_space<hbm>> -> memref<64x128xf32, #tpu.memory_space<hbm>>
        %dma_start3A_266 = arith.constant 0 : i32
        %dma_start3A_267 = arith.constant 1536 : i32
        %dma_start3A_268 = tpu.memref_slice %arg4[%dma_start3A_266, %dma_start3A_267] : memref<64x4608xf32, #tpu.memory_space<hbm>> -> memref<64x128xf32, #tpu.memory_space<hbm>>
        tpu.enqueue_dma source(%arg7 : memref<64x128xf32, #tpu.memory_space<vmem>>) target(%dma_start3A_268 : memref<64x128xf32, #tpu.memory_space<hbm>>) target_semaphore(%run_scoped3A : memref<!tpu.dma_semaphore, #tpu.memory_space<semaphore_mem>>)
        %dma_wait3A_269 = arith.constant 0 : i32
        %dma_wait3A_270 = arith.constant 1536 : i32
        %dma_wait3A_271 = tpu.memref_slice %arg4[%dma_wait3A_269, %dma_wait3A_270] : memref<64x4608xf32, #tpu.memory_space<hbm>> -> memref<64x128xf32, #tpu.memory_space<hbm>>
        %dma_wait3A_272 = arith.constant 0 : i32
        %dma_wait3A_273 = arith.constant 1536 : i32
        %dma_wait3A_274 = tpu.memref_slice %arg4[%dma_wait3A_272, %dma_wait3A_273] : memref<64x4608xf32, #tpu.memory_space<hbm>> -> memref<64x128xf32, #tpu.memory_space<hbm>>
        tpu.wait_dma2 semaphore(%run_scoped3A : memref<!tpu.dma_semaphore, #tpu.memory_space<semaphore_mem>>) src(%arg7 : memref<64x128xf32, #tpu.memory_space<vmem>>) dst(%dma_wait3A_274 : memref<64x128xf32, #tpu.memory_space<hbm>>)
        tpu.yield
      }) : () -> ()
    } else {
    }
    %eq3A_65 = arith.constant 13 : i32
    %eq3A_66 = arith.cmpi eq, %add3A, %eq3A_65 : i32
    %convert_element_type3A_67 = arith.extui %eq3A_66 : i1 to i32
    %cond3A_68 = arith.constant 0 : i32
    %cond3A_69 = arith.cmpi ne, %convert_element_type3A_67, %cond3A_68 : i32
    scf.if %cond3A_69 {
      %add3A_180 = arith.constant 0 : i32
      %add3A_181 = vector.broadcast %add3A_180 : i32 to vector<16xi32>
      %add3A_182 = arith.addi %iota3A, %add3A_181 : vector<16xi32>
      %mul3A_183 = arith.constant 1536 : i32
      %mul3A_184 = vector.broadcast %mul3A_183 : i32 to vector<16xi32>
      %mul3A_185 = arith.muli %add3A_182, %mul3A_184 : vector<16xi32>
      %add3A_186 = arith.constant 3 : i32
      %add3A_187 = vector.broadcast %add3A_186 : i32 to vector<16xi32>
      %add3A_188 = arith.addi %get3A_1, %add3A_187 : vector<16xi32>
      %mul3A_189 = arith.constant 24 : i32
      %mul3A_190 = vector.broadcast %mul3A_189 : i32 to vector<16xi32>
      %mul3A_191 = arith.muli %add3A_188, %mul3A_190 : vector<16xi32>
      %add3A_192 = arith.addi %mul3A_185, %mul3A_191 : vector<16xi32>
      %add3A_193 = arith.constant 5 : i32
      %add3A_194 = vector.broadcast %add3A_193 : i32 to vector<16xi32>
      %add3A_195 = arith.addi %add3A_192, %add3A_194 : vector<16xi32>
      %swap3A = arith.constant 0 : index
      %swap3A_196 = tpu.vector_load %arg6[%swap3A] {strides = array<i32>} : memref<64xi32, #tpu.memory_space<vmem>>, vector<16xi32>,
      %swap3A_197 = vector.shape_cast %swap3A_196 : vector<16xi32> to vector<16xi32>
      %swap3A_198 = vector.shape_cast %add3A_195 : vector<16xi32> to vector<16xi32>
      tpu.vector_store %arg6[%swap3A], %swap3A_198 {strides = array<i32>} : memref<64xi32, #tpu.memory_space<vmem>>, vector<16xi32>,
      %add3A_199 = arith.constant 16 : i32
      %add3A_200 = vector.broadcast %add3A_199 : i32 to vector<16xi32>
      %add3A_201 = arith.addi %iota3A, %add3A_200 : vector<16xi32>
      %mul3A_202 = arith.constant 1536 : i32
      %mul3A_203 = vector.broadcast %mul3A_202 : i32 to vector<16xi32>
      %mul3A_204 = arith.muli %add3A_201, %mul3A_203 : vector<16xi32>
      %add3A_205 = arith.constant 3 : i32
      %add3A_206 = vector.broadcast %add3A_205 : i32 to vector<16xi32>
      %add3A_207 = arith.addi %get3A_1, %add3A_206 : vector<16xi32>
      %mul3A_208 = arith.constant 24 : i32
      %mul3A_209 = vector.broadcast %mul3A_208 : i32 to vector<16xi32>
      %mul3A_210 = arith.muli %add3A_207, %mul3A_209 : vector<16xi32>
      %add3A_211 = arith.addi %mul3A_204, %mul3A_210 : vector<16xi32>
      %add3A_212 = arith.constant 5 : i32
      %add3A_213 = vector.broadcast %add3A_212 : i32 to vector<16xi32>
      %add3A_214 = arith.addi %add3A_211, %add3A_213 : vector<16xi32>
      %swap3A_215 = arith.constant 16 : index
      %swap3A_216 = tpu.vector_load %arg6[%swap3A_215] {strides = array<i32>} : memref<64xi32, #tpu.memory_space<vmem>>, vector<16xi32>,
      %swap3A_217 = vector.shape_cast %swap3A_216 : vector<16xi32> to vector<16xi32>
      %swap3A_218 = vector.shape_cast %add3A_214 : vector<16xi32> to vector<16xi32>
      tpu.vector_store %arg6[%swap3A_215], %swap3A_218 {strides = array<i32>} : memref<64xi32, #tpu.memory_space<vmem>>, vector<16xi32>,
      %add3A_219 = arith.constant 32 : i32
      %add3A_220 = vector.broadcast %add3A_219 : i32 to vector<16xi32>
      %add3A_221 = arith.addi %iota3A, %add3A_220 : vector<16xi32>
      %mul3A_222 = arith.constant 1536 : i32
      %mul3A_223 = vector.broadcast %mul3A_222 : i32 to vector<16xi32>
      %mul3A_224 = arith.muli %add3A_221, %mul3A_223 : vector<16xi32>
      %add3A_225 = arith.constant 3 : i32
      %add3A_226 = vector.broadcast %add3A_225 : i32 to vector<16xi32>
      %add3A_227 = arith.addi %get3A_1, %add3A_226 : vector<16xi32>
      %mul3A_228 = arith.constant 24 : i32
      %mul3A_229 = vector.broadcast %mul3A_228 : i32 to vector<16xi32>
      %mul3A_230 = arith.muli %add3A_227, %mul3A_229 : vector<16xi32>
      %add3A_231 = arith.addi %mul3A_224, %mul3A_230 : vector<16xi32>
      %add3A_232 = arith.constant 5 : i32
      %add3A_233 = vector.broadcast %add3A_232 : i32 to vector<16xi32>
      %add3A_234 = arith.addi %add3A_231, %add3A_233 : vector<16xi32>
      %swap3A_235 = arith.constant 32 : index
      %swap3A_236 = tpu.vector_load %arg6[%swap3A_235] {strides = array<i32>} : memref<64xi32, #tpu.memory_space<vmem>>, vector<16xi32>,
      %swap3A_237 = vector.shape_cast %swap3A_236 : vector<16xi32> to vector<16xi32>
      %swap3A_238 = vector.shape_cast %add3A_234 : vector<16xi32> to vector<16xi32>
      tpu.vector_store %arg6[%swap3A_235], %swap3A_238 {strides = array<i32>} : memref<64xi32, #tpu.memory_space<vmem>>, vector<16xi32>,
      %add3A_239 = arith.constant 48 : i32
      %add3A_240 = vector.broadcast %add3A_239 : i32 to vector<16xi32>
      %add3A_241 = arith.addi %iota3A, %add3A_240 : vector<16xi32>
      %mul3A_242 = arith.constant 1536 : i32
      %mul3A_243 = vector.broadcast %mul3A_242 : i32 to vector<16xi32>
      %mul3A_244 = arith.muli %add3A_241, %mul3A_243 : vector<16xi32>
      %add3A_245 = arith.constant 3 : i32
      %add3A_246 = vector.broadcast %add3A_245 : i32 to vector<16xi32>
      %add3A_247 = arith.addi %get3A_1, %add3A_246 : vector<16xi32>
      %mul3A_248 = arith.constant 24 : i32
      %mul3A_249 = vector.broadcast %mul3A_248 : i32 to vector<16xi32>
      %mul3A_250 = arith.muli %add3A_247, %mul3A_249 : vector<16xi32>
      %add3A_251 = arith.addi %mul3A_244, %mul3A_250 : vector<16xi32>
      %add3A_252 = arith.constant 5 : i32
      %add3A_253 = vector.broadcast %add3A_252 : i32 to vector<16xi32>
      %add3A_254 = arith.addi %add3A_251, %add3A_253 : vector<16xi32>
      %swap3A_255 = arith.constant 48 : index
      %swap3A_256 = tpu.vector_load %arg6[%swap3A_255] {strides = array<i32>} : memref<64xi32, #tpu.memory_space<vmem>>, vector<16xi32>,
      %swap3A_257 = vector.shape_cast %swap3A_256 : vector<16xi32> to vector<16xi32>
      %swap3A_258 = vector.shape_cast %add3A_254 : vector<16xi32> to vector<16xi32>
      tpu.vector_store %arg6[%swap3A_255], %swap3A_258 {strides = array<i32>} : memref<64xi32, #tpu.memory_space<vmem>>, vector<16xi32>,
      %dma_start3A = arith.constant 0 : i32
      %dma_start3A_259 = arith.constant 0 : i32
      %dma_start3A_260 = tpu.memref_slice %arg3[%dma_start3A, %dma_start3A_259] : memref<98304x128xf32, #tpu.memory_space<hbm>> -> memref<98304x128xf32, #tpu.memory_space<hbm>>
      tpu.enqueue_indirect_dma source(%dma_start3A_260 : memref<98304x128xf32, #tpu.memory_space<hbm>>) target(%arg7 : memref<64x128xf32, #tpu.memory_space<vmem>>) offsets(%arg6 : memref<64xi32, #tpu.memory_space<vmem>>) semaphore(%arg8 : memref<!tpu.dma_semaphore, #tpu.memory_space<semaphore_mem>>)
      %dma_wait3A = arith.constant 0 : i32
      %dma_wait3A_261 = arith.constant 0 : i32
      %dma_wait3A_262 = tpu.memref_slice %arg3[%dma_wait3A, %dma_wait3A_261] : memref<98304x128xf32, #tpu.memory_space<hbm>> -> memref<98304x128xf32, #tpu.memory_space<hbm>>
      tpu.wait_indirect_dma semaphore(%arg8 : memref<!tpu.dma_semaphore, #tpu.memory_space<semaphore_mem>>) src(%dma_wait3A_262 : memref<98304x128xf32, #tpu.memory_space<hbm>>) dst(%arg7 : memref<64x128xf32, #tpu.memory_space<vmem>>)
      "tpu.region"() ({
        %run_scoped3A = tpu.sem_alloc : memref<!tpu.dma_semaphore, #tpu.memory_space<semaphore_mem>>
        %dma_start3A_263 = arith.constant 0 : i32
        %dma_start3A_264 = arith.constant 1664 : i32
        %dma_start3A_265 = tpu.memref_slice %arg4[%dma_start3A_263, %dma_start3A_264] : memref<64x4608xf32, #tpu.memory_space<hbm>> -> memref<64x128xf32, #tpu.memory_space<hbm>>
        %dma_start3A_266 = arith.constant 0 : i32
        %dma_start3A_267 = arith.constant 1664 : i32
        %dma_start3A_268 = tpu.memref_slice %arg4[%dma_start3A_266, %dma_start3A_267] : memref<64x4608xf32, #tpu.memory_space<hbm>> -> memref<64x128xf32, #tpu.memory_space<hbm>>
        tpu.enqueue_dma source(%arg7 : memref<64x128xf32, #tpu.memory_space<vmem>>) target(%dma_start3A_268 : memref<64x128xf32, #tpu.memory_space<hbm>>) target_semaphore(%run_scoped3A : memref<!tpu.dma_semaphore, #tpu.memory_space<semaphore_mem>>)
        %dma_wait3A_269 = arith.constant 0 : i32
        %dma_wait3A_270 = arith.constant 1664 : i32
        %dma_wait3A_271 = tpu.memref_slice %arg4[%dma_wait3A_269, %dma_wait3A_270] : memref<64x4608xf32, #tpu.memory_space<hbm>> -> memref<64x128xf32, #tpu.memory_space<hbm>>
        %dma_wait3A_272 = arith.constant 0 : i32
        %dma_wait3A_273 = arith.constant 1664 : i32
        %dma_wait3A_274 = tpu.memref_slice %arg4[%dma_wait3A_272, %dma_wait3A_273] : memref<64x4608xf32, #tpu.memory_space<hbm>> -> memref<64x128xf32, #tpu.memory_space<hbm>>
        tpu.wait_dma2 semaphore(%run_scoped3A : memref<!tpu.dma_semaphore, #tpu.memory_space<semaphore_mem>>) src(%arg7 : memref<64x128xf32, #tpu.memory_space<vmem>>) dst(%dma_wait3A_274 : memref<64x128xf32, #tpu.memory_space<hbm>>)
        tpu.yield
      }) : () -> ()
    } else {
    }
    %eq3A_70 = arith.constant 14 : i32
    %eq3A_71 = arith.cmpi eq, %add3A, %eq3A_70 : i32
    %convert_element_type3A_72 = arith.extui %eq3A_71 : i1 to i32
    %cond3A_73 = arith.constant 0 : i32
    %cond3A_74 = arith.cmpi ne, %convert_element_type3A_72, %cond3A_73 : i32
    scf.if %cond3A_74 {
      %add3A_180 = arith.constant 0 : i32
      %add3A_181 = vector.broadcast %add3A_180 : i32 to vector<16xi32>
      %add3A_182 = arith.addi %iota3A, %add3A_181 : vector<16xi32>
      %mul3A_183 = arith.constant 1536 : i32
      %mul3A_184 = vector.broadcast %mul3A_183 : i32 to vector<16xi32>
      %mul3A_185 = arith.muli %add3A_182, %mul3A_184 : vector<16xi32>
      %add3A_186 = arith.constant 3 : i32
      %add3A_187 = vector.broadcast %add3A_186 : i32 to vector<16xi32>
      %add3A_188 = arith.addi %get3A_1, %add3A_187 : vector<16xi32>
      %mul3A_189 = arith.constant 24 : i32
      %mul3A_190 = vector.broadcast %mul3A_189 : i32 to vector<16xi32>
      %mul3A_191 = arith.muli %add3A_188, %mul3A_190 : vector<16xi32>
      %add3A_192 = arith.addi %mul3A_185, %mul3A_191 : vector<16xi32>
      %add3A_193 = arith.constant 11 : i32
      %add3A_194 = vector.broadcast %add3A_193 : i32 to vector<16xi32>
      %add3A_195 = arith.addi %add3A_192, %add3A_194 : vector<16xi32>
      %swap3A = arith.constant 0 : index
      %swap3A_196 = tpu.vector_load %arg6[%swap3A] {strides = array<i32>} : memref<64xi32, #tpu.memory_space<vmem>>, vector<16xi32>,
      %swap3A_197 = vector.shape_cast %swap3A_196 : vector<16xi32> to vector<16xi32>
      %swap3A_198 = vector.shape_cast %add3A_195 : vector<16xi32> to vector<16xi32>
      tpu.vector_store %arg6[%swap3A], %swap3A_198 {strides = array<i32>} : memref<64xi32, #tpu.memory_space<vmem>>, vector<16xi32>,
      %add3A_199 = arith.constant 16 : i32
      %add3A_200 = vector.broadcast %add3A_199 : i32 to vector<16xi32>
      %add3A_201 = arith.addi %iota3A, %add3A_200 : vector<16xi32>
      %mul3A_202 = arith.constant 1536 : i32
      %mul3A_203 = vector.broadcast %mul3A_202 : i32 to vector<16xi32>
      %mul3A_204 = arith.muli %add3A_201, %mul3A_203 : vector<16xi32>
      %add3A_205 = arith.constant 3 : i32
      %add3A_206 = vector.broadcast %add3A_205 : i32 to vector<16xi32>
      %add3A_207 = arith.addi %get3A_1, %add3A_206 : vector<16xi32>
      %mul3A_208 = arith.constant 24 : i32
      %mul3A_209 = vector.broadcast %mul3A_208 : i32 to vector<16xi32>
      %mul3A_210 = arith.muli %add3A_207, %mul3A_209 : vector<16xi32>
      %add3A_211 = arith.addi %mul3A_204, %mul3A_210 : vector<16xi32>
      %add3A_212 = arith.constant 11 : i32
      %add3A_213 = vector.broadcast %add3A_212 : i32 to vector<16xi32>
      %add3A_214 = arith.addi %add3A_211, %add3A_213 : vector<16xi32>
      %swap3A_215 = arith.constant 16 : index
      %swap3A_216 = tpu.vector_load %arg6[%swap3A_215] {strides = array<i32>} : memref<64xi32, #tpu.memory_space<vmem>>, vector<16xi32>,
      %swap3A_217 = vector.shape_cast %swap3A_216 : vector<16xi32> to vector<16xi32>
      %swap3A_218 = vector.shape_cast %add3A_214 : vector<16xi32> to vector<16xi32>
      tpu.vector_store %arg6[%swap3A_215], %swap3A_218 {strides = array<i32>} : memref<64xi32, #tpu.memory_space<vmem>>, vector<16xi32>,
      %add3A_219 = arith.constant 32 : i32
      %add3A_220 = vector.broadcast %add3A_219 : i32 to vector<16xi32>
      %add3A_221 = arith.addi %iota3A, %add3A_220 : vector<16xi32>
      %mul3A_222 = arith.constant 1536 : i32
      %mul3A_223 = vector.broadcast %mul3A_222 : i32 to vector<16xi32>
      %mul3A_224 = arith.muli %add3A_221, %mul3A_223 : vector<16xi32>
      %add3A_225 = arith.constant 3 : i32
      %add3A_226 = vector.broadcast %add3A_225 : i32 to vector<16xi32>
      %add3A_227 = arith.addi %get3A_1, %add3A_226 : vector<16xi32>
      %mul3A_228 = arith.constant 24 : i32
      %mul3A_229 = vector.broadcast %mul3A_228 : i32 to vector<16xi32>
      %mul3A_230 = arith.muli %add3A_227, %mul3A_229 : vector<16xi32>
      %add3A_231 = arith.addi %mul3A_224, %mul3A_230 : vector<16xi32>
      %add3A_232 = arith.constant 11 : i32
      %add3A_233 = vector.broadcast %add3A_232 : i32 to vector<16xi32>
      %add3A_234 = arith.addi %add3A_231, %add3A_233 : vector<16xi32>
      %swap3A_235 = arith.constant 32 : index
      %swap3A_236 = tpu.vector_load %arg6[%swap3A_235] {strides = array<i32>} : memref<64xi32, #tpu.memory_space<vmem>>, vector<16xi32>,
      %swap3A_237 = vector.shape_cast %swap3A_236 : vector<16xi32> to vector<16xi32>
      %swap3A_238 = vector.shape_cast %add3A_234 : vector<16xi32> to vector<16xi32>
      tpu.vector_store %arg6[%swap3A_235], %swap3A_238 {strides = array<i32>} : memref<64xi32, #tpu.memory_space<vmem>>, vector<16xi32>,
      %add3A_239 = arith.constant 48 : i32
      %add3A_240 = vector.broadcast %add3A_239 : i32 to vector<16xi32>
      %add3A_241 = arith.addi %iota3A, %add3A_240 : vector<16xi32>
      %mul3A_242 = arith.constant 1536 : i32
      %mul3A_243 = vector.broadcast %mul3A_242 : i32 to vector<16xi32>
      %mul3A_244 = arith.muli %add3A_241, %mul3A_243 : vector<16xi32>
      %add3A_245 = arith.constant 3 : i32
      %add3A_246 = vector.broadcast %add3A_245 : i32 to vector<16xi32>
      %add3A_247 = arith.addi %get3A_1, %add3A_246 : vector<16xi32>
      %mul3A_248 = arith.constant 24 : i32
      %mul3A_249 = vector.broadcast %mul3A_248 : i32 to vector<16xi32>
      %mul3A_250 = arith.muli %add3A_247, %mul3A_249 : vector<16xi32>
      %add3A_251 = arith.addi %mul3A_244, %mul3A_250 : vector<16xi32>
      %add3A_252 = arith.constant 11 : i32
      %add3A_253 = vector.broadcast %add3A_252 : i32 to vector<16xi32>
      %add3A_254 = arith.addi %add3A_251, %add3A_253 : vector<16xi32>
      %swap3A_255 = arith.constant 48 : index
      %swap3A_256 = tpu.vector_load %arg6[%swap3A_255] {strides = array<i32>} : memref<64xi32, #tpu.memory_space<vmem>>, vector<16xi32>,
      %swap3A_257 = vector.shape_cast %swap3A_256 : vector<16xi32> to vector<16xi32>
      %swap3A_258 = vector.shape_cast %add3A_254 : vector<16xi32> to vector<16xi32>
      tpu.vector_store %arg6[%swap3A_255], %swap3A_258 {strides = array<i32>} : memref<64xi32, #tpu.memory_space<vmem>>, vector<16xi32>,
      %dma_start3A = arith.constant 0 : i32
      %dma_start3A_259 = arith.constant 0 : i32
      %dma_start3A_260 = tpu.memref_slice %arg3[%dma_start3A, %dma_start3A_259] : memref<98304x128xf32, #tpu.memory_space<hbm>> -> memref<98304x128xf32, #tpu.memory_space<hbm>>
      tpu.enqueue_indirect_dma source(%dma_start3A_260 : memref<98304x128xf32, #tpu.memory_space<hbm>>) target(%arg7 : memref<64x128xf32, #tpu.memory_space<vmem>>) offsets(%arg6 : memref<64xi32, #tpu.memory_space<vmem>>) semaphore(%arg8 : memref<!tpu.dma_semaphore, #tpu.memory_space<semaphore_mem>>)
      %dma_wait3A = arith.constant 0 : i32
      %dma_wait3A_261 = arith.constant 0 : i32
      %dma_wait3A_262 = tpu.memref_slice %arg3[%dma_wait3A, %dma_wait3A_261] : memref<98304x128xf32, #tpu.memory_space<hbm>> -> memref<98304x128xf32, #tpu.memory_space<hbm>>
      tpu.wait_indirect_dma semaphore(%arg8 : memref<!tpu.dma_semaphore, #tpu.memory_space<semaphore_mem>>) src(%dma_wait3A_262 : memref<98304x128xf32, #tpu.memory_space<hbm>>) dst(%arg7 : memref<64x128xf32, #tpu.memory_space<vmem>>)
      "tpu.region"() ({
        %run_scoped3A = tpu.sem_alloc : memref<!tpu.dma_semaphore, #tpu.memory_space<semaphore_mem>>
        %dma_start3A_263 = arith.constant 0 : i32
        %dma_start3A_264 = arith.constant 1792 : i32
        %dma_start3A_265 = tpu.memref_slice %arg4[%dma_start3A_263, %dma_start3A_264] : memref<64x4608xf32, #tpu.memory_space<hbm>> -> memref<64x128xf32, #tpu.memory_space<hbm>>
        %dma_start3A_266 = arith.constant 0 : i32
        %dma_start3A_267 = arith.constant 1792 : i32
        %dma_start3A_268 = tpu.memref_slice %arg4[%dma_start3A_266, %dma_start3A_267] : memref<64x4608xf32, #tpu.memory_space<hbm>> -> memref<64x128xf32, #tpu.memory_space<hbm>>
        tpu.enqueue_dma source(%arg7 : memref<64x128xf32, #tpu.memory_space<vmem>>) target(%dma_start3A_268 : memref<64x128xf32, #tpu.memory_space<hbm>>) target_semaphore(%run_scoped3A : memref<!tpu.dma_semaphore, #tpu.memory_space<semaphore_mem>>)
        %dma_wait3A_269 = arith.constant 0 : i32
        %dma_wait3A_270 = arith.constant 1792 : i32
        %dma_wait3A_271 = tpu.memref_slice %arg4[%dma_wait3A_269, %dma_wait3A_270] : memref<64x4608xf32, #tpu.memory_space<hbm>> -> memref<64x128xf32, #tpu.memory_space<hbm>>
        %dma_wait3A_272 = arith.constant 0 : i32
        %dma_wait3A_273 = arith.constant 1792 : i32
        %dma_wait3A_274 = tpu.memref_slice %arg4[%dma_wait3A_272, %dma_wait3A_273] : memref<64x4608xf32, #tpu.memory_space<hbm>> -> memref<64x128xf32, #tpu.memory_space<hbm>>
        tpu.wait_dma2 semaphore(%run_scoped3A : memref<!tpu.dma_semaphore, #tpu.memory_space<semaphore_mem>>) src(%arg7 : memref<64x128xf32, #tpu.memory_space<vmem>>) dst(%dma_wait3A_274 : memref<64x128xf32, #tpu.memory_space<hbm>>)
        tpu.yield
      }) : () -> ()
    } else {
    }
    %eq3A_75 = arith.constant 15 : i32
    %eq3A_76 = arith.cmpi eq, %add3A, %eq3A_75 : i32
    %convert_element_type3A_77 = arith.extui %eq3A_76 : i1 to i32
    %cond3A_78 = arith.constant 0 : i32
    %cond3A_79 = arith.cmpi ne, %convert_element_type3A_77, %cond3A_78 : i32
    scf.if %cond3A_79 {
      %add3A_180 = arith.constant 0 : i32
      %add3A_181 = vector.broadcast %add3A_180 : i32 to vector<16xi32>
      %add3A_182 = arith.addi %iota3A, %add3A_181 : vector<16xi32>
      %mul3A_183 = arith.constant 1536 : i32
      %mul3A_184 = vector.broadcast %mul3A_183 : i32 to vector<16xi32>
      %mul3A_185 = arith.muli %add3A_182, %mul3A_184 : vector<16xi32>
      %add3A_186 = arith.constant 3 : i32
      %add3A_187 = vector.broadcast %add3A_186 : i32 to vector<16xi32>
      %add3A_188 = arith.addi %get3A_1, %add3A_187 : vector<16xi32>
      %mul3A_189 = arith.constant 24 : i32
      %mul3A_190 = vector.broadcast %mul3A_189 : i32 to vector<16xi32>
      %mul3A_191 = arith.muli %add3A_188, %mul3A_190 : vector<16xi32>
      %add3A_192 = arith.addi %mul3A_185, %mul3A_191 : vector<16xi32>
      %add3A_193 = arith.constant 17 : i32
      %add3A_194 = vector.broadcast %add3A_193 : i32 to vector<16xi32>
      %add3A_195 = arith.addi %add3A_192, %add3A_194 : vector<16xi32>
      %swap3A = arith.constant 0 : index
      %swap3A_196 = tpu.vector_load %arg6[%swap3A] {strides = array<i32>} : memref<64xi32, #tpu.memory_space<vmem>>, vector<16xi32>,
      %swap3A_197 = vector.shape_cast %swap3A_196 : vector<16xi32> to vector<16xi32>
      %swap3A_198 = vector.shape_cast %add3A_195 : vector<16xi32> to vector<16xi32>
      tpu.vector_store %arg6[%swap3A], %swap3A_198 {strides = array<i32>} : memref<64xi32, #tpu.memory_space<vmem>>, vector<16xi32>,
      %add3A_199 = arith.constant 16 : i32
      %add3A_200 = vector.broadcast %add3A_199 : i32 to vector<16xi32>
      %add3A_201 = arith.addi %iota3A, %add3A_200 : vector<16xi32>
      %mul3A_202 = arith.constant 1536 : i32
      %mul3A_203 = vector.broadcast %mul3A_202 : i32 to vector<16xi32>
      %mul3A_204 = arith.muli %add3A_201, %mul3A_203 : vector<16xi32>
      %add3A_205 = arith.constant 3 : i32
      %add3A_206 = vector.broadcast %add3A_205 : i32 to vector<16xi32>
      %add3A_207 = arith.addi %get3A_1, %add3A_206 : vector<16xi32>
      %mul3A_208 = arith.constant 24 : i32
      %mul3A_209 = vector.broadcast %mul3A_208 : i32 to vector<16xi32>
      %mul3A_210 = arith.muli %add3A_207, %mul3A_209 : vector<16xi32>
      %add3A_211 = arith.addi %mul3A_204, %mul3A_210 : vector<16xi32>
      %add3A_212 = arith.constant 17 : i32
      %add3A_213 = vector.broadcast %add3A_212 : i32 to vector<16xi32>
      %add3A_214 = arith.addi %add3A_211, %add3A_213 : vector<16xi32>
      %swap3A_215 = arith.constant 16 : index
      %swap3A_216 = tpu.vector_load %arg6[%swap3A_215] {strides = array<i32>} : memref<64xi32, #tpu.memory_space<vmem>>, vector<16xi32>,
      %swap3A_217 = vector.shape_cast %swap3A_216 : vector<16xi32> to vector<16xi32>
      %swap3A_218 = vector.shape_cast %add3A_214 : vector<16xi32> to vector<16xi32>
      tpu.vector_store %arg6[%swap3A_215], %swap3A_218 {strides = array<i32>} : memref<64xi32, #tpu.memory_space<vmem>>, vector<16xi32>,
      %add3A_219 = arith.constant 32 : i32
      %add3A_220 = vector.broadcast %add3A_219 : i32 to vector<16xi32>
      %add3A_221 = arith.addi %iota3A, %add3A_220 : vector<16xi32>
      %mul3A_222 = arith.constant 1536 : i32
      %mul3A_223 = vector.broadcast %mul3A_222 : i32 to vector<16xi32>
      %mul3A_224 = arith.muli %add3A_221, %mul3A_223 : vector<16xi32>
      %add3A_225 = arith.constant 3 : i32
      %add3A_226 = vector.broadcast %add3A_225 : i32 to vector<16xi32>
      %add3A_227 = arith.addi %get3A_1, %add3A_226 : vector<16xi32>
      %mul3A_228 = arith.constant 24 : i32
      %mul3A_229 = vector.broadcast %mul3A_228 : i32 to vector<16xi32>
      %mul3A_230 = arith.muli %add3A_227, %mul3A_229 : vector<16xi32>
      %add3A_231 = arith.addi %mul3A_224, %mul3A_230 : vector<16xi32>
      %add3A_232 = arith.constant 17 : i32
      %add3A_233 = vector.broadcast %add3A_232 : i32 to vector<16xi32>
      %add3A_234 = arith.addi %add3A_231, %add3A_233 : vector<16xi32>
      %swap3A_235 = arith.constant 32 : index
      %swap3A_236 = tpu.vector_load %arg6[%swap3A_235] {strides = array<i32>} : memref<64xi32, #tpu.memory_space<vmem>>, vector<16xi32>,
      %swap3A_237 = vector.shape_cast %swap3A_236 : vector<16xi32> to vector<16xi32>
      %swap3A_238 = vector.shape_cast %add3A_234 : vector<16xi32> to vector<16xi32>
      tpu.vector_store %arg6[%swap3A_235], %swap3A_238 {strides = array<i32>} : memref<64xi32, #tpu.memory_space<vmem>>, vector<16xi32>,
      %add3A_239 = arith.constant 48 : i32
      %add3A_240 = vector.broadcast %add3A_239 : i32 to vector<16xi32>
      %add3A_241 = arith.addi %iota3A, %add3A_240 : vector<16xi32>
      %mul3A_242 = arith.constant 1536 : i32
      %mul3A_243 = vector.broadcast %mul3A_242 : i32 to vector<16xi32>
      %mul3A_244 = arith.muli %add3A_241, %mul3A_243 : vector<16xi32>
      %add3A_245 = arith.constant 3 : i32
      %add3A_246 = vector.broadcast %add3A_245 : i32 to vector<16xi32>
      %add3A_247 = arith.addi %get3A_1, %add3A_246 : vector<16xi32>
      %mul3A_248 = arith.constant 24 : i32
      %mul3A_249 = vector.broadcast %mul3A_248 : i32 to vector<16xi32>
      %mul3A_250 = arith.muli %add3A_247, %mul3A_249 : vector<16xi32>
      %add3A_251 = arith.addi %mul3A_244, %mul3A_250 : vector<16xi32>
      %add3A_252 = arith.constant 17 : i32
      %add3A_253 = vector.broadcast %add3A_252 : i32 to vector<16xi32>
      %add3A_254 = arith.addi %add3A_251, %add3A_253 : vector<16xi32>
      %swap3A_255 = arith.constant 48 : index
      %swap3A_256 = tpu.vector_load %arg6[%swap3A_255] {strides = array<i32>} : memref<64xi32, #tpu.memory_space<vmem>>, vector<16xi32>,
      %swap3A_257 = vector.shape_cast %swap3A_256 : vector<16xi32> to vector<16xi32>
      %swap3A_258 = vector.shape_cast %add3A_254 : vector<16xi32> to vector<16xi32>
      tpu.vector_store %arg6[%swap3A_255], %swap3A_258 {strides = array<i32>} : memref<64xi32, #tpu.memory_space<vmem>>, vector<16xi32>,
      %dma_start3A = arith.constant 0 : i32
      %dma_start3A_259 = arith.constant 0 : i32
      %dma_start3A_260 = tpu.memref_slice %arg3[%dma_start3A, %dma_start3A_259] : memref<98304x128xf32, #tpu.memory_space<hbm>> -> memref<98304x128xf32, #tpu.memory_space<hbm>>
      tpu.enqueue_indirect_dma source(%dma_start3A_260 : memref<98304x128xf32, #tpu.memory_space<hbm>>) target(%arg7 : memref<64x128xf32, #tpu.memory_space<vmem>>) offsets(%arg6 : memref<64xi32, #tpu.memory_space<vmem>>) semaphore(%arg8 : memref<!tpu.dma_semaphore, #tpu.memory_space<semaphore_mem>>)
      %dma_wait3A = arith.constant 0 : i32
      %dma_wait3A_261 = arith.constant 0 : i32
      %dma_wait3A_262 = tpu.memref_slice %arg3[%dma_wait3A, %dma_wait3A_261] : memref<98304x128xf32, #tpu.memory_space<hbm>> -> memref<98304x128xf32, #tpu.memory_space<hbm>>
      tpu.wait_indirect_dma semaphore(%arg8 : memref<!tpu.dma_semaphore, #tpu.memory_space<semaphore_mem>>) src(%dma_wait3A_262 : memref<98304x128xf32, #tpu.memory_space<hbm>>) dst(%arg7 : memref<64x128xf32, #tpu.memory_space<vmem>>)
      "tpu.region"() ({
        %run_scoped3A = tpu.sem_alloc : memref<!tpu.dma_semaphore, #tpu.memory_space<semaphore_mem>>
        %dma_start3A_263 = arith.constant 0 : i32
        %dma_start3A_264 = arith.constant 1920 : i32
        %dma_start3A_265 = tpu.memref_slice %arg4[%dma_start3A_263, %dma_start3A_264] : memref<64x4608xf32, #tpu.memory_space<hbm>> -> memref<64x128xf32, #tpu.memory_space<hbm>>
        %dma_start3A_266 = arith.constant 0 : i32
        %dma_start3A_267 = arith.constant 1920 : i32
        %dma_start3A_268 = tpu.memref_slice %arg4[%dma_start3A_266, %dma_start3A_267] : memref<64x4608xf32, #tpu.memory_space<hbm>> -> memref<64x128xf32, #tpu.memory_space<hbm>>
        tpu.enqueue_dma source(%arg7 : memref<64x128xf32, #tpu.memory_space<vmem>>) target(%dma_start3A_268 : memref<64x128xf32, #tpu.memory_space<hbm>>) target_semaphore(%run_scoped3A : memref<!tpu.dma_semaphore, #tpu.memory_space<semaphore_mem>>)
        %dma_wait3A_269 = arith.constant 0 : i32
        %dma_wait3A_270 = arith.constant 1920 : i32
        %dma_wait3A_271 = tpu.memref_slice %arg4[%dma_wait3A_269, %dma_wait3A_270] : memref<64x4608xf32, #tpu.memory_space<hbm>> -> memref<64x128xf32, #tpu.memory_space<hbm>>
        %dma_wait3A_272 = arith.constant 0 : i32
        %dma_wait3A_273 = arith.constant 1920 : i32
        %dma_wait3A_274 = tpu.memref_slice %arg4[%dma_wait3A_272, %dma_wait3A_273] : memref<64x4608xf32, #tpu.memory_space<hbm>> -> memref<64x128xf32, #tpu.memory_space<hbm>>
        tpu.wait_dma2 semaphore(%run_scoped3A : memref<!tpu.dma_semaphore, #tpu.memory_space<semaphore_mem>>) src(%arg7 : memref<64x128xf32, #tpu.memory_space<vmem>>) dst(%dma_wait3A_274 : memref<64x128xf32, #tpu.memory_space<hbm>>)
        tpu.yield
      }) : () -> ()
    } else {
    }
    %eq3A_80 = arith.constant 16 : i32
    %eq3A_81 = arith.cmpi eq, %add3A, %eq3A_80 : i32
    %convert_element_type3A_82 = arith.extui %eq3A_81 : i1 to i32
    %cond3A_83 = arith.constant 0 : i32
    %cond3A_84 = arith.cmpi ne, %convert_element_type3A_82, %cond3A_83 : i32
    scf.if %cond3A_84 {
      %add3A_180 = arith.constant 0 : i32
      %add3A_181 = vector.broadcast %add3A_180 : i32 to vector<16xi32>
      %add3A_182 = arith.addi %iota3A, %add3A_181 : vector<16xi32>
      %mul3A_183 = arith.constant 1536 : i32
      %mul3A_184 = vector.broadcast %mul3A_183 : i32 to vector<16xi32>
      %mul3A_185 = arith.muli %add3A_182, %mul3A_184 : vector<16xi32>
      %add3A_186 = arith.constant 4 : i32
      %add3A_187 = vector.broadcast %add3A_186 : i32 to vector<16xi32>
      %add3A_188 = arith.addi %get3A_1, %add3A_187 : vector<16xi32>
      %mul3A_189 = arith.constant 24 : i32
      %mul3A_190 = vector.broadcast %mul3A_189 : i32 to vector<16xi32>
      %mul3A_191 = arith.muli %add3A_188, %mul3A_190 : vector<16xi32>
      %add3A_192 = arith.addi %mul3A_185, %mul3A_191 : vector<16xi32>
      %add3A_193 = arith.constant 0 : i32
      %add3A_194 = vector.broadcast %add3A_193 : i32 to vector<16xi32>
      %add3A_195 = arith.addi %add3A_192, %add3A_194 : vector<16xi32>
      %swap3A = arith.constant 0 : index
      %swap3A_196 = tpu.vector_load %arg6[%swap3A] {strides = array<i32>} : memref<64xi32, #tpu.memory_space<vmem>>, vector<16xi32>,
      %swap3A_197 = vector.shape_cast %swap3A_196 : vector<16xi32> to vector<16xi32>
      %swap3A_198 = vector.shape_cast %add3A_195 : vector<16xi32> to vector<16xi32>
      tpu.vector_store %arg6[%swap3A], %swap3A_198 {strides = array<i32>} : memref<64xi32, #tpu.memory_space<vmem>>, vector<16xi32>,
      %add3A_199 = arith.constant 16 : i32
      %add3A_200 = vector.broadcast %add3A_199 : i32 to vector<16xi32>
      %add3A_201 = arith.addi %iota3A, %add3A_200 : vector<16xi32>
      %mul3A_202 = arith.constant 1536 : i32
      %mul3A_203 = vector.broadcast %mul3A_202 : i32 to vector<16xi32>
      %mul3A_204 = arith.muli %add3A_201, %mul3A_203 : vector<16xi32>
      %add3A_205 = arith.constant 4 : i32
      %add3A_206 = vector.broadcast %add3A_205 : i32 to vector<16xi32>
      %add3A_207 = arith.addi %get3A_1, %add3A_206 : vector<16xi32>
      %mul3A_208 = arith.constant 24 : i32
      %mul3A_209 = vector.broadcast %mul3A_208 : i32 to vector<16xi32>
      %mul3A_210 = arith.muli %add3A_207, %mul3A_209 : vector<16xi32>
      %add3A_211 = arith.addi %mul3A_204, %mul3A_210 : vector<16xi32>
      %add3A_212 = arith.constant 0 : i32
      %add3A_213 = vector.broadcast %add3A_212 : i32 to vector<16xi32>
      %add3A_214 = arith.addi %add3A_211, %add3A_213 : vector<16xi32>
      %swap3A_215 = arith.constant 16 : index
      %swap3A_216 = tpu.vector_load %arg6[%swap3A_215] {strides = array<i32>} : memref<64xi32, #tpu.memory_space<vmem>>, vector<16xi32>,
      %swap3A_217 = vector.shape_cast %swap3A_216 : vector<16xi32> to vector<16xi32>
      %swap3A_218 = vector.shape_cast %add3A_214 : vector<16xi32> to vector<16xi32>
      tpu.vector_store %arg6[%swap3A_215], %swap3A_218 {strides = array<i32>} : memref<64xi32, #tpu.memory_space<vmem>>, vector<16xi32>,
      %add3A_219 = arith.constant 32 : i32
      %add3A_220 = vector.broadcast %add3A_219 : i32 to vector<16xi32>
      %add3A_221 = arith.addi %iota3A, %add3A_220 : vector<16xi32>
      %mul3A_222 = arith.constant 1536 : i32
      %mul3A_223 = vector.broadcast %mul3A_222 : i32 to vector<16xi32>
      %mul3A_224 = arith.muli %add3A_221, %mul3A_223 : vector<16xi32>
      %add3A_225 = arith.constant 4 : i32
      %add3A_226 = vector.broadcast %add3A_225 : i32 to vector<16xi32>
      %add3A_227 = arith.addi %get3A_1, %add3A_226 : vector<16xi32>
      %mul3A_228 = arith.constant 24 : i32
      %mul3A_229 = vector.broadcast %mul3A_228 : i32 to vector<16xi32>
      %mul3A_230 = arith.muli %add3A_227, %mul3A_229 : vector<16xi32>
      %add3A_231 = arith.addi %mul3A_224, %mul3A_230 : vector<16xi32>
      %add3A_232 = arith.constant 0 : i32
      %add3A_233 = vector.broadcast %add3A_232 : i32 to vector<16xi32>
      %add3A_234 = arith.addi %add3A_231, %add3A_233 : vector<16xi32>
      %swap3A_235 = arith.constant 32 : index
      %swap3A_236 = tpu.vector_load %arg6[%swap3A_235] {strides = array<i32>} : memref<64xi32, #tpu.memory_space<vmem>>, vector<16xi32>,
      %swap3A_237 = vector.shape_cast %swap3A_236 : vector<16xi32> to vector<16xi32>
      %swap3A_238 = vector.shape_cast %add3A_234 : vector<16xi32> to vector<16xi32>
      tpu.vector_store %arg6[%swap3A_235], %swap3A_238 {strides = array<i32>} : memref<64xi32, #tpu.memory_space<vmem>>, vector<16xi32>,
      %add3A_239 = arith.constant 48 : i32
      %add3A_240 = vector.broadcast %add3A_239 : i32 to vector<16xi32>
      %add3A_241 = arith.addi %iota3A, %add3A_240 : vector<16xi32>
      %mul3A_242 = arith.constant 1536 : i32
      %mul3A_243 = vector.broadcast %mul3A_242 : i32 to vector<16xi32>
      %mul3A_244 = arith.muli %add3A_241, %mul3A_243 : vector<16xi32>
      %add3A_245 = arith.constant 4 : i32
      %add3A_246 = vector.broadcast %add3A_245 : i32 to vector<16xi32>
      %add3A_247 = arith.addi %get3A_1, %add3A_246 : vector<16xi32>
      %mul3A_248 = arith.constant 24 : i32
      %mul3A_249 = vector.broadcast %mul3A_248 : i32 to vector<16xi32>
      %mul3A_250 = arith.muli %add3A_247, %mul3A_249 : vector<16xi32>
      %add3A_251 = arith.addi %mul3A_244, %mul3A_250 : vector<16xi32>
      %add3A_252 = arith.constant 0 : i32
      %add3A_253 = vector.broadcast %add3A_252 : i32 to vector<16xi32>
      %add3A_254 = arith.addi %add3A_251, %add3A_253 : vector<16xi32>
      %swap3A_255 = arith.constant 48 : index
      %swap3A_256 = tpu.vector_load %arg6[%swap3A_255] {strides = array<i32>} : memref<64xi32, #tpu.memory_space<vmem>>, vector<16xi32>,
      %swap3A_257 = vector.shape_cast %swap3A_256 : vector<16xi32> to vector<16xi32>
      %swap3A_258 = vector.shape_cast %add3A_254 : vector<16xi32> to vector<16xi32>
      tpu.vector_store %arg6[%swap3A_255], %swap3A_258 {strides = array<i32>} : memref<64xi32, #tpu.memory_space<vmem>>, vector<16xi32>,
      %dma_start3A = arith.constant 0 : i32
      %dma_start3A_259 = arith.constant 0 : i32
      %dma_start3A_260 = tpu.memref_slice %arg3[%dma_start3A, %dma_start3A_259] : memref<98304x128xf32, #tpu.memory_space<hbm>> -> memref<98304x128xf32, #tpu.memory_space<hbm>>
      tpu.enqueue_indirect_dma source(%dma_start3A_260 : memref<98304x128xf32, #tpu.memory_space<hbm>>) target(%arg7 : memref<64x128xf32, #tpu.memory_space<vmem>>) offsets(%arg6 : memref<64xi32, #tpu.memory_space<vmem>>) semaphore(%arg8 : memref<!tpu.dma_semaphore, #tpu.memory_space<semaphore_mem>>)
      %dma_wait3A = arith.constant 0 : i32
      %dma_wait3A_261 = arith.constant 0 : i32
      %dma_wait3A_262 = tpu.memref_slice %arg3[%dma_wait3A, %dma_wait3A_261] : memref<98304x128xf32, #tpu.memory_space<hbm>> -> memref<98304x128xf32, #tpu.memory_space<hbm>>
      tpu.wait_indirect_dma semaphore(%arg8 : memref<!tpu.dma_semaphore, #tpu.memory_space<semaphore_mem>>) src(%dma_wait3A_262 : memref<98304x128xf32, #tpu.memory_space<hbm>>) dst(%arg7 : memref<64x128xf32, #tpu.memory_space<vmem>>)
      "tpu.region"() ({
        %run_scoped3A = tpu.sem_alloc : memref<!tpu.dma_semaphore, #tpu.memory_space<semaphore_mem>>
        %dma_start3A_263 = arith.constant 0 : i32
        %dma_start3A_264 = arith.constant 2048 : i32
        %dma_start3A_265 = tpu.memref_slice %arg4[%dma_start3A_263, %dma_start3A_264] : memref<64x4608xf32, #tpu.memory_space<hbm>> -> memref<64x128xf32, #tpu.memory_space<hbm>>
        %dma_start3A_266 = arith.constant 0 : i32
        %dma_start3A_267 = arith.constant 2048 : i32
        %dma_start3A_268 = tpu.memref_slice %arg4[%dma_start3A_266, %dma_start3A_267] : memref<64x4608xf32, #tpu.memory_space<hbm>> -> memref<64x128xf32, #tpu.memory_space<hbm>>
        tpu.enqueue_dma source(%arg7 : memref<64x128xf32, #tpu.memory_space<vmem>>) target(%dma_start3A_268 : memref<64x128xf32, #tpu.memory_space<hbm>>) target_semaphore(%run_scoped3A : memref<!tpu.dma_semaphore, #tpu.memory_space<semaphore_mem>>)
        %dma_wait3A_269 = arith.constant 0 : i32
        %dma_wait3A_270 = arith.constant 2048 : i32
        %dma_wait3A_271 = tpu.memref_slice %arg4[%dma_wait3A_269, %dma_wait3A_270] : memref<64x4608xf32, #tpu.memory_space<hbm>> -> memref<64x128xf32, #tpu.memory_space<hbm>>
        %dma_wait3A_272 = arith.constant 0 : i32
        %dma_wait3A_273 = arith.constant 2048 : i32
        %dma_wait3A_274 = tpu.memref_slice %arg4[%dma_wait3A_272, %dma_wait3A_273] : memref<64x4608xf32, #tpu.memory_space<hbm>> -> memref<64x128xf32, #tpu.memory_space<hbm>>
        tpu.wait_dma2 semaphore(%run_scoped3A : memref<!tpu.dma_semaphore, #tpu.memory_space<semaphore_mem>>) src(%arg7 : memref<64x128xf32, #tpu.memory_space<vmem>>) dst(%dma_wait3A_274 : memref<64x128xf32, #tpu.memory_space<hbm>>)
        tpu.yield
      }) : () -> ()
    } else {
    }
    %eq3A_85 = arith.constant 17 : i32
    %eq3A_86 = arith.cmpi eq, %add3A, %eq3A_85 : i32
    %convert_element_type3A_87 = arith.extui %eq3A_86 : i1 to i32
    %cond3A_88 = arith.constant 0 : i32
    %cond3A_89 = arith.cmpi ne, %convert_element_type3A_87, %cond3A_88 : i32
    scf.if %cond3A_89 {
      %add3A_180 = arith.constant 0 : i32
      %add3A_181 = vector.broadcast %add3A_180 : i32 to vector<16xi32>
      %add3A_182 = arith.addi %iota3A, %add3A_181 : vector<16xi32>
      %mul3A_183 = arith.constant 1536 : i32
      %mul3A_184 = vector.broadcast %mul3A_183 : i32 to vector<16xi32>
      %mul3A_185 = arith.muli %add3A_182, %mul3A_184 : vector<16xi32>
      %add3A_186 = arith.constant 4 : i32
      %add3A_187 = vector.broadcast %add3A_186 : i32 to vector<16xi32>
      %add3A_188 = arith.addi %get3A_1, %add3A_187 : vector<16xi32>
      %mul3A_189 = arith.constant 24 : i32
      %mul3A_190 = vector.broadcast %mul3A_189 : i32 to vector<16xi32>
      %mul3A_191 = arith.muli %add3A_188, %mul3A_190 : vector<16xi32>
      %add3A_192 = arith.addi %mul3A_185, %mul3A_191 : vector<16xi32>
      %add3A_193 = arith.constant 5 : i32
      %add3A_194 = vector.broadcast %add3A_193 : i32 to vector<16xi32>
      %add3A_195 = arith.addi %add3A_192, %add3A_194 : vector<16xi32>
      %swap3A = arith.constant 0 : index
      %swap3A_196 = tpu.vector_load %arg6[%swap3A] {strides = array<i32>} : memref<64xi32, #tpu.memory_space<vmem>>, vector<16xi32>,
      %swap3A_197 = vector.shape_cast %swap3A_196 : vector<16xi32> to vector<16xi32>
      %swap3A_198 = vector.shape_cast %add3A_195 : vector<16xi32> to vector<16xi32>
      tpu.vector_store %arg6[%swap3A], %swap3A_198 {strides = array<i32>} : memref<64xi32, #tpu.memory_space<vmem>>, vector<16xi32>,
      %add3A_199 = arith.constant 16 : i32
      %add3A_200 = vector.broadcast %add3A_199 : i32 to vector<16xi32>
      %add3A_201 = arith.addi %iota3A, %add3A_200 : vector<16xi32>
      %mul3A_202 = arith.constant 1536 : i32
      %mul3A_203 = vector.broadcast %mul3A_202 : i32 to vector<16xi32>
      %mul3A_204 = arith.muli %add3A_201, %mul3A_203 : vector<16xi32>
      %add3A_205 = arith.constant 4 : i32
      %add3A_206 = vector.broadcast %add3A_205 : i32 to vector<16xi32>
      %add3A_207 = arith.addi %get3A_1, %add3A_206 : vector<16xi32>
      %mul3A_208 = arith.constant 24 : i32
      %mul3A_209 = vector.broadcast %mul3A_208 : i32 to vector<16xi32>
      %mul3A_210 = arith.muli %add3A_207, %mul3A_209 : vector<16xi32>
      %add3A_211 = arith.addi %mul3A_204, %mul3A_210 : vector<16xi32>
      %add3A_212 = arith.constant 5 : i32
      %add3A_213 = vector.broadcast %add3A_212 : i32 to vector<16xi32>
      %add3A_214 = arith.addi %add3A_211, %add3A_213 : vector<16xi32>
      %swap3A_215 = arith.constant 16 : index
      %swap3A_216 = tpu.vector_load %arg6[%swap3A_215] {strides = array<i32>} : memref<64xi32, #tpu.memory_space<vmem>>, vector<16xi32>,
      %swap3A_217 = vector.shape_cast %swap3A_216 : vector<16xi32> to vector<16xi32>
      %swap3A_218 = vector.shape_cast %add3A_214 : vector<16xi32> to vector<16xi32>
      tpu.vector_store %arg6[%swap3A_215], %swap3A_218 {strides = array<i32>} : memref<64xi32, #tpu.memory_space<vmem>>, vector<16xi32>,
      %add3A_219 = arith.constant 32 : i32
      %add3A_220 = vector.broadcast %add3A_219 : i32 to vector<16xi32>
      %add3A_221 = arith.addi %iota3A, %add3A_220 : vector<16xi32>
      %mul3A_222 = arith.constant 1536 : i32
      %mul3A_223 = vector.broadcast %mul3A_222 : i32 to vector<16xi32>
      %mul3A_224 = arith.muli %add3A_221, %mul3A_223 : vector<16xi32>
      %add3A_225 = arith.constant 4 : i32
      %add3A_226 = vector.broadcast %add3A_225 : i32 to vector<16xi32>
      %add3A_227 = arith.addi %get3A_1, %add3A_226 : vector<16xi32>
      %mul3A_228 = arith.constant 24 : i32
      %mul3A_229 = vector.broadcast %mul3A_228 : i32 to vector<16xi32>
      %mul3A_230 = arith.muli %add3A_227, %mul3A_229 : vector<16xi32>
      %add3A_231 = arith.addi %mul3A_224, %mul3A_230 : vector<16xi32>
      %add3A_232 = arith.constant 5 : i32
      %add3A_233 = vector.broadcast %add3A_232 : i32 to vector<16xi32>
      %add3A_234 = arith.addi %add3A_231, %add3A_233 : vector<16xi32>
      %swap3A_235 = arith.constant 32 : index
      %swap3A_236 = tpu.vector_load %arg6[%swap3A_235] {strides = array<i32>} : memref<64xi32, #tpu.memory_space<vmem>>, vector<16xi32>,
      %swap3A_237 = vector.shape_cast %swap3A_236 : vector<16xi32> to vector<16xi32>
      %swap3A_238 = vector.shape_cast %add3A_234 : vector<16xi32> to vector<16xi32>
      tpu.vector_store %arg6[%swap3A_235], %swap3A_238 {strides = array<i32>} : memref<64xi32, #tpu.memory_space<vmem>>, vector<16xi32>,
      %add3A_239 = arith.constant 48 : i32
      %add3A_240 = vector.broadcast %add3A_239 : i32 to vector<16xi32>
      %add3A_241 = arith.addi %iota3A, %add3A_240 : vector<16xi32>
      %mul3A_242 = arith.constant 1536 : i32
      %mul3A_243 = vector.broadcast %mul3A_242 : i32 to vector<16xi32>
      %mul3A_244 = arith.muli %add3A_241, %mul3A_243 : vector<16xi32>
      %add3A_245 = arith.constant 4 : i32
      %add3A_246 = vector.broadcast %add3A_245 : i32 to vector<16xi32>
      %add3A_247 = arith.addi %get3A_1, %add3A_246 : vector<16xi32>
      %mul3A_248 = arith.constant 24 : i32
      %mul3A_249 = vector.broadcast %mul3A_248 : i32 to vector<16xi32>
      %mul3A_250 = arith.muli %add3A_247, %mul3A_249 : vector<16xi32>
      %add3A_251 = arith.addi %mul3A_244, %mul3A_250 : vector<16xi32>
      %add3A_252 = arith.constant 5 : i32
      %add3A_253 = vector.broadcast %add3A_252 : i32 to vector<16xi32>
      %add3A_254 = arith.addi %add3A_251, %add3A_253 : vector<16xi32>
      %swap3A_255 = arith.constant 48 : index
      %swap3A_256 = tpu.vector_load %arg6[%swap3A_255] {strides = array<i32>} : memref<64xi32, #tpu.memory_space<vmem>>, vector<16xi32>,
      %swap3A_257 = vector.shape_cast %swap3A_256 : vector<16xi32> to vector<16xi32>
      %swap3A_258 = vector.shape_cast %add3A_254 : vector<16xi32> to vector<16xi32>
      tpu.vector_store %arg6[%swap3A_255], %swap3A_258 {strides = array<i32>} : memref<64xi32, #tpu.memory_space<vmem>>, vector<16xi32>,
      %dma_start3A = arith.constant 0 : i32
      %dma_start3A_259 = arith.constant 0 : i32
      %dma_start3A_260 = tpu.memref_slice %arg3[%dma_start3A, %dma_start3A_259] : memref<98304x128xf32, #tpu.memory_space<hbm>> -> memref<98304x128xf32, #tpu.memory_space<hbm>>
      tpu.enqueue_indirect_dma source(%dma_start3A_260 : memref<98304x128xf32, #tpu.memory_space<hbm>>) target(%arg7 : memref<64x128xf32, #tpu.memory_space<vmem>>) offsets(%arg6 : memref<64xi32, #tpu.memory_space<vmem>>) semaphore(%arg8 : memref<!tpu.dma_semaphore, #tpu.memory_space<semaphore_mem>>)
      %dma_wait3A = arith.constant 0 : i32
      %dma_wait3A_261 = arith.constant 0 : i32
      %dma_wait3A_262 = tpu.memref_slice %arg3[%dma_wait3A, %dma_wait3A_261] : memref<98304x128xf32, #tpu.memory_space<hbm>> -> memref<98304x128xf32, #tpu.memory_space<hbm>>
      tpu.wait_indirect_dma semaphore(%arg8 : memref<!tpu.dma_semaphore, #tpu.memory_space<semaphore_mem>>) src(%dma_wait3A_262 : memref<98304x128xf32, #tpu.memory_space<hbm>>) dst(%arg7 : memref<64x128xf32, #tpu.memory_space<vmem>>)
      "tpu.region"() ({
        %run_scoped3A = tpu.sem_alloc : memref<!tpu.dma_semaphore, #tpu.memory_space<semaphore_mem>>
        %dma_start3A_263 = arith.constant 0 : i32
        %dma_start3A_264 = arith.constant 2176 : i32
        %dma_start3A_265 = tpu.memref_slice %arg4[%dma_start3A_263, %dma_start3A_264] : memref<64x4608xf32, #tpu.memory_space<hbm>> -> memref<64x128xf32, #tpu.memory_space<hbm>>
        %dma_start3A_266 = arith.constant 0 : i32
        %dma_start3A_267 = arith.constant 2176 : i32
        %dma_start3A_268 = tpu.memref_slice %arg4[%dma_start3A_266, %dma_start3A_267] : memref<64x4608xf32, #tpu.memory_space<hbm>> -> memref<64x128xf32, #tpu.memory_space<hbm>>
        tpu.enqueue_dma source(%arg7 : memref<64x128xf32, #tpu.memory_space<vmem>>) target(%dma_start3A_268 : memref<64x128xf32, #tpu.memory_space<hbm>>) target_semaphore(%run_scoped3A : memref<!tpu.dma_semaphore, #tpu.memory_space<semaphore_mem>>)
        %dma_wait3A_269 = arith.constant 0 : i32
        %dma_wait3A_270 = arith.constant 2176 : i32
        %dma_wait3A_271 = tpu.memref_slice %arg4[%dma_wait3A_269, %dma_wait3A_270] : memref<64x4608xf32, #tpu.memory_space<hbm>> -> memref<64x128xf32, #tpu.memory_space<hbm>>
        %dma_wait3A_272 = arith.constant 0 : i32
        %dma_wait3A_273 = arith.constant 2176 : i32
        %dma_wait3A_274 = tpu.memref_slice %arg4[%dma_wait3A_272, %dma_wait3A_273] : memref<64x4608xf32, #tpu.memory_space<hbm>> -> memref<64x128xf32, #tpu.memory_space<hbm>>
        tpu.wait_dma2 semaphore(%run_scoped3A : memref<!tpu.dma_semaphore, #tpu.memory_space<semaphore_mem>>) src(%arg7 : memref<64x128xf32, #tpu.memory_space<vmem>>) dst(%dma_wait3A_274 : memref<64x128xf32, #tpu.memory_space<hbm>>)
        tpu.yield
      }) : () -> ()
    } else {
    }
    %eq3A_90 = arith.constant 18 : i32
    %eq3A_91 = arith.cmpi eq, %add3A, %eq3A_90 : i32
    %convert_element_type3A_92 = arith.extui %eq3A_91 : i1 to i32
    %cond3A_93 = arith.constant 0 : i32
    %cond3A_94 = arith.cmpi ne, %convert_element_type3A_92, %cond3A_93 : i32
    scf.if %cond3A_94 {
      %add3A_180 = arith.constant 0 : i32
      %add3A_181 = vector.broadcast %add3A_180 : i32 to vector<16xi32>
      %add3A_182 = arith.addi %iota3A, %add3A_181 : vector<16xi32>
      %mul3A_183 = arith.constant 1536 : i32
      %mul3A_184 = vector.broadcast %mul3A_183 : i32 to vector<16xi32>
      %mul3A_185 = arith.muli %add3A_182, %mul3A_184 : vector<16xi32>
      %add3A_186 = arith.constant 4 : i32
      %add3A_187 = vector.broadcast %add3A_186 : i32 to vector<16xi32>
      %add3A_188 = arith.addi %get3A_1, %add3A_187 : vector<16xi32>
      %mul3A_189 = arith.constant 24 : i32
      %mul3A_190 = vector.broadcast %mul3A_189 : i32 to vector<16xi32>
      %mul3A_191 = arith.muli %add3A_188, %mul3A_190 : vector<16xi32>
      %add3A_192 = arith.addi %mul3A_185, %mul3A_191 : vector<16xi32>
      %add3A_193 = arith.constant 11 : i32
      %add3A_194 = vector.broadcast %add3A_193 : i32 to vector<16xi32>
      %add3A_195 = arith.addi %add3A_192, %add3A_194 : vector<16xi32>
      %swap3A = arith.constant 0 : index
      %swap3A_196 = tpu.vector_load %arg6[%swap3A] {strides = array<i32>} : memref<64xi32, #tpu.memory_space<vmem>>, vector<16xi32>,
      %swap3A_197 = vector.shape_cast %swap3A_196 : vector<16xi32> to vector<16xi32>
      %swap3A_198 = vector.shape_cast %add3A_195 : vector<16xi32> to vector<16xi32>
      tpu.vector_store %arg6[%swap3A], %swap3A_198 {strides = array<i32>} : memref<64xi32, #tpu.memory_space<vmem>>, vector<16xi32>,
      %add3A_199 = arith.constant 16 : i32
      %add3A_200 = vector.broadcast %add3A_199 : i32 to vector<16xi32>
      %add3A_201 = arith.addi %iota3A, %add3A_200 : vector<16xi32>
      %mul3A_202 = arith.constant 1536 : i32
      %mul3A_203 = vector.broadcast %mul3A_202 : i32 to vector<16xi32>
      %mul3A_204 = arith.muli %add3A_201, %mul3A_203 : vector<16xi32>
      %add3A_205 = arith.constant 4 : i32
      %add3A_206 = vector.broadcast %add3A_205 : i32 to vector<16xi32>
      %add3A_207 = arith.addi %get3A_1, %add3A_206 : vector<16xi32>
      %mul3A_208 = arith.constant 24 : i32
      %mul3A_209 = vector.broadcast %mul3A_208 : i32 to vector<16xi32>
      %mul3A_210 = arith.muli %add3A_207, %mul3A_209 : vector<16xi32>
      %add3A_211 = arith.addi %mul3A_204, %mul3A_210 : vector<16xi32>
      %add3A_212 = arith.constant 11 : i32
      %add3A_213 = vector.broadcast %add3A_212 : i32 to vector<16xi32>
      %add3A_214 = arith.addi %add3A_211, %add3A_213 : vector<16xi32>
      %swap3A_215 = arith.constant 16 : index
      %swap3A_216 = tpu.vector_load %arg6[%swap3A_215] {strides = array<i32>} : memref<64xi32, #tpu.memory_space<vmem>>, vector<16xi32>,
      %swap3A_217 = vector.shape_cast %swap3A_216 : vector<16xi32> to vector<16xi32>
      %swap3A_218 = vector.shape_cast %add3A_214 : vector<16xi32> to vector<16xi32>
      tpu.vector_store %arg6[%swap3A_215], %swap3A_218 {strides = array<i32>} : memref<64xi32, #tpu.memory_space<vmem>>, vector<16xi32>,
      %add3A_219 = arith.constant 32 : i32
      %add3A_220 = vector.broadcast %add3A_219 : i32 to vector<16xi32>
      %add3A_221 = arith.addi %iota3A, %add3A_220 : vector<16xi32>
      %mul3A_222 = arith.constant 1536 : i32
      %mul3A_223 = vector.broadcast %mul3A_222 : i32 to vector<16xi32>
      %mul3A_224 = arith.muli %add3A_221, %mul3A_223 : vector<16xi32>
      %add3A_225 = arith.constant 4 : i32
      %add3A_226 = vector.broadcast %add3A_225 : i32 to vector<16xi32>
      %add3A_227 = arith.addi %get3A_1, %add3A_226 : vector<16xi32>
      %mul3A_228 = arith.constant 24 : i32
      %mul3A_229 = vector.broadcast %mul3A_228 : i32 to vector<16xi32>
      %mul3A_230 = arith.muli %add3A_227, %mul3A_229 : vector<16xi32>
      %add3A_231 = arith.addi %mul3A_224, %mul3A_230 : vector<16xi32>
      %add3A_232 = arith.constant 11 : i32
      %add3A_233 = vector.broadcast %add3A_232 : i32 to vector<16xi32>
      %add3A_234 = arith.addi %add3A_231, %add3A_233 : vector<16xi32>
      %swap3A_235 = arith.constant 32 : index
      %swap3A_236 = tpu.vector_load %arg6[%swap3A_235] {strides = array<i32>} : memref<64xi32, #tpu.memory_space<vmem>>, vector<16xi32>,
      %swap3A_237 = vector.shape_cast %swap3A_236 : vector<16xi32> to vector<16xi32>
      %swap3A_238 = vector.shape_cast %add3A_234 : vector<16xi32> to vector<16xi32>
      tpu.vector_store %arg6[%swap3A_235], %swap3A_238 {strides = array<i32>} : memref<64xi32, #tpu.memory_space<vmem>>, vector<16xi32>,
      %add3A_239 = arith.constant 48 : i32
      %add3A_240 = vector.broadcast %add3A_239 : i32 to vector<16xi32>
      %add3A_241 = arith.addi %iota3A, %add3A_240 : vector<16xi32>
      %mul3A_242 = arith.constant 1536 : i32
      %mul3A_243 = vector.broadcast %mul3A_242 : i32 to vector<16xi32>
      %mul3A_244 = arith.muli %add3A_241, %mul3A_243 : vector<16xi32>
      %add3A_245 = arith.constant 4 : i32
      %add3A_246 = vector.broadcast %add3A_245 : i32 to vector<16xi32>
      %add3A_247 = arith.addi %get3A_1, %add3A_246 : vector<16xi32>
      %mul3A_248 = arith.constant 24 : i32
      %mul3A_249 = vector.broadcast %mul3A_248 : i32 to vector<16xi32>
      %mul3A_250 = arith.muli %add3A_247, %mul3A_249 : vector<16xi32>
      %add3A_251 = arith.addi %mul3A_244, %mul3A_250 : vector<16xi32>
      %add3A_252 = arith.constant 11 : i32
      %add3A_253 = vector.broadcast %add3A_252 : i32 to vector<16xi32>
      %add3A_254 = arith.addi %add3A_251, %add3A_253 : vector<16xi32>
      %swap3A_255 = arith.constant 48 : index
      %swap3A_256 = tpu.vector_load %arg6[%swap3A_255] {strides = array<i32>} : memref<64xi32, #tpu.memory_space<vmem>>, vector<16xi32>,
      %swap3A_257 = vector.shape_cast %swap3A_256 : vector<16xi32> to vector<16xi32>
      %swap3A_258 = vector.shape_cast %add3A_254 : vector<16xi32> to vector<16xi32>
      tpu.vector_store %arg6[%swap3A_255], %swap3A_258 {strides = array<i32>} : memref<64xi32, #tpu.memory_space<vmem>>, vector<16xi32>,
      %dma_start3A = arith.constant 0 : i32
      %dma_start3A_259 = arith.constant 0 : i32
      %dma_start3A_260 = tpu.memref_slice %arg3[%dma_start3A, %dma_start3A_259] : memref<98304x128xf32, #tpu.memory_space<hbm>> -> memref<98304x128xf32, #tpu.memory_space<hbm>>
      tpu.enqueue_indirect_dma source(%dma_start3A_260 : memref<98304x128xf32, #tpu.memory_space<hbm>>) target(%arg7 : memref<64x128xf32, #tpu.memory_space<vmem>>) offsets(%arg6 : memref<64xi32, #tpu.memory_space<vmem>>) semaphore(%arg8 : memref<!tpu.dma_semaphore, #tpu.memory_space<semaphore_mem>>)
      %dma_wait3A = arith.constant 0 : i32
      %dma_wait3A_261 = arith.constant 0 : i32
      %dma_wait3A_262 = tpu.memref_slice %arg3[%dma_wait3A, %dma_wait3A_261] : memref<98304x128xf32, #tpu.memory_space<hbm>> -> memref<98304x128xf32, #tpu.memory_space<hbm>>
      tpu.wait_indirect_dma semaphore(%arg8 : memref<!tpu.dma_semaphore, #tpu.memory_space<semaphore_mem>>) src(%dma_wait3A_262 : memref<98304x128xf32, #tpu.memory_space<hbm>>) dst(%arg7 : memref<64x128xf32, #tpu.memory_space<vmem>>)
      "tpu.region"() ({
        %run_scoped3A = tpu.sem_alloc : memref<!tpu.dma_semaphore, #tpu.memory_space<semaphore_mem>>
        %dma_start3A_263 = arith.constant 0 : i32
        %dma_start3A_264 = arith.constant 2304 : i32
        %dma_start3A_265 = tpu.memref_slice %arg4[%dma_start3A_263, %dma_start3A_264] : memref<64x4608xf32, #tpu.memory_space<hbm>> -> memref<64x128xf32, #tpu.memory_space<hbm>>
        %dma_start3A_266 = arith.constant 0 : i32
        %dma_start3A_267 = arith.constant 2304 : i32
        %dma_start3A_268 = tpu.memref_slice %arg4[%dma_start3A_266, %dma_start3A_267] : memref<64x4608xf32, #tpu.memory_space<hbm>> -> memref<64x128xf32, #tpu.memory_space<hbm>>
        tpu.enqueue_dma source(%arg7 : memref<64x128xf32, #tpu.memory_space<vmem>>) target(%dma_start3A_268 : memref<64x128xf32, #tpu.memory_space<hbm>>) target_semaphore(%run_scoped3A : memref<!tpu.dma_semaphore, #tpu.memory_space<semaphore_mem>>)
        %dma_wait3A_269 = arith.constant 0 : i32
        %dma_wait3A_270 = arith.constant 2304 : i32
        %dma_wait3A_271 = tpu.memref_slice %arg4[%dma_wait3A_269, %dma_wait3A_270] : memref<64x4608xf32, #tpu.memory_space<hbm>> -> memref<64x128xf32, #tpu.memory_space<hbm>>
        %dma_wait3A_272 = arith.constant 0 : i32
        %dma_wait3A_273 = arith.constant 2304 : i32
        %dma_wait3A_274 = tpu.memref_slice %arg4[%dma_wait3A_272, %dma_wait3A_273] : memref<64x4608xf32, #tpu.memory_space<hbm>> -> memref<64x128xf32, #tpu.memory_space<hbm>>
        tpu.wait_dma2 semaphore(%run_scoped3A : memref<!tpu.dma_semaphore, #tpu.memory_space<semaphore_mem>>) src(%arg7 : memref<64x128xf32, #tpu.memory_space<vmem>>) dst(%dma_wait3A_274 : memref<64x128xf32, #tpu.memory_space<hbm>>)
        tpu.yield
      }) : () -> ()
    } else {
    }
    %eq3A_95 = arith.constant 19 : i32
    %eq3A_96 = arith.cmpi eq, %add3A, %eq3A_95 : i32
    %convert_element_type3A_97 = arith.extui %eq3A_96 : i1 to i32
    %cond3A_98 = arith.constant 0 : i32
    %cond3A_99 = arith.cmpi ne, %convert_element_type3A_97, %cond3A_98 : i32
    scf.if %cond3A_99 {
      %add3A_180 = arith.constant 0 : i32
      %add3A_181 = vector.broadcast %add3A_180 : i32 to vector<16xi32>
      %add3A_182 = arith.addi %iota3A, %add3A_181 : vector<16xi32>
      %mul3A_183 = arith.constant 1536 : i32
      %mul3A_184 = vector.broadcast %mul3A_183 : i32 to vector<16xi32>
      %mul3A_185 = arith.muli %add3A_182, %mul3A_184 : vector<16xi32>
      %add3A_186 = arith.constant 4 : i32
      %add3A_187 = vector.broadcast %add3A_186 : i32 to vector<16xi32>
      %add3A_188 = arith.addi %get3A_1, %add3A_187 : vector<16xi32>
      %mul3A_189 = arith.constant 24 : i32
      %mul3A_190 = vector.broadcast %mul3A_189 : i32 to vector<16xi32>
      %mul3A_191 = arith.muli %add3A_188, %mul3A_190 : vector<16xi32>
      %add3A_192 = arith.addi %mul3A_185, %mul3A_191 : vector<16xi32>
      %add3A_193 = arith.constant 17 : i32
      %add3A_194 = vector.broadcast %add3A_193 : i32 to vector<16xi32>
      %add3A_195 = arith.addi %add3A_192, %add3A_194 : vector<16xi32>
      %swap3A = arith.constant 0 : index
      %swap3A_196 = tpu.vector_load %arg6[%swap3A] {strides = array<i32>} : memref<64xi32, #tpu.memory_space<vmem>>, vector<16xi32>,
      %swap3A_197 = vector.shape_cast %swap3A_196 : vector<16xi32> to vector<16xi32>
      %swap3A_198 = vector.shape_cast %add3A_195 : vector<16xi32> to vector<16xi32>
      tpu.vector_store %arg6[%swap3A], %swap3A_198 {strides = array<i32>} : memref<64xi32, #tpu.memory_space<vmem>>, vector<16xi32>,
      %add3A_199 = arith.constant 16 : i32
      %add3A_200 = vector.broadcast %add3A_199 : i32 to vector<16xi32>
      %add3A_201 = arith.addi %iota3A, %add3A_200 : vector<16xi32>
      %mul3A_202 = arith.constant 1536 : i32
      %mul3A_203 = vector.broadcast %mul3A_202 : i32 to vector<16xi32>
      %mul3A_204 = arith.muli %add3A_201, %mul3A_203 : vector<16xi32>
      %add3A_205 = arith.constant 4 : i32
      %add3A_206 = vector.broadcast %add3A_205 : i32 to vector<16xi32>
      %add3A_207 = arith.addi %get3A_1, %add3A_206 : vector<16xi32>
      %mul3A_208 = arith.constant 24 : i32
      %mul3A_209 = vector.broadcast %mul3A_208 : i32 to vector<16xi32>
      %mul3A_210 = arith.muli %add3A_207, %mul3A_209 : vector<16xi32>
      %add3A_211 = arith.addi %mul3A_204, %mul3A_210 : vector<16xi32>
      %add3A_212 = arith.constant 17 : i32
      %add3A_213 = vector.broadcast %add3A_212 : i32 to vector<16xi32>
      %add3A_214 = arith.addi %add3A_211, %add3A_213 : vector<16xi32>
      %swap3A_215 = arith.constant 16 : index
      %swap3A_216 = tpu.vector_load %arg6[%swap3A_215] {strides = array<i32>} : memref<64xi32, #tpu.memory_space<vmem>>, vector<16xi32>,
      %swap3A_217 = vector.shape_cast %swap3A_216 : vector<16xi32> to vector<16xi32>
      %swap3A_218 = vector.shape_cast %add3A_214 : vector<16xi32> to vector<16xi32>
      tpu.vector_store %arg6[%swap3A_215], %swap3A_218 {strides = array<i32>} : memref<64xi32, #tpu.memory_space<vmem>>, vector<16xi32>,
      %add3A_219 = arith.constant 32 : i32
      %add3A_220 = vector.broadcast %add3A_219 : i32 to vector<16xi32>
      %add3A_221 = arith.addi %iota3A, %add3A_220 : vector<16xi32>
      %mul3A_222 = arith.constant 1536 : i32
      %mul3A_223 = vector.broadcast %mul3A_222 : i32 to vector<16xi32>
      %mul3A_224 = arith.muli %add3A_221, %mul3A_223 : vector<16xi32>
      %add3A_225 = arith.constant 4 : i32
      %add3A_226 = vector.broadcast %add3A_225 : i32 to vector<16xi32>
      %add3A_227 = arith.addi %get3A_1, %add3A_226 : vector<16xi32>
      %mul3A_228 = arith.constant 24 : i32
      %mul3A_229 = vector.broadcast %mul3A_228 : i32 to vector<16xi32>
      %mul3A_230 = arith.muli %add3A_227, %mul3A_229 : vector<16xi32>
      %add3A_231 = arith.addi %mul3A_224, %mul3A_230 : vector<16xi32>
      %add3A_232 = arith.constant 17 : i32
      %add3A_233 = vector.broadcast %add3A_232 : i32 to vector<16xi32>
      %add3A_234 = arith.addi %add3A_231, %add3A_233 : vector<16xi32>
      %swap3A_235 = arith.constant 32 : index
      %swap3A_236 = tpu.vector_load %arg6[%swap3A_235] {strides = array<i32>} : memref<64xi32, #tpu.memory_space<vmem>>, vector<16xi32>,
      %swap3A_237 = vector.shape_cast %swap3A_236 : vector<16xi32> to vector<16xi32>
      %swap3A_238 = vector.shape_cast %add3A_234 : vector<16xi32> to vector<16xi32>
      tpu.vector_store %arg6[%swap3A_235], %swap3A_238 {strides = array<i32>} : memref<64xi32, #tpu.memory_space<vmem>>, vector<16xi32>,
      %add3A_239 = arith.constant 48 : i32
      %add3A_240 = vector.broadcast %add3A_239 : i32 to vector<16xi32>
      %add3A_241 = arith.addi %iota3A, %add3A_240 : vector<16xi32>
      %mul3A_242 = arith.constant 1536 : i32
      %mul3A_243 = vector.broadcast %mul3A_242 : i32 to vector<16xi32>
      %mul3A_244 = arith.muli %add3A_241, %mul3A_243 : vector<16xi32>
      %add3A_245 = arith.constant 4 : i32
      %add3A_246 = vector.broadcast %add3A_245 : i32 to vector<16xi32>
      %add3A_247 = arith.addi %get3A_1, %add3A_246 : vector<16xi32>
      %mul3A_248 = arith.constant 24 : i32
      %mul3A_249 = vector.broadcast %mul3A_248 : i32 to vector<16xi32>
      %mul3A_250 = arith.muli %add3A_247, %mul3A_249 : vector<16xi32>
      %add3A_251 = arith.addi %mul3A_244, %mul3A_250 : vector<16xi32>
      %add3A_252 = arith.constant 17 : i32
      %add3A_253 = vector.broadcast %add3A_252 : i32 to vector<16xi32>
      %add3A_254 = arith.addi %add3A_251, %add3A_253 : vector<16xi32>
      %swap3A_255 = arith.constant 48 : index
      %swap3A_256 = tpu.vector_load %arg6[%swap3A_255] {strides = array<i32>} : memref<64xi32, #tpu.memory_space<vmem>>, vector<16xi32>,
      %swap3A_257 = vector.shape_cast %swap3A_256 : vector<16xi32> to vector<16xi32>
      %swap3A_258 = vector.shape_cast %add3A_254 : vector<16xi32> to vector<16xi32>
      tpu.vector_store %arg6[%swap3A_255], %swap3A_258 {strides = array<i32>} : memref<64xi32, #tpu.memory_space<vmem>>, vector<16xi32>,
      %dma_start3A = arith.constant 0 : i32
      %dma_start3A_259 = arith.constant 0 : i32
      %dma_start3A_260 = tpu.memref_slice %arg3[%dma_start3A, %dma_start3A_259] : memref<98304x128xf32, #tpu.memory_space<hbm>> -> memref<98304x128xf32, #tpu.memory_space<hbm>>
      tpu.enqueue_indirect_dma source(%dma_start3A_260 : memref<98304x128xf32, #tpu.memory_space<hbm>>) target(%arg7 : memref<64x128xf32, #tpu.memory_space<vmem>>) offsets(%arg6 : memref<64xi32, #tpu.memory_space<vmem>>) semaphore(%arg8 : memref<!tpu.dma_semaphore, #tpu.memory_space<semaphore_mem>>)
      %dma_wait3A = arith.constant 0 : i32
      %dma_wait3A_261 = arith.constant 0 : i32
      %dma_wait3A_262 = tpu.memref_slice %arg3[%dma_wait3A, %dma_wait3A_261] : memref<98304x128xf32, #tpu.memory_space<hbm>> -> memref<98304x128xf32, #tpu.memory_space<hbm>>
      tpu.wait_indirect_dma semaphore(%arg8 : memref<!tpu.dma_semaphore, #tpu.memory_space<semaphore_mem>>) src(%dma_wait3A_262 : memref<98304x128xf32, #tpu.memory_space<hbm>>) dst(%arg7 : memref<64x128xf32, #tpu.memory_space<vmem>>)
      "tpu.region"() ({
        %run_scoped3A = tpu.sem_alloc : memref<!tpu.dma_semaphore, #tpu.memory_space<semaphore_mem>>
        %dma_start3A_263 = arith.constant 0 : i32
        %dma_start3A_264 = arith.constant 2432 : i32
        %dma_start3A_265 = tpu.memref_slice %arg4[%dma_start3A_263, %dma_start3A_264] : memref<64x4608xf32, #tpu.memory_space<hbm>> -> memref<64x128xf32, #tpu.memory_space<hbm>>
        %dma_start3A_266 = arith.constant 0 : i32
        %dma_start3A_267 = arith.constant 2432 : i32
        %dma_start3A_268 = tpu.memref_slice %arg4[%dma_start3A_266, %dma_start3A_267] : memref<64x4608xf32, #tpu.memory_space<hbm>> -> memref<64x128xf32, #tpu.memory_space<hbm>>
        tpu.enqueue_dma source(%arg7 : memref<64x128xf32, #tpu.memory_space<vmem>>) target(%dma_start3A_268 : memref<64x128xf32, #tpu.memory_space<hbm>>) target_semaphore(%run_scoped3A : memref<!tpu.dma_semaphore, #tpu.memory_space<semaphore_mem>>)
        %dma_wait3A_269 = arith.constant 0 : i32
        %dma_wait3A_270 = arith.constant 2432 : i32
        %dma_wait3A_271 = tpu.memref_slice %arg4[%dma_wait3A_269, %dma_wait3A_270] : memref<64x4608xf32, #tpu.memory_space<hbm>> -> memref<64x128xf32, #tpu.memory_space<hbm>>
        %dma_wait3A_272 = arith.constant 0 : i32
        %dma_wait3A_273 = arith.constant 2432 : i32
        %dma_wait3A_274 = tpu.memref_slice %arg4[%dma_wait3A_272, %dma_wait3A_273] : memref<64x4608xf32, #tpu.memory_space<hbm>> -> memref<64x128xf32, #tpu.memory_space<hbm>>
        tpu.wait_dma2 semaphore(%run_scoped3A : memref<!tpu.dma_semaphore, #tpu.memory_space<semaphore_mem>>) src(%arg7 : memref<64x128xf32, #tpu.memory_space<vmem>>) dst(%dma_wait3A_274 : memref<64x128xf32, #tpu.memory_space<hbm>>)
        tpu.yield
      }) : () -> ()
    } else {
    }
    %eq3A_100 = arith.constant 20 : i32
    %eq3A_101 = arith.cmpi eq, %add3A, %eq3A_100 : i32
    %convert_element_type3A_102 = arith.extui %eq3A_101 : i1 to i32
    %cond3A_103 = arith.constant 0 : i32
    %cond3A_104 = arith.cmpi ne, %convert_element_type3A_102, %cond3A_103 : i32
    scf.if %cond3A_104 {
      %add3A_180 = arith.constant 0 : i32
      %add3A_181 = vector.broadcast %add3A_180 : i32 to vector<16xi32>
      %add3A_182 = arith.addi %iota3A, %add3A_181 : vector<16xi32>
      %mul3A_183 = arith.constant 1536 : i32
      %mul3A_184 = vector.broadcast %mul3A_183 : i32 to vector<16xi32>
      %mul3A_185 = arith.muli %add3A_182, %mul3A_184 : vector<16xi32>
      %add3A_186 = arith.constant 5 : i32
      %add3A_187 = vector.broadcast %add3A_186 : i32 to vector<16xi32>
      %add3A_188 = arith.addi %get3A_1, %add3A_187 : vector<16xi32>
      %mul3A_189 = arith.constant 24 : i32
      %mul3A_190 = vector.broadcast %mul3A_189 : i32 to vector<16xi32>
      %mul3A_191 = arith.muli %add3A_188, %mul3A_190 : vector<16xi32>
      %add3A_192 = arith.addi %mul3A_185, %mul3A_191 : vector<16xi32>
      %add3A_193 = arith.constant 0 : i32
      %add3A_194 = vector.broadcast %add3A_193 : i32 to vector<16xi32>
      %add3A_195 = arith.addi %add3A_192, %add3A_194 : vector<16xi32>
      %swap3A = arith.constant 0 : index
      %swap3A_196 = tpu.vector_load %arg6[%swap3A] {strides = array<i32>} : memref<64xi32, #tpu.memory_space<vmem>>, vector<16xi32>,
      %swap3A_197 = vector.shape_cast %swap3A_196 : vector<16xi32> to vector<16xi32>
      %swap3A_198 = vector.shape_cast %add3A_195 : vector<16xi32> to vector<16xi32>
      tpu.vector_store %arg6[%swap3A], %swap3A_198 {strides = array<i32>} : memref<64xi32, #tpu.memory_space<vmem>>, vector<16xi32>,
      %add3A_199 = arith.constant 16 : i32
      %add3A_200 = vector.broadcast %add3A_199 : i32 to vector<16xi32>
      %add3A_201 = arith.addi %iota3A, %add3A_200 : vector<16xi32>
      %mul3A_202 = arith.constant 1536 : i32
      %mul3A_203 = vector.broadcast %mul3A_202 : i32 to vector<16xi32>
      %mul3A_204 = arith.muli %add3A_201, %mul3A_203 : vector<16xi32>
      %add3A_205 = arith.constant 5 : i32
      %add3A_206 = vector.broadcast %add3A_205 : i32 to vector<16xi32>
      %add3A_207 = arith.addi %get3A_1, %add3A_206 : vector<16xi32>
      %mul3A_208 = arith.constant 24 : i32
      %mul3A_209 = vector.broadcast %mul3A_208 : i32 to vector<16xi32>
      %mul3A_210 = arith.muli %add3A_207, %mul3A_209 : vector<16xi32>
      %add3A_211 = arith.addi %mul3A_204, %mul3A_210 : vector<16xi32>
      %add3A_212 = arith.constant 0 : i32
      %add3A_213 = vector.broadcast %add3A_212 : i32 to vector<16xi32>
      %add3A_214 = arith.addi %add3A_211, %add3A_213 : vector<16xi32>
      %swap3A_215 = arith.constant 16 : index
      %swap3A_216 = tpu.vector_load %arg6[%swap3A_215] {strides = array<i32>} : memref<64xi32, #tpu.memory_space<vmem>>, vector<16xi32>,
      %swap3A_217 = vector.shape_cast %swap3A_216 : vector<16xi32> to vector<16xi32>
      %swap3A_218 = vector.shape_cast %add3A_214 : vector<16xi32> to vector<16xi32>
      tpu.vector_store %arg6[%swap3A_215], %swap3A_218 {strides = array<i32>} : memref<64xi32, #tpu.memory_space<vmem>>, vector<16xi32>,
      %add3A_219 = arith.constant 32 : i32
      %add3A_220 = vector.broadcast %add3A_219 : i32 to vector<16xi32>
      %add3A_221 = arith.addi %iota3A, %add3A_220 : vector<16xi32>
      %mul3A_222 = arith.constant 1536 : i32
      %mul3A_223 = vector.broadcast %mul3A_222 : i32 to vector<16xi32>
      %mul3A_224 = arith.muli %add3A_221, %mul3A_223 : vector<16xi32>
      %add3A_225 = arith.constant 5 : i32
      %add3A_226 = vector.broadcast %add3A_225 : i32 to vector<16xi32>
      %add3A_227 = arith.addi %get3A_1, %add3A_226 : vector<16xi32>
      %mul3A_228 = arith.constant 24 : i32
      %mul3A_229 = vector.broadcast %mul3A_228 : i32 to vector<16xi32>
      %mul3A_230 = arith.muli %add3A_227, %mul3A_229 : vector<16xi32>
      %add3A_231 = arith.addi %mul3A_224, %mul3A_230 : vector<16xi32>
      %add3A_232 = arith.constant 0 : i32
      %add3A_233 = vector.broadcast %add3A_232 : i32 to vector<16xi32>
      %add3A_234 = arith.addi %add3A_231, %add3A_233 : vector<16xi32>
      %swap3A_235 = arith.constant 32 : index
      %swap3A_236 = tpu.vector_load %arg6[%swap3A_235] {strides = array<i32>} : memref<64xi32, #tpu.memory_space<vmem>>, vector<16xi32>,
      %swap3A_237 = vector.shape_cast %swap3A_236 : vector<16xi32> to vector<16xi32>
      %swap3A_238 = vector.shape_cast %add3A_234 : vector<16xi32> to vector<16xi32>
      tpu.vector_store %arg6[%swap3A_235], %swap3A_238 {strides = array<i32>} : memref<64xi32, #tpu.memory_space<vmem>>, vector<16xi32>,
      %add3A_239 = arith.constant 48 : i32
      %add3A_240 = vector.broadcast %add3A_239 : i32 to vector<16xi32>
      %add3A_241 = arith.addi %iota3A, %add3A_240 : vector<16xi32>
      %mul3A_242 = arith.constant 1536 : i32
      %mul3A_243 = vector.broadcast %mul3A_242 : i32 to vector<16xi32>
      %mul3A_244 = arith.muli %add3A_241, %mul3A_243 : vector<16xi32>
      %add3A_245 = arith.constant 5 : i32
      %add3A_246 = vector.broadcast %add3A_245 : i32 to vector<16xi32>
      %add3A_247 = arith.addi %get3A_1, %add3A_246 : vector<16xi32>
      %mul3A_248 = arith.constant 24 : i32
      %mul3A_249 = vector.broadcast %mul3A_248 : i32 to vector<16xi32>
      %mul3A_250 = arith.muli %add3A_247, %mul3A_249 : vector<16xi32>
      %add3A_251 = arith.addi %mul3A_244, %mul3A_250 : vector<16xi32>
      %add3A_252 = arith.constant 0 : i32
      %add3A_253 = vector.broadcast %add3A_252 : i32 to vector<16xi32>
      %add3A_254 = arith.addi %add3A_251, %add3A_253 : vector<16xi32>
      %swap3A_255 = arith.constant 48 : index
      %swap3A_256 = tpu.vector_load %arg6[%swap3A_255] {strides = array<i32>} : memref<64xi32, #tpu.memory_space<vmem>>, vector<16xi32>,
      %swap3A_257 = vector.shape_cast %swap3A_256 : vector<16xi32> to vector<16xi32>
      %swap3A_258 = vector.shape_cast %add3A_254 : vector<16xi32> to vector<16xi32>
      tpu.vector_store %arg6[%swap3A_255], %swap3A_258 {strides = array<i32>} : memref<64xi32, #tpu.memory_space<vmem>>, vector<16xi32>,
      %dma_start3A = arith.constant 0 : i32
      %dma_start3A_259 = arith.constant 0 : i32
      %dma_start3A_260 = tpu.memref_slice %arg3[%dma_start3A, %dma_start3A_259] : memref<98304x128xf32, #tpu.memory_space<hbm>> -> memref<98304x128xf32, #tpu.memory_space<hbm>>
      tpu.enqueue_indirect_dma source(%dma_start3A_260 : memref<98304x128xf32, #tpu.memory_space<hbm>>) target(%arg7 : memref<64x128xf32, #tpu.memory_space<vmem>>) offsets(%arg6 : memref<64xi32, #tpu.memory_space<vmem>>) semaphore(%arg8 : memref<!tpu.dma_semaphore, #tpu.memory_space<semaphore_mem>>)
      %dma_wait3A = arith.constant 0 : i32
      %dma_wait3A_261 = arith.constant 0 : i32
      %dma_wait3A_262 = tpu.memref_slice %arg3[%dma_wait3A, %dma_wait3A_261] : memref<98304x128xf32, #tpu.memory_space<hbm>> -> memref<98304x128xf32, #tpu.memory_space<hbm>>
      tpu.wait_indirect_dma semaphore(%arg8 : memref<!tpu.dma_semaphore, #tpu.memory_space<semaphore_mem>>) src(%dma_wait3A_262 : memref<98304x128xf32, #tpu.memory_space<hbm>>) dst(%arg7 : memref<64x128xf32, #tpu.memory_space<vmem>>)
      "tpu.region"() ({
        %run_scoped3A = tpu.sem_alloc : memref<!tpu.dma_semaphore, #tpu.memory_space<semaphore_mem>>
        %dma_start3A_263 = arith.constant 0 : i32
        %dma_start3A_264 = arith.constant 2560 : i32
        %dma_start3A_265 = tpu.memref_slice %arg4[%dma_start3A_263, %dma_start3A_264] : memref<64x4608xf32, #tpu.memory_space<hbm>> -> memref<64x128xf32, #tpu.memory_space<hbm>>
        %dma_start3A_266 = arith.constant 0 : i32
        %dma_start3A_267 = arith.constant 2560 : i32
        %dma_start3A_268 = tpu.memref_slice %arg4[%dma_start3A_266, %dma_start3A_267] : memref<64x4608xf32, #tpu.memory_space<hbm>> -> memref<64x128xf32, #tpu.memory_space<hbm>>
        tpu.enqueue_dma source(%arg7 : memref<64x128xf32, #tpu.memory_space<vmem>>) target(%dma_start3A_268 : memref<64x128xf32, #tpu.memory_space<hbm>>) target_semaphore(%run_scoped3A : memref<!tpu.dma_semaphore, #tpu.memory_space<semaphore_mem>>)
        %dma_wait3A_269 = arith.constant 0 : i32
        %dma_wait3A_270 = arith.constant 2560 : i32
        %dma_wait3A_271 = tpu.memref_slice %arg4[%dma_wait3A_269, %dma_wait3A_270] : memref<64x4608xf32, #tpu.memory_space<hbm>> -> memref<64x128xf32, #tpu.memory_space<hbm>>
        %dma_wait3A_272 = arith.constant 0 : i32
        %dma_wait3A_273 = arith.constant 2560 : i32
        %dma_wait3A_274 = tpu.memref_slice %arg4[%dma_wait3A_272, %dma_wait3A_273] : memref<64x4608xf32, #tpu.memory_space<hbm>> -> memref<64x128xf32, #tpu.memory_space<hbm>>
        tpu.wait_dma2 semaphore(%run_scoped3A : memref<!tpu.dma_semaphore, #tpu.memory_space<semaphore_mem>>) src(%arg7 : memref<64x128xf32, #tpu.memory_space<vmem>>) dst(%dma_wait3A_274 : memref<64x128xf32, #tpu.memory_space<hbm>>)
        tpu.yield
      }) : () -> ()
    } else {
    }
    %eq3A_105 = arith.constant 21 : i32
    %eq3A_106 = arith.cmpi eq, %add3A, %eq3A_105 : i32
    %convert_element_type3A_107 = arith.extui %eq3A_106 : i1 to i32
    %cond3A_108 = arith.constant 0 : i32
    %cond3A_109 = arith.cmpi ne, %convert_element_type3A_107, %cond3A_108 : i32
    scf.if %cond3A_109 {
      %add3A_180 = arith.constant 0 : i32
      %add3A_181 = vector.broadcast %add3A_180 : i32 to vector<16xi32>
      %add3A_182 = arith.addi %iota3A, %add3A_181 : vector<16xi32>
      %mul3A_183 = arith.constant 1536 : i32
      %mul3A_184 = vector.broadcast %mul3A_183 : i32 to vector<16xi32>
      %mul3A_185 = arith.muli %add3A_182, %mul3A_184 : vector<16xi32>
      %add3A_186 = arith.constant 5 : i32
      %add3A_187 = vector.broadcast %add3A_186 : i32 to vector<16xi32>
      %add3A_188 = arith.addi %get3A_1, %add3A_187 : vector<16xi32>
      %mul3A_189 = arith.constant 24 : i32
      %mul3A_190 = vector.broadcast %mul3A_189 : i32 to vector<16xi32>
      %mul3A_191 = arith.muli %add3A_188, %mul3A_190 : vector<16xi32>
      %add3A_192 = arith.addi %mul3A_185, %mul3A_191 : vector<16xi32>
      %add3A_193 = arith.constant 5 : i32
      %add3A_194 = vector.broadcast %add3A_193 : i32 to vector<16xi32>
      %add3A_195 = arith.addi %add3A_192, %add3A_194 : vector<16xi32>
      %swap3A = arith.constant 0 : index
      %swap3A_196 = tpu.vector_load %arg6[%swap3A] {strides = array<i32>} : memref<64xi32, #tpu.memory_space<vmem>>, vector<16xi32>,
      %swap3A_197 = vector.shape_cast %swap3A_196 : vector<16xi32> to vector<16xi32>
      %swap3A_198 = vector.shape_cast %add3A_195 : vector<16xi32> to vector<16xi32>
      tpu.vector_store %arg6[%swap3A], %swap3A_198 {strides = array<i32>} : memref<64xi32, #tpu.memory_space<vmem>>, vector<16xi32>,
      %add3A_199 = arith.constant 16 : i32
      %add3A_200 = vector.broadcast %add3A_199 : i32 to vector<16xi32>
      %add3A_201 = arith.addi %iota3A, %add3A_200 : vector<16xi32>
      %mul3A_202 = arith.constant 1536 : i32
      %mul3A_203 = vector.broadcast %mul3A_202 : i32 to vector<16xi32>
      %mul3A_204 = arith.muli %add3A_201, %mul3A_203 : vector<16xi32>
      %add3A_205 = arith.constant 5 : i32
      %add3A_206 = vector.broadcast %add3A_205 : i32 to vector<16xi32>
      %add3A_207 = arith.addi %get3A_1, %add3A_206 : vector<16xi32>
      %mul3A_208 = arith.constant 24 : i32
      %mul3A_209 = vector.broadcast %mul3A_208 : i32 to vector<16xi32>
      %mul3A_210 = arith.muli %add3A_207, %mul3A_209 : vector<16xi32>
      %add3A_211 = arith.addi %mul3A_204, %mul3A_210 : vector<16xi32>
      %add3A_212 = arith.constant 5 : i32
      %add3A_213 = vector.broadcast %add3A_212 : i32 to vector<16xi32>
      %add3A_214 = arith.addi %add3A_211, %add3A_213 : vector<16xi32>
      %swap3A_215 = arith.constant 16 : index
      %swap3A_216 = tpu.vector_load %arg6[%swap3A_215] {strides = array<i32>} : memref<64xi32, #tpu.memory_space<vmem>>, vector<16xi32>,
      %swap3A_217 = vector.shape_cast %swap3A_216 : vector<16xi32> to vector<16xi32>
      %swap3A_218 = vector.shape_cast %add3A_214 : vector<16xi32> to vector<16xi32>
      tpu.vector_store %arg6[%swap3A_215], %swap3A_218 {strides = array<i32>} : memref<64xi32, #tpu.memory_space<vmem>>, vector<16xi32>,
      %add3A_219 = arith.constant 32 : i32
      %add3A_220 = vector.broadcast %add3A_219 : i32 to vector<16xi32>
      %add3A_221 = arith.addi %iota3A, %add3A_220 : vector<16xi32>
      %mul3A_222 = arith.constant 1536 : i32
      %mul3A_223 = vector.broadcast %mul3A_222 : i32 to vector<16xi32>
      %mul3A_224 = arith.muli %add3A_221, %mul3A_223 : vector<16xi32>
      %add3A_225 = arith.constant 5 : i32
      %add3A_226 = vector.broadcast %add3A_225 : i32 to vector<16xi32>
      %add3A_227 = arith.addi %get3A_1, %add3A_226 : vector<16xi32>
      %mul3A_228 = arith.constant 24 : i32
      %mul3A_229 = vector.broadcast %mul3A_228 : i32 to vector<16xi32>
      %mul3A_230 = arith.muli %add3A_227, %mul3A_229 : vector<16xi32>
      %add3A_231 = arith.addi %mul3A_224, %mul3A_230 : vector<16xi32>
      %add3A_232 = arith.constant 5 : i32
      %add3A_233 = vector.broadcast %add3A_232 : i32 to vector<16xi32>
      %add3A_234 = arith.addi %add3A_231, %add3A_233 : vector<16xi32>
      %swap3A_235 = arith.constant 32 : index
      %swap3A_236 = tpu.vector_load %arg6[%swap3A_235] {strides = array<i32>} : memref<64xi32, #tpu.memory_space<vmem>>, vector<16xi32>,
      %swap3A_237 = vector.shape_cast %swap3A_236 : vector<16xi32> to vector<16xi32>
      %swap3A_238 = vector.shape_cast %add3A_234 : vector<16xi32> to vector<16xi32>
      tpu.vector_store %arg6[%swap3A_235], %swap3A_238 {strides = array<i32>} : memref<64xi32, #tpu.memory_space<vmem>>, vector<16xi32>,
      %add3A_239 = arith.constant 48 : i32
      %add3A_240 = vector.broadcast %add3A_239 : i32 to vector<16xi32>
      %add3A_241 = arith.addi %iota3A, %add3A_240 : vector<16xi32>
      %mul3A_242 = arith.constant 1536 : i32
      %mul3A_243 = vector.broadcast %mul3A_242 : i32 to vector<16xi32>
      %mul3A_244 = arith.muli %add3A_241, %mul3A_243 : vector<16xi32>
      %add3A_245 = arith.constant 5 : i32
      %add3A_246 = vector.broadcast %add3A_245 : i32 to vector<16xi32>
      %add3A_247 = arith.addi %get3A_1, %add3A_246 : vector<16xi32>
      %mul3A_248 = arith.constant 24 : i32
      %mul3A_249 = vector.broadcast %mul3A_248 : i32 to vector<16xi32>
      %mul3A_250 = arith.muli %add3A_247, %mul3A_249 : vector<16xi32>
      %add3A_251 = arith.addi %mul3A_244, %mul3A_250 : vector<16xi32>
      %add3A_252 = arith.constant 5 : i32
      %add3A_253 = vector.broadcast %add3A_252 : i32 to vector<16xi32>
      %add3A_254 = arith.addi %add3A_251, %add3A_253 : vector<16xi32>
      %swap3A_255 = arith.constant 48 : index
      %swap3A_256 = tpu.vector_load %arg6[%swap3A_255] {strides = array<i32>} : memref<64xi32, #tpu.memory_space<vmem>>, vector<16xi32>,
      %swap3A_257 = vector.shape_cast %swap3A_256 : vector<16xi32> to vector<16xi32>
      %swap3A_258 = vector.shape_cast %add3A_254 : vector<16xi32> to vector<16xi32>
      tpu.vector_store %arg6[%swap3A_255], %swap3A_258 {strides = array<i32>} : memref<64xi32, #tpu.memory_space<vmem>>, vector<16xi32>,
      %dma_start3A = arith.constant 0 : i32
      %dma_start3A_259 = arith.constant 0 : i32
      %dma_start3A_260 = tpu.memref_slice %arg3[%dma_start3A, %dma_start3A_259] : memref<98304x128xf32, #tpu.memory_space<hbm>> -> memref<98304x128xf32, #tpu.memory_space<hbm>>
      tpu.enqueue_indirect_dma source(%dma_start3A_260 : memref<98304x128xf32, #tpu.memory_space<hbm>>) target(%arg7 : memref<64x128xf32, #tpu.memory_space<vmem>>) offsets(%arg6 : memref<64xi32, #tpu.memory_space<vmem>>) semaphore(%arg8 : memref<!tpu.dma_semaphore, #tpu.memory_space<semaphore_mem>>)
      %dma_wait3A = arith.constant 0 : i32
      %dma_wait3A_261 = arith.constant 0 : i32
      %dma_wait3A_262 = tpu.memref_slice %arg3[%dma_wait3A, %dma_wait3A_261] : memref<98304x128xf32, #tpu.memory_space<hbm>> -> memref<98304x128xf32, #tpu.memory_space<hbm>>
      tpu.wait_indirect_dma semaphore(%arg8 : memref<!tpu.dma_semaphore, #tpu.memory_space<semaphore_mem>>) src(%dma_wait3A_262 : memref<98304x128xf32, #tpu.memory_space<hbm>>) dst(%arg7 : memref<64x128xf32, #tpu.memory_space<vmem>>)
      "tpu.region"() ({
        %run_scoped3A = tpu.sem_alloc : memref<!tpu.dma_semaphore, #tpu.memory_space<semaphore_mem>>
        %dma_start3A_263 = arith.constant 0 : i32
        %dma_start3A_264 = arith.constant 2688 : i32
        %dma_start3A_265 = tpu.memref_slice %arg4[%dma_start3A_263, %dma_start3A_264] : memref<64x4608xf32, #tpu.memory_space<hbm>> -> memref<64x128xf32, #tpu.memory_space<hbm>>
        %dma_start3A_266 = arith.constant 0 : i32
        %dma_start3A_267 = arith.constant 2688 : i32
        %dma_start3A_268 = tpu.memref_slice %arg4[%dma_start3A_266, %dma_start3A_267] : memref<64x4608xf32, #tpu.memory_space<hbm>> -> memref<64x128xf32, #tpu.memory_space<hbm>>
        tpu.enqueue_dma source(%arg7 : memref<64x128xf32, #tpu.memory_space<vmem>>) target(%dma_start3A_268 : memref<64x128xf32, #tpu.memory_space<hbm>>) target_semaphore(%run_scoped3A : memref<!tpu.dma_semaphore, #tpu.memory_space<semaphore_mem>>)
        %dma_wait3A_269 = arith.constant 0 : i32
        %dma_wait3A_270 = arith.constant 2688 : i32
        %dma_wait3A_271 = tpu.memref_slice %arg4[%dma_wait3A_269, %dma_wait3A_270] : memref<64x4608xf32, #tpu.memory_space<hbm>> -> memref<64x128xf32, #tpu.memory_space<hbm>>
        %dma_wait3A_272 = arith.constant 0 : i32
        %dma_wait3A_273 = arith.constant 2688 : i32
        %dma_wait3A_274 = tpu.memref_slice %arg4[%dma_wait3A_272, %dma_wait3A_273] : memref<64x4608xf32, #tpu.memory_space<hbm>> -> memref<64x128xf32, #tpu.memory_space<hbm>>
        tpu.wait_dma2 semaphore(%run_scoped3A : memref<!tpu.dma_semaphore, #tpu.memory_space<semaphore_mem>>) src(%arg7 : memref<64x128xf32, #tpu.memory_space<vmem>>) dst(%dma_wait3A_274 : memref<64x128xf32, #tpu.memory_space<hbm>>)
        tpu.yield
      }) : () -> ()
    } else {
    }
    %eq3A_110 = arith.constant 22 : i32
    %eq3A_111 = arith.cmpi eq, %add3A, %eq3A_110 : i32
    %convert_element_type3A_112 = arith.extui %eq3A_111 : i1 to i32
    %cond3A_113 = arith.constant 0 : i32
    %cond3A_114 = arith.cmpi ne, %convert_element_type3A_112, %cond3A_113 : i32
    scf.if %cond3A_114 {
      %add3A_180 = arith.constant 0 : i32
      %add3A_181 = vector.broadcast %add3A_180 : i32 to vector<16xi32>
      %add3A_182 = arith.addi %iota3A, %add3A_181 : vector<16xi32>
      %mul3A_183 = arith.constant 1536 : i32
      %mul3A_184 = vector.broadcast %mul3A_183 : i32 to vector<16xi32>
      %mul3A_185 = arith.muli %add3A_182, %mul3A_184 : vector<16xi32>
      %add3A_186 = arith.constant 5 : i32
      %add3A_187 = vector.broadcast %add3A_186 : i32 to vector<16xi32>
      %add3A_188 = arith.addi %get3A_1, %add3A_187 : vector<16xi32>
      %mul3A_189 = arith.constant 24 : i32
      %mul3A_190 = vector.broadcast %mul3A_189 : i32 to vector<16xi32>
      %mul3A_191 = arith.muli %add3A_188, %mul3A_190 : vector<16xi32>
      %add3A_192 = arith.addi %mul3A_185, %mul3A_191 : vector<16xi32>
      %add3A_193 = arith.constant 11 : i32
      %add3A_194 = vector.broadcast %add3A_193 : i32 to vector<16xi32>
      %add3A_195 = arith.addi %add3A_192, %add3A_194 : vector<16xi32>
      %swap3A = arith.constant 0 : index
      %swap3A_196 = tpu.vector_load %arg6[%swap3A] {strides = array<i32>} : memref<64xi32, #tpu.memory_space<vmem>>, vector<16xi32>,
      %swap3A_197 = vector.shape_cast %swap3A_196 : vector<16xi32> to vector<16xi32>
      %swap3A_198 = vector.shape_cast %add3A_195 : vector<16xi32> to vector<16xi32>
      tpu.vector_store %arg6[%swap3A], %swap3A_198 {strides = array<i32>} : memref<64xi32, #tpu.memory_space<vmem>>, vector<16xi32>,
      %add3A_199 = arith.constant 16 : i32
      %add3A_200 = vector.broadcast %add3A_199 : i32 to vector<16xi32>
      %add3A_201 = arith.addi %iota3A, %add3A_200 : vector<16xi32>
      %mul3A_202 = arith.constant 1536 : i32
      %mul3A_203 = vector.broadcast %mul3A_202 : i32 to vector<16xi32>
      %mul3A_204 = arith.muli %add3A_201, %mul3A_203 : vector<16xi32>
      %add3A_205 = arith.constant 5 : i32
      %add3A_206 = vector.broadcast %add3A_205 : i32 to vector<16xi32>
      %add3A_207 = arith.addi %get3A_1, %add3A_206 : vector<16xi32>
      %mul3A_208 = arith.constant 24 : i32
      %mul3A_209 = vector.broadcast %mul3A_208 : i32 to vector<16xi32>
      %mul3A_210 = arith.muli %add3A_207, %mul3A_209 : vector<16xi32>
      %add3A_211 = arith.addi %mul3A_204, %mul3A_210 : vector<16xi32>
      %add3A_212 = arith.constant 11 : i32
      %add3A_213 = vector.broadcast %add3A_212 : i32 to vector<16xi32>
      %add3A_214 = arith.addi %add3A_211, %add3A_213 : vector<16xi32>
      %swap3A_215 = arith.constant 16 : index
      %swap3A_216 = tpu.vector_load %arg6[%swap3A_215] {strides = array<i32>} : memref<64xi32, #tpu.memory_space<vmem>>, vector<16xi32>,
      %swap3A_217 = vector.shape_cast %swap3A_216 : vector<16xi32> to vector<16xi32>
      %swap3A_218 = vector.shape_cast %add3A_214 : vector<16xi32> to vector<16xi32>
      tpu.vector_store %arg6[%swap3A_215], %swap3A_218 {strides = array<i32>} : memref<64xi32, #tpu.memory_space<vmem>>, vector<16xi32>,
      %add3A_219 = arith.constant 32 : i32
      %add3A_220 = vector.broadcast %add3A_219 : i32 to vector<16xi32>
      %add3A_221 = arith.addi %iota3A, %add3A_220 : vector<16xi32>
      %mul3A_222 = arith.constant 1536 : i32
      %mul3A_223 = vector.broadcast %mul3A_222 : i32 to vector<16xi32>
      %mul3A_224 = arith.muli %add3A_221, %mul3A_223 : vector<16xi32>
      %add3A_225 = arith.constant 5 : i32
      %add3A_226 = vector.broadcast %add3A_225 : i32 to vector<16xi32>
      %add3A_227 = arith.addi %get3A_1, %add3A_226 : vector<16xi32>
      %mul3A_228 = arith.constant 24 : i32
      %mul3A_229 = vector.broadcast %mul3A_228 : i32 to vector<16xi32>
      %mul3A_230 = arith.muli %add3A_227, %mul3A_229 : vector<16xi32>
      %add3A_231 = arith.addi %mul3A_224, %mul3A_230 : vector<16xi32>
      %add3A_232 = arith.constant 11 : i32
      %add3A_233 = vector.broadcast %add3A_232 : i32 to vector<16xi32>
      %add3A_234 = arith.addi %add3A_231, %add3A_233 : vector<16xi32>
      %swap3A_235 = arith.constant 32 : index
      %swap3A_236 = tpu.vector_load %arg6[%swap3A_235] {strides = array<i32>} : memref<64xi32, #tpu.memory_space<vmem>>, vector<16xi32>,
      %swap3A_237 = vector.shape_cast %swap3A_236 : vector<16xi32> to vector<16xi32>
      %swap3A_238 = vector.shape_cast %add3A_234 : vector<16xi32> to vector<16xi32>
      tpu.vector_store %arg6[%swap3A_235], %swap3A_238 {strides = array<i32>} : memref<64xi32, #tpu.memory_space<vmem>>, vector<16xi32>,
      %add3A_239 = arith.constant 48 : i32
      %add3A_240 = vector.broadcast %add3A_239 : i32 to vector<16xi32>
      %add3A_241 = arith.addi %iota3A, %add3A_240 : vector<16xi32>
      %mul3A_242 = arith.constant 1536 : i32
      %mul3A_243 = vector.broadcast %mul3A_242 : i32 to vector<16xi32>
      %mul3A_244 = arith.muli %add3A_241, %mul3A_243 : vector<16xi32>
      %add3A_245 = arith.constant 5 : i32
      %add3A_246 = vector.broadcast %add3A_245 : i32 to vector<16xi32>
      %add3A_247 = arith.addi %get3A_1, %add3A_246 : vector<16xi32>
      %mul3A_248 = arith.constant 24 : i32
      %mul3A_249 = vector.broadcast %mul3A_248 : i32 to vector<16xi32>
      %mul3A_250 = arith.muli %add3A_247, %mul3A_249 : vector<16xi32>
      %add3A_251 = arith.addi %mul3A_244, %mul3A_250 : vector<16xi32>
      %add3A_252 = arith.constant 11 : i32
      %add3A_253 = vector.broadcast %add3A_252 : i32 to vector<16xi32>
      %add3A_254 = arith.addi %add3A_251, %add3A_253 : vector<16xi32>
      %swap3A_255 = arith.constant 48 : index
      %swap3A_256 = tpu.vector_load %arg6[%swap3A_255] {strides = array<i32>} : memref<64xi32, #tpu.memory_space<vmem>>, vector<16xi32>,
      %swap3A_257 = vector.shape_cast %swap3A_256 : vector<16xi32> to vector<16xi32>
      %swap3A_258 = vector.shape_cast %add3A_254 : vector<16xi32> to vector<16xi32>
      tpu.vector_store %arg6[%swap3A_255], %swap3A_258 {strides = array<i32>} : memref<64xi32, #tpu.memory_space<vmem>>, vector<16xi32>,
      %dma_start3A = arith.constant 0 : i32
      %dma_start3A_259 = arith.constant 0 : i32
      %dma_start3A_260 = tpu.memref_slice %arg3[%dma_start3A, %dma_start3A_259] : memref<98304x128xf32, #tpu.memory_space<hbm>> -> memref<98304x128xf32, #tpu.memory_space<hbm>>
      tpu.enqueue_indirect_dma source(%dma_start3A_260 : memref<98304x128xf32, #tpu.memory_space<hbm>>) target(%arg7 : memref<64x128xf32, #tpu.memory_space<vmem>>) offsets(%arg6 : memref<64xi32, #tpu.memory_space<vmem>>) semaphore(%arg8 : memref<!tpu.dma_semaphore, #tpu.memory_space<semaphore_mem>>)
      %dma_wait3A = arith.constant 0 : i32
      %dma_wait3A_261 = arith.constant 0 : i32
      %dma_wait3A_262 = tpu.memref_slice %arg3[%dma_wait3A, %dma_wait3A_261] : memref<98304x128xf32, #tpu.memory_space<hbm>> -> memref<98304x128xf32, #tpu.memory_space<hbm>>
      tpu.wait_indirect_dma semaphore(%arg8 : memref<!tpu.dma_semaphore, #tpu.memory_space<semaphore_mem>>) src(%dma_wait3A_262 : memref<98304x128xf32, #tpu.memory_space<hbm>>) dst(%arg7 : memref<64x128xf32, #tpu.memory_space<vmem>>)
      "tpu.region"() ({
        %run_scoped3A = tpu.sem_alloc : memref<!tpu.dma_semaphore, #tpu.memory_space<semaphore_mem>>
        %dma_start3A_263 = arith.constant 0 : i32
        %dma_start3A_264 = arith.constant 2816 : i32
        %dma_start3A_265 = tpu.memref_slice %arg4[%dma_start3A_263, %dma_start3A_264] : memref<64x4608xf32, #tpu.memory_space<hbm>> -> memref<64x128xf32, #tpu.memory_space<hbm>>
        %dma_start3A_266 = arith.constant 0 : i32
        %dma_start3A_267 = arith.constant 2816 : i32
        %dma_start3A_268 = tpu.memref_slice %arg4[%dma_start3A_266, %dma_start3A_267] : memref<64x4608xf32, #tpu.memory_space<hbm>> -> memref<64x128xf32, #tpu.memory_space<hbm>>
        tpu.enqueue_dma source(%arg7 : memref<64x128xf32, #tpu.memory_space<vmem>>) target(%dma_start3A_268 : memref<64x128xf32, #tpu.memory_space<hbm>>) target_semaphore(%run_scoped3A : memref<!tpu.dma_semaphore, #tpu.memory_space<semaphore_mem>>)
        %dma_wait3A_269 = arith.constant 0 : i32
        %dma_wait3A_270 = arith.constant 2816 : i32
        %dma_wait3A_271 = tpu.memref_slice %arg4[%dma_wait3A_269, %dma_wait3A_270] : memref<64x4608xf32, #tpu.memory_space<hbm>> -> memref<64x128xf32, #tpu.memory_space<hbm>>
        %dma_wait3A_272 = arith.constant 0 : i32
        %dma_wait3A_273 = arith.constant 2816 : i32
        %dma_wait3A_274 = tpu.memref_slice %arg4[%dma_wait3A_272, %dma_wait3A_273] : memref<64x4608xf32, #tpu.memory_space<hbm>> -> memref<64x128xf32, #tpu.memory_space<hbm>>
        tpu.wait_dma2 semaphore(%run_scoped3A : memref<!tpu.dma_semaphore, #tpu.memory_space<semaphore_mem>>) src(%arg7 : memref<64x128xf32, #tpu.memory_space<vmem>>) dst(%dma_wait3A_274 : memref<64x128xf32, #tpu.memory_space<hbm>>)
        tpu.yield
      }) : () -> ()
    } else {
    }
    %eq3A_115 = arith.constant 23 : i32
    %eq3A_116 = arith.cmpi eq, %add3A, %eq3A_115 : i32
    %convert_element_type3A_117 = arith.extui %eq3A_116 : i1 to i32
    %cond3A_118 = arith.constant 0 : i32
    %cond3A_119 = arith.cmpi ne, %convert_element_type3A_117, %cond3A_118 : i32
    scf.if %cond3A_119 {
      %add3A_180 = arith.constant 0 : i32
      %add3A_181 = vector.broadcast %add3A_180 : i32 to vector<16xi32>
      %add3A_182 = arith.addi %iota3A, %add3A_181 : vector<16xi32>
      %mul3A_183 = arith.constant 1536 : i32
      %mul3A_184 = vector.broadcast %mul3A_183 : i32 to vector<16xi32>
      %mul3A_185 = arith.muli %add3A_182, %mul3A_184 : vector<16xi32>
      %add3A_186 = arith.constant 5 : i32
      %add3A_187 = vector.broadcast %add3A_186 : i32 to vector<16xi32>
      %add3A_188 = arith.addi %get3A_1, %add3A_187 : vector<16xi32>
      %mul3A_189 = arith.constant 24 : i32
      %mul3A_190 = vector.broadcast %mul3A_189 : i32 to vector<16xi32>
      %mul3A_191 = arith.muli %add3A_188, %mul3A_190 : vector<16xi32>
      %add3A_192 = arith.addi %mul3A_185, %mul3A_191 : vector<16xi32>
      %add3A_193 = arith.constant 17 : i32
      %add3A_194 = vector.broadcast %add3A_193 : i32 to vector<16xi32>
      %add3A_195 = arith.addi %add3A_192, %add3A_194 : vector<16xi32>
      %swap3A = arith.constant 0 : index
      %swap3A_196 = tpu.vector_load %arg6[%swap3A] {strides = array<i32>} : memref<64xi32, #tpu.memory_space<vmem>>, vector<16xi32>,
      %swap3A_197 = vector.shape_cast %swap3A_196 : vector<16xi32> to vector<16xi32>
      %swap3A_198 = vector.shape_cast %add3A_195 : vector<16xi32> to vector<16xi32>
      tpu.vector_store %arg6[%swap3A], %swap3A_198 {strides = array<i32>} : memref<64xi32, #tpu.memory_space<vmem>>, vector<16xi32>,
      %add3A_199 = arith.constant 16 : i32
      %add3A_200 = vector.broadcast %add3A_199 : i32 to vector<16xi32>
      %add3A_201 = arith.addi %iota3A, %add3A_200 : vector<16xi32>
      %mul3A_202 = arith.constant 1536 : i32
      %mul3A_203 = vector.broadcast %mul3A_202 : i32 to vector<16xi32>
      %mul3A_204 = arith.muli %add3A_201, %mul3A_203 : vector<16xi32>
      %add3A_205 = arith.constant 5 : i32
      %add3A_206 = vector.broadcast %add3A_205 : i32 to vector<16xi32>
      %add3A_207 = arith.addi %get3A_1, %add3A_206 : vector<16xi32>
      %mul3A_208 = arith.constant 24 : i32
      %mul3A_209 = vector.broadcast %mul3A_208 : i32 to vector<16xi32>
      %mul3A_210 = arith.muli %add3A_207, %mul3A_209 : vector<16xi32>
      %add3A_211 = arith.addi %mul3A_204, %mul3A_210 : vector<16xi32>
      %add3A_212 = arith.constant 17 : i32
      %add3A_213 = vector.broadcast %add3A_212 : i32 to vector<16xi32>
      %add3A_214 = arith.addi %add3A_211, %add3A_213 : vector<16xi32>
      %swap3A_215 = arith.constant 16 : index
      %swap3A_216 = tpu.vector_load %arg6[%swap3A_215] {strides = array<i32>} : memref<64xi32, #tpu.memory_space<vmem>>, vector<16xi32>,
      %swap3A_217 = vector.shape_cast %swap3A_216 : vector<16xi32> to vector<16xi32>
      %swap3A_218 = vector.shape_cast %add3A_214 : vector<16xi32> to vector<16xi32>
      tpu.vector_store %arg6[%swap3A_215], %swap3A_218 {strides = array<i32>} : memref<64xi32, #tpu.memory_space<vmem>>, vector<16xi32>,
      %add3A_219 = arith.constant 32 : i32
      %add3A_220 = vector.broadcast %add3A_219 : i32 to vector<16xi32>
      %add3A_221 = arith.addi %iota3A, %add3A_220 : vector<16xi32>
      %mul3A_222 = arith.constant 1536 : i32
      %mul3A_223 = vector.broadcast %mul3A_222 : i32 to vector<16xi32>
      %mul3A_224 = arith.muli %add3A_221, %mul3A_223 : vector<16xi32>
      %add3A_225 = arith.constant 5 : i32
      %add3A_226 = vector.broadcast %add3A_225 : i32 to vector<16xi32>
      %add3A_227 = arith.addi %get3A_1, %add3A_226 : vector<16xi32>
      %mul3A_228 = arith.constant 24 : i32
      %mul3A_229 = vector.broadcast %mul3A_228 : i32 to vector<16xi32>
      %mul3A_230 = arith.muli %add3A_227, %mul3A_229 : vector<16xi32>
      %add3A_231 = arith.addi %mul3A_224, %mul3A_230 : vector<16xi32>
      %add3A_232 = arith.constant 17 : i32
      %add3A_233 = vector.broadcast %add3A_232 : i32 to vector<16xi32>
      %add3A_234 = arith.addi %add3A_231, %add3A_233 : vector<16xi32>
      %swap3A_235 = arith.constant 32 : index
      %swap3A_236 = tpu.vector_load %arg6[%swap3A_235] {strides = array<i32>} : memref<64xi32, #tpu.memory_space<vmem>>, vector<16xi32>,
      %swap3A_237 = vector.shape_cast %swap3A_236 : vector<16xi32> to vector<16xi32>
      %swap3A_238 = vector.shape_cast %add3A_234 : vector<16xi32> to vector<16xi32>
      tpu.vector_store %arg6[%swap3A_235], %swap3A_238 {strides = array<i32>} : memref<64xi32, #tpu.memory_space<vmem>>, vector<16xi32>,
      %add3A_239 = arith.constant 48 : i32
      %add3A_240 = vector.broadcast %add3A_239 : i32 to vector<16xi32>
      %add3A_241 = arith.addi %iota3A, %add3A_240 : vector<16xi32>
      %mul3A_242 = arith.constant 1536 : i32
      %mul3A_243 = vector.broadcast %mul3A_242 : i32 to vector<16xi32>
      %mul3A_244 = arith.muli %add3A_241, %mul3A_243 : vector<16xi32>
      %add3A_245 = arith.constant 5 : i32
      %add3A_246 = vector.broadcast %add3A_245 : i32 to vector<16xi32>
      %add3A_247 = arith.addi %get3A_1, %add3A_246 : vector<16xi32>
      %mul3A_248 = arith.constant 24 : i32
      %mul3A_249 = vector.broadcast %mul3A_248 : i32 to vector<16xi32>
      %mul3A_250 = arith.muli %add3A_247, %mul3A_249 : vector<16xi32>
      %add3A_251 = arith.addi %mul3A_244, %mul3A_250 : vector<16xi32>
      %add3A_252 = arith.constant 17 : i32
      %add3A_253 = vector.broadcast %add3A_252 : i32 to vector<16xi32>
      %add3A_254 = arith.addi %add3A_251, %add3A_253 : vector<16xi32>
      %swap3A_255 = arith.constant 48 : index
      %swap3A_256 = tpu.vector_load %arg6[%swap3A_255] {strides = array<i32>} : memref<64xi32, #tpu.memory_space<vmem>>, vector<16xi32>,
      %swap3A_257 = vector.shape_cast %swap3A_256 : vector<16xi32> to vector<16xi32>
      %swap3A_258 = vector.shape_cast %add3A_254 : vector<16xi32> to vector<16xi32>
      tpu.vector_store %arg6[%swap3A_255], %swap3A_258 {strides = array<i32>} : memref<64xi32, #tpu.memory_space<vmem>>, vector<16xi32>,
      %dma_start3A = arith.constant 0 : i32
      %dma_start3A_259 = arith.constant 0 : i32
      %dma_start3A_260 = tpu.memref_slice %arg3[%dma_start3A, %dma_start3A_259] : memref<98304x128xf32, #tpu.memory_space<hbm>> -> memref<98304x128xf32, #tpu.memory_space<hbm>>
      tpu.enqueue_indirect_dma source(%dma_start3A_260 : memref<98304x128xf32, #tpu.memory_space<hbm>>) target(%arg7 : memref<64x128xf32, #tpu.memory_space<vmem>>) offsets(%arg6 : memref<64xi32, #tpu.memory_space<vmem>>) semaphore(%arg8 : memref<!tpu.dma_semaphore, #tpu.memory_space<semaphore_mem>>)
      %dma_wait3A = arith.constant 0 : i32
      %dma_wait3A_261 = arith.constant 0 : i32
      %dma_wait3A_262 = tpu.memref_slice %arg3[%dma_wait3A, %dma_wait3A_261] : memref<98304x128xf32, #tpu.memory_space<hbm>> -> memref<98304x128xf32, #tpu.memory_space<hbm>>
      tpu.wait_indirect_dma semaphore(%arg8 : memref<!tpu.dma_semaphore, #tpu.memory_space<semaphore_mem>>) src(%dma_wait3A_262 : memref<98304x128xf32, #tpu.memory_space<hbm>>) dst(%arg7 : memref<64x128xf32, #tpu.memory_space<vmem>>)
      "tpu.region"() ({
        %run_scoped3A = tpu.sem_alloc : memref<!tpu.dma_semaphore, #tpu.memory_space<semaphore_mem>>
        %dma_start3A_263 = arith.constant 0 : i32
        %dma_start3A_264 = arith.constant 2944 : i32
        %dma_start3A_265 = tpu.memref_slice %arg4[%dma_start3A_263, %dma_start3A_264] : memref<64x4608xf32, #tpu.memory_space<hbm>> -> memref<64x128xf32, #tpu.memory_space<hbm>>
        %dma_start3A_266 = arith.constant 0 : i32
        %dma_start3A_267 = arith.constant 2944 : i32
        %dma_start3A_268 = tpu.memref_slice %arg4[%dma_start3A_266, %dma_start3A_267] : memref<64x4608xf32, #tpu.memory_space<hbm>> -> memref<64x128xf32, #tpu.memory_space<hbm>>
        tpu.enqueue_dma source(%arg7 : memref<64x128xf32, #tpu.memory_space<vmem>>) target(%dma_start3A_268 : memref<64x128xf32, #tpu.memory_space<hbm>>) target_semaphore(%run_scoped3A : memref<!tpu.dma_semaphore, #tpu.memory_space<semaphore_mem>>)
        %dma_wait3A_269 = arith.constant 0 : i32
        %dma_wait3A_270 = arith.constant 2944 : i32
        %dma_wait3A_271 = tpu.memref_slice %arg4[%dma_wait3A_269, %dma_wait3A_270] : memref<64x4608xf32, #tpu.memory_space<hbm>> -> memref<64x128xf32, #tpu.memory_space<hbm>>
        %dma_wait3A_272 = arith.constant 0 : i32
        %dma_wait3A_273 = arith.constant 2944 : i32
        %dma_wait3A_274 = tpu.memref_slice %arg4[%dma_wait3A_272, %dma_wait3A_273] : memref<64x4608xf32, #tpu.memory_space<hbm>> -> memref<64x128xf32, #tpu.memory_space<hbm>>
        tpu.wait_dma2 semaphore(%run_scoped3A : memref<!tpu.dma_semaphore, #tpu.memory_space<semaphore_mem>>) src(%arg7 : memref<64x128xf32, #tpu.memory_space<vmem>>) dst(%dma_wait3A_274 : memref<64x128xf32, #tpu.memory_space<hbm>>)
        tpu.yield
      }) : () -> ()
    } else {
    }
    %eq3A_120 = arith.constant 24 : i32
    %eq3A_121 = arith.cmpi eq, %add3A, %eq3A_120 : i32
    %convert_element_type3A_122 = arith.extui %eq3A_121 : i1 to i32
    %cond3A_123 = arith.constant 0 : i32
    %cond3A_124 = arith.cmpi ne, %convert_element_type3A_122, %cond3A_123 : i32
    scf.if %cond3A_124 {
      %add3A_180 = arith.constant 0 : i32
      %add3A_181 = vector.broadcast %add3A_180 : i32 to vector<16xi32>
      %add3A_182 = arith.addi %iota3A, %add3A_181 : vector<16xi32>
      %mul3A_183 = arith.constant 1536 : i32
      %mul3A_184 = vector.broadcast %mul3A_183 : i32 to vector<16xi32>
      %mul3A_185 = arith.muli %add3A_182, %mul3A_184 : vector<16xi32>
      %add3A_186 = arith.constant 6 : i32
      %add3A_187 = vector.broadcast %add3A_186 : i32 to vector<16xi32>
      %add3A_188 = arith.addi %get3A_1, %add3A_187 : vector<16xi32>
      %mul3A_189 = arith.constant 24 : i32
      %mul3A_190 = vector.broadcast %mul3A_189 : i32 to vector<16xi32>
      %mul3A_191 = arith.muli %add3A_188, %mul3A_190 : vector<16xi32>
      %add3A_192 = arith.addi %mul3A_185, %mul3A_191 : vector<16xi32>
      %add3A_193 = arith.constant 0 : i32
      %add3A_194 = vector.broadcast %add3A_193 : i32 to vector<16xi32>
      %add3A_195 = arith.addi %add3A_192, %add3A_194 : vector<16xi32>
      %swap3A = arith.constant 0 : index
      %swap3A_196 = tpu.vector_load %arg6[%swap3A] {strides = array<i32>} : memref<64xi32, #tpu.memory_space<vmem>>, vector<16xi32>,
      %swap3A_197 = vector.shape_cast %swap3A_196 : vector<16xi32> to vector<16xi32>
      %swap3A_198 = vector.shape_cast %add3A_195 : vector<16xi32> to vector<16xi32>
      tpu.vector_store %arg6[%swap3A], %swap3A_198 {strides = array<i32>} : memref<64xi32, #tpu.memory_space<vmem>>, vector<16xi32>,
      %add3A_199 = arith.constant 16 : i32
      %add3A_200 = vector.broadcast %add3A_199 : i32 to vector<16xi32>
      %add3A_201 = arith.addi %iota3A, %add3A_200 : vector<16xi32>
      %mul3A_202 = arith.constant 1536 : i32
      %mul3A_203 = vector.broadcast %mul3A_202 : i32 to vector<16xi32>
      %mul3A_204 = arith.muli %add3A_201, %mul3A_203 : vector<16xi32>
      %add3A_205 = arith.constant 6 : i32
      %add3A_206 = vector.broadcast %add3A_205 : i32 to vector<16xi32>
      %add3A_207 = arith.addi %get3A_1, %add3A_206 : vector<16xi32>
      %mul3A_208 = arith.constant 24 : i32
      %mul3A_209 = vector.broadcast %mul3A_208 : i32 to vector<16xi32>
      %mul3A_210 = arith.muli %add3A_207, %mul3A_209 : vector<16xi32>
      %add3A_211 = arith.addi %mul3A_204, %mul3A_210 : vector<16xi32>
      %add3A_212 = arith.constant 0 : i32
      %add3A_213 = vector.broadcast %add3A_212 : i32 to vector<16xi32>
      %add3A_214 = arith.addi %add3A_211, %add3A_213 : vector<16xi32>
      %swap3A_215 = arith.constant 16 : index
      %swap3A_216 = tpu.vector_load %arg6[%swap3A_215] {strides = array<i32>} : memref<64xi32, #tpu.memory_space<vmem>>, vector<16xi32>,
      %swap3A_217 = vector.shape_cast %swap3A_216 : vector<16xi32> to vector<16xi32>
      %swap3A_218 = vector.shape_cast %add3A_214 : vector<16xi32> to vector<16xi32>
      tpu.vector_store %arg6[%swap3A_215], %swap3A_218 {strides = array<i32>} : memref<64xi32, #tpu.memory_space<vmem>>, vector<16xi32>,
      %add3A_219 = arith.constant 32 : i32
      %add3A_220 = vector.broadcast %add3A_219 : i32 to vector<16xi32>
      %add3A_221 = arith.addi %iota3A, %add3A_220 : vector<16xi32>
      %mul3A_222 = arith.constant 1536 : i32
      %mul3A_223 = vector.broadcast %mul3A_222 : i32 to vector<16xi32>
      %mul3A_224 = arith.muli %add3A_221, %mul3A_223 : vector<16xi32>
      %add3A_225 = arith.constant 6 : i32
      %add3A_226 = vector.broadcast %add3A_225 : i32 to vector<16xi32>
      %add3A_227 = arith.addi %get3A_1, %add3A_226 : vector<16xi32>
      %mul3A_228 = arith.constant 24 : i32
      %mul3A_229 = vector.broadcast %mul3A_228 : i32 to vector<16xi32>
      %mul3A_230 = arith.muli %add3A_227, %mul3A_229 : vector<16xi32>
      %add3A_231 = arith.addi %mul3A_224, %mul3A_230 : vector<16xi32>
      %add3A_232 = arith.constant 0 : i32
      %add3A_233 = vector.broadcast %add3A_232 : i32 to vector<16xi32>
      %add3A_234 = arith.addi %add3A_231, %add3A_233 : vector<16xi32>
      %swap3A_235 = arith.constant 32 : index
      %swap3A_236 = tpu.vector_load %arg6[%swap3A_235] {strides = array<i32>} : memref<64xi32, #tpu.memory_space<vmem>>, vector<16xi32>,
      %swap3A_237 = vector.shape_cast %swap3A_236 : vector<16xi32> to vector<16xi32>
      %swap3A_238 = vector.shape_cast %add3A_234 : vector<16xi32> to vector<16xi32>
      tpu.vector_store %arg6[%swap3A_235], %swap3A_238 {strides = array<i32>} : memref<64xi32, #tpu.memory_space<vmem>>, vector<16xi32>,
      %add3A_239 = arith.constant 48 : i32
      %add3A_240 = vector.broadcast %add3A_239 : i32 to vector<16xi32>
      %add3A_241 = arith.addi %iota3A, %add3A_240 : vector<16xi32>
      %mul3A_242 = arith.constant 1536 : i32
      %mul3A_243 = vector.broadcast %mul3A_242 : i32 to vector<16xi32>
      %mul3A_244 = arith.muli %add3A_241, %mul3A_243 : vector<16xi32>
      %add3A_245 = arith.constant 6 : i32
      %add3A_246 = vector.broadcast %add3A_245 : i32 to vector<16xi32>
      %add3A_247 = arith.addi %get3A_1, %add3A_246 : vector<16xi32>
      %mul3A_248 = arith.constant 24 : i32
      %mul3A_249 = vector.broadcast %mul3A_248 : i32 to vector<16xi32>
      %mul3A_250 = arith.muli %add3A_247, %mul3A_249 : vector<16xi32>
      %add3A_251 = arith.addi %mul3A_244, %mul3A_250 : vector<16xi32>
      %add3A_252 = arith.constant 0 : i32
      %add3A_253 = vector.broadcast %add3A_252 : i32 to vector<16xi32>
      %add3A_254 = arith.addi %add3A_251, %add3A_253 : vector<16xi32>
      %swap3A_255 = arith.constant 48 : index
      %swap3A_256 = tpu.vector_load %arg6[%swap3A_255] {strides = array<i32>} : memref<64xi32, #tpu.memory_space<vmem>>, vector<16xi32>,
      %swap3A_257 = vector.shape_cast %swap3A_256 : vector<16xi32> to vector<16xi32>
      %swap3A_258 = vector.shape_cast %add3A_254 : vector<16xi32> to vector<16xi32>
      tpu.vector_store %arg6[%swap3A_255], %swap3A_258 {strides = array<i32>} : memref<64xi32, #tpu.memory_space<vmem>>, vector<16xi32>,
      %dma_start3A = arith.constant 0 : i32
      %dma_start3A_259 = arith.constant 0 : i32
      %dma_start3A_260 = tpu.memref_slice %arg3[%dma_start3A, %dma_start3A_259] : memref<98304x128xf32, #tpu.memory_space<hbm>> -> memref<98304x128xf32, #tpu.memory_space<hbm>>
      tpu.enqueue_indirect_dma source(%dma_start3A_260 : memref<98304x128xf32, #tpu.memory_space<hbm>>) target(%arg7 : memref<64x128xf32, #tpu.memory_space<vmem>>) offsets(%arg6 : memref<64xi32, #tpu.memory_space<vmem>>) semaphore(%arg8 : memref<!tpu.dma_semaphore, #tpu.memory_space<semaphore_mem>>)
      %dma_wait3A = arith.constant 0 : i32
      %dma_wait3A_261 = arith.constant 0 : i32
      %dma_wait3A_262 = tpu.memref_slice %arg3[%dma_wait3A, %dma_wait3A_261] : memref<98304x128xf32, #tpu.memory_space<hbm>> -> memref<98304x128xf32, #tpu.memory_space<hbm>>
      tpu.wait_indirect_dma semaphore(%arg8 : memref<!tpu.dma_semaphore, #tpu.memory_space<semaphore_mem>>) src(%dma_wait3A_262 : memref<98304x128xf32, #tpu.memory_space<hbm>>) dst(%arg7 : memref<64x128xf32, #tpu.memory_space<vmem>>)
      "tpu.region"() ({
        %run_scoped3A = tpu.sem_alloc : memref<!tpu.dma_semaphore, #tpu.memory_space<semaphore_mem>>
        %dma_start3A_263 = arith.constant 0 : i32
        %dma_start3A_264 = arith.constant 3072 : i32
        %dma_start3A_265 = tpu.memref_slice %arg4[%dma_start3A_263, %dma_start3A_264] : memref<64x4608xf32, #tpu.memory_space<hbm>> -> memref<64x128xf32, #tpu.memory_space<hbm>>
        %dma_start3A_266 = arith.constant 0 : i32
        %dma_start3A_267 = arith.constant 3072 : i32
        %dma_start3A_268 = tpu.memref_slice %arg4[%dma_start3A_266, %dma_start3A_267] : memref<64x4608xf32, #tpu.memory_space<hbm>> -> memref<64x128xf32, #tpu.memory_space<hbm>>
        tpu.enqueue_dma source(%arg7 : memref<64x128xf32, #tpu.memory_space<vmem>>) target(%dma_start3A_268 : memref<64x128xf32, #tpu.memory_space<hbm>>) target_semaphore(%run_scoped3A : memref<!tpu.dma_semaphore, #tpu.memory_space<semaphore_mem>>)
        %dma_wait3A_269 = arith.constant 0 : i32
        %dma_wait3A_270 = arith.constant 3072 : i32
        %dma_wait3A_271 = tpu.memref_slice %arg4[%dma_wait3A_269, %dma_wait3A_270] : memref<64x4608xf32, #tpu.memory_space<hbm>> -> memref<64x128xf32, #tpu.memory_space<hbm>>
        %dma_wait3A_272 = arith.constant 0 : i32
        %dma_wait3A_273 = arith.constant 3072 : i32
        %dma_wait3A_274 = tpu.memref_slice %arg4[%dma_wait3A_272, %dma_wait3A_273] : memref<64x4608xf32, #tpu.memory_space<hbm>> -> memref<64x128xf32, #tpu.memory_space<hbm>>
        tpu.wait_dma2 semaphore(%run_scoped3A : memref<!tpu.dma_semaphore, #tpu.memory_space<semaphore_mem>>) src(%arg7 : memref<64x128xf32, #tpu.memory_space<vmem>>) dst(%dma_wait3A_274 : memref<64x128xf32, #tpu.memory_space<hbm>>)
        tpu.yield
      }) : () -> ()
    } else {
    }
    %eq3A_125 = arith.constant 25 : i32
    %eq3A_126 = arith.cmpi eq, %add3A, %eq3A_125 : i32
    %convert_element_type3A_127 = arith.extui %eq3A_126 : i1 to i32
    %cond3A_128 = arith.constant 0 : i32
    %cond3A_129 = arith.cmpi ne, %convert_element_type3A_127, %cond3A_128 : i32
    scf.if %cond3A_129 {
      %add3A_180 = arith.constant 0 : i32
      %add3A_181 = vector.broadcast %add3A_180 : i32 to vector<16xi32>
      %add3A_182 = arith.addi %iota3A, %add3A_181 : vector<16xi32>
      %mul3A_183 = arith.constant 1536 : i32
      %mul3A_184 = vector.broadcast %mul3A_183 : i32 to vector<16xi32>
      %mul3A_185 = arith.muli %add3A_182, %mul3A_184 : vector<16xi32>
      %add3A_186 = arith.constant 6 : i32
      %add3A_187 = vector.broadcast %add3A_186 : i32 to vector<16xi32>
      %add3A_188 = arith.addi %get3A_1, %add3A_187 : vector<16xi32>
      %mul3A_189 = arith.constant 24 : i32
      %mul3A_190 = vector.broadcast %mul3A_189 : i32 to vector<16xi32>
      %mul3A_191 = arith.muli %add3A_188, %mul3A_190 : vector<16xi32>
      %add3A_192 = arith.addi %mul3A_185, %mul3A_191 : vector<16xi32>
      %add3A_193 = arith.constant 5 : i32
      %add3A_194 = vector.broadcast %add3A_193 : i32 to vector<16xi32>
      %add3A_195 = arith.addi %add3A_192, %add3A_194 : vector<16xi32>
      %swap3A = arith.constant 0 : index
      %swap3A_196 = tpu.vector_load %arg6[%swap3A] {strides = array<i32>} : memref<64xi32, #tpu.memory_space<vmem>>, vector<16xi32>,
      %swap3A_197 = vector.shape_cast %swap3A_196 : vector<16xi32> to vector<16xi32>
      %swap3A_198 = vector.shape_cast %add3A_195 : vector<16xi32> to vector<16xi32>
      tpu.vector_store %arg6[%swap3A], %swap3A_198 {strides = array<i32>} : memref<64xi32, #tpu.memory_space<vmem>>, vector<16xi32>,
      %add3A_199 = arith.constant 16 : i32
      %add3A_200 = vector.broadcast %add3A_199 : i32 to vector<16xi32>
      %add3A_201 = arith.addi %iota3A, %add3A_200 : vector<16xi32>
      %mul3A_202 = arith.constant 1536 : i32
      %mul3A_203 = vector.broadcast %mul3A_202 : i32 to vector<16xi32>
      %mul3A_204 = arith.muli %add3A_201, %mul3A_203 : vector<16xi32>
      %add3A_205 = arith.constant 6 : i32
      %add3A_206 = vector.broadcast %add3A_205 : i32 to vector<16xi32>
      %add3A_207 = arith.addi %get3A_1, %add3A_206 : vector<16xi32>
      %mul3A_208 = arith.constant 24 : i32
      %mul3A_209 = vector.broadcast %mul3A_208 : i32 to vector<16xi32>
      %mul3A_210 = arith.muli %add3A_207, %mul3A_209 : vector<16xi32>
      %add3A_211 = arith.addi %mul3A_204, %mul3A_210 : vector<16xi32>
      %add3A_212 = arith.constant 5 : i32
      %add3A_213 = vector.broadcast %add3A_212 : i32 to vector<16xi32>
      %add3A_214 = arith.addi %add3A_211, %add3A_213 : vector<16xi32>
      %swap3A_215 = arith.constant 16 : index
      %swap3A_216 = tpu.vector_load %arg6[%swap3A_215] {strides = array<i32>} : memref<64xi32, #tpu.memory_space<vmem>>, vector<16xi32>,
      %swap3A_217 = vector.shape_cast %swap3A_216 : vector<16xi32> to vector<16xi32>
      %swap3A_218 = vector.shape_cast %add3A_214 : vector<16xi32> to vector<16xi32>
      tpu.vector_store %arg6[%swap3A_215], %swap3A_218 {strides = array<i32>} : memref<64xi32, #tpu.memory_space<vmem>>, vector<16xi32>,
      %add3A_219 = arith.constant 32 : i32
      %add3A_220 = vector.broadcast %add3A_219 : i32 to vector<16xi32>
      %add3A_221 = arith.addi %iota3A, %add3A_220 : vector<16xi32>
      %mul3A_222 = arith.constant 1536 : i32
      %mul3A_223 = vector.broadcast %mul3A_222 : i32 to vector<16xi32>
      %mul3A_224 = arith.muli %add3A_221, %mul3A_223 : vector<16xi32>
      %add3A_225 = arith.constant 6 : i32
      %add3A_226 = vector.broadcast %add3A_225 : i32 to vector<16xi32>
      %add3A_227 = arith.addi %get3A_1, %add3A_226 : vector<16xi32>
      %mul3A_228 = arith.constant 24 : i32
      %mul3A_229 = vector.broadcast %mul3A_228 : i32 to vector<16xi32>
      %mul3A_230 = arith.muli %add3A_227, %mul3A_229 : vector<16xi32>
      %add3A_231 = arith.addi %mul3A_224, %mul3A_230 : vector<16xi32>
      %add3A_232 = arith.constant 5 : i32
      %add3A_233 = vector.broadcast %add3A_232 : i32 to vector<16xi32>
      %add3A_234 = arith.addi %add3A_231, %add3A_233 : vector<16xi32>
      %swap3A_235 = arith.constant 32 : index
      %swap3A_236 = tpu.vector_load %arg6[%swap3A_235] {strides = array<i32>} : memref<64xi32, #tpu.memory_space<vmem>>, vector<16xi32>,
      %swap3A_237 = vector.shape_cast %swap3A_236 : vector<16xi32> to vector<16xi32>
      %swap3A_238 = vector.shape_cast %add3A_234 : vector<16xi32> to vector<16xi32>
      tpu.vector_store %arg6[%swap3A_235], %swap3A_238 {strides = array<i32>} : memref<64xi32, #tpu.memory_space<vmem>>, vector<16xi32>,
      %add3A_239 = arith.constant 48 : i32
      %add3A_240 = vector.broadcast %add3A_239 : i32 to vector<16xi32>
      %add3A_241 = arith.addi %iota3A, %add3A_240 : vector<16xi32>
      %mul3A_242 = arith.constant 1536 : i32
      %mul3A_243 = vector.broadcast %mul3A_242 : i32 to vector<16xi32>
      %mul3A_244 = arith.muli %add3A_241, %mul3A_243 : vector<16xi32>
      %add3A_245 = arith.constant 6 : i32
      %add3A_246 = vector.broadcast %add3A_245 : i32 to vector<16xi32>
      %add3A_247 = arith.addi %get3A_1, %add3A_246 : vector<16xi32>
      %mul3A_248 = arith.constant 24 : i32
      %mul3A_249 = vector.broadcast %mul3A_248 : i32 to vector<16xi32>
      %mul3A_250 = arith.muli %add3A_247, %mul3A_249 : vector<16xi32>
      %add3A_251 = arith.addi %mul3A_244, %mul3A_250 : vector<16xi32>
      %add3A_252 = arith.constant 5 : i32
      %add3A_253 = vector.broadcast %add3A_252 : i32 to vector<16xi32>
      %add3A_254 = arith.addi %add3A_251, %add3A_253 : vector<16xi32>
      %swap3A_255 = arith.constant 48 : index
      %swap3A_256 = tpu.vector_load %arg6[%swap3A_255] {strides = array<i32>} : memref<64xi32, #tpu.memory_space<vmem>>, vector<16xi32>,
      %swap3A_257 = vector.shape_cast %swap3A_256 : vector<16xi32> to vector<16xi32>
      %swap3A_258 = vector.shape_cast %add3A_254 : vector<16xi32> to vector<16xi32>
      tpu.vector_store %arg6[%swap3A_255], %swap3A_258 {strides = array<i32>} : memref<64xi32, #tpu.memory_space<vmem>>, vector<16xi32>,
      %dma_start3A = arith.constant 0 : i32
      %dma_start3A_259 = arith.constant 0 : i32
      %dma_start3A_260 = tpu.memref_slice %arg3[%dma_start3A, %dma_start3A_259] : memref<98304x128xf32, #tpu.memory_space<hbm>> -> memref<98304x128xf32, #tpu.memory_space<hbm>>
      tpu.enqueue_indirect_dma source(%dma_start3A_260 : memref<98304x128xf32, #tpu.memory_space<hbm>>) target(%arg7 : memref<64x128xf32, #tpu.memory_space<vmem>>) offsets(%arg6 : memref<64xi32, #tpu.memory_space<vmem>>) semaphore(%arg8 : memref<!tpu.dma_semaphore, #tpu.memory_space<semaphore_mem>>)
      %dma_wait3A = arith.constant 0 : i32
      %dma_wait3A_261 = arith.constant 0 : i32
      %dma_wait3A_262 = tpu.memref_slice %arg3[%dma_wait3A, %dma_wait3A_261] : memref<98304x128xf32, #tpu.memory_space<hbm>> -> memref<98304x128xf32, #tpu.memory_space<hbm>>
      tpu.wait_indirect_dma semaphore(%arg8 : memref<!tpu.dma_semaphore, #tpu.memory_space<semaphore_mem>>) src(%dma_wait3A_262 : memref<98304x128xf32, #tpu.memory_space<hbm>>) dst(%arg7 : memref<64x128xf32, #tpu.memory_space<vmem>>)
      "tpu.region"() ({
        %run_scoped3A = tpu.sem_alloc : memref<!tpu.dma_semaphore, #tpu.memory_space<semaphore_mem>>
        %dma_start3A_263 = arith.constant 0 : i32
        %dma_start3A_264 = arith.constant 3200 : i32
        %dma_start3A_265 = tpu.memref_slice %arg4[%dma_start3A_263, %dma_start3A_264] : memref<64x4608xf32, #tpu.memory_space<hbm>> -> memref<64x128xf32, #tpu.memory_space<hbm>>
        %dma_start3A_266 = arith.constant 0 : i32
        %dma_start3A_267 = arith.constant 3200 : i32
        %dma_start3A_268 = tpu.memref_slice %arg4[%dma_start3A_266, %dma_start3A_267] : memref<64x4608xf32, #tpu.memory_space<hbm>> -> memref<64x128xf32, #tpu.memory_space<hbm>>
        tpu.enqueue_dma source(%arg7 : memref<64x128xf32, #tpu.memory_space<vmem>>) target(%dma_start3A_268 : memref<64x128xf32, #tpu.memory_space<hbm>>) target_semaphore(%run_scoped3A : memref<!tpu.dma_semaphore, #tpu.memory_space<semaphore_mem>>)
        %dma_wait3A_269 = arith.constant 0 : i32
        %dma_wait3A_270 = arith.constant 3200 : i32
        %dma_wait3A_271 = tpu.memref_slice %arg4[%dma_wait3A_269, %dma_wait3A_270] : memref<64x4608xf32, #tpu.memory_space<hbm>> -> memref<64x128xf32, #tpu.memory_space<hbm>>
        %dma_wait3A_272 = arith.constant 0 : i32
        %dma_wait3A_273 = arith.constant 3200 : i32
        %dma_wait3A_274 = tpu.memref_slice %arg4[%dma_wait3A_272, %dma_wait3A_273] : memref<64x4608xf32, #tpu.memory_space<hbm>> -> memref<64x128xf32, #tpu.memory_space<hbm>>
        tpu.wait_dma2 semaphore(%run_scoped3A : memref<!tpu.dma_semaphore, #tpu.memory_space<semaphore_mem>>) src(%arg7 : memref<64x128xf32, #tpu.memory_space<vmem>>) dst(%dma_wait3A_274 : memref<64x128xf32, #tpu.memory_space<hbm>>)
        tpu.yield
      }) : () -> ()
    } else {
    }
    %eq3A_130 = arith.constant 26 : i32
    %eq3A_131 = arith.cmpi eq, %add3A, %eq3A_130 : i32
    %convert_element_type3A_132 = arith.extui %eq3A_131 : i1 to i32
    %cond3A_133 = arith.constant 0 : i32
    %cond3A_134 = arith.cmpi ne, %convert_element_type3A_132, %cond3A_133 : i32
    scf.if %cond3A_134 {
      %add3A_180 = arith.constant 0 : i32
      %add3A_181 = vector.broadcast %add3A_180 : i32 to vector<16xi32>
      %add3A_182 = arith.addi %iota3A, %add3A_181 : vector<16xi32>
      %mul3A_183 = arith.constant 1536 : i32
      %mul3A_184 = vector.broadcast %mul3A_183 : i32 to vector<16xi32>
      %mul3A_185 = arith.muli %add3A_182, %mul3A_184 : vector<16xi32>
      %add3A_186 = arith.constant 6 : i32
      %add3A_187 = vector.broadcast %add3A_186 : i32 to vector<16xi32>
      %add3A_188 = arith.addi %get3A_1, %add3A_187 : vector<16xi32>
      %mul3A_189 = arith.constant 24 : i32
      %mul3A_190 = vector.broadcast %mul3A_189 : i32 to vector<16xi32>
      %mul3A_191 = arith.muli %add3A_188, %mul3A_190 : vector<16xi32>
      %add3A_192 = arith.addi %mul3A_185, %mul3A_191 : vector<16xi32>
      %add3A_193 = arith.constant 11 : i32
      %add3A_194 = vector.broadcast %add3A_193 : i32 to vector<16xi32>
      %add3A_195 = arith.addi %add3A_192, %add3A_194 : vector<16xi32>
      %swap3A = arith.constant 0 : index
      %swap3A_196 = tpu.vector_load %arg6[%swap3A] {strides = array<i32>} : memref<64xi32, #tpu.memory_space<vmem>>, vector<16xi32>,
      %swap3A_197 = vector.shape_cast %swap3A_196 : vector<16xi32> to vector<16xi32>
      %swap3A_198 = vector.shape_cast %add3A_195 : vector<16xi32> to vector<16xi32>
      tpu.vector_store %arg6[%swap3A], %swap3A_198 {strides = array<i32>} : memref<64xi32, #tpu.memory_space<vmem>>, vector<16xi32>,
      %add3A_199 = arith.constant 16 : i32
      %add3A_200 = vector.broadcast %add3A_199 : i32 to vector<16xi32>
      %add3A_201 = arith.addi %iota3A, %add3A_200 : vector<16xi32>
      %mul3A_202 = arith.constant 1536 : i32
      %mul3A_203 = vector.broadcast %mul3A_202 : i32 to vector<16xi32>
      %mul3A_204 = arith.muli %add3A_201, %mul3A_203 : vector<16xi32>
      %add3A_205 = arith.constant 6 : i32
      %add3A_206 = vector.broadcast %add3A_205 : i32 to vector<16xi32>
      %add3A_207 = arith.addi %get3A_1, %add3A_206 : vector<16xi32>
      %mul3A_208 = arith.constant 24 : i32
      %mul3A_209 = vector.broadcast %mul3A_208 : i32 to vector<16xi32>
      %mul3A_210 = arith.muli %add3A_207, %mul3A_209 : vector<16xi32>
      %add3A_211 = arith.addi %mul3A_204, %mul3A_210 : vector<16xi32>
      %add3A_212 = arith.constant 11 : i32
      %add3A_213 = vector.broadcast %add3A_212 : i32 to vector<16xi32>
      %add3A_214 = arith.addi %add3A_211, %add3A_213 : vector<16xi32>
      %swap3A_215 = arith.constant 16 : index
      %swap3A_216 = tpu.vector_load %arg6[%swap3A_215] {strides = array<i32>} : memref<64xi32, #tpu.memory_space<vmem>>, vector<16xi32>,
      %swap3A_217 = vector.shape_cast %swap3A_216 : vector<16xi32> to vector<16xi32>
      %swap3A_218 = vector.shape_cast %add3A_214 : vector<16xi32> to vector<16xi32>
      tpu.vector_store %arg6[%swap3A_215], %swap3A_218 {strides = array<i32>} : memref<64xi32, #tpu.memory_space<vmem>>, vector<16xi32>,
      %add3A_219 = arith.constant 32 : i32
      %add3A_220 = vector.broadcast %add3A_219 : i32 to vector<16xi32>
      %add3A_221 = arith.addi %iota3A, %add3A_220 : vector<16xi32>
      %mul3A_222 = arith.constant 1536 : i32
      %mul3A_223 = vector.broadcast %mul3A_222 : i32 to vector<16xi32>
      %mul3A_224 = arith.muli %add3A_221, %mul3A_223 : vector<16xi32>
      %add3A_225 = arith.constant 6 : i32
      %add3A_226 = vector.broadcast %add3A_225 : i32 to vector<16xi32>
      %add3A_227 = arith.addi %get3A_1, %add3A_226 : vector<16xi32>
      %mul3A_228 = arith.constant 24 : i32
      %mul3A_229 = vector.broadcast %mul3A_228 : i32 to vector<16xi32>
      %mul3A_230 = arith.muli %add3A_227, %mul3A_229 : vector<16xi32>
      %add3A_231 = arith.addi %mul3A_224, %mul3A_230 : vector<16xi32>
      %add3A_232 = arith.constant 11 : i32
      %add3A_233 = vector.broadcast %add3A_232 : i32 to vector<16xi32>
      %add3A_234 = arith.addi %add3A_231, %add3A_233 : vector<16xi32>
      %swap3A_235 = arith.constant 32 : index
      %swap3A_236 = tpu.vector_load %arg6[%swap3A_235] {strides = array<i32>} : memref<64xi32, #tpu.memory_space<vmem>>, vector<16xi32>,
      %swap3A_237 = vector.shape_cast %swap3A_236 : vector<16xi32> to vector<16xi32>
      %swap3A_238 = vector.shape_cast %add3A_234 : vector<16xi32> to vector<16xi32>
      tpu.vector_store %arg6[%swap3A_235], %swap3A_238 {strides = array<i32>} : memref<64xi32, #tpu.memory_space<vmem>>, vector<16xi32>,
      %add3A_239 = arith.constant 48 : i32
      %add3A_240 = vector.broadcast %add3A_239 : i32 to vector<16xi32>
      %add3A_241 = arith.addi %iota3A, %add3A_240 : vector<16xi32>
      %mul3A_242 = arith.constant 1536 : i32
      %mul3A_243 = vector.broadcast %mul3A_242 : i32 to vector<16xi32>
      %mul3A_244 = arith.muli %add3A_241, %mul3A_243 : vector<16xi32>
      %add3A_245 = arith.constant 6 : i32
      %add3A_246 = vector.broadcast %add3A_245 : i32 to vector<16xi32>
      %add3A_247 = arith.addi %get3A_1, %add3A_246 : vector<16xi32>
      %mul3A_248 = arith.constant 24 : i32
      %mul3A_249 = vector.broadcast %mul3A_248 : i32 to vector<16xi32>
      %mul3A_250 = arith.muli %add3A_247, %mul3A_249 : vector<16xi32>
      %add3A_251 = arith.addi %mul3A_244, %mul3A_250 : vector<16xi32>
      %add3A_252 = arith.constant 11 : i32
      %add3A_253 = vector.broadcast %add3A_252 : i32 to vector<16xi32>
      %add3A_254 = arith.addi %add3A_251, %add3A_253 : vector<16xi32>
      %swap3A_255 = arith.constant 48 : index
      %swap3A_256 = tpu.vector_load %arg6[%swap3A_255] {strides = array<i32>} : memref<64xi32, #tpu.memory_space<vmem>>, vector<16xi32>,
      %swap3A_257 = vector.shape_cast %swap3A_256 : vector<16xi32> to vector<16xi32>
      %swap3A_258 = vector.shape_cast %add3A_254 : vector<16xi32> to vector<16xi32>
      tpu.vector_store %arg6[%swap3A_255], %swap3A_258 {strides = array<i32>} : memref<64xi32, #tpu.memory_space<vmem>>, vector<16xi32>,
      %dma_start3A = arith.constant 0 : i32
      %dma_start3A_259 = arith.constant 0 : i32
      %dma_start3A_260 = tpu.memref_slice %arg3[%dma_start3A, %dma_start3A_259] : memref<98304x128xf32, #tpu.memory_space<hbm>> -> memref<98304x128xf32, #tpu.memory_space<hbm>>
      tpu.enqueue_indirect_dma source(%dma_start3A_260 : memref<98304x128xf32, #tpu.memory_space<hbm>>) target(%arg7 : memref<64x128xf32, #tpu.memory_space<vmem>>) offsets(%arg6 : memref<64xi32, #tpu.memory_space<vmem>>) semaphore(%arg8 : memref<!tpu.dma_semaphore, #tpu.memory_space<semaphore_mem>>)
      %dma_wait3A = arith.constant 0 : i32
      %dma_wait3A_261 = arith.constant 0 : i32
      %dma_wait3A_262 = tpu.memref_slice %arg3[%dma_wait3A, %dma_wait3A_261] : memref<98304x128xf32, #tpu.memory_space<hbm>> -> memref<98304x128xf32, #tpu.memory_space<hbm>>
      tpu.wait_indirect_dma semaphore(%arg8 : memref<!tpu.dma_semaphore, #tpu.memory_space<semaphore_mem>>) src(%dma_wait3A_262 : memref<98304x128xf32, #tpu.memory_space<hbm>>) dst(%arg7 : memref<64x128xf32, #tpu.memory_space<vmem>>)
      "tpu.region"() ({
        %run_scoped3A = tpu.sem_alloc : memref<!tpu.dma_semaphore, #tpu.memory_space<semaphore_mem>>
        %dma_start3A_263 = arith.constant 0 : i32
        %dma_start3A_264 = arith.constant 3328 : i32
        %dma_start3A_265 = tpu.memref_slice %arg4[%dma_start3A_263, %dma_start3A_264] : memref<64x4608xf32, #tpu.memory_space<hbm>> -> memref<64x128xf32, #tpu.memory_space<hbm>>
        %dma_start3A_266 = arith.constant 0 : i32
        %dma_start3A_267 = arith.constant 3328 : i32
        %dma_start3A_268 = tpu.memref_slice %arg4[%dma_start3A_266, %dma_start3A_267] : memref<64x4608xf32, #tpu.memory_space<hbm>> -> memref<64x128xf32, #tpu.memory_space<hbm>>
        tpu.enqueue_dma source(%arg7 : memref<64x128xf32, #tpu.memory_space<vmem>>) target(%dma_start3A_268 : memref<64x128xf32, #tpu.memory_space<hbm>>) target_semaphore(%run_scoped3A : memref<!tpu.dma_semaphore, #tpu.memory_space<semaphore_mem>>)
        %dma_wait3A_269 = arith.constant 0 : i32
        %dma_wait3A_270 = arith.constant 3328 : i32
        %dma_wait3A_271 = tpu.memref_slice %arg4[%dma_wait3A_269, %dma_wait3A_270] : memref<64x4608xf32, #tpu.memory_space<hbm>> -> memref<64x128xf32, #tpu.memory_space<hbm>>
        %dma_wait3A_272 = arith.constant 0 : i32
        %dma_wait3A_273 = arith.constant 3328 : i32
        %dma_wait3A_274 = tpu.memref_slice %arg4[%dma_wait3A_272, %dma_wait3A_273] : memref<64x4608xf32, #tpu.memory_space<hbm>> -> memref<64x128xf32, #tpu.memory_space<hbm>>
        tpu.wait_dma2 semaphore(%run_scoped3A : memref<!tpu.dma_semaphore, #tpu.memory_space<semaphore_mem>>) src(%arg7 : memref<64x128xf32, #tpu.memory_space<vmem>>) dst(%dma_wait3A_274 : memref<64x128xf32, #tpu.memory_space<hbm>>)
        tpu.yield
      }) : () -> ()
    } else {
    }
    %eq3A_135 = arith.constant 27 : i32
    %eq3A_136 = arith.cmpi eq, %add3A, %eq3A_135 : i32
    %convert_element_type3A_137 = arith.extui %eq3A_136 : i1 to i32
    %cond3A_138 = arith.constant 0 : i32
    %cond3A_139 = arith.cmpi ne, %convert_element_type3A_137, %cond3A_138 : i32
    scf.if %cond3A_139 {
      %add3A_180 = arith.constant 0 : i32
      %add3A_181 = vector.broadcast %add3A_180 : i32 to vector<16xi32>
      %add3A_182 = arith.addi %iota3A, %add3A_181 : vector<16xi32>
      %mul3A_183 = arith.constant 1536 : i32
      %mul3A_184 = vector.broadcast %mul3A_183 : i32 to vector<16xi32>
      %mul3A_185 = arith.muli %add3A_182, %mul3A_184 : vector<16xi32>
      %add3A_186 = arith.constant 6 : i32
      %add3A_187 = vector.broadcast %add3A_186 : i32 to vector<16xi32>
      %add3A_188 = arith.addi %get3A_1, %add3A_187 : vector<16xi32>
      %mul3A_189 = arith.constant 24 : i32
      %mul3A_190 = vector.broadcast %mul3A_189 : i32 to vector<16xi32>
      %mul3A_191 = arith.muli %add3A_188, %mul3A_190 : vector<16xi32>
      %add3A_192 = arith.addi %mul3A_185, %mul3A_191 : vector<16xi32>
      %add3A_193 = arith.constant 17 : i32
      %add3A_194 = vector.broadcast %add3A_193 : i32 to vector<16xi32>
      %add3A_195 = arith.addi %add3A_192, %add3A_194 : vector<16xi32>
      %swap3A = arith.constant 0 : index
      %swap3A_196 = tpu.vector_load %arg6[%swap3A] {strides = array<i32>} : memref<64xi32, #tpu.memory_space<vmem>>, vector<16xi32>,
      %swap3A_197 = vector.shape_cast %swap3A_196 : vector<16xi32> to vector<16xi32>
      %swap3A_198 = vector.shape_cast %add3A_195 : vector<16xi32> to vector<16xi32>
      tpu.vector_store %arg6[%swap3A], %swap3A_198 {strides = array<i32>} : memref<64xi32, #tpu.memory_space<vmem>>, vector<16xi32>,
      %add3A_199 = arith.constant 16 : i32
      %add3A_200 = vector.broadcast %add3A_199 : i32 to vector<16xi32>
      %add3A_201 = arith.addi %iota3A, %add3A_200 : vector<16xi32>
      %mul3A_202 = arith.constant 1536 : i32
      %mul3A_203 = vector.broadcast %mul3A_202 : i32 to vector<16xi32>
      %mul3A_204 = arith.muli %add3A_201, %mul3A_203 : vector<16xi32>
      %add3A_205 = arith.constant 6 : i32
      %add3A_206 = vector.broadcast %add3A_205 : i32 to vector<16xi32>
      %add3A_207 = arith.addi %get3A_1, %add3A_206 : vector<16xi32>
      %mul3A_208 = arith.constant 24 : i32
      %mul3A_209 = vector.broadcast %mul3A_208 : i32 to vector<16xi32>
      %mul3A_210 = arith.muli %add3A_207, %mul3A_209 : vector<16xi32>
      %add3A_211 = arith.addi %mul3A_204, %mul3A_210 : vector<16xi32>
      %add3A_212 = arith.constant 17 : i32
      %add3A_213 = vector.broadcast %add3A_212 : i32 to vector<16xi32>
      %add3A_214 = arith.addi %add3A_211, %add3A_213 : vector<16xi32>
      %swap3A_215 = arith.constant 16 : index
      %swap3A_216 = tpu.vector_load %arg6[%swap3A_215] {strides = array<i32>} : memref<64xi32, #tpu.memory_space<vmem>>, vector<16xi32>,
      %swap3A_217 = vector.shape_cast %swap3A_216 : vector<16xi32> to vector<16xi32>
      %swap3A_218 = vector.shape_cast %add3A_214 : vector<16xi32> to vector<16xi32>
      tpu.vector_store %arg6[%swap3A_215], %swap3A_218 {strides = array<i32>} : memref<64xi32, #tpu.memory_space<vmem>>, vector<16xi32>,
      %add3A_219 = arith.constant 32 : i32
      %add3A_220 = vector.broadcast %add3A_219 : i32 to vector<16xi32>
      %add3A_221 = arith.addi %iota3A, %add3A_220 : vector<16xi32>
      %mul3A_222 = arith.constant 1536 : i32
      %mul3A_223 = vector.broadcast %mul3A_222 : i32 to vector<16xi32>
      %mul3A_224 = arith.muli %add3A_221, %mul3A_223 : vector<16xi32>
      %add3A_225 = arith.constant 6 : i32
      %add3A_226 = vector.broadcast %add3A_225 : i32 to vector<16xi32>
      %add3A_227 = arith.addi %get3A_1, %add3A_226 : vector<16xi32>
      %mul3A_228 = arith.constant 24 : i32
      %mul3A_229 = vector.broadcast %mul3A_228 : i32 to vector<16xi32>
      %mul3A_230 = arith.muli %add3A_227, %mul3A_229 : vector<16xi32>
      %add3A_231 = arith.addi %mul3A_224, %mul3A_230 : vector<16xi32>
      %add3A_232 = arith.constant 17 : i32
      %add3A_233 = vector.broadcast %add3A_232 : i32 to vector<16xi32>
      %add3A_234 = arith.addi %add3A_231, %add3A_233 : vector<16xi32>
      %swap3A_235 = arith.constant 32 : index
      %swap3A_236 = tpu.vector_load %arg6[%swap3A_235] {strides = array<i32>} : memref<64xi32, #tpu.memory_space<vmem>>, vector<16xi32>,
      %swap3A_237 = vector.shape_cast %swap3A_236 : vector<16xi32> to vector<16xi32>
      %swap3A_238 = vector.shape_cast %add3A_234 : vector<16xi32> to vector<16xi32>
      tpu.vector_store %arg6[%swap3A_235], %swap3A_238 {strides = array<i32>} : memref<64xi32, #tpu.memory_space<vmem>>, vector<16xi32>,
      %add3A_239 = arith.constant 48 : i32
      %add3A_240 = vector.broadcast %add3A_239 : i32 to vector<16xi32>
      %add3A_241 = arith.addi %iota3A, %add3A_240 : vector<16xi32>
      %mul3A_242 = arith.constant 1536 : i32
      %mul3A_243 = vector.broadcast %mul3A_242 : i32 to vector<16xi32>
      %mul3A_244 = arith.muli %add3A_241, %mul3A_243 : vector<16xi32>
      %add3A_245 = arith.constant 6 : i32
      %add3A_246 = vector.broadcast %add3A_245 : i32 to vector<16xi32>
      %add3A_247 = arith.addi %get3A_1, %add3A_246 : vector<16xi32>
      %mul3A_248 = arith.constant 24 : i32
      %mul3A_249 = vector.broadcast %mul3A_248 : i32 to vector<16xi32>
      %mul3A_250 = arith.muli %add3A_247, %mul3A_249 : vector<16xi32>
      %add3A_251 = arith.addi %mul3A_244, %mul3A_250 : vector<16xi32>
      %add3A_252 = arith.constant 17 : i32
      %add3A_253 = vector.broadcast %add3A_252 : i32 to vector<16xi32>
      %add3A_254 = arith.addi %add3A_251, %add3A_253 : vector<16xi32>
      %swap3A_255 = arith.constant 48 : index
      %swap3A_256 = tpu.vector_load %arg6[%swap3A_255] {strides = array<i32>} : memref<64xi32, #tpu.memory_space<vmem>>, vector<16xi32>,
      %swap3A_257 = vector.shape_cast %swap3A_256 : vector<16xi32> to vector<16xi32>
      %swap3A_258 = vector.shape_cast %add3A_254 : vector<16xi32> to vector<16xi32>
      tpu.vector_store %arg6[%swap3A_255], %swap3A_258 {strides = array<i32>} : memref<64xi32, #tpu.memory_space<vmem>>, vector<16xi32>,
      %dma_start3A = arith.constant 0 : i32
      %dma_start3A_259 = arith.constant 0 : i32
      %dma_start3A_260 = tpu.memref_slice %arg3[%dma_start3A, %dma_start3A_259] : memref<98304x128xf32, #tpu.memory_space<hbm>> -> memref<98304x128xf32, #tpu.memory_space<hbm>>
      tpu.enqueue_indirect_dma source(%dma_start3A_260 : memref<98304x128xf32, #tpu.memory_space<hbm>>) target(%arg7 : memref<64x128xf32, #tpu.memory_space<vmem>>) offsets(%arg6 : memref<64xi32, #tpu.memory_space<vmem>>) semaphore(%arg8 : memref<!tpu.dma_semaphore, #tpu.memory_space<semaphore_mem>>)
      %dma_wait3A = arith.constant 0 : i32
      %dma_wait3A_261 = arith.constant 0 : i32
      %dma_wait3A_262 = tpu.memref_slice %arg3[%dma_wait3A, %dma_wait3A_261] : memref<98304x128xf32, #tpu.memory_space<hbm>> -> memref<98304x128xf32, #tpu.memory_space<hbm>>
      tpu.wait_indirect_dma semaphore(%arg8 : memref<!tpu.dma_semaphore, #tpu.memory_space<semaphore_mem>>) src(%dma_wait3A_262 : memref<98304x128xf32, #tpu.memory_space<hbm>>) dst(%arg7 : memref<64x128xf32, #tpu.memory_space<vmem>>)
      "tpu.region"() ({
        %run_scoped3A = tpu.sem_alloc : memref<!tpu.dma_semaphore, #tpu.memory_space<semaphore_mem>>
        %dma_start3A_263 = arith.constant 0 : i32
        %dma_start3A_264 = arith.constant 3456 : i32
        %dma_start3A_265 = tpu.memref_slice %arg4[%dma_start3A_263, %dma_start3A_264] : memref<64x4608xf32, #tpu.memory_space<hbm>> -> memref<64x128xf32, #tpu.memory_space<hbm>>
        %dma_start3A_266 = arith.constant 0 : i32
        %dma_start3A_267 = arith.constant 3456 : i32
        %dma_start3A_268 = tpu.memref_slice %arg4[%dma_start3A_266, %dma_start3A_267] : memref<64x4608xf32, #tpu.memory_space<hbm>> -> memref<64x128xf32, #tpu.memory_space<hbm>>
        tpu.enqueue_dma source(%arg7 : memref<64x128xf32, #tpu.memory_space<vmem>>) target(%dma_start3A_268 : memref<64x128xf32, #tpu.memory_space<hbm>>) target_semaphore(%run_scoped3A : memref<!tpu.dma_semaphore, #tpu.memory_space<semaphore_mem>>)
        %dma_wait3A_269 = arith.constant 0 : i32
        %dma_wait3A_270 = arith.constant 3456 : i32
        %dma_wait3A_271 = tpu.memref_slice %arg4[%dma_wait3A_269, %dma_wait3A_270] : memref<64x4608xf32, #tpu.memory_space<hbm>> -> memref<64x128xf32, #tpu.memory_space<hbm>>
        %dma_wait3A_272 = arith.constant 0 : i32
        %dma_wait3A_273 = arith.constant 3456 : i32
        %dma_wait3A_274 = tpu.memref_slice %arg4[%dma_wait3A_272, %dma_wait3A_273] : memref<64x4608xf32, #tpu.memory_space<hbm>> -> memref<64x128xf32, #tpu.memory_space<hbm>>
        tpu.wait_dma2 semaphore(%run_scoped3A : memref<!tpu.dma_semaphore, #tpu.memory_space<semaphore_mem>>) src(%arg7 : memref<64x128xf32, #tpu.memory_space<vmem>>) dst(%dma_wait3A_274 : memref<64x128xf32, #tpu.memory_space<hbm>>)
        tpu.yield
      }) : () -> ()
    } else {
    }
    %eq3A_140 = arith.constant 28 : i32
    %eq3A_141 = arith.cmpi eq, %add3A, %eq3A_140 : i32
    %convert_element_type3A_142 = arith.extui %eq3A_141 : i1 to i32
    %cond3A_143 = arith.constant 0 : i32
    %cond3A_144 = arith.cmpi ne, %convert_element_type3A_142, %cond3A_143 : i32
    scf.if %cond3A_144 {
      %add3A_180 = arith.constant 0 : i32
      %add3A_181 = vector.broadcast %add3A_180 : i32 to vector<16xi32>
      %add3A_182 = arith.addi %iota3A, %add3A_181 : vector<16xi32>
      %mul3A_183 = arith.constant 1536 : i32
      %mul3A_184 = vector.broadcast %mul3A_183 : i32 to vector<16xi32>
      %mul3A_185 = arith.muli %add3A_182, %mul3A_184 : vector<16xi32>
      %add3A_186 = arith.constant 7 : i32
      %add3A_187 = vector.broadcast %add3A_186 : i32 to vector<16xi32>
      %add3A_188 = arith.addi %get3A_1, %add3A_187 : vector<16xi32>
      %mul3A_189 = arith.constant 24 : i32
      %mul3A_190 = vector.broadcast %mul3A_189 : i32 to vector<16xi32>
      %mul3A_191 = arith.muli %add3A_188, %mul3A_190 : vector<16xi32>
      %add3A_192 = arith.addi %mul3A_185, %mul3A_191 : vector<16xi32>
      %add3A_193 = arith.constant 0 : i32
      %add3A_194 = vector.broadcast %add3A_193 : i32 to vector<16xi32>
      %add3A_195 = arith.addi %add3A_192, %add3A_194 : vector<16xi32>
      %swap3A = arith.constant 0 : index
      %swap3A_196 = tpu.vector_load %arg6[%swap3A] {strides = array<i32>} : memref<64xi32, #tpu.memory_space<vmem>>, vector<16xi32>,
      %swap3A_197 = vector.shape_cast %swap3A_196 : vector<16xi32> to vector<16xi32>
      %swap3A_198 = vector.shape_cast %add3A_195 : vector<16xi32> to vector<16xi32>
      tpu.vector_store %arg6[%swap3A], %swap3A_198 {strides = array<i32>} : memref<64xi32, #tpu.memory_space<vmem>>, vector<16xi32>,
      %add3A_199 = arith.constant 16 : i32
      %add3A_200 = vector.broadcast %add3A_199 : i32 to vector<16xi32>
      %add3A_201 = arith.addi %iota3A, %add3A_200 : vector<16xi32>
      %mul3A_202 = arith.constant 1536 : i32
      %mul3A_203 = vector.broadcast %mul3A_202 : i32 to vector<16xi32>
      %mul3A_204 = arith.muli %add3A_201, %mul3A_203 : vector<16xi32>
      %add3A_205 = arith.constant 7 : i32
      %add3A_206 = vector.broadcast %add3A_205 : i32 to vector<16xi32>
      %add3A_207 = arith.addi %get3A_1, %add3A_206 : vector<16xi32>
      %mul3A_208 = arith.constant 24 : i32
      %mul3A_209 = vector.broadcast %mul3A_208 : i32 to vector<16xi32>
      %mul3A_210 = arith.muli %add3A_207, %mul3A_209 : vector<16xi32>
      %add3A_211 = arith.addi %mul3A_204, %mul3A_210 : vector<16xi32>
      %add3A_212 = arith.constant 0 : i32
      %add3A_213 = vector.broadcast %add3A_212 : i32 to vector<16xi32>
      %add3A_214 = arith.addi %add3A_211, %add3A_213 : vector<16xi32>
      %swap3A_215 = arith.constant 16 : index
      %swap3A_216 = tpu.vector_load %arg6[%swap3A_215] {strides = array<i32>} : memref<64xi32, #tpu.memory_space<vmem>>, vector<16xi32>,
      %swap3A_217 = vector.shape_cast %swap3A_216 : vector<16xi32> to vector<16xi32>
      %swap3A_218 = vector.shape_cast %add3A_214 : vector<16xi32> to vector<16xi32>
      tpu.vector_store %arg6[%swap3A_215], %swap3A_218 {strides = array<i32>} : memref<64xi32, #tpu.memory_space<vmem>>, vector<16xi32>,
      %add3A_219 = arith.constant 32 : i32
      %add3A_220 = vector.broadcast %add3A_219 : i32 to vector<16xi32>
      %add3A_221 = arith.addi %iota3A, %add3A_220 : vector<16xi32>
      %mul3A_222 = arith.constant 1536 : i32
      %mul3A_223 = vector.broadcast %mul3A_222 : i32 to vector<16xi32>
      %mul3A_224 = arith.muli %add3A_221, %mul3A_223 : vector<16xi32>
      %add3A_225 = arith.constant 7 : i32
      %add3A_226 = vector.broadcast %add3A_225 : i32 to vector<16xi32>
      %add3A_227 = arith.addi %get3A_1, %add3A_226 : vector<16xi32>
      %mul3A_228 = arith.constant 24 : i32
      %mul3A_229 = vector.broadcast %mul3A_228 : i32 to vector<16xi32>
      %mul3A_230 = arith.muli %add3A_227, %mul3A_229 : vector<16xi32>
      %add3A_231 = arith.addi %mul3A_224, %mul3A_230 : vector<16xi32>
      %add3A_232 = arith.constant 0 : i32
      %add3A_233 = vector.broadcast %add3A_232 : i32 to vector<16xi32>
      %add3A_234 = arith.addi %add3A_231, %add3A_233 : vector<16xi32>
      %swap3A_235 = arith.constant 32 : index
      %swap3A_236 = tpu.vector_load %arg6[%swap3A_235] {strides = array<i32>} : memref<64xi32, #tpu.memory_space<vmem>>, vector<16xi32>,
      %swap3A_237 = vector.shape_cast %swap3A_236 : vector<16xi32> to vector<16xi32>
      %swap3A_238 = vector.shape_cast %add3A_234 : vector<16xi32> to vector<16xi32>
      tpu.vector_store %arg6[%swap3A_235], %swap3A_238 {strides = array<i32>} : memref<64xi32, #tpu.memory_space<vmem>>, vector<16xi32>,
      %add3A_239 = arith.constant 48 : i32
      %add3A_240 = vector.broadcast %add3A_239 : i32 to vector<16xi32>
      %add3A_241 = arith.addi %iota3A, %add3A_240 : vector<16xi32>
      %mul3A_242 = arith.constant 1536 : i32
      %mul3A_243 = vector.broadcast %mul3A_242 : i32 to vector<16xi32>
      %mul3A_244 = arith.muli %add3A_241, %mul3A_243 : vector<16xi32>
      %add3A_245 = arith.constant 7 : i32
      %add3A_246 = vector.broadcast %add3A_245 : i32 to vector<16xi32>
      %add3A_247 = arith.addi %get3A_1, %add3A_246 : vector<16xi32>
      %mul3A_248 = arith.constant 24 : i32
      %mul3A_249 = vector.broadcast %mul3A_248 : i32 to vector<16xi32>
      %mul3A_250 = arith.muli %add3A_247, %mul3A_249 : vector<16xi32>
      %add3A_251 = arith.addi %mul3A_244, %mul3A_250 : vector<16xi32>
      %add3A_252 = arith.constant 0 : i32
      %add3A_253 = vector.broadcast %add3A_252 : i32 to vector<16xi32>
      %add3A_254 = arith.addi %add3A_251, %add3A_253 : vector<16xi32>
      %swap3A_255 = arith.constant 48 : index
      %swap3A_256 = tpu.vector_load %arg6[%swap3A_255] {strides = array<i32>} : memref<64xi32, #tpu.memory_space<vmem>>, vector<16xi32>,
      %swap3A_257 = vector.shape_cast %swap3A_256 : vector<16xi32> to vector<16xi32>
      %swap3A_258 = vector.shape_cast %add3A_254 : vector<16xi32> to vector<16xi32>
      tpu.vector_store %arg6[%swap3A_255], %swap3A_258 {strides = array<i32>} : memref<64xi32, #tpu.memory_space<vmem>>, vector<16xi32>,
      %dma_start3A = arith.constant 0 : i32
      %dma_start3A_259 = arith.constant 0 : i32
      %dma_start3A_260 = tpu.memref_slice %arg3[%dma_start3A, %dma_start3A_259] : memref<98304x128xf32, #tpu.memory_space<hbm>> -> memref<98304x128xf32, #tpu.memory_space<hbm>>
      tpu.enqueue_indirect_dma source(%dma_start3A_260 : memref<98304x128xf32, #tpu.memory_space<hbm>>) target(%arg7 : memref<64x128xf32, #tpu.memory_space<vmem>>) offsets(%arg6 : memref<64xi32, #tpu.memory_space<vmem>>) semaphore(%arg8 : memref<!tpu.dma_semaphore, #tpu.memory_space<semaphore_mem>>)
      %dma_wait3A = arith.constant 0 : i32
      %dma_wait3A_261 = arith.constant 0 : i32
      %dma_wait3A_262 = tpu.memref_slice %arg3[%dma_wait3A, %dma_wait3A_261] : memref<98304x128xf32, #tpu.memory_space<hbm>> -> memref<98304x128xf32, #tpu.memory_space<hbm>>
      tpu.wait_indirect_dma semaphore(%arg8 : memref<!tpu.dma_semaphore, #tpu.memory_space<semaphore_mem>>) src(%dma_wait3A_262 : memref<98304x128xf32, #tpu.memory_space<hbm>>) dst(%arg7 : memref<64x128xf32, #tpu.memory_space<vmem>>)
      "tpu.region"() ({
        %run_scoped3A = tpu.sem_alloc : memref<!tpu.dma_semaphore, #tpu.memory_space<semaphore_mem>>
        %dma_start3A_263 = arith.constant 0 : i32
        %dma_start3A_264 = arith.constant 3584 : i32
        %dma_start3A_265 = tpu.memref_slice %arg4[%dma_start3A_263, %dma_start3A_264] : memref<64x4608xf32, #tpu.memory_space<hbm>> -> memref<64x128xf32, #tpu.memory_space<hbm>>
        %dma_start3A_266 = arith.constant 0 : i32
        %dma_start3A_267 = arith.constant 3584 : i32
        %dma_start3A_268 = tpu.memref_slice %arg4[%dma_start3A_266, %dma_start3A_267] : memref<64x4608xf32, #tpu.memory_space<hbm>> -> memref<64x128xf32, #tpu.memory_space<hbm>>
        tpu.enqueue_dma source(%arg7 : memref<64x128xf32, #tpu.memory_space<vmem>>) target(%dma_start3A_268 : memref<64x128xf32, #tpu.memory_space<hbm>>) target_semaphore(%run_scoped3A : memref<!tpu.dma_semaphore, #tpu.memory_space<semaphore_mem>>)
        %dma_wait3A_269 = arith.constant 0 : i32
        %dma_wait3A_270 = arith.constant 3584 : i32
        %dma_wait3A_271 = tpu.memref_slice %arg4[%dma_wait3A_269, %dma_wait3A_270] : memref<64x4608xf32, #tpu.memory_space<hbm>> -> memref<64x128xf32, #tpu.memory_space<hbm>>
        %dma_wait3A_272 = arith.constant 0 : i32
        %dma_wait3A_273 = arith.constant 3584 : i32
        %dma_wait3A_274 = tpu.memref_slice %arg4[%dma_wait3A_272, %dma_wait3A_273] : memref<64x4608xf32, #tpu.memory_space<hbm>> -> memref<64x128xf32, #tpu.memory_space<hbm>>
        tpu.wait_dma2 semaphore(%run_scoped3A : memref<!tpu.dma_semaphore, #tpu.memory_space<semaphore_mem>>) src(%arg7 : memref<64x128xf32, #tpu.memory_space<vmem>>) dst(%dma_wait3A_274 : memref<64x128xf32, #tpu.memory_space<hbm>>)
        tpu.yield
      }) : () -> ()
    } else {
    }
    %eq3A_145 = arith.constant 29 : i32
    %eq3A_146 = arith.cmpi eq, %add3A, %eq3A_145 : i32
    %convert_element_type3A_147 = arith.extui %eq3A_146 : i1 to i32
    %cond3A_148 = arith.constant 0 : i32
    %cond3A_149 = arith.cmpi ne, %convert_element_type3A_147, %cond3A_148 : i32
    scf.if %cond3A_149 {
      %add3A_180 = arith.constant 0 : i32
      %add3A_181 = vector.broadcast %add3A_180 : i32 to vector<16xi32>
      %add3A_182 = arith.addi %iota3A, %add3A_181 : vector<16xi32>
      %mul3A_183 = arith.constant 1536 : i32
      %mul3A_184 = vector.broadcast %mul3A_183 : i32 to vector<16xi32>
      %mul3A_185 = arith.muli %add3A_182, %mul3A_184 : vector<16xi32>
      %add3A_186 = arith.constant 7 : i32
      %add3A_187 = vector.broadcast %add3A_186 : i32 to vector<16xi32>
      %add3A_188 = arith.addi %get3A_1, %add3A_187 : vector<16xi32>
      %mul3A_189 = arith.constant 24 : i32
      %mul3A_190 = vector.broadcast %mul3A_189 : i32 to vector<16xi32>
      %mul3A_191 = arith.muli %add3A_188, %mul3A_190 : vector<16xi32>
      %add3A_192 = arith.addi %mul3A_185, %mul3A_191 : vector<16xi32>
      %add3A_193 = arith.constant 5 : i32
      %add3A_194 = vector.broadcast %add3A_193 : i32 to vector<16xi32>
      %add3A_195 = arith.addi %add3A_192, %add3A_194 : vector<16xi32>
      %swap3A = arith.constant 0 : index
      %swap3A_196 = tpu.vector_load %arg6[%swap3A] {strides = array<i32>} : memref<64xi32, #tpu.memory_space<vmem>>, vector<16xi32>,
      %swap3A_197 = vector.shape_cast %swap3A_196 : vector<16xi32> to vector<16xi32>
      %swap3A_198 = vector.shape_cast %add3A_195 : vector<16xi32> to vector<16xi32>
      tpu.vector_store %arg6[%swap3A], %swap3A_198 {strides = array<i32>} : memref<64xi32, #tpu.memory_space<vmem>>, vector<16xi32>,
      %add3A_199 = arith.constant 16 : i32
      %add3A_200 = vector.broadcast %add3A_199 : i32 to vector<16xi32>
      %add3A_201 = arith.addi %iota3A, %add3A_200 : vector<16xi32>
      %mul3A_202 = arith.constant 1536 : i32
      %mul3A_203 = vector.broadcast %mul3A_202 : i32 to vector<16xi32>
      %mul3A_204 = arith.muli %add3A_201, %mul3A_203 : vector<16xi32>
      %add3A_205 = arith.constant 7 : i32
      %add3A_206 = vector.broadcast %add3A_205 : i32 to vector<16xi32>
      %add3A_207 = arith.addi %get3A_1, %add3A_206 : vector<16xi32>
      %mul3A_208 = arith.constant 24 : i32
      %mul3A_209 = vector.broadcast %mul3A_208 : i32 to vector<16xi32>
      %mul3A_210 = arith.muli %add3A_207, %mul3A_209 : vector<16xi32>
      %add3A_211 = arith.addi %mul3A_204, %mul3A_210 : vector<16xi32>
      %add3A_212 = arith.constant 5 : i32
      %add3A_213 = vector.broadcast %add3A_212 : i32 to vector<16xi32>
      %add3A_214 = arith.addi %add3A_211, %add3A_213 : vector<16xi32>
      %swap3A_215 = arith.constant 16 : index
      %swap3A_216 = tpu.vector_load %arg6[%swap3A_215] {strides = array<i32>} : memref<64xi32, #tpu.memory_space<vmem>>, vector<16xi32>,
      %swap3A_217 = vector.shape_cast %swap3A_216 : vector<16xi32> to vector<16xi32>
      %swap3A_218 = vector.shape_cast %add3A_214 : vector<16xi32> to vector<16xi32>
      tpu.vector_store %arg6[%swap3A_215], %swap3A_218 {strides = array<i32>} : memref<64xi32, #tpu.memory_space<vmem>>, vector<16xi32>,
      %add3A_219 = arith.constant 32 : i32
      %add3A_220 = vector.broadcast %add3A_219 : i32 to vector<16xi32>
      %add3A_221 = arith.addi %iota3A, %add3A_220 : vector<16xi32>
      %mul3A_222 = arith.constant 1536 : i32
      %mul3A_223 = vector.broadcast %mul3A_222 : i32 to vector<16xi32>
      %mul3A_224 = arith.muli %add3A_221, %mul3A_223 : vector<16xi32>
      %add3A_225 = arith.constant 7 : i32
      %add3A_226 = vector.broadcast %add3A_225 : i32 to vector<16xi32>
      %add3A_227 = arith.addi %get3A_1, %add3A_226 : vector<16xi32>
      %mul3A_228 = arith.constant 24 : i32
      %mul3A_229 = vector.broadcast %mul3A_228 : i32 to vector<16xi32>
      %mul3A_230 = arith.muli %add3A_227, %mul3A_229 : vector<16xi32>
      %add3A_231 = arith.addi %mul3A_224, %mul3A_230 : vector<16xi32>
      %add3A_232 = arith.constant 5 : i32
      %add3A_233 = vector.broadcast %add3A_232 : i32 to vector<16xi32>
      %add3A_234 = arith.addi %add3A_231, %add3A_233 : vector<16xi32>
      %swap3A_235 = arith.constant 32 : index
      %swap3A_236 = tpu.vector_load %arg6[%swap3A_235] {strides = array<i32>} : memref<64xi32, #tpu.memory_space<vmem>>, vector<16xi32>,
      %swap3A_237 = vector.shape_cast %swap3A_236 : vector<16xi32> to vector<16xi32>
      %swap3A_238 = vector.shape_cast %add3A_234 : vector<16xi32> to vector<16xi32>
      tpu.vector_store %arg6[%swap3A_235], %swap3A_238 {strides = array<i32>} : memref<64xi32, #tpu.memory_space<vmem>>, vector<16xi32>,
      %add3A_239 = arith.constant 48 : i32
      %add3A_240 = vector.broadcast %add3A_239 : i32 to vector<16xi32>
      %add3A_241 = arith.addi %iota3A, %add3A_240 : vector<16xi32>
      %mul3A_242 = arith.constant 1536 : i32
      %mul3A_243 = vector.broadcast %mul3A_242 : i32 to vector<16xi32>
      %mul3A_244 = arith.muli %add3A_241, %mul3A_243 : vector<16xi32>
      %add3A_245 = arith.constant 7 : i32
      %add3A_246 = vector.broadcast %add3A_245 : i32 to vector<16xi32>
      %add3A_247 = arith.addi %get3A_1, %add3A_246 : vector<16xi32>
      %mul3A_248 = arith.constant 24 : i32
      %mul3A_249 = vector.broadcast %mul3A_248 : i32 to vector<16xi32>
      %mul3A_250 = arith.muli %add3A_247, %mul3A_249 : vector<16xi32>
      %add3A_251 = arith.addi %mul3A_244, %mul3A_250 : vector<16xi32>
      %add3A_252 = arith.constant 5 : i32
      %add3A_253 = vector.broadcast %add3A_252 : i32 to vector<16xi32>
      %add3A_254 = arith.addi %add3A_251, %add3A_253 : vector<16xi32>
      %swap3A_255 = arith.constant 48 : index
      %swap3A_256 = tpu.vector_load %arg6[%swap3A_255] {strides = array<i32>} : memref<64xi32, #tpu.memory_space<vmem>>, vector<16xi32>,
      %swap3A_257 = vector.shape_cast %swap3A_256 : vector<16xi32> to vector<16xi32>
      %swap3A_258 = vector.shape_cast %add3A_254 : vector<16xi32> to vector<16xi32>
      tpu.vector_store %arg6[%swap3A_255], %swap3A_258 {strides = array<i32>} : memref<64xi32, #tpu.memory_space<vmem>>, vector<16xi32>,
      %dma_start3A = arith.constant 0 : i32
      %dma_start3A_259 = arith.constant 0 : i32
      %dma_start3A_260 = tpu.memref_slice %arg3[%dma_start3A, %dma_start3A_259] : memref<98304x128xf32, #tpu.memory_space<hbm>> -> memref<98304x128xf32, #tpu.memory_space<hbm>>
      tpu.enqueue_indirect_dma source(%dma_start3A_260 : memref<98304x128xf32, #tpu.memory_space<hbm>>) target(%arg7 : memref<64x128xf32, #tpu.memory_space<vmem>>) offsets(%arg6 : memref<64xi32, #tpu.memory_space<vmem>>) semaphore(%arg8 : memref<!tpu.dma_semaphore, #tpu.memory_space<semaphore_mem>>)
      %dma_wait3A = arith.constant 0 : i32
      %dma_wait3A_261 = arith.constant 0 : i32
      %dma_wait3A_262 = tpu.memref_slice %arg3[%dma_wait3A, %dma_wait3A_261] : memref<98304x128xf32, #tpu.memory_space<hbm>> -> memref<98304x128xf32, #tpu.memory_space<hbm>>
      tpu.wait_indirect_dma semaphore(%arg8 : memref<!tpu.dma_semaphore, #tpu.memory_space<semaphore_mem>>) src(%dma_wait3A_262 : memref<98304x128xf32, #tpu.memory_space<hbm>>) dst(%arg7 : memref<64x128xf32, #tpu.memory_space<vmem>>)
      "tpu.region"() ({
        %run_scoped3A = tpu.sem_alloc : memref<!tpu.dma_semaphore, #tpu.memory_space<semaphore_mem>>
        %dma_start3A_263 = arith.constant 0 : i32
        %dma_start3A_264 = arith.constant 3712 : i32
        %dma_start3A_265 = tpu.memref_slice %arg4[%dma_start3A_263, %dma_start3A_264] : memref<64x4608xf32, #tpu.memory_space<hbm>> -> memref<64x128xf32, #tpu.memory_space<hbm>>
        %dma_start3A_266 = arith.constant 0 : i32
        %dma_start3A_267 = arith.constant 3712 : i32
        %dma_start3A_268 = tpu.memref_slice %arg4[%dma_start3A_266, %dma_start3A_267] : memref<64x4608xf32, #tpu.memory_space<hbm>> -> memref<64x128xf32, #tpu.memory_space<hbm>>
        tpu.enqueue_dma source(%arg7 : memref<64x128xf32, #tpu.memory_space<vmem>>) target(%dma_start3A_268 : memref<64x128xf32, #tpu.memory_space<hbm>>) target_semaphore(%run_scoped3A : memref<!tpu.dma_semaphore, #tpu.memory_space<semaphore_mem>>)
        %dma_wait3A_269 = arith.constant 0 : i32
        %dma_wait3A_270 = arith.constant 3712 : i32
        %dma_wait3A_271 = tpu.memref_slice %arg4[%dma_wait3A_269, %dma_wait3A_270] : memref<64x4608xf32, #tpu.memory_space<hbm>> -> memref<64x128xf32, #tpu.memory_space<hbm>>
        %dma_wait3A_272 = arith.constant 0 : i32
        %dma_wait3A_273 = arith.constant 3712 : i32
        %dma_wait3A_274 = tpu.memref_slice %arg4[%dma_wait3A_272, %dma_wait3A_273] : memref<64x4608xf32, #tpu.memory_space<hbm>> -> memref<64x128xf32, #tpu.memory_space<hbm>>
        tpu.wait_dma2 semaphore(%run_scoped3A : memref<!tpu.dma_semaphore, #tpu.memory_space<semaphore_mem>>) src(%arg7 : memref<64x128xf32, #tpu.memory_space<vmem>>) dst(%dma_wait3A_274 : memref<64x128xf32, #tpu.memory_space<hbm>>)
        tpu.yield
      }) : () -> ()
    } else {
    }
    %eq3A_150 = arith.constant 30 : i32
    %eq3A_151 = arith.cmpi eq, %add3A, %eq3A_150 : i32
    %convert_element_type3A_152 = arith.extui %eq3A_151 : i1 to i32
    %cond3A_153 = arith.constant 0 : i32
    %cond3A_154 = arith.cmpi ne, %convert_element_type3A_152, %cond3A_153 : i32
    scf.if %cond3A_154 {
      %add3A_180 = arith.constant 0 : i32
      %add3A_181 = vector.broadcast %add3A_180 : i32 to vector<16xi32>
      %add3A_182 = arith.addi %iota3A, %add3A_181 : vector<16xi32>
      %mul3A_183 = arith.constant 1536 : i32
      %mul3A_184 = vector.broadcast %mul3A_183 : i32 to vector<16xi32>
      %mul3A_185 = arith.muli %add3A_182, %mul3A_184 : vector<16xi32>
      %add3A_186 = arith.constant 7 : i32
      %add3A_187 = vector.broadcast %add3A_186 : i32 to vector<16xi32>
      %add3A_188 = arith.addi %get3A_1, %add3A_187 : vector<16xi32>
      %mul3A_189 = arith.constant 24 : i32
      %mul3A_190 = vector.broadcast %mul3A_189 : i32 to vector<16xi32>
      %mul3A_191 = arith.muli %add3A_188, %mul3A_190 : vector<16xi32>
      %add3A_192 = arith.addi %mul3A_185, %mul3A_191 : vector<16xi32>
      %add3A_193 = arith.constant 11 : i32
      %add3A_194 = vector.broadcast %add3A_193 : i32 to vector<16xi32>
      %add3A_195 = arith.addi %add3A_192, %add3A_194 : vector<16xi32>
      %swap3A = arith.constant 0 : index
      %swap3A_196 = tpu.vector_load %arg6[%swap3A] {strides = array<i32>} : memref<64xi32, #tpu.memory_space<vmem>>, vector<16xi32>,
      %swap3A_197 = vector.shape_cast %swap3A_196 : vector<16xi32> to vector<16xi32>
      %swap3A_198 = vector.shape_cast %add3A_195 : vector<16xi32> to vector<16xi32>
      tpu.vector_store %arg6[%swap3A], %swap3A_198 {strides = array<i32>} : memref<64xi32, #tpu.memory_space<vmem>>, vector<16xi32>,
      %add3A_199 = arith.constant 16 : i32
      %add3A_200 = vector.broadcast %add3A_199 : i32 to vector<16xi32>
      %add3A_201 = arith.addi %iota3A, %add3A_200 : vector<16xi32>
      %mul3A_202 = arith.constant 1536 : i32
      %mul3A_203 = vector.broadcast %mul3A_202 : i32 to vector<16xi32>
      %mul3A_204 = arith.muli %add3A_201, %mul3A_203 : vector<16xi32>
      %add3A_205 = arith.constant 7 : i32
      %add3A_206 = vector.broadcast %add3A_205 : i32 to vector<16xi32>
      %add3A_207 = arith.addi %get3A_1, %add3A_206 : vector<16xi32>
      %mul3A_208 = arith.constant 24 : i32
      %mul3A_209 = vector.broadcast %mul3A_208 : i32 to vector<16xi32>
      %mul3A_210 = arith.muli %add3A_207, %mul3A_209 : vector<16xi32>
      %add3A_211 = arith.addi %mul3A_204, %mul3A_210 : vector<16xi32>
      %add3A_212 = arith.constant 11 : i32
      %add3A_213 = vector.broadcast %add3A_212 : i32 to vector<16xi32>
      %add3A_214 = arith.addi %add3A_211, %add3A_213 : vector<16xi32>
      %swap3A_215 = arith.constant 16 : index
      %swap3A_216 = tpu.vector_load %arg6[%swap3A_215] {strides = array<i32>} : memref<64xi32, #tpu.memory_space<vmem>>, vector<16xi32>,
      %swap3A_217 = vector.shape_cast %swap3A_216 : vector<16xi32> to vector<16xi32>
      %swap3A_218 = vector.shape_cast %add3A_214 : vector<16xi32> to vector<16xi32>
      tpu.vector_store %arg6[%swap3A_215], %swap3A_218 {strides = array<i32>} : memref<64xi32, #tpu.memory_space<vmem>>, vector<16xi32>,
      %add3A_219 = arith.constant 32 : i32
      %add3A_220 = vector.broadcast %add3A_219 : i32 to vector<16xi32>
      %add3A_221 = arith.addi %iota3A, %add3A_220 : vector<16xi32>
      %mul3A_222 = arith.constant 1536 : i32
      %mul3A_223 = vector.broadcast %mul3A_222 : i32 to vector<16xi32>
      %mul3A_224 = arith.muli %add3A_221, %mul3A_223 : vector<16xi32>
      %add3A_225 = arith.constant 7 : i32
      %add3A_226 = vector.broadcast %add3A_225 : i32 to vector<16xi32>
      %add3A_227 = arith.addi %get3A_1, %add3A_226 : vector<16xi32>
      %mul3A_228 = arith.constant 24 : i32
      %mul3A_229 = vector.broadcast %mul3A_228 : i32 to vector<16xi32>
      %mul3A_230 = arith.muli %add3A_227, %mul3A_229 : vector<16xi32>
      %add3A_231 = arith.addi %mul3A_224, %mul3A_230 : vector<16xi32>
      %add3A_232 = arith.constant 11 : i32
      %add3A_233 = vector.broadcast %add3A_232 : i32 to vector<16xi32>
      %add3A_234 = arith.addi %add3A_231, %add3A_233 : vector<16xi32>
      %swap3A_235 = arith.constant 32 : index
      %swap3A_236 = tpu.vector_load %arg6[%swap3A_235] {strides = array<i32>} : memref<64xi32, #tpu.memory_space<vmem>>, vector<16xi32>,
      %swap3A_237 = vector.shape_cast %swap3A_236 : vector<16xi32> to vector<16xi32>
      %swap3A_238 = vector.shape_cast %add3A_234 : vector<16xi32> to vector<16xi32>
      tpu.vector_store %arg6[%swap3A_235], %swap3A_238 {strides = array<i32>} : memref<64xi32, #tpu.memory_space<vmem>>, vector<16xi32>,
      %add3A_239 = arith.constant 48 : i32
      %add3A_240 = vector.broadcast %add3A_239 : i32 to vector<16xi32>
      %add3A_241 = arith.addi %iota3A, %add3A_240 : vector<16xi32>
      %mul3A_242 = arith.constant 1536 : i32
      %mul3A_243 = vector.broadcast %mul3A_242 : i32 to vector<16xi32>
      %mul3A_244 = arith.muli %add3A_241, %mul3A_243 : vector<16xi32>
      %add3A_245 = arith.constant 7 : i32
      %add3A_246 = vector.broadcast %add3A_245 : i32 to vector<16xi32>
      %add3A_247 = arith.addi %get3A_1, %add3A_246 : vector<16xi32>
      %mul3A_248 = arith.constant 24 : i32
      %mul3A_249 = vector.broadcast %mul3A_248 : i32 to vector<16xi32>
      %mul3A_250 = arith.muli %add3A_247, %mul3A_249 : vector<16xi32>
      %add3A_251 = arith.addi %mul3A_244, %mul3A_250 : vector<16xi32>
      %add3A_252 = arith.constant 11 : i32
      %add3A_253 = vector.broadcast %add3A_252 : i32 to vector<16xi32>
      %add3A_254 = arith.addi %add3A_251, %add3A_253 : vector<16xi32>
      %swap3A_255 = arith.constant 48 : index
      %swap3A_256 = tpu.vector_load %arg6[%swap3A_255] {strides = array<i32>} : memref<64xi32, #tpu.memory_space<vmem>>, vector<16xi32>,
      %swap3A_257 = vector.shape_cast %swap3A_256 : vector<16xi32> to vector<16xi32>
      %swap3A_258 = vector.shape_cast %add3A_254 : vector<16xi32> to vector<16xi32>
      tpu.vector_store %arg6[%swap3A_255], %swap3A_258 {strides = array<i32>} : memref<64xi32, #tpu.memory_space<vmem>>, vector<16xi32>,
      %dma_start3A = arith.constant 0 : i32
      %dma_start3A_259 = arith.constant 0 : i32
      %dma_start3A_260 = tpu.memref_slice %arg3[%dma_start3A, %dma_start3A_259] : memref<98304x128xf32, #tpu.memory_space<hbm>> -> memref<98304x128xf32, #tpu.memory_space<hbm>>
      tpu.enqueue_indirect_dma source(%dma_start3A_260 : memref<98304x128xf32, #tpu.memory_space<hbm>>) target(%arg7 : memref<64x128xf32, #tpu.memory_space<vmem>>) offsets(%arg6 : memref<64xi32, #tpu.memory_space<vmem>>) semaphore(%arg8 : memref<!tpu.dma_semaphore, #tpu.memory_space<semaphore_mem>>)
      %dma_wait3A = arith.constant 0 : i32
      %dma_wait3A_261 = arith.constant 0 : i32
      %dma_wait3A_262 = tpu.memref_slice %arg3[%dma_wait3A, %dma_wait3A_261] : memref<98304x128xf32, #tpu.memory_space<hbm>> -> memref<98304x128xf32, #tpu.memory_space<hbm>>
      tpu.wait_indirect_dma semaphore(%arg8 : memref<!tpu.dma_semaphore, #tpu.memory_space<semaphore_mem>>) src(%dma_wait3A_262 : memref<98304x128xf32, #tpu.memory_space<hbm>>) dst(%arg7 : memref<64x128xf32, #tpu.memory_space<vmem>>)
      "tpu.region"() ({
        %run_scoped3A = tpu.sem_alloc : memref<!tpu.dma_semaphore, #tpu.memory_space<semaphore_mem>>
        %dma_start3A_263 = arith.constant 0 : i32
        %dma_start3A_264 = arith.constant 3840 : i32
        %dma_start3A_265 = tpu.memref_slice %arg4[%dma_start3A_263, %dma_start3A_264] : memref<64x4608xf32, #tpu.memory_space<hbm>> -> memref<64x128xf32, #tpu.memory_space<hbm>>
        %dma_start3A_266 = arith.constant 0 : i32
        %dma_start3A_267 = arith.constant 3840 : i32
        %dma_start3A_268 = tpu.memref_slice %arg4[%dma_start3A_266, %dma_start3A_267] : memref<64x4608xf32, #tpu.memory_space<hbm>> -> memref<64x128xf32, #tpu.memory_space<hbm>>
        tpu.enqueue_dma source(%arg7 : memref<64x128xf32, #tpu.memory_space<vmem>>) target(%dma_start3A_268 : memref<64x128xf32, #tpu.memory_space<hbm>>) target_semaphore(%run_scoped3A : memref<!tpu.dma_semaphore, #tpu.memory_space<semaphore_mem>>)
        %dma_wait3A_269 = arith.constant 0 : i32
        %dma_wait3A_270 = arith.constant 3840 : i32
        %dma_wait3A_271 = tpu.memref_slice %arg4[%dma_wait3A_269, %dma_wait3A_270] : memref<64x4608xf32, #tpu.memory_space<hbm>> -> memref<64x128xf32, #tpu.memory_space<hbm>>
        %dma_wait3A_272 = arith.constant 0 : i32
        %dma_wait3A_273 = arith.constant 3840 : i32
        %dma_wait3A_274 = tpu.memref_slice %arg4[%dma_wait3A_272, %dma_wait3A_273] : memref<64x4608xf32, #tpu.memory_space<hbm>> -> memref<64x128xf32, #tpu.memory_space<hbm>>
        tpu.wait_dma2 semaphore(%run_scoped3A : memref<!tpu.dma_semaphore, #tpu.memory_space<semaphore_mem>>) src(%arg7 : memref<64x128xf32, #tpu.memory_space<vmem>>) dst(%dma_wait3A_274 : memref<64x128xf32, #tpu.memory_space<hbm>>)
        tpu.yield
      }) : () -> ()
    } else {
    }
    %eq3A_155 = arith.constant 31 : i32
    %eq3A_156 = arith.cmpi eq, %add3A, %eq3A_155 : i32
    %convert_element_type3A_157 = arith.extui %eq3A_156 : i1 to i32
    %cond3A_158 = arith.constant 0 : i32
    %cond3A_159 = arith.cmpi ne, %convert_element_type3A_157, %cond3A_158 : i32
    scf.if %cond3A_159 {
      %add3A_180 = arith.constant 0 : i32
      %add3A_181 = vector.broadcast %add3A_180 : i32 to vector<16xi32>
      %add3A_182 = arith.addi %iota3A, %add3A_181 : vector<16xi32>
      %mul3A_183 = arith.constant 1536 : i32
      %mul3A_184 = vector.broadcast %mul3A_183 : i32 to vector<16xi32>
      %mul3A_185 = arith.muli %add3A_182, %mul3A_184 : vector<16xi32>
      %add3A_186 = arith.constant 7 : i32
      %add3A_187 = vector.broadcast %add3A_186 : i32 to vector<16xi32>
      %add3A_188 = arith.addi %get3A_1, %add3A_187 : vector<16xi32>
      %mul3A_189 = arith.constant 24 : i32
      %mul3A_190 = vector.broadcast %mul3A_189 : i32 to vector<16xi32>
      %mul3A_191 = arith.muli %add3A_188, %mul3A_190 : vector<16xi32>
      %add3A_192 = arith.addi %mul3A_185, %mul3A_191 : vector<16xi32>
      %add3A_193 = arith.constant 17 : i32
      %add3A_194 = vector.broadcast %add3A_193 : i32 to vector<16xi32>
      %add3A_195 = arith.addi %add3A_192, %add3A_194 : vector<16xi32>
      %swap3A = arith.constant 0 : index
      %swap3A_196 = tpu.vector_load %arg6[%swap3A] {strides = array<i32>} : memref<64xi32, #tpu.memory_space<vmem>>, vector<16xi32>,
      %swap3A_197 = vector.shape_cast %swap3A_196 : vector<16xi32> to vector<16xi32>
      %swap3A_198 = vector.shape_cast %add3A_195 : vector<16xi32> to vector<16xi32>
      tpu.vector_store %arg6[%swap3A], %swap3A_198 {strides = array<i32>} : memref<64xi32, #tpu.memory_space<vmem>>, vector<16xi32>,
      %add3A_199 = arith.constant 16 : i32
      %add3A_200 = vector.broadcast %add3A_199 : i32 to vector<16xi32>
      %add3A_201 = arith.addi %iota3A, %add3A_200 : vector<16xi32>
      %mul3A_202 = arith.constant 1536 : i32
      %mul3A_203 = vector.broadcast %mul3A_202 : i32 to vector<16xi32>
      %mul3A_204 = arith.muli %add3A_201, %mul3A_203 : vector<16xi32>
      %add3A_205 = arith.constant 7 : i32
      %add3A_206 = vector.broadcast %add3A_205 : i32 to vector<16xi32>
      %add3A_207 = arith.addi %get3A_1, %add3A_206 : vector<16xi32>
      %mul3A_208 = arith.constant 24 : i32
      %mul3A_209 = vector.broadcast %mul3A_208 : i32 to vector<16xi32>
      %mul3A_210 = arith.muli %add3A_207, %mul3A_209 : vector<16xi32>
      %add3A_211 = arith.addi %mul3A_204, %mul3A_210 : vector<16xi32>
      %add3A_212 = arith.constant 17 : i32
      %add3A_213 = vector.broadcast %add3A_212 : i32 to vector<16xi32>
      %add3A_214 = arith.addi %add3A_211, %add3A_213 : vector<16xi32>
      %swap3A_215 = arith.constant 16 : index
      %swap3A_216 = tpu.vector_load %arg6[%swap3A_215] {strides = array<i32>} : memref<64xi32, #tpu.memory_space<vmem>>, vector<16xi32>,
      %swap3A_217 = vector.shape_cast %swap3A_216 : vector<16xi32> to vector<16xi32>
      %swap3A_218 = vector.shape_cast %add3A_214 : vector<16xi32> to vector<16xi32>
      tpu.vector_store %arg6[%swap3A_215], %swap3A_218 {strides = array<i32>} : memref<64xi32, #tpu.memory_space<vmem>>, vector<16xi32>,
      %add3A_219 = arith.constant 32 : i32
      %add3A_220 = vector.broadcast %add3A_219 : i32 to vector<16xi32>
      %add3A_221 = arith.addi %iota3A, %add3A_220 : vector<16xi32>
      %mul3A_222 = arith.constant 1536 : i32
      %mul3A_223 = vector.broadcast %mul3A_222 : i32 to vector<16xi32>
      %mul3A_224 = arith.muli %add3A_221, %mul3A_223 : vector<16xi32>
      %add3A_225 = arith.constant 7 : i32
      %add3A_226 = vector.broadcast %add3A_225 : i32 to vector<16xi32>
      %add3A_227 = arith.addi %get3A_1, %add3A_226 : vector<16xi32>
      %mul3A_228 = arith.constant 24 : i32
      %mul3A_229 = vector.broadcast %mul3A_228 : i32 to vector<16xi32>
      %mul3A_230 = arith.muli %add3A_227, %mul3A_229 : vector<16xi32>
      %add3A_231 = arith.addi %mul3A_224, %mul3A_230 : vector<16xi32>
      %add3A_232 = arith.constant 17 : i32
      %add3A_233 = vector.broadcast %add3A_232 : i32 to vector<16xi32>
      %add3A_234 = arith.addi %add3A_231, %add3A_233 : vector<16xi32>
      %swap3A_235 = arith.constant 32 : index
      %swap3A_236 = tpu.vector_load %arg6[%swap3A_235] {strides = array<i32>} : memref<64xi32, #tpu.memory_space<vmem>>, vector<16xi32>,
      %swap3A_237 = vector.shape_cast %swap3A_236 : vector<16xi32> to vector<16xi32>
      %swap3A_238 = vector.shape_cast %add3A_234 : vector<16xi32> to vector<16xi32>
      tpu.vector_store %arg6[%swap3A_235], %swap3A_238 {strides = array<i32>} : memref<64xi32, #tpu.memory_space<vmem>>, vector<16xi32>,
      %add3A_239 = arith.constant 48 : i32
      %add3A_240 = vector.broadcast %add3A_239 : i32 to vector<16xi32>
      %add3A_241 = arith.addi %iota3A, %add3A_240 : vector<16xi32>
      %mul3A_242 = arith.constant 1536 : i32
      %mul3A_243 = vector.broadcast %mul3A_242 : i32 to vector<16xi32>
      %mul3A_244 = arith.muli %add3A_241, %mul3A_243 : vector<16xi32>
      %add3A_245 = arith.constant 7 : i32
      %add3A_246 = vector.broadcast %add3A_245 : i32 to vector<16xi32>
      %add3A_247 = arith.addi %get3A_1, %add3A_246 : vector<16xi32>
      %mul3A_248 = arith.constant 24 : i32
      %mul3A_249 = vector.broadcast %mul3A_248 : i32 to vector<16xi32>
      %mul3A_250 = arith.muli %add3A_247, %mul3A_249 : vector<16xi32>
      %add3A_251 = arith.addi %mul3A_244, %mul3A_250 : vector<16xi32>
      %add3A_252 = arith.constant 17 : i32
      %add3A_253 = vector.broadcast %add3A_252 : i32 to vector<16xi32>
      %add3A_254 = arith.addi %add3A_251, %add3A_253 : vector<16xi32>
      %swap3A_255 = arith.constant 48 : index
      %swap3A_256 = tpu.vector_load %arg6[%swap3A_255] {strides = array<i32>} : memref<64xi32, #tpu.memory_space<vmem>>, vector<16xi32>,
      %swap3A_257 = vector.shape_cast %swap3A_256 : vector<16xi32> to vector<16xi32>
      %swap3A_258 = vector.shape_cast %add3A_254 : vector<16xi32> to vector<16xi32>
      tpu.vector_store %arg6[%swap3A_255], %swap3A_258 {strides = array<i32>} : memref<64xi32, #tpu.memory_space<vmem>>, vector<16xi32>,
      %dma_start3A = arith.constant 0 : i32
      %dma_start3A_259 = arith.constant 0 : i32
      %dma_start3A_260 = tpu.memref_slice %arg3[%dma_start3A, %dma_start3A_259] : memref<98304x128xf32, #tpu.memory_space<hbm>> -> memref<98304x128xf32, #tpu.memory_space<hbm>>
      tpu.enqueue_indirect_dma source(%dma_start3A_260 : memref<98304x128xf32, #tpu.memory_space<hbm>>) target(%arg7 : memref<64x128xf32, #tpu.memory_space<vmem>>) offsets(%arg6 : memref<64xi32, #tpu.memory_space<vmem>>) semaphore(%arg8 : memref<!tpu.dma_semaphore, #tpu.memory_space<semaphore_mem>>)
      %dma_wait3A = arith.constant 0 : i32
      %dma_wait3A_261 = arith.constant 0 : i32
      %dma_wait3A_262 = tpu.memref_slice %arg3[%dma_wait3A, %dma_wait3A_261] : memref<98304x128xf32, #tpu.memory_space<hbm>> -> memref<98304x128xf32, #tpu.memory_space<hbm>>
      tpu.wait_indirect_dma semaphore(%arg8 : memref<!tpu.dma_semaphore, #tpu.memory_space<semaphore_mem>>) src(%dma_wait3A_262 : memref<98304x128xf32, #tpu.memory_space<hbm>>) dst(%arg7 : memref<64x128xf32, #tpu.memory_space<vmem>>)
      "tpu.region"() ({
        %run_scoped3A = tpu.sem_alloc : memref<!tpu.dma_semaphore, #tpu.memory_space<semaphore_mem>>
        %dma_start3A_263 = arith.constant 0 : i32
        %dma_start3A_264 = arith.constant 3968 : i32
        %dma_start3A_265 = tpu.memref_slice %arg4[%dma_start3A_263, %dma_start3A_264] : memref<64x4608xf32, #tpu.memory_space<hbm>> -> memref<64x128xf32, #tpu.memory_space<hbm>>
        %dma_start3A_266 = arith.constant 0 : i32
        %dma_start3A_267 = arith.constant 3968 : i32
        %dma_start3A_268 = tpu.memref_slice %arg4[%dma_start3A_266, %dma_start3A_267] : memref<64x4608xf32, #tpu.memory_space<hbm>> -> memref<64x128xf32, #tpu.memory_space<hbm>>
        tpu.enqueue_dma source(%arg7 : memref<64x128xf32, #tpu.memory_space<vmem>>) target(%dma_start3A_268 : memref<64x128xf32, #tpu.memory_space<hbm>>) target_semaphore(%run_scoped3A : memref<!tpu.dma_semaphore, #tpu.memory_space<semaphore_mem>>)
        %dma_wait3A_269 = arith.constant 0 : i32
        %dma_wait3A_270 = arith.constant 3968 : i32
        %dma_wait3A_271 = tpu.memref_slice %arg4[%dma_wait3A_269, %dma_wait3A_270] : memref<64x4608xf32, #tpu.memory_space<hbm>> -> memref<64x128xf32, #tpu.memory_space<hbm>>
        %dma_wait3A_272 = arith.constant 0 : i32
        %dma_wait3A_273 = arith.constant 3968 : i32
        %dma_wait3A_274 = tpu.memref_slice %arg4[%dma_wait3A_272, %dma_wait3A_273] : memref<64x4608xf32, #tpu.memory_space<hbm>> -> memref<64x128xf32, #tpu.memory_space<hbm>>
        tpu.wait_dma2 semaphore(%run_scoped3A : memref<!tpu.dma_semaphore, #tpu.memory_space<semaphore_mem>>) src(%arg7 : memref<64x128xf32, #tpu.memory_space<vmem>>) dst(%dma_wait3A_274 : memref<64x128xf32, #tpu.memory_space<hbm>>)
        tpu.yield
      }) : () -> ()
    } else {
    }
    %eq3A_160 = arith.constant 0 : i32
    %eq3A_161 = arith.cmpi eq, %add3A, %eq3A_160 : i32
    %convert_element_type3A_162 = arith.extui %eq3A_161 : i1 to i32
    %cond3A_163 = arith.constant 0 : i32
    %cond3A_164 = arith.cmpi ne, %convert_element_type3A_162, %cond3A_163 : i32
    scf.if %cond3A_164 {
      %add3A_180 = arith.constant 0 : i32
      %add3A_181 = vector.broadcast %add3A_180 : i32 to vector<16xi32>
      %add3A_182 = arith.addi %iota3A, %add3A_181 : vector<16xi32>
      %mul3A_183 = arith.constant 1536 : i32
      %mul3A_184 = vector.broadcast %mul3A_183 : i32 to vector<16xi32>
      %mul3A_185 = arith.muli %add3A_182, %mul3A_184 : vector<16xi32>
      %add3A_186 = arith.constant 8 : i32
      %add3A_187 = vector.broadcast %add3A_186 : i32 to vector<16xi32>
      %add3A_188 = arith.addi %get3A_1, %add3A_187 : vector<16xi32>
      %mul3A_189 = arith.constant 24 : i32
      %mul3A_190 = vector.broadcast %mul3A_189 : i32 to vector<16xi32>
      %mul3A_191 = arith.muli %add3A_188, %mul3A_190 : vector<16xi32>
      %add3A_192 = arith.addi %mul3A_185, %mul3A_191 : vector<16xi32>
      %add3A_193 = arith.constant 0 : i32
      %add3A_194 = vector.broadcast %add3A_193 : i32 to vector<16xi32>
      %add3A_195 = arith.addi %add3A_192, %add3A_194 : vector<16xi32>
      %swap3A = arith.constant 0 : index
      %swap3A_196 = tpu.vector_load %arg6[%swap3A] {strides = array<i32>} : memref<64xi32, #tpu.memory_space<vmem>>, vector<16xi32>,
      %swap3A_197 = vector.shape_cast %swap3A_196 : vector<16xi32> to vector<16xi32>
      %swap3A_198 = vector.shape_cast %add3A_195 : vector<16xi32> to vector<16xi32>
      tpu.vector_store %arg6[%swap3A], %swap3A_198 {strides = array<i32>} : memref<64xi32, #tpu.memory_space<vmem>>, vector<16xi32>,
      %add3A_199 = arith.constant 16 : i32
      %add3A_200 = vector.broadcast %add3A_199 : i32 to vector<16xi32>
      %add3A_201 = arith.addi %iota3A, %add3A_200 : vector<16xi32>
      %mul3A_202 = arith.constant 1536 : i32
      %mul3A_203 = vector.broadcast %mul3A_202 : i32 to vector<16xi32>
      %mul3A_204 = arith.muli %add3A_201, %mul3A_203 : vector<16xi32>
      %add3A_205 = arith.constant 8 : i32
      %add3A_206 = vector.broadcast %add3A_205 : i32 to vector<16xi32>
      %add3A_207 = arith.addi %get3A_1, %add3A_206 : vector<16xi32>
      %mul3A_208 = arith.constant 24 : i32
      %mul3A_209 = vector.broadcast %mul3A_208 : i32 to vector<16xi32>
      %mul3A_210 = arith.muli %add3A_207, %mul3A_209 : vector<16xi32>
      %add3A_211 = arith.addi %mul3A_204, %mul3A_210 : vector<16xi32>
      %add3A_212 = arith.constant 0 : i32
      %add3A_213 = vector.broadcast %add3A_212 : i32 to vector<16xi32>
      %add3A_214 = arith.addi %add3A_211, %add3A_213 : vector<16xi32>
      %swap3A_215 = arith.constant 16 : index
      %swap3A_216 = tpu.vector_load %arg6[%swap3A_215] {strides = array<i32>} : memref<64xi32, #tpu.memory_space<vmem>>, vector<16xi32>,
      %swap3A_217 = vector.shape_cast %swap3A_216 : vector<16xi32> to vector<16xi32>
      %swap3A_218 = vector.shape_cast %add3A_214 : vector<16xi32> to vector<16xi32>
      tpu.vector_store %arg6[%swap3A_215], %swap3A_218 {strides = array<i32>} : memref<64xi32, #tpu.memory_space<vmem>>, vector<16xi32>,
      %add3A_219 = arith.constant 32 : i32
      %add3A_220 = vector.broadcast %add3A_219 : i32 to vector<16xi32>
      %add3A_221 = arith.addi %iota3A, %add3A_220 : vector<16xi32>
      %mul3A_222 = arith.constant 1536 : i32
      %mul3A_223 = vector.broadcast %mul3A_222 : i32 to vector<16xi32>
      %mul3A_224 = arith.muli %add3A_221, %mul3A_223 : vector<16xi32>
      %add3A_225 = arith.constant 8 : i32
      %add3A_226 = vector.broadcast %add3A_225 : i32 to vector<16xi32>
      %add3A_227 = arith.addi %get3A_1, %add3A_226 : vector<16xi32>
      %mul3A_228 = arith.constant 24 : i32
      %mul3A_229 = vector.broadcast %mul3A_228 : i32 to vector<16xi32>
      %mul3A_230 = arith.muli %add3A_227, %mul3A_229 : vector<16xi32>
      %add3A_231 = arith.addi %mul3A_224, %mul3A_230 : vector<16xi32>
      %add3A_232 = arith.constant 0 : i32
      %add3A_233 = vector.broadcast %add3A_232 : i32 to vector<16xi32>
      %add3A_234 = arith.addi %add3A_231, %add3A_233 : vector<16xi32>
      %swap3A_235 = arith.constant 32 : index
      %swap3A_236 = tpu.vector_load %arg6[%swap3A_235] {strides = array<i32>} : memref<64xi32, #tpu.memory_space<vmem>>, vector<16xi32>,
      %swap3A_237 = vector.shape_cast %swap3A_236 : vector<16xi32> to vector<16xi32>
      %swap3A_238 = vector.shape_cast %add3A_234 : vector<16xi32> to vector<16xi32>
      tpu.vector_store %arg6[%swap3A_235], %swap3A_238 {strides = array<i32>} : memref<64xi32, #tpu.memory_space<vmem>>, vector<16xi32>,
      %add3A_239 = arith.constant 48 : i32
      %add3A_240 = vector.broadcast %add3A_239 : i32 to vector<16xi32>
      %add3A_241 = arith.addi %iota3A, %add3A_240 : vector<16xi32>
      %mul3A_242 = arith.constant 1536 : i32
      %mul3A_243 = vector.broadcast %mul3A_242 : i32 to vector<16xi32>
      %mul3A_244 = arith.muli %add3A_241, %mul3A_243 : vector<16xi32>
      %add3A_245 = arith.constant 8 : i32
      %add3A_246 = vector.broadcast %add3A_245 : i32 to vector<16xi32>
      %add3A_247 = arith.addi %get3A_1, %add3A_246 : vector<16xi32>
      %mul3A_248 = arith.constant 24 : i32
      %mul3A_249 = vector.broadcast %mul3A_248 : i32 to vector<16xi32>
      %mul3A_250 = arith.muli %add3A_247, %mul3A_249 : vector<16xi32>
      %add3A_251 = arith.addi %mul3A_244, %mul3A_250 : vector<16xi32>
      %add3A_252 = arith.constant 0 : i32
      %add3A_253 = vector.broadcast %add3A_252 : i32 to vector<16xi32>
      %add3A_254 = arith.addi %add3A_251, %add3A_253 : vector<16xi32>
      %swap3A_255 = arith.constant 48 : index
      %swap3A_256 = tpu.vector_load %arg6[%swap3A_255] {strides = array<i32>} : memref<64xi32, #tpu.memory_space<vmem>>, vector<16xi32>,
      %swap3A_257 = vector.shape_cast %swap3A_256 : vector<16xi32> to vector<16xi32>
      %swap3A_258 = vector.shape_cast %add3A_254 : vector<16xi32> to vector<16xi32>
      tpu.vector_store %arg6[%swap3A_255], %swap3A_258 {strides = array<i32>} : memref<64xi32, #tpu.memory_space<vmem>>, vector<16xi32>,
      %dma_start3A = arith.constant 0 : i32
      %dma_start3A_259 = arith.constant 0 : i32
      %dma_start3A_260 = tpu.memref_slice %arg3[%dma_start3A, %dma_start3A_259] : memref<98304x128xf32, #tpu.memory_space<hbm>> -> memref<98304x128xf32, #tpu.memory_space<hbm>>
      tpu.enqueue_indirect_dma source(%dma_start3A_260 : memref<98304x128xf32, #tpu.memory_space<hbm>>) target(%arg7 : memref<64x128xf32, #tpu.memory_space<vmem>>) offsets(%arg6 : memref<64xi32, #tpu.memory_space<vmem>>) semaphore(%arg8 : memref<!tpu.dma_semaphore, #tpu.memory_space<semaphore_mem>>)
      %dma_wait3A = arith.constant 0 : i32
      %dma_wait3A_261 = arith.constant 0 : i32
      %dma_wait3A_262 = tpu.memref_slice %arg3[%dma_wait3A, %dma_wait3A_261] : memref<98304x128xf32, #tpu.memory_space<hbm>> -> memref<98304x128xf32, #tpu.memory_space<hbm>>
      tpu.wait_indirect_dma semaphore(%arg8 : memref<!tpu.dma_semaphore, #tpu.memory_space<semaphore_mem>>) src(%dma_wait3A_262 : memref<98304x128xf32, #tpu.memory_space<hbm>>) dst(%arg7 : memref<64x128xf32, #tpu.memory_space<vmem>>)
      "tpu.region"() ({
        %run_scoped3A = tpu.sem_alloc : memref<!tpu.dma_semaphore, #tpu.memory_space<semaphore_mem>>
        %dma_start3A_263 = arith.constant 0 : i32
        %dma_start3A_264 = arith.constant 4096 : i32
        %dma_start3A_265 = tpu.memref_slice %arg4[%dma_start3A_263, %dma_start3A_264] : memref<64x4608xf32, #tpu.memory_space<hbm>> -> memref<64x128xf32, #tpu.memory_space<hbm>>
        %dma_start3A_266 = arith.constant 0 : i32
        %dma_start3A_267 = arith.constant 4096 : i32
        %dma_start3A_268 = tpu.memref_slice %arg4[%dma_start3A_266, %dma_start3A_267] : memref<64x4608xf32, #tpu.memory_space<hbm>> -> memref<64x128xf32, #tpu.memory_space<hbm>>
        tpu.enqueue_dma source(%arg7 : memref<64x128xf32, #tpu.memory_space<vmem>>) target(%dma_start3A_268 : memref<64x128xf32, #tpu.memory_space<hbm>>) target_semaphore(%run_scoped3A : memref<!tpu.dma_semaphore, #tpu.memory_space<semaphore_mem>>)
        %dma_wait3A_269 = arith.constant 0 : i32
        %dma_wait3A_270 = arith.constant 4096 : i32
        %dma_wait3A_271 = tpu.memref_slice %arg4[%dma_wait3A_269, %dma_wait3A_270] : memref<64x4608xf32, #tpu.memory_space<hbm>> -> memref<64x128xf32, #tpu.memory_space<hbm>>
        %dma_wait3A_272 = arith.constant 0 : i32
        %dma_wait3A_273 = arith.constant 4096 : i32
        %dma_wait3A_274 = tpu.memref_slice %arg4[%dma_wait3A_272, %dma_wait3A_273] : memref<64x4608xf32, #tpu.memory_space<hbm>> -> memref<64x128xf32, #tpu.memory_space<hbm>>
        tpu.wait_dma2 semaphore(%run_scoped3A : memref<!tpu.dma_semaphore, #tpu.memory_space<semaphore_mem>>) src(%arg7 : memref<64x128xf32, #tpu.memory_space<vmem>>) dst(%dma_wait3A_274 : memref<64x128xf32, #tpu.memory_space<hbm>>)
        tpu.yield
      }) : () -> ()
    } else {
    }
    %eq3A_165 = arith.constant 1 : i32
    %eq3A_166 = arith.cmpi eq, %add3A, %eq3A_165 : i32
    %convert_element_type3A_167 = arith.extui %eq3A_166 : i1 to i32
    %cond3A_168 = arith.constant 0 : i32
    %cond3A_169 = arith.cmpi ne, %convert_element_type3A_167, %cond3A_168 : i32
    scf.if %cond3A_169 {
      %add3A_180 = arith.constant 0 : i32
      %add3A_181 = vector.broadcast %add3A_180 : i32 to vector<16xi32>
      %add3A_182 = arith.addi %iota3A, %add3A_181 : vector<16xi32>
      %mul3A_183 = arith.constant 1536 : i32
      %mul3A_184 = vector.broadcast %mul3A_183 : i32 to vector<16xi32>
      %mul3A_185 = arith.muli %add3A_182, %mul3A_184 : vector<16xi32>
      %add3A_186 = arith.constant 8 : i32
      %add3A_187 = vector.broadcast %add3A_186 : i32 to vector<16xi32>
      %add3A_188 = arith.addi %get3A_1, %add3A_187 : vector<16xi32>
      %mul3A_189 = arith.constant 24 : i32
      %mul3A_190 = vector.broadcast %mul3A_189 : i32 to vector<16xi32>
      %mul3A_191 = arith.muli %add3A_188, %mul3A_190 : vector<16xi32>
      %add3A_192 = arith.addi %mul3A_185, %mul3A_191 : vector<16xi32>
      %add3A_193 = arith.constant 5 : i32
      %add3A_194 = vector.broadcast %add3A_193 : i32 to vector<16xi32>
      %add3A_195 = arith.addi %add3A_192, %add3A_194 : vector<16xi32>
      %swap3A = arith.constant 0 : index
      %swap3A_196 = tpu.vector_load %arg6[%swap3A] {strides = array<i32>} : memref<64xi32, #tpu.memory_space<vmem>>, vector<16xi32>,
      %swap3A_197 = vector.shape_cast %swap3A_196 : vector<16xi32> to vector<16xi32>
      %swap3A_198 = vector.shape_cast %add3A_195 : vector<16xi32> to vector<16xi32>
      tpu.vector_store %arg6[%swap3A], %swap3A_198 {strides = array<i32>} : memref<64xi32, #tpu.memory_space<vmem>>, vector<16xi32>,
      %add3A_199 = arith.constant 16 : i32
      %add3A_200 = vector.broadcast %add3A_199 : i32 to vector<16xi32>
      %add3A_201 = arith.addi %iota3A, %add3A_200 : vector<16xi32>
      %mul3A_202 = arith.constant 1536 : i32
      %mul3A_203 = vector.broadcast %mul3A_202 : i32 to vector<16xi32>
      %mul3A_204 = arith.muli %add3A_201, %mul3A_203 : vector<16xi32>
      %add3A_205 = arith.constant 8 : i32
      %add3A_206 = vector.broadcast %add3A_205 : i32 to vector<16xi32>
      %add3A_207 = arith.addi %get3A_1, %add3A_206 : vector<16xi32>
      %mul3A_208 = arith.constant 24 : i32
      %mul3A_209 = vector.broadcast %mul3A_208 : i32 to vector<16xi32>
      %mul3A_210 = arith.muli %add3A_207, %mul3A_209 : vector<16xi32>
      %add3A_211 = arith.addi %mul3A_204, %mul3A_210 : vector<16xi32>
      %add3A_212 = arith.constant 5 : i32
      %add3A_213 = vector.broadcast %add3A_212 : i32 to vector<16xi32>
      %add3A_214 = arith.addi %add3A_211, %add3A_213 : vector<16xi32>
      %swap3A_215 = arith.constant 16 : index
      %swap3A_216 = tpu.vector_load %arg6[%swap3A_215] {strides = array<i32>} : memref<64xi32, #tpu.memory_space<vmem>>, vector<16xi32>,
      %swap3A_217 = vector.shape_cast %swap3A_216 : vector<16xi32> to vector<16xi32>
      %swap3A_218 = vector.shape_cast %add3A_214 : vector<16xi32> to vector<16xi32>
      tpu.vector_store %arg6[%swap3A_215], %swap3A_218 {strides = array<i32>} : memref<64xi32, #tpu.memory_space<vmem>>, vector<16xi32>,
      %add3A_219 = arith.constant 32 : i32
      %add3A_220 = vector.broadcast %add3A_219 : i32 to vector<16xi32>
      %add3A_221 = arith.addi %iota3A, %add3A_220 : vector<16xi32>
      %mul3A_222 = arith.constant 1536 : i32
      %mul3A_223 = vector.broadcast %mul3A_222 : i32 to vector<16xi32>
      %mul3A_224 = arith.muli %add3A_221, %mul3A_223 : vector<16xi32>
      %add3A_225 = arith.constant 8 : i32
      %add3A_226 = vector.broadcast %add3A_225 : i32 to vector<16xi32>
      %add3A_227 = arith.addi %get3A_1, %add3A_226 : vector<16xi32>
      %mul3A_228 = arith.constant 24 : i32
      %mul3A_229 = vector.broadcast %mul3A_228 : i32 to vector<16xi32>
      %mul3A_230 = arith.muli %add3A_227, %mul3A_229 : vector<16xi32>
      %add3A_231 = arith.addi %mul3A_224, %mul3A_230 : vector<16xi32>
      %add3A_232 = arith.constant 5 : i32
      %add3A_233 = vector.broadcast %add3A_232 : i32 to vector<16xi32>
      %add3A_234 = arith.addi %add3A_231, %add3A_233 : vector<16xi32>
      %swap3A_235 = arith.constant 32 : index
      %swap3A_236 = tpu.vector_load %arg6[%swap3A_235] {strides = array<i32>} : memref<64xi32, #tpu.memory_space<vmem>>, vector<16xi32>,
      %swap3A_237 = vector.shape_cast %swap3A_236 : vector<16xi32> to vector<16xi32>
      %swap3A_238 = vector.shape_cast %add3A_234 : vector<16xi32> to vector<16xi32>
      tpu.vector_store %arg6[%swap3A_235], %swap3A_238 {strides = array<i32>} : memref<64xi32, #tpu.memory_space<vmem>>, vector<16xi32>,
      %add3A_239 = arith.constant 48 : i32
      %add3A_240 = vector.broadcast %add3A_239 : i32 to vector<16xi32>
      %add3A_241 = arith.addi %iota3A, %add3A_240 : vector<16xi32>
      %mul3A_242 = arith.constant 1536 : i32
      %mul3A_243 = vector.broadcast %mul3A_242 : i32 to vector<16xi32>
      %mul3A_244 = arith.muli %add3A_241, %mul3A_243 : vector<16xi32>
      %add3A_245 = arith.constant 8 : i32
      %add3A_246 = vector.broadcast %add3A_245 : i32 to vector<16xi32>
      %add3A_247 = arith.addi %get3A_1, %add3A_246 : vector<16xi32>
      %mul3A_248 = arith.constant 24 : i32
      %mul3A_249 = vector.broadcast %mul3A_248 : i32 to vector<16xi32>
      %mul3A_250 = arith.muli %add3A_247, %mul3A_249 : vector<16xi32>
      %add3A_251 = arith.addi %mul3A_244, %mul3A_250 : vector<16xi32>
      %add3A_252 = arith.constant 5 : i32
      %add3A_253 = vector.broadcast %add3A_252 : i32 to vector<16xi32>
      %add3A_254 = arith.addi %add3A_251, %add3A_253 : vector<16xi32>
      %swap3A_255 = arith.constant 48 : index
      %swap3A_256 = tpu.vector_load %arg6[%swap3A_255] {strides = array<i32>} : memref<64xi32, #tpu.memory_space<vmem>>, vector<16xi32>,
      %swap3A_257 = vector.shape_cast %swap3A_256 : vector<16xi32> to vector<16xi32>
      %swap3A_258 = vector.shape_cast %add3A_254 : vector<16xi32> to vector<16xi32>
      tpu.vector_store %arg6[%swap3A_255], %swap3A_258 {strides = array<i32>} : memref<64xi32, #tpu.memory_space<vmem>>, vector<16xi32>,
      %dma_start3A = arith.constant 0 : i32
      %dma_start3A_259 = arith.constant 0 : i32
      %dma_start3A_260 = tpu.memref_slice %arg3[%dma_start3A, %dma_start3A_259] : memref<98304x128xf32, #tpu.memory_space<hbm>> -> memref<98304x128xf32, #tpu.memory_space<hbm>>
      tpu.enqueue_indirect_dma source(%dma_start3A_260 : memref<98304x128xf32, #tpu.memory_space<hbm>>) target(%arg7 : memref<64x128xf32, #tpu.memory_space<vmem>>) offsets(%arg6 : memref<64xi32, #tpu.memory_space<vmem>>) semaphore(%arg8 : memref<!tpu.dma_semaphore, #tpu.memory_space<semaphore_mem>>)
      %dma_wait3A = arith.constant 0 : i32
      %dma_wait3A_261 = arith.constant 0 : i32
      %dma_wait3A_262 = tpu.memref_slice %arg3[%dma_wait3A, %dma_wait3A_261] : memref<98304x128xf32, #tpu.memory_space<hbm>> -> memref<98304x128xf32, #tpu.memory_space<hbm>>
      tpu.wait_indirect_dma semaphore(%arg8 : memref<!tpu.dma_semaphore, #tpu.memory_space<semaphore_mem>>) src(%dma_wait3A_262 : memref<98304x128xf32, #tpu.memory_space<hbm>>) dst(%arg7 : memref<64x128xf32, #tpu.memory_space<vmem>>)
      "tpu.region"() ({
        %run_scoped3A = tpu.sem_alloc : memref<!tpu.dma_semaphore, #tpu.memory_space<semaphore_mem>>
        %dma_start3A_263 = arith.constant 0 : i32
        %dma_start3A_264 = arith.constant 4224 : i32
        %dma_start3A_265 = tpu.memref_slice %arg4[%dma_start3A_263, %dma_start3A_264] : memref<64x4608xf32, #tpu.memory_space<hbm>> -> memref<64x128xf32, #tpu.memory_space<hbm>>
        %dma_start3A_266 = arith.constant 0 : i32
        %dma_start3A_267 = arith.constant 4224 : i32
        %dma_start3A_268 = tpu.memref_slice %arg4[%dma_start3A_266, %dma_start3A_267] : memref<64x4608xf32, #tpu.memory_space<hbm>> -> memref<64x128xf32, #tpu.memory_space<hbm>>
        tpu.enqueue_dma source(%arg7 : memref<64x128xf32, #tpu.memory_space<vmem>>) target(%dma_start3A_268 : memref<64x128xf32, #tpu.memory_space<hbm>>) target_semaphore(%run_scoped3A : memref<!tpu.dma_semaphore, #tpu.memory_space<semaphore_mem>>)
        %dma_wait3A_269 = arith.constant 0 : i32
        %dma_wait3A_270 = arith.constant 4224 : i32
        %dma_wait3A_271 = tpu.memref_slice %arg4[%dma_wait3A_269, %dma_wait3A_270] : memref<64x4608xf32, #tpu.memory_space<hbm>> -> memref<64x128xf32, #tpu.memory_space<hbm>>
        %dma_wait3A_272 = arith.constant 0 : i32
        %dma_wait3A_273 = arith.constant 4224 : i32
        %dma_wait3A_274 = tpu.memref_slice %arg4[%dma_wait3A_272, %dma_wait3A_273] : memref<64x4608xf32, #tpu.memory_space<hbm>> -> memref<64x128xf32, #tpu.memory_space<hbm>>
        tpu.wait_dma2 semaphore(%run_scoped3A : memref<!tpu.dma_semaphore, #tpu.memory_space<semaphore_mem>>) src(%arg7 : memref<64x128xf32, #tpu.memory_space<vmem>>) dst(%dma_wait3A_274 : memref<64x128xf32, #tpu.memory_space<hbm>>)
        tpu.yield
      }) : () -> ()
    } else {
    }
    %eq3A_170 = arith.constant 2 : i32
    %eq3A_171 = arith.cmpi eq, %add3A, %eq3A_170 : i32
    %convert_element_type3A_172 = arith.extui %eq3A_171 : i1 to i32
    %cond3A_173 = arith.constant 0 : i32
    %cond3A_174 = arith.cmpi ne, %convert_element_type3A_172, %cond3A_173 : i32
    scf.if %cond3A_174 {
      %add3A_180 = arith.constant 0 : i32
      %add3A_181 = vector.broadcast %add3A_180 : i32 to vector<16xi32>
      %add3A_182 = arith.addi %iota3A, %add3A_181 : vector<16xi32>
      %mul3A_183 = arith.constant 1536 : i32
      %mul3A_184 = vector.broadcast %mul3A_183 : i32 to vector<16xi32>
      %mul3A_185 = arith.muli %add3A_182, %mul3A_184 : vector<16xi32>
      %add3A_186 = arith.constant 8 : i32
      %add3A_187 = vector.broadcast %add3A_186 : i32 to vector<16xi32>
      %add3A_188 = arith.addi %get3A_1, %add3A_187 : vector<16xi32>
      %mul3A_189 = arith.constant 24 : i32
      %mul3A_190 = vector.broadcast %mul3A_189 : i32 to vector<16xi32>
      %mul3A_191 = arith.muli %add3A_188, %mul3A_190 : vector<16xi32>
      %add3A_192 = arith.addi %mul3A_185, %mul3A_191 : vector<16xi32>
      %add3A_193 = arith.constant 11 : i32
      %add3A_194 = vector.broadcast %add3A_193 : i32 to vector<16xi32>
      %add3A_195 = arith.addi %add3A_192, %add3A_194 : vector<16xi32>
      %swap3A = arith.constant 0 : index
      %swap3A_196 = tpu.vector_load %arg6[%swap3A] {strides = array<i32>} : memref<64xi32, #tpu.memory_space<vmem>>, vector<16xi32>,
      %swap3A_197 = vector.shape_cast %swap3A_196 : vector<16xi32> to vector<16xi32>
      %swap3A_198 = vector.shape_cast %add3A_195 : vector<16xi32> to vector<16xi32>
      tpu.vector_store %arg6[%swap3A], %swap3A_198 {strides = array<i32>} : memref<64xi32, #tpu.memory_space<vmem>>, vector<16xi32>,
      %add3A_199 = arith.constant 16 : i32
      %add3A_200 = vector.broadcast %add3A_199 : i32 to vector<16xi32>
      %add3A_201 = arith.addi %iota3A, %add3A_200 : vector<16xi32>
      %mul3A_202 = arith.constant 1536 : i32
      %mul3A_203 = vector.broadcast %mul3A_202 : i32 to vector<16xi32>
      %mul3A_204 = arith.muli %add3A_201, %mul3A_203 : vector<16xi32>
      %add3A_205 = arith.constant 8 : i32
      %add3A_206 = vector.broadcast %add3A_205 : i32 to vector<16xi32>
      %add3A_207 = arith.addi %get3A_1, %add3A_206 : vector<16xi32>
      %mul3A_208 = arith.constant 24 : i32
      %mul3A_209 = vector.broadcast %mul3A_208 : i32 to vector<16xi32>
      %mul3A_210 = arith.muli %add3A_207, %mul3A_209 : vector<16xi32>
      %add3A_211 = arith.addi %mul3A_204, %mul3A_210 : vector<16xi32>
      %add3A_212 = arith.constant 11 : i32
      %add3A_213 = vector.broadcast %add3A_212 : i32 to vector<16xi32>
      %add3A_214 = arith.addi %add3A_211, %add3A_213 : vector<16xi32>
      %swap3A_215 = arith.constant 16 : index
      %swap3A_216 = tpu.vector_load %arg6[%swap3A_215] {strides = array<i32>} : memref<64xi32, #tpu.memory_space<vmem>>, vector<16xi32>,
      %swap3A_217 = vector.shape_cast %swap3A_216 : vector<16xi32> to vector<16xi32>
      %swap3A_218 = vector.shape_cast %add3A_214 : vector<16xi32> to vector<16xi32>
      tpu.vector_store %arg6[%swap3A_215], %swap3A_218 {strides = array<i32>} : memref<64xi32, #tpu.memory_space<vmem>>, vector<16xi32>,
      %add3A_219 = arith.constant 32 : i32
      %add3A_220 = vector.broadcast %add3A_219 : i32 to vector<16xi32>
      %add3A_221 = arith.addi %iota3A, %add3A_220 : vector<16xi32>
      %mul3A_222 = arith.constant 1536 : i32
      %mul3A_223 = vector.broadcast %mul3A_222 : i32 to vector<16xi32>
      %mul3A_224 = arith.muli %add3A_221, %mul3A_223 : vector<16xi32>
      %add3A_225 = arith.constant 8 : i32
      %add3A_226 = vector.broadcast %add3A_225 : i32 to vector<16xi32>
      %add3A_227 = arith.addi %get3A_1, %add3A_226 : vector<16xi32>
      %mul3A_228 = arith.constant 24 : i32
      %mul3A_229 = vector.broadcast %mul3A_228 : i32 to vector<16xi32>
      %mul3A_230 = arith.muli %add3A_227, %mul3A_229 : vector<16xi32>
      %add3A_231 = arith.addi %mul3A_224, %mul3A_230 : vector<16xi32>
      %add3A_232 = arith.constant 11 : i32
      %add3A_233 = vector.broadcast %add3A_232 : i32 to vector<16xi32>
      %add3A_234 = arith.addi %add3A_231, %add3A_233 : vector<16xi32>
      %swap3A_235 = arith.constant 32 : index
      %swap3A_236 = tpu.vector_load %arg6[%swap3A_235] {strides = array<i32>} : memref<64xi32, #tpu.memory_space<vmem>>, vector<16xi32>,
      %swap3A_237 = vector.shape_cast %swap3A_236 : vector<16xi32> to vector<16xi32>
      %swap3A_238 = vector.shape_cast %add3A_234 : vector<16xi32> to vector<16xi32>
      tpu.vector_store %arg6[%swap3A_235], %swap3A_238 {strides = array<i32>} : memref<64xi32, #tpu.memory_space<vmem>>, vector<16xi32>,
      %add3A_239 = arith.constant 48 : i32
      %add3A_240 = vector.broadcast %add3A_239 : i32 to vector<16xi32>
      %add3A_241 = arith.addi %iota3A, %add3A_240 : vector<16xi32>
      %mul3A_242 = arith.constant 1536 : i32
      %mul3A_243 = vector.broadcast %mul3A_242 : i32 to vector<16xi32>
      %mul3A_244 = arith.muli %add3A_241, %mul3A_243 : vector<16xi32>
      %add3A_245 = arith.constant 8 : i32
      %add3A_246 = vector.broadcast %add3A_245 : i32 to vector<16xi32>
      %add3A_247 = arith.addi %get3A_1, %add3A_246 : vector<16xi32>
      %mul3A_248 = arith.constant 24 : i32
      %mul3A_249 = vector.broadcast %mul3A_248 : i32 to vector<16xi32>
      %mul3A_250 = arith.muli %add3A_247, %mul3A_249 : vector<16xi32>
      %add3A_251 = arith.addi %mul3A_244, %mul3A_250 : vector<16xi32>
      %add3A_252 = arith.constant 11 : i32
      %add3A_253 = vector.broadcast %add3A_252 : i32 to vector<16xi32>
      %add3A_254 = arith.addi %add3A_251, %add3A_253 : vector<16xi32>
      %swap3A_255 = arith.constant 48 : index
      %swap3A_256 = tpu.vector_load %arg6[%swap3A_255] {strides = array<i32>} : memref<64xi32, #tpu.memory_space<vmem>>, vector<16xi32>,
      %swap3A_257 = vector.shape_cast %swap3A_256 : vector<16xi32> to vector<16xi32>
      %swap3A_258 = vector.shape_cast %add3A_254 : vector<16xi32> to vector<16xi32>
      tpu.vector_store %arg6[%swap3A_255], %swap3A_258 {strides = array<i32>} : memref<64xi32, #tpu.memory_space<vmem>>, vector<16xi32>,
      %dma_start3A = arith.constant 0 : i32
      %dma_start3A_259 = arith.constant 0 : i32
      %dma_start3A_260 = tpu.memref_slice %arg3[%dma_start3A, %dma_start3A_259] : memref<98304x128xf32, #tpu.memory_space<hbm>> -> memref<98304x128xf32, #tpu.memory_space<hbm>>
      tpu.enqueue_indirect_dma source(%dma_start3A_260 : memref<98304x128xf32, #tpu.memory_space<hbm>>) target(%arg7 : memref<64x128xf32, #tpu.memory_space<vmem>>) offsets(%arg6 : memref<64xi32, #tpu.memory_space<vmem>>) semaphore(%arg8 : memref<!tpu.dma_semaphore, #tpu.memory_space<semaphore_mem>>)
      %dma_wait3A = arith.constant 0 : i32
      %dma_wait3A_261 = arith.constant 0 : i32
      %dma_wait3A_262 = tpu.memref_slice %arg3[%dma_wait3A, %dma_wait3A_261] : memref<98304x128xf32, #tpu.memory_space<hbm>> -> memref<98304x128xf32, #tpu.memory_space<hbm>>
      tpu.wait_indirect_dma semaphore(%arg8 : memref<!tpu.dma_semaphore, #tpu.memory_space<semaphore_mem>>) src(%dma_wait3A_262 : memref<98304x128xf32, #tpu.memory_space<hbm>>) dst(%arg7 : memref<64x128xf32, #tpu.memory_space<vmem>>)
      "tpu.region"() ({
        %run_scoped3A = tpu.sem_alloc : memref<!tpu.dma_semaphore, #tpu.memory_space<semaphore_mem>>
        %dma_start3A_263 = arith.constant 0 : i32
        %dma_start3A_264 = arith.constant 4352 : i32
        %dma_start3A_265 = tpu.memref_slice %arg4[%dma_start3A_263, %dma_start3A_264] : memref<64x4608xf32, #tpu.memory_space<hbm>> -> memref<64x128xf32, #tpu.memory_space<hbm>>
        %dma_start3A_266 = arith.constant 0 : i32
        %dma_start3A_267 = arith.constant 4352 : i32
        %dma_start3A_268 = tpu.memref_slice %arg4[%dma_start3A_266, %dma_start3A_267] : memref<64x4608xf32, #tpu.memory_space<hbm>> -> memref<64x128xf32, #tpu.memory_space<hbm>>
        tpu.enqueue_dma source(%arg7 : memref<64x128xf32, #tpu.memory_space<vmem>>) target(%dma_start3A_268 : memref<64x128xf32, #tpu.memory_space<hbm>>) target_semaphore(%run_scoped3A : memref<!tpu.dma_semaphore, #tpu.memory_space<semaphore_mem>>)
        %dma_wait3A_269 = arith.constant 0 : i32
        %dma_wait3A_270 = arith.constant 4352 : i32
        %dma_wait3A_271 = tpu.memref_slice %arg4[%dma_wait3A_269, %dma_wait3A_270] : memref<64x4608xf32, #tpu.memory_space<hbm>> -> memref<64x128xf32, #tpu.memory_space<hbm>>
        %dma_wait3A_272 = arith.constant 0 : i32
        %dma_wait3A_273 = arith.constant 4352 : i32
        %dma_wait3A_274 = tpu.memref_slice %arg4[%dma_wait3A_272, %dma_wait3A_273] : memref<64x4608xf32, #tpu.memory_space<hbm>> -> memref<64x128xf32, #tpu.memory_space<hbm>>
        tpu.wait_dma2 semaphore(%run_scoped3A : memref<!tpu.dma_semaphore, #tpu.memory_space<semaphore_mem>>) src(%arg7 : memref<64x128xf32, #tpu.memory_space<vmem>>) dst(%dma_wait3A_274 : memref<64x128xf32, #tpu.memory_space<hbm>>)
        tpu.yield
      }) : () -> ()
    } else {
    }
    %eq3A_175 = arith.constant 3 : i32
    %eq3A_176 = arith.cmpi eq, %add3A, %eq3A_175 : i32
    %convert_element_type3A_177 = arith.extui %eq3A_176 : i1 to i32
    %cond3A_178 = arith.constant 0 : i32
    %cond3A_179 = arith.cmpi ne, %convert_element_type3A_177, %cond3A_178 : i32
    scf.if %cond3A_179 {
      %add3A_180 = arith.constant 0 : i32
      %add3A_181 = vector.broadcast %add3A_180 : i32 to vector<16xi32>
      %add3A_182 = arith.addi %iota3A, %add3A_181 : vector<16xi32>
      %mul3A_183 = arith.constant 1536 : i32
      %mul3A_184 = vector.broadcast %mul3A_183 : i32 to vector<16xi32>
      %mul3A_185 = arith.muli %add3A_182, %mul3A_184 : vector<16xi32>
      %add3A_186 = arith.constant 8 : i32
      %add3A_187 = vector.broadcast %add3A_186 : i32 to vector<16xi32>
      %add3A_188 = arith.addi %get3A_1, %add3A_187 : vector<16xi32>
      %mul3A_189 = arith.constant 24 : i32
      %mul3A_190 = vector.broadcast %mul3A_189 : i32 to vector<16xi32>
      %mul3A_191 = arith.muli %add3A_188, %mul3A_190 : vector<16xi32>
      %add3A_192 = arith.addi %mul3A_185, %mul3A_191 : vector<16xi32>
      %add3A_193 = arith.constant 17 : i32
      %add3A_194 = vector.broadcast %add3A_193 : i32 to vector<16xi32>
      %add3A_195 = arith.addi %add3A_192, %add3A_194 : vector<16xi32>
      %swap3A = arith.constant 0 : index
      %swap3A_196 = tpu.vector_load %arg6[%swap3A] {strides = array<i32>} : memref<64xi32, #tpu.memory_space<vmem>>, vector<16xi32>,
      %swap3A_197 = vector.shape_cast %swap3A_196 : vector<16xi32> to vector<16xi32>
      %swap3A_198 = vector.shape_cast %add3A_195 : vector<16xi32> to vector<16xi32>
      tpu.vector_store %arg6[%swap3A], %swap3A_198 {strides = array<i32>} : memref<64xi32, #tpu.memory_space<vmem>>, vector<16xi32>,
      %add3A_199 = arith.constant 16 : i32
      %add3A_200 = vector.broadcast %add3A_199 : i32 to vector<16xi32>
      %add3A_201 = arith.addi %iota3A, %add3A_200 : vector<16xi32>
      %mul3A_202 = arith.constant 1536 : i32
      %mul3A_203 = vector.broadcast %mul3A_202 : i32 to vector<16xi32>
      %mul3A_204 = arith.muli %add3A_201, %mul3A_203 : vector<16xi32>
      %add3A_205 = arith.constant 8 : i32
      %add3A_206 = vector.broadcast %add3A_205 : i32 to vector<16xi32>
      %add3A_207 = arith.addi %get3A_1, %add3A_206 : vector<16xi32>
      %mul3A_208 = arith.constant 24 : i32
      %mul3A_209 = vector.broadcast %mul3A_208 : i32 to vector<16xi32>
      %mul3A_210 = arith.muli %add3A_207, %mul3A_209 : vector<16xi32>
      %add3A_211 = arith.addi %mul3A_204, %mul3A_210 : vector<16xi32>
      %add3A_212 = arith.constant 17 : i32
      %add3A_213 = vector.broadcast %add3A_212 : i32 to vector<16xi32>
      %add3A_214 = arith.addi %add3A_211, %add3A_213 : vector<16xi32>
      %swap3A_215 = arith.constant 16 : index
      %swap3A_216 = tpu.vector_load %arg6[%swap3A_215] {strides = array<i32>} : memref<64xi32, #tpu.memory_space<vmem>>, vector<16xi32>,
      %swap3A_217 = vector.shape_cast %swap3A_216 : vector<16xi32> to vector<16xi32>
      %swap3A_218 = vector.shape_cast %add3A_214 : vector<16xi32> to vector<16xi32>
      tpu.vector_store %arg6[%swap3A_215], %swap3A_218 {strides = array<i32>} : memref<64xi32, #tpu.memory_space<vmem>>, vector<16xi32>,
      %add3A_219 = arith.constant 32 : i32
      %add3A_220 = vector.broadcast %add3A_219 : i32 to vector<16xi32>
      %add3A_221 = arith.addi %iota3A, %add3A_220 : vector<16xi32>
      %mul3A_222 = arith.constant 1536 : i32
      %mul3A_223 = vector.broadcast %mul3A_222 : i32 to vector<16xi32>
      %mul3A_224 = arith.muli %add3A_221, %mul3A_223 : vector<16xi32>
      %add3A_225 = arith.constant 8 : i32
      %add3A_226 = vector.broadcast %add3A_225 : i32 to vector<16xi32>
      %add3A_227 = arith.addi %get3A_1, %add3A_226 : vector<16xi32>
      %mul3A_228 = arith.constant 24 : i32
      %mul3A_229 = vector.broadcast %mul3A_228 : i32 to vector<16xi32>
      %mul3A_230 = arith.muli %add3A_227, %mul3A_229 : vector<16xi32>
      %add3A_231 = arith.addi %mul3A_224, %mul3A_230 : vector<16xi32>
      %add3A_232 = arith.constant 17 : i32
      %add3A_233 = vector.broadcast %add3A_232 : i32 to vector<16xi32>
      %add3A_234 = arith.addi %add3A_231, %add3A_233 : vector<16xi32>
      %swap3A_235 = arith.constant 32 : index
      %swap3A_236 = tpu.vector_load %arg6[%swap3A_235] {strides = array<i32>} : memref<64xi32, #tpu.memory_space<vmem>>, vector<16xi32>,
      %swap3A_237 = vector.shape_cast %swap3A_236 : vector<16xi32> to vector<16xi32>
      %swap3A_238 = vector.shape_cast %add3A_234 : vector<16xi32> to vector<16xi32>
      tpu.vector_store %arg6[%swap3A_235], %swap3A_238 {strides = array<i32>} : memref<64xi32, #tpu.memory_space<vmem>>, vector<16xi32>,
      %add3A_239 = arith.constant 48 : i32
      %add3A_240 = vector.broadcast %add3A_239 : i32 to vector<16xi32>
      %add3A_241 = arith.addi %iota3A, %add3A_240 : vector<16xi32>
      %mul3A_242 = arith.constant 1536 : i32
      %mul3A_243 = vector.broadcast %mul3A_242 : i32 to vector<16xi32>
      %mul3A_244 = arith.muli %add3A_241, %mul3A_243 : vector<16xi32>
      %add3A_245 = arith.constant 8 : i32
      %add3A_246 = vector.broadcast %add3A_245 : i32 to vector<16xi32>
      %add3A_247 = arith.addi %get3A_1, %add3A_246 : vector<16xi32>
      %mul3A_248 = arith.constant 24 : i32
      %mul3A_249 = vector.broadcast %mul3A_248 : i32 to vector<16xi32>
      %mul3A_250 = arith.muli %add3A_247, %mul3A_249 : vector<16xi32>
      %add3A_251 = arith.addi %mul3A_244, %mul3A_250 : vector<16xi32>
      %add3A_252 = arith.constant 17 : i32
      %add3A_253 = vector.broadcast %add3A_252 : i32 to vector<16xi32>
      %add3A_254 = arith.addi %add3A_251, %add3A_253 : vector<16xi32>
      %swap3A_255 = arith.constant 48 : index
      %swap3A_256 = tpu.vector_load %arg6[%swap3A_255] {strides = array<i32>} : memref<64xi32, #tpu.memory_space<vmem>>, vector<16xi32>,
      %swap3A_257 = vector.shape_cast %swap3A_256 : vector<16xi32> to vector<16xi32>
      %swap3A_258 = vector.shape_cast %add3A_254 : vector<16xi32> to vector<16xi32>
      tpu.vector_store %arg6[%swap3A_255], %swap3A_258 {strides = array<i32>} : memref<64xi32, #tpu.memory_space<vmem>>, vector<16xi32>,
      %dma_start3A = arith.constant 0 : i32
      %dma_start3A_259 = arith.constant 0 : i32
      %dma_start3A_260 = tpu.memref_slice %arg3[%dma_start3A, %dma_start3A_259] : memref<98304x128xf32, #tpu.memory_space<hbm>> -> memref<98304x128xf32, #tpu.memory_space<hbm>>
      tpu.enqueue_indirect_dma source(%dma_start3A_260 : memref<98304x128xf32, #tpu.memory_space<hbm>>) target(%arg7 : memref<64x128xf32, #tpu.memory_space<vmem>>) offsets(%arg6 : memref<64xi32, #tpu.memory_space<vmem>>) semaphore(%arg8 : memref<!tpu.dma_semaphore, #tpu.memory_space<semaphore_mem>>)
      %dma_wait3A = arith.constant 0 : i32
      %dma_wait3A_261 = arith.constant 0 : i32
      %dma_wait3A_262 = tpu.memref_slice %arg3[%dma_wait3A, %dma_wait3A_261] : memref<98304x128xf32, #tpu.memory_space<hbm>> -> memref<98304x128xf32, #tpu.memory_space<hbm>>
      tpu.wait_indirect_dma semaphore(%arg8 : memref<!tpu.dma_semaphore, #tpu.memory_space<semaphore_mem>>) src(%dma_wait3A_262 : memref<98304x128xf32, #tpu.memory_space<hbm>>) dst(%arg7 : memref<64x128xf32, #tpu.memory_space<vmem>>)
      "tpu.region"() ({
        %run_scoped3A = tpu.sem_alloc : memref<!tpu.dma_semaphore, #tpu.memory_space<semaphore_mem>>
        %dma_start3A_263 = arith.constant 0 : i32
        %dma_start3A_264 = arith.constant 4480 : i32
        %dma_start3A_265 = tpu.memref_slice %arg4[%dma_start3A_263, %dma_start3A_264] : memref<64x4608xf32, #tpu.memory_space<hbm>> -> memref<64x128xf32, #tpu.memory_space<hbm>>
        %dma_start3A_266 = arith.constant 0 : i32
        %dma_start3A_267 = arith.constant 4480 : i32
        %dma_start3A_268 = tpu.memref_slice %arg4[%dma_start3A_266, %dma_start3A_267] : memref<64x4608xf32, #tpu.memory_space<hbm>> -> memref<64x128xf32, #tpu.memory_space<hbm>>
        tpu.enqueue_dma source(%arg7 : memref<64x128xf32, #tpu.memory_space<vmem>>) target(%dma_start3A_268 : memref<64x128xf32, #tpu.memory_space<hbm>>) target_semaphore(%run_scoped3A : memref<!tpu.dma_semaphore, #tpu.memory_space<semaphore_mem>>)
        %dma_wait3A_269 = arith.constant 0 : i32
        %dma_wait3A_270 = arith.constant 4480 : i32
        %dma_wait3A_271 = tpu.memref_slice %arg4[%dma_wait3A_269, %dma_wait3A_270] : memref<64x4608xf32, #tpu.memory_space<hbm>> -> memref<64x128xf32, #tpu.memory_space<hbm>>
        %dma_wait3A_272 = arith.constant 0 : i32
        %dma_wait3A_273 = arith.constant 4480 : i32
        %dma_wait3A_274 = tpu.memref_slice %arg4[%dma_wait3A_272, %dma_wait3A_273] : memref<64x4608xf32, #tpu.memory_space<hbm>> -> memref<64x128xf32, #tpu.memory_space<hbm>>
        tpu.wait_dma2 semaphore(%run_scoped3A : memref<!tpu.dma_semaphore, #tpu.memory_space<semaphore_mem>>) src(%arg7 : memref<64x128xf32, #tpu.memory_space<vmem>>) dst(%dma_wait3A_274 : memref<64x128xf32, #tpu.memory_space<hbm>>)
        tpu.yield
      }) : () -> ()
    } else {
    }
    return
  }
}

module attributes {stable_mosaic.version = 14 : i64} {
  func.func @_moe_kernel(%arg0: i32, %arg1: memref<64x4608xf32, #tpu.memory_space<vmem>>, %arg2: memref<4608x16xf32, #tpu.memory_space<vmem>>, %arg3: memref<1x16xf32, #tpu.memory_space<vmem>>, %arg4: memref<1x4608x256xf32, #tpu.memory_space<vmem>>, %arg5: memref<1x4608x256xf32, #tpu.memory_space<vmem>>, %arg6: memref<1x1x512xf32, #tpu.memory_space<vmem>>, %arg7: memref<1x512x512xf32, #tpu.memory_space<vmem>>, %arg8: memref<1x1x512xf32, #tpu.memory_space<vmem>>, %arg9: memref<1x512x128xf32, #tpu.memory_space<vmem>>, %arg10: memref<1x1x128xf32, #tpu.memory_space<vmem>>, %arg11: memref<512x128xf32, #tpu.memory_space<vmem>>, %arg12: memref<1x1xf32, #tpu.memory_space<vmem>>, %arg13: memref<1x64xi32, #tpu.memory_space<vmem>>, %arg14: memref<64x4608xbf16, #tpu.memory_space<vmem>>, %arg15: memref<64x16xf32, #tpu.memory_space<vmem>>, %arg16: memref<64x16xf32, #tpu.memory_space<vmem>>, %arg17: memref<64x128xf32, #tpu.memory_space<vmem>>) attributes {dimension_semantics = [#tpu.dimension_semantics<arbitrary>], iteration_bounds = array<i64: 16>, scalar_prefetch = 0 : i64, scratch_operands = 4 : i64, tpu.core_type = #tpu.core_type<tc>, window_params = [{pipeline_mode = #tpu.pipeline_mode<synchronous>, transform_indices = @transform_0, window_bounds = array<i64: 64, 4608>}, {pipeline_mode = #tpu.pipeline_mode<synchronous>, transform_indices = @transform_1, window_bounds = array<i64: 4608, 16>}, {pipeline_mode = #tpu.pipeline_mode<synchronous>, transform_indices = @transform_2, window_bounds = array<i64: 1, 16>}, {transform_indices = @transform_3, window_bounds = array<i64: 1, 4608, 256>}, {transform_indices = @transform_4, window_bounds = array<i64: 1, 4608, 256>}, {transform_indices = @transform_5, window_bounds = array<i64: 1, 1, 512>}, {transform_indices = @transform_6, window_bounds = array<i64: 1, 512, 512>}, {transform_indices = @transform_7, window_bounds = array<i64: 1, 1, 512>}, {transform_indices = @transform_8, window_bounds = array<i64: 1, 512, 128>}, {transform_indices = @transform_9, window_bounds = array<i64: 1, 1, 128>}, {pipeline_mode = #tpu.pipeline_mode<synchronous>, transform_indices = @transform_10, window_bounds = array<i64: 512, 128>}, {pipeline_mode = #tpu.pipeline_mode<synchronous>, transform_indices = @transform_11, window_bounds = array<i64: 1, 1>}, {pipeline_mode = #tpu.pipeline_mode<synchronous>, transform_indices = @transform_12, window_bounds = array<i64: 1, 64>}]} {
    %eq3A = arith.constant 0 : i32
    %eq3A_0 = arith.cmpi eq, %arg0, %eq3A : i32
    %convert_element_type3A = arith.extui %eq3A_0 : i1 to i32
    %cond3A = arith.constant 0 : i32
    %cond3A_1 = arith.cmpi ne, %convert_element_type3A, %cond3A : i32
    scf.if %cond3A_1 {
      %get3A_105 = arith.constant 0 : index
      %get3A_106 = arith.constant 0 : index
      %get3A_107 = vector.load %arg1[%get3A_105, %get3A_106] : memref<64x4608xf32, #tpu.memory_space<vmem>>, vector<64x4608xf32>
      %convert_element_type3A_108 = arith.truncf %get3A_107 : vector<64x4608xf32> to vector<64x4608xbf16>
      %swap3A_109 = arith.constant 0 : index
      %swap3A_110 = arith.constant 0 : index
      %swap3A_111 = vector.load %arg14[%swap3A_109, %swap3A_110] : memref<64x4608xbf16, #tpu.memory_space<vmem>>, vector<64x4608xbf16>
      tpu.vector_store %arg14[%swap3A_109, %swap3A_110], %convert_element_type3A_108 {strides = array<i32>} : memref<64x4608xbf16, #tpu.memory_space<vmem>>, vector<64x4608xbf16>,
      %get3A_112 = arith.constant 0 : index
      %get3A_113 = arith.constant 0 : index
      %get3A_114 = vector.load %arg2[%get3A_112, %get3A_113] : memref<4608x16xf32, #tpu.memory_space<vmem>>, vector<4608x16xf32>
      %convert_element_type3A_115 = arith.truncf %get3A_114 : vector<4608x16xf32> to vector<4608x16xbf16>
      %dot_general3A_116 = arith.constant dense<0.000000e+00> : vector<64x16xf32>
      %dot_general3A_117 = tpu.matmul %convert_element_type3A_108, %convert_element_type3A_115, %dot_general3A_116 {dimension_numbers = #tpu.dot_dimension_numbers<[1], [0], [0], [1], [0, 0, 1, 1], [], []>, transpose_lhs_hint = false} : vector<64x4608xbf16>, vector<4608x16xbf16>, vector<64x16xf32> -> vector<64x16xf32>
      %get3A_118 = arith.constant 0 : index
      %get3A_119 = arith.constant 0 : index
      %get3A_120 = vector.load %arg3[%get3A_118, %get3A_119] : memref<1x16xf32, #tpu.memory_space<vmem>>, vector<1x16xf32>
      %add3A_121 = vector.broadcast %get3A_120 : vector<1x16xf32> to vector<64x16xf32>
      %add3A_122 = arith.addf %dot_general3A_117, %add3A_121 : vector<64x16xf32>
      %reduce_max3A = arith.constant dense<0xFF800000> : vector<64xf32>
      %reduce_max3A_123 = vector.multi_reduction <maximumf>, %add3A_122, %reduce_max3A [1] : vector<64x16xf32> to vector<64xf32>
      %broadcast_in_dim3A_124 = vector.shape_cast %reduce_max3A_123 : vector<64xf32> to vector<64x1xf32>
      %sub3A_125 = vector.broadcast %broadcast_in_dim3A_124 : vector<64x1xf32> to vector<64x16xf32>
      %sub3A_126 = arith.subf %add3A_122, %sub3A_125 : vector<64x16xf32>
      %exp3A = math.exp %sub3A_126 : vector<64x16xf32>
      %reduce_sum3A_127 = arith.constant dense<0.000000e+00> : vector<64xf32>
      %reduce_sum3A_128 = vector.multi_reduction <add>, %exp3A, %reduce_sum3A_127 [1] : vector<64x16xf32> to vector<64xf32>
      %broadcast_in_dim3A_129 = vector.shape_cast %reduce_sum3A_128 : vector<64xf32> to vector<64x1xf32>
      %div3A_130 = vector.broadcast %broadcast_in_dim3A_129 : vector<64x1xf32> to vector<64x16xf32>
      %div3A_131 = arith.divf %exp3A, %div3A_130 : vector<64x16xf32>
      %swap3A_132 = arith.constant 0 : index
      %swap3A_133 = arith.constant 0 : index
      %swap3A_134 = vector.load %arg15[%swap3A_132, %swap3A_133] : memref<64x16xf32, #tpu.memory_space<vmem>>, vector<64x16xf32>
      tpu.vector_store %arg15[%swap3A_132, %swap3A_133], %div3A_131 {strides = array<i32>} : memref<64x16xf32, #tpu.memory_space<vmem>>, vector<64x16xf32>,
      %iota3A_135 = tpu.iota {dimensions = array<i32: 1>} : vector<64x16xi32>
      %reduce_max3A_136 = arith.constant dense<0xFF800000> : vector<64xf32>
      %reduce_max3A_137 = vector.multi_reduction <maximumf>, %add3A_122, %reduce_max3A_136 [1] : vector<64x16xf32> to vector<64xf32>
      %broadcast_in_dim3A_138 = vector.shape_cast %reduce_max3A_137 : vector<64xf32> to vector<64x1xf32>
      %eq3A_139 = vector.broadcast %broadcast_in_dim3A_138 : vector<64x1xf32> to vector<64x16xf32>
      %eq3A_140 = arith.cmpf oeq, %add3A_122, %eq3A_139 : vector<64x16xf32>
      %jit3A = arith.constant 16 : i32
      %broadcast_in_dim3A_141 = vector.broadcast %jit3A : i32 to vector<64x16xi32>
      %select_n3A = arith.select %eq3A_140, %iota3A_135, %broadcast_in_dim3A_141 : vector<64x16xi1>, vector<64x16xi32>
      %reduce_min3A = arith.constant dense<2147483647> : vector<64xi32>
      %reduce_min3A_142 = vector.multi_reduction <minsi>, %select_n3A, %reduce_min3A [1] : vector<64x16xi32> to vector<64xi32>
      %swap3A_143 = arith.constant 0 : index
      %swap3A_144 = arith.constant 0 : index
      %swap3A_145 = vector.load %arg13[%swap3A_143, %swap3A_144] : memref<1x64xi32, #tpu.memory_space<vmem>>, vector<1x64xi32>
      %swap3A_146 = vector.shape_cast %swap3A_145 : vector<1x64xi32> to vector<64xi32>
      %swap3A_147 = vector.shape_cast %reduce_min3A_142 : vector<64xi32> to vector<1x64xi32>
      tpu.vector_store %arg13[%swap3A_143, %swap3A_144], %swap3A_147 {strides = array<i32>} : memref<1x64xi32, #tpu.memory_space<vmem>>, vector<1x64xi32>,
      %slice3A = vector.extract_strided_slice %get3A_107 {offsets = [0, 2048], sizes = [64, 512], strides = [1, 1]} : vector<64x4608xf32> to vector<64x512xf32>
      %convert_element_type3A_148 = arith.truncf %slice3A : vector<64x512xf32> to vector<64x512xbf16>
      %get3A_149 = arith.constant 0 : index
      %get3A_150 = arith.constant 0 : index
      %get3A_151 = vector.load %arg11[%get3A_149, %get3A_150] : memref<512x128xf32, #tpu.memory_space<vmem>>, vector<512x128xf32>
      %convert_element_type3A_152 = arith.truncf %get3A_151 : vector<512x128xf32> to vector<512x128xbf16>
      %dot_general3A_153 = arith.constant dense<0.000000e+00> : vector<64x128xf32>
      %dot_general3A_154 = tpu.matmul %convert_element_type3A_148, %convert_element_type3A_152, %dot_general3A_153 {dimension_numbers = #tpu.dot_dimension_numbers<[1], [0], [0], [1], [0, 0, 1, 1], [], []>, transpose_lhs_hint = false} : vector<64x512xbf16>, vector<512x128xbf16>, vector<64x128xf32> -> vector<64x128xf32>
      %swap3A_155 = arith.constant 0 : index
      %swap3A_156 = arith.constant 0 : index
      %swap3A_157 = vector.load %arg17[%swap3A_155, %swap3A_156] : memref<64x128xf32, #tpu.memory_space<vmem>>, vector<64x128xf32>
      tpu.vector_store %arg17[%swap3A_155, %swap3A_156], %dot_general3A_154 {strides = array<i32>} : memref<64x128xf32, #tpu.memory_space<vmem>>, vector<64x128xf32>,
      %broadcast_in_dim3A_158 = arith.constant 0.000000e+00 : f32
      %broadcast_in_dim3A_159 = vector.broadcast %broadcast_in_dim3A_158 : f32 to vector<64x16xf32>
      %swap3A_160 = arith.constant 0 : index
      %swap3A_161 = arith.constant 0 : index
      %swap3A_162 = vector.load %arg16[%swap3A_160, %swap3A_161] : memref<64x16xf32, #tpu.memory_space<vmem>>, vector<64x16xf32>
      tpu.vector_store %arg16[%swap3A_160, %swap3A_161], %broadcast_in_dim3A_159 {strides = array<i32>} : memref<64x16xf32, #tpu.memory_space<vmem>>, vector<64x16xf32>,
    } else {
    }
    %get3A = arith.constant 0 : index
    %get3A_2 = arith.constant 0 : index
    %get3A_3 = vector.load %arg14[%get3A, %get3A_2] : memref<64x4608xbf16, #tpu.memory_space<vmem>>, vector<64x4608xbf16>
    %get3A_4 = arith.constant 0 : index
    %get3A_5 = arith.constant 0 : index
    %get3A_6 = arith.constant 0 : index
    %get3A_7 = vector.load %arg4[%get3A_4, %get3A_5, %get3A_6] : memref<1x4608x256xf32, #tpu.memory_space<vmem>>, vector<1x4608x256xf32>
    %get3A_8 = vector.shape_cast %get3A_7 : vector<1x4608x256xf32> to vector<4608x256xf32>
    %convert_element_type3A_9 = arith.truncf %get3A_8 : vector<4608x256xf32> to vector<4608x256xbf16>
    %dot_general3A = arith.constant dense<0.000000e+00> : vector<64x256xf32>
    %dot_general3A_10 = tpu.matmul %get3A_3, %convert_element_type3A_9, %dot_general3A {dimension_numbers = #tpu.dot_dimension_numbers<[1], [0], [0], [1], [0, 0, 1, 1], [], []>, transpose_lhs_hint = false} : vector<64x4608xbf16>, vector<4608x256xbf16>, vector<64x256xf32> -> vector<64x256xf32>
    %get3A_11 = arith.constant 0 : index
    %get3A_12 = arith.constant 0 : index
    %get3A_13 = arith.constant 0 : index
    %get3A_14 = vector.load %arg6[%get3A_11, %get3A_12, %get3A_13] : memref<1x1x512xf32, #tpu.memory_space<vmem>>, vector<1x1x256xf32>
    %get3A_15 = vector.shape_cast %get3A_14 : vector<1x1x256xf32> to vector<1x256xf32>
    %add3A = vector.broadcast %get3A_15 : vector<1x256xf32> to vector<64x256xf32>
    %add3A_16 = arith.addf %dot_general3A_10, %add3A : vector<64x256xf32>
    %get3A_17 = arith.constant 0 : index
    %get3A_18 = arith.constant 0 : index
    %get3A_19 = arith.constant 0 : index
    %get3A_20 = vector.load %arg5[%get3A_17, %get3A_18, %get3A_19] : memref<1x4608x256xf32, #tpu.memory_space<vmem>>, vector<1x4608x256xf32>
    %get3A_21 = vector.shape_cast %get3A_20 : vector<1x4608x256xf32> to vector<4608x256xf32>
    %convert_element_type3A_22 = arith.truncf %get3A_21 : vector<4608x256xf32> to vector<4608x256xbf16>
    %dot_general3A_23 = arith.constant dense<0.000000e+00> : vector<64x256xf32>
    %dot_general3A_24 = tpu.matmul %get3A_3, %convert_element_type3A_22, %dot_general3A_23 {dimension_numbers = #tpu.dot_dimension_numbers<[1], [0], [0], [1], [0, 0, 1, 1], [], []>, transpose_lhs_hint = false} : vector<64x4608xbf16>, vector<4608x256xbf16>, vector<64x256xf32> -> vector<64x256xf32>
    %get3A_25 = arith.constant 0 : index
    %get3A_26 = arith.constant 0 : index
    %get3A_27 = arith.constant 256 : index
    %get3A_28 = vector.load %arg6[%get3A_25, %get3A_26, %get3A_27] : memref<1x1x512xf32, #tpu.memory_space<vmem>>, vector<1x1x256xf32>
    %get3A_29 = vector.shape_cast %get3A_28 : vector<1x1x256xf32> to vector<1x256xf32>
    %add3A_30 = vector.broadcast %get3A_29 : vector<1x256xf32> to vector<64x256xf32>
    %add3A_31 = arith.addf %dot_general3A_24, %add3A_30 : vector<64x256xf32>
    %max3A = arith.constant 0.000000e+00 : f32
    %max3A_32 = vector.broadcast %max3A : f32 to vector<64x256xf32>
    %max3A_33 = arith.maximumf %add3A_16, %max3A_32 : vector<64x256xf32>
    %convert_element_type3A_34 = arith.truncf %max3A_33 : vector<64x256xf32> to vector<64x256xbf16>
    %max3A_35 = arith.constant 0.000000e+00 : f32
    %max3A_36 = vector.broadcast %max3A_35 : f32 to vector<64x256xf32>
    %max3A_37 = arith.maximumf %add3A_31, %max3A_36 : vector<64x256xf32>
    %convert_element_type3A_38 = arith.truncf %max3A_37 : vector<64x256xf32> to vector<64x256xbf16>
    %get3A_39 = arith.constant 0 : index
    %get3A_40 = arith.constant 0 : index
    %get3A_41 = arith.constant 0 : index
    %get3A_42 = vector.load %arg7[%get3A_39, %get3A_40, %get3A_41] : memref<1x512x512xf32, #tpu.memory_space<vmem>>, vector<1x256x512xf32>
    %get3A_43 = vector.shape_cast %get3A_42 : vector<1x256x512xf32> to vector<256x512xf32>
    %convert_element_type3A_44 = arith.truncf %get3A_43 : vector<256x512xf32> to vector<256x512xbf16>
    %dot_general3A_45 = arith.constant dense<0.000000e+00> : vector<64x512xf32>
    %dot_general3A_46 = tpu.matmul %convert_element_type3A_34, %convert_element_type3A_44, %dot_general3A_45 {dimension_numbers = #tpu.dot_dimension_numbers<[1], [0], [0], [1], [0, 0, 1, 1], [], []>, transpose_lhs_hint = false} : vector<64x256xbf16>, vector<256x512xbf16>, vector<64x512xf32> -> vector<64x512xf32>
    %get3A_47 = arith.constant 0 : index
    %get3A_48 = arith.constant 256 : index
    %get3A_49 = arith.constant 0 : index
    %get3A_50 = vector.load %arg7[%get3A_47, %get3A_48, %get3A_49] : memref<1x512x512xf32, #tpu.memory_space<vmem>>, vector<1x256x512xf32>
    %get3A_51 = vector.shape_cast %get3A_50 : vector<1x256x512xf32> to vector<256x512xf32>
    %convert_element_type3A_52 = arith.truncf %get3A_51 : vector<256x512xf32> to vector<256x512xbf16>
    %dot_general3A_53 = arith.constant dense<0.000000e+00> : vector<64x512xf32>
    %dot_general3A_54 = tpu.matmul %convert_element_type3A_38, %convert_element_type3A_52, %dot_general3A_53 {dimension_numbers = #tpu.dot_dimension_numbers<[1], [0], [0], [1], [0, 0, 1, 1], [], []>, transpose_lhs_hint = false} : vector<64x256xbf16>, vector<256x512xbf16>, vector<64x512xf32> -> vector<64x512xf32>
    %add3A_55 = arith.addf %dot_general3A_46, %dot_general3A_54 : vector<64x512xf32>
    %get3A_56 = arith.constant 0 : index
    %get3A_57 = arith.constant 0 : index
    %get3A_58 = arith.constant 0 : index
    %get3A_59 = vector.load %arg8[%get3A_56, %get3A_57, %get3A_58] : memref<1x1x512xf32, #tpu.memory_space<vmem>>, vector<1x1x512xf32>
    %get3A_60 = vector.shape_cast %get3A_59 : vector<1x1x512xf32> to vector<1x512xf32>
    %add3A_61 = vector.broadcast %get3A_60 : vector<1x512xf32> to vector<64x512xf32>
    %add3A_62 = arith.addf %add3A_55, %add3A_61 : vector<64x512xf32>
    %max3A_63 = arith.constant 0.000000e+00 : f32
    %max3A_64 = vector.broadcast %max3A_63 : f32 to vector<64x512xf32>
    %max3A_65 = arith.maximumf %add3A_62, %max3A_64 : vector<64x512xf32>
    %convert_element_type3A_66 = arith.truncf %max3A_65 : vector<64x512xf32> to vector<64x512xbf16>
    %get3A_67 = arith.constant 0 : index
    %get3A_68 = arith.constant 0 : index
    %get3A_69 = arith.constant 0 : index
    %get3A_70 = vector.load %arg9[%get3A_67, %get3A_68, %get3A_69] : memref<1x512x128xf32, #tpu.memory_space<vmem>>, vector<1x512x128xf32>
    %get3A_71 = vector.shape_cast %get3A_70 : vector<1x512x128xf32> to vector<512x128xf32>
    %convert_element_type3A_72 = arith.truncf %get3A_71 : vector<512x128xf32> to vector<512x128xbf16>
    %dot_general3A_73 = arith.constant dense<0.000000e+00> : vector<64x128xf32>
    %dot_general3A_74 = tpu.matmul %convert_element_type3A_66, %convert_element_type3A_72, %dot_general3A_73 {dimension_numbers = #tpu.dot_dimension_numbers<[1], [0], [0], [1], [0, 0, 1, 1], [], []>, transpose_lhs_hint = false} : vector<64x512xbf16>, vector<512x128xbf16>, vector<64x128xf32> -> vector<64x128xf32>
    %get3A_75 = arith.constant 0 : index
    %get3A_76 = arith.constant 0 : index
    %get3A_77 = arith.constant 0 : index
    %get3A_78 = vector.load %arg10[%get3A_75, %get3A_76, %get3A_77] : memref<1x1x128xf32, #tpu.memory_space<vmem>>, vector<1x1x128xf32>
    %get3A_79 = vector.shape_cast %get3A_78 : vector<1x1x128xf32> to vector<1x128xf32>
    %add3A_80 = vector.broadcast %get3A_79 : vector<1x128xf32> to vector<64x128xf32>
    %add3A_81 = arith.addf %dot_general3A_74, %add3A_80 : vector<64x128xf32>
    %get3A_82 = arith.constant 0 : index
    %get3A_83 = arith.constant 0 : index
    %get3A_84 = vector.load %arg17[%get3A_82, %get3A_83] : memref<64x128xf32, #tpu.memory_space<vmem>>, vector<64x128xf32>
    %sub3A = arith.subf %add3A_81, %get3A_84 : vector<64x128xf32>
    %integer_pow3A = arith.mulf %sub3A, %sub3A : vector<64x128xf32>
    %reduce_sum3A = arith.constant dense<0.000000e+00> : vector<64xf32>
    %reduce_sum3A_85 = vector.multi_reduction <add>, %integer_pow3A, %reduce_sum3A [1] : vector<64x128xf32> to vector<64xf32>
    %div3A = arith.constant 1.280000e+02 : f32
    %div3A_86 = vector.broadcast %div3A : f32 to vector<64xf32>
    %div3A_87 = arith.divf %reduce_sum3A_85, %div3A_86 : vector<64xf32>
    %iota3A = tpu.iota {dimensions = array<i32: 1>} : vector<1x16xi32>
    %eq3A_88 = vector.broadcast %arg0 : i32 to vector<1x16xi32>
    %eq3A_89 = arith.cmpi eq, %iota3A, %eq3A_88 : vector<1x16xi32>
    %convert_element_type3A_90 = arith.extui %eq3A_89 : vector<1x16xi1> to vector<1x16xi32>
    %convert_element_type3A_91 = arith.sitofp %convert_element_type3A_90 : vector<1x16xi32> to vector<1x16xf32>
    %get3A_92 = arith.constant 0 : index
    %get3A_93 = arith.constant 0 : index
    %get3A_94 = vector.load %arg16[%get3A_92, %get3A_93] : memref<64x16xf32, #tpu.memory_space<vmem>>, vector<64x16xf32>
    %broadcast_in_dim3A = vector.shape_cast %div3A_87 : vector<64xf32> to vector<64x1xf32>
    %mul3A = vector.broadcast %broadcast_in_dim3A : vector<64x1xf32> to vector<64x16xf32>
    %mul3A_95 = vector.broadcast %convert_element_type3A_91 : vector<1x16xf32> to vector<64x16xf32>
    %mul3A_96 = arith.mulf %mul3A, %mul3A_95 : vector<64x16xf32>
    %add3A_97 = arith.addf %get3A_94, %mul3A_96 : vector<64x16xf32>
    %swap3A = arith.constant 0 : index
    %swap3A_98 = arith.constant 0 : index
    %swap3A_99 = vector.load %arg16[%swap3A, %swap3A_98] : memref<64x16xf32, #tpu.memory_space<vmem>>, vector<64x16xf32>
    tpu.vector_store %arg16[%swap3A, %swap3A_98], %add3A_97 {strides = array<i32>} : memref<64x16xf32, #tpu.memory_space<vmem>>, vector<64x16xf32>,
    %eq3A_100 = arith.constant 15 : i32
    %eq3A_101 = arith.cmpi eq, %arg0, %eq3A_100 : i32
    %convert_element_type3A_102 = arith.extui %eq3A_101 : i1 to i32
    %cond3A_103 = arith.constant 0 : i32
    %cond3A_104 = arith.cmpi ne, %convert_element_type3A_102, %cond3A_103 : i32
    scf.if %cond3A_104 {
      %get3A_105 = arith.constant 0 : index
      %get3A_106 = arith.constant 0 : index
      %get3A_107 = vector.load %arg15[%get3A_105, %get3A_106] : memref<64x16xf32, #tpu.memory_space<vmem>>, vector<64x16xf32>
      %get3A_108 = arith.constant 0 : index
      %get3A_109 = arith.constant 0 : index
      %get3A_110 = vector.load %arg16[%get3A_108, %get3A_109] : memref<64x16xf32, #tpu.memory_space<vmem>>, vector<64x16xf32>
      %mul3A_111 = arith.mulf %get3A_107, %get3A_110 : vector<64x16xf32>
      %reduce_sum3A_112 = vector.shape_cast %mul3A_111 : vector<64x16xf32> to vector<1x64x16xf32>
      %reduce_sum3A_113 = arith.constant dense<0.000000e+00> : vector<1xf32>
      %reduce_sum3A_114 = vector.multi_reduction <add>, %reduce_sum3A_112, %reduce_sum3A_113 [1, 2] : vector<1x64x16xf32> to vector<1xf32>
      %reduce_sum3A_115 = vector.shape_cast %reduce_sum3A_114 : vector<1xf32> to vector<1x1x1xf32>
      %reduce_sum3A_116 = vector.extract %reduce_sum3A_115[0, 0, 0] : f32 from vector<1x1x1xf32>
      %div3A_117 = arith.constant 6.400000e+01 : f32
      %div3A_118 = arith.divf %reduce_sum3A_116, %div3A_117 : f32
      %reduce_sum3A_119 = arith.constant dense<0.000000e+00> : vector<16xf32>
      %reduce_sum3A_120 = vector.multi_reduction <add>, %get3A_107, %reduce_sum3A_119 [0] : vector<64x16xf32> to vector<16xf32>
      %broadcast_in_dim3A_121 = vector.shape_cast %reduce_sum3A_120 : vector<16xf32> to vector<1x16xf32>
      %div3A_122 = arith.constant 6.400000e+01 : f32
      %div3A_123 = vector.broadcast %div3A_122 : f32 to vector<1x16xf32>
      %div3A_124 = arith.divf %broadcast_in_dim3A_121, %div3A_123 : vector<1x16xf32>
      %add3A_125 = arith.constant 9.99999971E-10 : f32
      %add3A_126 = vector.broadcast %add3A_125 : f32 to vector<1x16xf32>
      %add3A_127 = arith.addf %div3A_124, %add3A_126 : vector<1x16xf32>
      %log3A = math.log %add3A_127 : vector<1x16xf32>
      %log3A_128 = arith.constant 6.250000e-02 : f32
      %log3A_129 = math.log %log3A_128 : f32
      %sub3A_130 = vector.broadcast %log3A_129 : f32 to vector<1x16xf32>
      %sub3A_131 = arith.subf %log3A, %sub3A_130 : vector<1x16xf32>
      %mul3A_132 = arith.mulf %div3A_124, %sub3A_131 : vector<1x16xf32>
      %reduce_sum3A_133 = vector.shape_cast %mul3A_132 : vector<1x16xf32> to vector<1x1x16xf32>
      %reduce_sum3A_134 = arith.constant dense<0.000000e+00> : vector<1xf32>
      %reduce_sum3A_135 = vector.multi_reduction <add>, %reduce_sum3A_133, %reduce_sum3A_134 [1, 2] : vector<1x1x16xf32> to vector<1xf32>
      %reduce_sum3A_136 = vector.shape_cast %reduce_sum3A_135 : vector<1xf32> to vector<1x1x1xf32>
      %reduce_sum3A_137 = vector.extract %reduce_sum3A_136[0, 0, 0] : f32 from vector<1x1x1xf32>
      %mul3A_138 = arith.constant 0.00999999977 : f32
      %mul3A_139 = arith.mulf %mul3A_138, %reduce_sum3A_137 : f32
      %add3A_140 = arith.addf %div3A_118, %mul3A_139 : f32
      %reshape3A = vector.broadcast %add3A_140 : f32 to vector<1x1xf32>
      %swap3A_141 = arith.constant 0 : index
      %swap3A_142 = arith.constant 0 : index
      %swap3A_143 = vector.load %arg12[%swap3A_141, %swap3A_142] : memref<1x1xf32, #tpu.memory_space<vmem>>, vector<1x1xf32>
      tpu.vector_store %arg12[%swap3A_141, %swap3A_142], %reshape3A {strides = array<i32>} : memref<1x1xf32, #tpu.memory_space<vmem>>, vector<1x1xf32>,
    } else {
    }
    return
  }
  func.func @transform_0(%arg0: i32) -> (i32, i32) {
    %c0_i32 = arith.constant 0 : i32
    %c0_i32_0 = arith.constant 0 : i32
    %c0_i32_1 = arith.constant 0 : i32
    return %c0_i32, %c0_i32_0 : i32, i32
  }
  func.func @transform_1(%arg0: i32) -> (i32, i32) {
    %c0_i32 = arith.constant 0 : i32
    %c0_i32_0 = arith.constant 0 : i32
    %c0_i32_1 = arith.constant 0 : i32
    return %c0_i32, %c0_i32_0 : i32, i32
  }
  func.func @transform_2(%arg0: i32) -> (i32, i32) {
    %c0_i32 = arith.constant 0 : i32
    %c0_i32_0 = arith.constant 0 : i32
    %c0_i32_1 = arith.constant 0 : i32
    return %c0_i32, %c0_i32_0 : i32, i32
  }
  func.func @transform_3(%arg0: i32) -> (i32, i32, i32) {
    %c0_i32 = arith.constant 0 : i32
    %c0_i32_0 = arith.constant 0 : i32
    %c0_i32_1 = arith.constant 0 : i32
    return %arg0, %c0_i32, %c0_i32_0 : i32, i32, i32
  }
  func.func @transform_4(%arg0: i32) -> (i32, i32, i32) {
    %c0_i32 = arith.constant 0 : i32
    %c1_i32 = arith.constant 1 : i32
    %c0_i32_0 = arith.constant 0 : i32
    return %arg0, %c0_i32, %c1_i32 : i32, i32, i32
  }
  func.func @transform_5(%arg0: i32) -> (i32, i32, i32) {
    %c0_i32 = arith.constant 0 : i32
    %c0_i32_0 = arith.constant 0 : i32
    %c0_i32_1 = arith.constant 0 : i32
    return %arg0, %c0_i32, %c0_i32_0 : i32, i32, i32
  }
  func.func @transform_6(%arg0: i32) -> (i32, i32, i32) {
    %c0_i32 = arith.constant 0 : i32
    %c0_i32_0 = arith.constant 0 : i32
    %c0_i32_1 = arith.constant 0 : i32
    return %arg0, %c0_i32, %c0_i32_0 : i32, i32, i32
  }
  func.func @transform_7(%arg0: i32) -> (i32, i32, i32) {
    %c0_i32 = arith.constant 0 : i32
    %c0_i32_0 = arith.constant 0 : i32
    %c0_i32_1 = arith.constant 0 : i32
    return %arg0, %c0_i32, %c0_i32_0 : i32, i32, i32
  }
  func.func @transform_8(%arg0: i32) -> (i32, i32, i32) {
    %c0_i32 = arith.constant 0 : i32
    %c0_i32_0 = arith.constant 0 : i32
    %c0_i32_1 = arith.constant 0 : i32
    return %arg0, %c0_i32, %c0_i32_0 : i32, i32, i32
  }
  func.func @transform_9(%arg0: i32) -> (i32, i32, i32) {
    %c0_i32 = arith.constant 0 : i32
    %c0_i32_0 = arith.constant 0 : i32
    %c0_i32_1 = arith.constant 0 : i32
    return %arg0, %c0_i32, %c0_i32_0 : i32, i32, i32
  }
  func.func @transform_10(%arg0: i32) -> (i32, i32) {
    %c0_i32 = arith.constant 0 : i32
    %c0_i32_0 = arith.constant 0 : i32
    %c0_i32_1 = arith.constant 0 : i32
    return %c0_i32, %c0_i32_0 : i32, i32
  }
  func.func @transform_11(%arg0: i32) -> (i32, i32) {
    %c0_i32 = arith.constant 0 : i32
    %c0_i32_0 = arith.constant 0 : i32
    %c0_i32_1 = arith.constant 0 : i32
    return %c0_i32, %c0_i32_0 : i32, i32
  }
  func.func @transform_12(%arg0: i32) -> (i32, i32) {
    %c0_i32 = arith.constant 0 : i32
    %c0_i32_0 = arith.constant 0 : i32
    %c0_i32_1 = arith.constant 0 : i32
    return %c0_i32, %c0_i32_0 : i32, i32
  }
}

</mosaic_0001>

<sc_bundles>
// kernel: kernel.4.cloned.1.call-start
scs
__scs_entry_jumppad:
0x0: {  	(pc) =	sbr.rel $0x88, $3  }
0x1: {  	(tag) =	ssettag $0x0;
	lr =	simm.s32 $0x1  }
0x2: {  	[smem:$0x3F96] =	sst lr;
	_ =	strace $0xD0000000  }
0x3: {  	_ = 	snop  }
0x4: {  	_ = 	snop  }
0x5: {  	_ = 	snop  }
0x6: {  	_ = 	snop  }
0x7: {  	_ = 	snop  }
__scs_overlays_trampoline_lowered:
0x8: {  	[smem:$0x3FA5] =	sst s0  }
0x9: {  	[smem:$0x3FA6] =	sst s1  }
0xa: {  	[smem:$0x3FA7] =	sst s2  }
0xb: {  	[smem:$0x3FA8] =	sst s3  }
0xc: {  	[smem:$0x3FA9] =	sst s4  }
0xd: {  	[smem:$0x3FAA] =	sst s5  }
0xe: {  	[smem:$0x3FAB] =	sst s6  }
0xf: {  	[smem:$0x3FAC] =	sst s7  }
0x10: {  	[smem:$0x3FAD] =	sst s8  }
0x11: {  	[smem:$0x3FAE] =	sst s9;
	s0 =	simm.s32 @!p0 $0x0  }
0x12: {  	s1 =	sld [smem:$0x3F94];
	s0 =	simm.s32 @p0 $0x1  }
0x13: {  	[smem:$0x3FAF] =	sst s0;
	s0 =	simm.s32 @!p1 $0x0  }
0x14: {  	s2 =	sld [smem:$0x3F93];
	s0 =	simm.s32 @p1 $0x1  }
0x15: {  	[smem:$0x3FB0] =	sst s0;
	s0 =	simm.s32 @!p2 $0x0  }
0x16: {  	s3 =	sld [smem:$0x3FDB];
	s0 =	simm.s32 @p2 $0x1  }
0x17: {  	s4 =	simm.s32 $0x1BF5;
	[smem:$0x3FB2] =	sst s0  }
0x18: {  	s0 =	sld [smem:$0x3F95];
	_ =	swait.ge [sflag:s4], $0x0  }
0x19: {  	s7 =	sld [smem:$0x3F96]  }
0x1a: {  	s8 =	sadd.s32 $0xFFFFE003, lr  }
0x1b: {  	s9 =	sadd.s32 $0xFFFFFEF7, lr;
	s5 =	simm.s32 $0xFFFFFFFF;
	p2 =	slt.u32 s8, $0xFFFFF086  }
0x1c: {  	p1 =	slt.u32 s9, $0xF7A;
	s5 =	simm.s32 @!p2 $0x0  }
0x1d: {  	s5 =	simm.s32 @p1 $0x1;
	p0 =	seq.s32 s7, s2  }
0x1e: {  	s7 =	smul.u32 @!p0 $0xF7A, s2;
	p2 =	seq.s32 @!p0 s5, $0x0  }
0x1f: {  	s9 =	smul.u32 $0xF7A, s1;
	s8 =	simm.s32 @!p0 $0x1BF5;
	p2 =	por !p2, p0  }
0x20: {  	[sflag:s8] =	ssyncset.s32 @!p0 $0xFFFFF086;
	s6 =	sadd.s32 @!p0 s3, s7;
	s7 =	simm.s32 @!p0 $0x108  }
0x21: {  	s3 =	sadd.s32 s3, s9;
	s6 =	sadd.s32 @!p0 $0x88, s6;
	s7 =	simm.s32 @p2 $0x1082  }
0x22: {  	[simem:s7], [sflag:s8] =	dma.local @!p0 [hbm:s6], $0xF7A  }
0x23: {  	s9 =	sor.u32 $0xD0000000, s2;
	s6 =	simm.s32 $0x108;
	_ =	swait.ge @!p0 [sflag:s8], $0x0  }
0x24: {  	s3 =	sadd.s32 $0x88, s3;
	s6 =	simm.s32 @!p1 $0x1082;
	[sflag:s4] =	ssyncset.s32 $0xFFFFF086  }
0x25: {  	[simem:s6], [sflag:s4] =	dma.local [hbm:s3], $0xF7A  }
0x26: {  	[smem:$0x3F96] =	sst s1;
	(tag) =	ssettag s2;
	_ =	strace s9  }
0x27: {  	s1 =	sld [smem:$0x3FA6]  }
0x28: {  	s2 =	sld [smem:$0x3FA7]  }
0x29: {  	s4 =	sld [smem:$0x3FA9]  }
0x2a: {  	p0 =	seq.s32 s5, $0x0;
	s5 =	sld [smem:$0x3FAA]  }
0x2b: {  	s6 =	sld [smem:$0x3FAB]  }
0x2c: {  	s7 =	sld [smem:$0x3FAC]  }
0x2d: {  	s3 =	simm.s32 $0x108;
	s8 =	sld [smem:$0x3FAD]  }
0x2e: {  	s3 =	simm.s32 @!p0 $0x1082;
	s9 =	sld [smem:$0x3FAE]  }
0x2f: {  	lr =	sadd.s32 s0, s3;
	s0 =	sld [smem:$0x3FA5]  }
0x30: {  	s3 =	sld [smem:$0x3FA8]  }
0x31: {  	[smem:$0x3FB1] =	sst s10  }
0x32: {  	s10 =	sld [smem:$0x3FAF];
	_ =	sdelay $0x3  }
0x33: {  	p0 =	seq.s32 s10, $0x1;
	s10 =	sld [smem:$0x3FB1];
	_ =	sdelay $0x3  }
0x34: {  	[smem:$0x3FB1] =	sst s10  }
0x35: {  	s10 =	sld [smem:$0x3FB0];
	_ =	sdelay $0x3  }
0x36: {  	p1 =	seq.s32 s10, $0x1;
	s10 =	sld [smem:$0x3FB1];
	_ =	sdelay $0x3  }
0x37: {  	[smem:$0x3FB1] =	sst s10  }
0x38: {  	s10 =	sld [smem:$0x3FB2]  }
0x39: {  	_ = 	snop;
	(pc) =	sbr.ind lr, $3  }
0x3a: {  	_ = 	snop  }
0x3b: {  	_ = 	snop  }
0x3c: {  	p2 =	seq.s32 s10, $0x1;
	s10 =	sld [smem:$0x3FB1]  }
0x3d: {  	_ =	shalt  }
0x3e: {  	_ =	shalt  }
0x3f: {  	_ =	shalt  }
0x40: {  	_ =	shalt  }
0x41: {  	_ =	shalt  }
0x42: {  	_ =	shalt  }
0x43: {  	_ =	shalt  }
0x44: {  	_ =	shalt  }
0x45: {  	_ =	shalt  }
0x46: {  	_ =	shalt  }
0x47: {  	_ =	shalt  }
0x48: {  	_ =	shalt  }
0x49: {  	_ =	shalt  }
0x4a: {  	_ =	shalt  }
0x4b: {  	_ =	shalt  }
0x4c: {  	_ =	shalt  }
0x4d: {  	_ =	shalt  }
0x4e: {  	_ =	shalt  }
0x4f: {  	_ =	shalt  }
0x50: {  	_ =	shalt  }
0x51: {  	_ =	shalt  }
0x52: {  	_ =	shalt  }
0x53: {  	_ =	shalt  }
0x54: {  	_ =	shalt  }
0x55: {  	_ =	shalt  }
0x56: {  	_ =	shalt  }
0x57: {  	_ =	shalt  }
0x58: {  	_ =	shalt  }
0x59: {  	_ =	shalt  }
0x5a: {  	_ =	shalt  }
0x5b: {  	_ =	shalt  }
0x5c: {  	_ =	shalt  }
0x5d: {  	_ =	shalt  }
0x5e: {  	_ =	shalt  }
0x5f: {  	_ =	shalt  }
0x60: {  	_ =	shalt  }
0x61: {  	_ =	shalt  }
0x62: {  	_ =	shalt  }
0x63: {  	_ =	shalt  }
0x64: {  	_ =	shalt  }
0x65: {  	_ =	shalt  }
0x66: {  	_ =	shalt  }
0x67: {  	_ =	shalt  }
0x68: {  	_ =	shalt  }
0x69: {  	_ =	shalt  }
0x6a: {  	_ =	shalt  }
0x6b: {  	_ =	shalt  }
0x6c: {  	_ =	shalt  }
0x6d: {  	_ =	shalt  }
0x6e: {  	_ =	shalt  }
0x6f: {  	_ =	shalt  }
0x70: {  	_ =	shalt  }
0x71: {  	_ =	shalt  }
0x72: {  	_ =	shalt  }
0x73: {  	_ =	shalt  }
0x74: {  	_ =	shalt  }
0x75: {  	_ =	shalt  }
0x76: {  	_ =	shalt  }
0x77: {  	_ =	shalt  }
0x78: {  	_ =	shalt  }
0x79: {  	_ =	shalt  }
0x7a: {  	_ =	shalt  }
0x7b: {  	_ =	shalt  }
0x7c: {  	_ =	shalt  }
0x7d: {  	_ =	shalt  }
0x7e: {  	_ =	shalt  }
0x7f: {  	_ =	shalt  }
0x80: {  	_ =	shalt  }
0x81: {  	_ =	shalt  }
0x82: {  	_ =	shalt  }
0x83: {  	_ =	shalt  }
0x84: {  	_ =	shalt  }
0x85: {  	_ =	shalt  }
0x86: {  	_ =	shalt  }
0x87: {  	_ =	shalt  }
.Lfunc_end0:
.L_simem_size_0:
called_computation_lowered:
.L_overlay_start_0:
0x88: {  	s2 =	sld [smem:$0x3FD9]  }
0x89: {  	s3 =	sld [smem:$0x3FFE];
	_ =	sdelay $0x1  }
0x8a: {  	s1 =	srdreg.scid  }
0x8b: {  	s0 =	sand.u32 $0x1, s1  }
0x8c: {  	s14 =	sshll.u32 s0, $0xA;
	s2 =	sadd.s32 s3, s2  }
0x8d: {  	s2 =	sadd.s32 s2, s14  }
0x8e: {  	[smem:$0x3FBD] =	sst s2  }
0x8f: {  	_ = 	snop  }
0x90: {  	s2 =	sld [smem:$0x3FD0];
	_ =	sdelay $0x2  }
0x91: {  	s4 =	simm.s32 $0xA;
	s5 =	simm.s32 $0x10;
	s15 =	sld [smem:$0x3FC9]  }
0x92: {  	[smem:s5], [sflag:s4] =	dma.local [hbm:s2], $0x1  }
0x93: {  	_ =	swait.eq [sflag:s4], $0x1  }
0x94: {  	[sflag:s4] =	ssyncset.done $0x0  }
0x95: {  	[sflag:s4] =	ssyncadd.s32 $0xFFFFFFFF  }
0x96: {  	s16 =	sld [smem:$0x11];
	(tm) =	ssettm $0x1  }
0x97: {  	s17 =	sld [smem:$0x3FFB];
	_ =	sdelay $0x3  }
0x98: {  	_ =	strace s17  }
0x99: {  	s4 =	sld [smem:$0x3FFC];
	_ =	sdelay $0x3  }
0x9a: {  	_ =	strace s4  }
0x9b: {  	s4 =	sld [smem:$0x3FFD];
	_ =	sdelay $0x3  }
0x9c: {  	_ =	strace s4  }
0x9d: {  	_ =	strace $0x8FFFFFFF  }
0x9e: {  	s18 =	sld [smem:$0x3FDB];
	_ =	sdelay $0x1  }
0x9f: {  	s19 =	simm.s32 $_scs_section_size  }
0xa0: {  	s6 =	simm.s32 $_size__tile_overlayer_lowered;
	s7 =	simm.s32 $_tile_overlayer_lowered  }
0xa1: {  	s22 =	simm.s32 $0x1BFF;
	s21 =	sshll.u32 s7, $0x1;
	s4 =	sadd.s32 s19, s18  }
0xa2: {  	s8 =	simm.s32 $0x0;
	s20 =	sshll.u32 s6, $0x1;
	s6 =	sadd.s32 s21, s4  }
0xa3: {  	[timem:s8], [sflag:s22] =	dma.local [hbm:s6], s20  }
0xa4: {  	_ =	swait.ge [sflag:s22], s20  }
0xa5: {  	s5 =	ssub.s32 $0x0, s20;
	[sflag:s22] =	ssyncset.done $0x0  }
0xa6: {  	[sflag:s22] =	ssyncadd.s32 s5;
	_ =	sdelay $0x1  }
0xa7: {  	s23 =	simm.s32 $0x1B8B  }
0xa8: {  	_ =	swait.ge [sflag:s23], $0x1  }
0xa9: {  	[sflag:s23] =	ssyncset.done $0x0  }
0xaa: {  	s25 =	simm.s32 $0x1B8E;
	s24 =	sld [smem:$0x3FFE];
	[sflag:s23] =	ssyncadd.s32 $0xFFFFFFFF  }
0xab: {  	s26 =	simm.s32 $execute0_lowered;
	[smem:$0x3FD2] =	sst s25  }
0xac: {  	s6 =	sshll.u32 s26, $0x1;
	_ =	strace $0x80000046;
	[dreg:$0x1] =	wrdreg $0xFFFFFFFF  }
0xad: {  	s28 =	simm.s32 $_size_execute0_lowered;
	s4 =	sadd.s32 s4, s6;
	[dreg:$0x0] =	wrdreg $0x0  }
0xae: {  	s6 =	sshll.u32 s28, $0x1;
	[dreg:$0x2] =	wrdreg s4  }
0xaf: {  	[dreg:$0x3] =	wrdreg s6  }
0xb0: {  	[dreg:$0x4] =	wrdreg $0xC0  }
0xb1: {  	_ =	task [dreg:s8], $0x5FFFF  }
0xb2: {  	[dreg:$0x1] =	wrdreg $0xFFFFFFFF  }
0xb3: {  	[dreg:$0x0] =	wrdreg $0x60  }
0xb4: {  	[dreg:$0x2] =	wrdreg s16  }
0xb5: {  	[dreg:$0x3] =	wrdreg s15  }
0xb6: {  	[dreg:$0x4] =	wrdreg s24  }
0xb7: {  	[dreg:$0x5] =	wrdreg $0x9  }
0xb8: {  	_ =	task.clear_ibuf [dreg:s8], $0x6FFFF;
	_ =	strace $0x90000046  }
0xb9: {  	s29 =	simm.s32 $0x9;
	_ =	strace $0x80000048  }
0xba: {  	_ =	swait.ge [sflag:s29], $0x1  }
0xbb: {  	[sflag:s29] =	ssyncadd.s32 $0xFFFFFFFF  }
0xbc: {  	_ =	strace $0x90000048  }
0xbd: {  	_ =	sfence  }
0xbe: {  	s30 =	sld [smem:$0x0];
	_ =	sdelay $0x2  }
0xbf: {  	s31 =	sshll.u32 s1, $0xD;
	s1 =	sshrl.u32 s1, $0x2  }
0xc0: {  	s3 =	sand.u32 $0x4000, s31;
	s1 =	sadd.s32 s1, s30  }
0xc1: {  	s0 =	sor.u32 s3, s0;
	s1 =	sshll.u32 s1, $0x11  }
0xc2: {  	s0 =	sor.u32 s1, s0  }
0xc3: {  	s0 =	sadd.s32 $0x8F2B, s0  }
0xc4: {  	[sflag:s0] =	ssyncadd.remote.s32 $0x1  }
0xc5: {  	_ =	sfence.sel $0xFFFF  }
0xc6: {  	[dreg:$0x0] =	wrdreg $0xFFFFFFFF;
	(pc) =	sbr.abs _section_cstart, $3  }
0xc7: {  	[dreg:$0x1] =	wrdreg $0xFFFFFFFF  }
0xc8: {  	_ =	task.clear_ibuf [dreg:s8], $0x2FFFF;
	_ =	strace $0x9FFFFFFF  }
0xc9: {  	(tm) =	ssettm $0x7FFFFFFF  }
tec
execute0_lowered:
.L_overlay_start_1:
0x0: {  	(tag) =	ssettag $0x1  }
0x1: {  	s1 =	rddreg [dreg:$0x0]  }
0x2: {  	s2 =	rddreg [dreg:$0x1]  }
0x3: {  	s0 =	rddreg [dreg:$0x2]  }
0x4: {  	s4 =	srdreg.scid;
	s3 =	simm.s32 $0x0;
	s7 =	stileid.u32  }
0x5: {  	s5 =	sand.u32 $0x1, s4;
	[smem:$0x7FF] =	sst s3;
	s8 =	sadd.s32 $0x1600, s0  }
0x6: {  	s20 =	sshll.u32 s7, $0x1;
	s21 =	sadd.s32 $0x1780, s0;
	s22 =	sadd.s32 $0x1700, s0  }
0x7: {  	s23 =	sadd.s32 $0x1680, s0;
	s24 =	sadd.s32 $0x2580, s0;
	s25 =	sadd.s32 $0x2500, s0  }
0x8: {  	s26 =	sadd.s32 $0x2480, s0;
	s7 =	sadd.s32 $0x2400, s0;
	s9 =	sadd.s32 $0x2380, s0  }
0x9: {  	s10 =	sadd.s32 $0x1900, s0;
	s11 =	sadd.s32 $0x2600, s0;
	s17 =	sadd.s32 $0x2680, s0  }
0xa: {  	s13 =	sadd.s32 $0x1880, s0;
	_ =	strace $0x80000047;
	[dreg:$0x4] =	wrdreg s8  }
0xb: {  	s18 =	sadd.s32 $0x1800, s0;
	s4 =	ssub.s32 $0x2, s5;
	[dreg:$0x5] =	wrdreg s21  }
0xc: {  	s8 =	sadd.s32 $0x2780, s0;
	[dreg:$0x7] =	wrdreg s22;
	s6 =	sshrl.u32 s4, $0x1  }
0xd: {  	[dreg:$0x8] =	wrdreg s23;
	s4 =	ssub.s32 s4, s6;
	s6 =	sor.u32 s5, s20  }
0xe: {  	[dreg:$0xd] =	wrdreg s9;
	p0 =	seq.s32 s6, $0x0;
	p4 =	sgt.s32 s6, $0x5  }
0xf: {  	p2 =	seq.s32 s6, $0x2;
	s17 =	smov.u32 @p0 s11;
	s11 =	sadd.s32 $0x2700, s0  }
0x10: {  	p1 =	seq.s32 @p4 s6, $0x6;
	p3 =	seq.s32 @!p4 s6, $0x4;
	s8 =	smov.u32 @p2 s11  }
0x11: {  	s12 =	simm.s32 @!p1 $0x0;
	[dreg:$0x6] =	wrdreg s8;
	s8 =	simm.s32 @!p3 $0x0  }
0x12: {  	s12 =	simm.s32 @p1 $0x1;
	p1 =	por !p1, !p4;
	s8 =	simm.s32 @p3 $0x1  }
0x13: {  	s9 =	sadd.s32 $0x1980, s0;
	[smem:$0x7E9] =	sst s8;
	s8 =	simm.s32 @!p1 $0x0  }
0x14: {  	s10 =	smov.u32 @p1 s9;
	s8 =	simm.s32 @p1 $0x1;
	p1 =	por !p3, p4  }
0x15: {  	p3 =	sgt.s32 s6, $0x9;
	[smem:$0x7E0] =	sst s8;
	s8 =	simm.s32 @!p1 $0x0  }
0x16: {  	s18 =	smov.u32 @p1 s13;
	s8 =	simm.s32 @p1 $0x1;
	p1 =	seq.s32 @p3 s6, $0xA  }
0x17: {  	s19 =	sadd.s32 $0x1A00, s0;
	[smem:$0x7E1] =	sst s8;
	s8 =	simm.s32 @!p1 $0x0  }
0x18: {  	[dreg:$0x9] =	wrdreg s24;
	p5 =	seq.s32 @!p3 s6, $0x8;
	s8 =	simm.s32 @p1 $0x1  }
0x19: {  	s11 =	sadd.s32 $0x1B00, s0;
	[smem:$0x7EB] =	sst s8;
	s8 =	simm.s32 @!p5 $0x0  }
0x1a: {  	s9 =	sadd.s32 $0x1B80, s0;
	p1 =	por !p1, !p3;
	s8 =	simm.s32 @p5 $0x1  }
0x1b: {  	s18 =	smov.u32 @p4 s10;
	[smem:$0x7EE] =	sst s8;
	s8 =	simm.s32 @!p1 $0x0  }
0x1c: {  	s11 =	smov.u32 @p1 s9;
	s8 =	simm.s32 @p1 $0x1;
	p1 =	por !p5, p3  }
0x1d: {  	s10 =	sadd.s32 $0x1A80, s0;
	[smem:$0x7E2] =	sst s8;
	s8 =	simm.s32 @!p1 $0x0  }
0x1e: {  	s19 =	smov.u32 @p1 s10;
	s8 =	simm.s32 @p1 $0x1;
	p1 =	sgt.s32 s6, $0xD  }
0x1f: {  	s16 =	sadd.s32 $0x2300, s0;
	[dreg:$0xa] =	wrdreg s25;
	p6 =	seq.s32 @p1 s6, $0xE  }
0x20: {  	s28 =	sadd.s32 $0x1F80, s0;
	[smem:$0x7E3] =	sst s8;
	s8 =	simm.s32 @!p6 $0x0  }
0x21: {  	[dreg:$0xb] =	wrdreg s26;
	p5 =	seq.s32 @!p1 s6, $0xC;
	s8 =	simm.s32 @p6 $0x1  }
0x22: {  	s29 =	sadd.s32 $0x1F00, s0;
	[smem:$0x7F0] =	sst s8;
	s8 =	simm.s32 @!p5 $0x0  }
0x23: {  	s30 =	sadd.s32 $0x1E80, s0;
	[dreg:$0xc] =	wrdreg s7;
	s8 =	simm.s32 @p5 $0x1  }
0x24: {  	s31 =	sadd.s32 $0x1E00, s0;
	s7 =	sadd.s32 $0x1D00, s0;
	[smem:$0x7F3] =	sst s8  }
0x25: {  	s21 =	sadd.s32 $0x2280, s0;
	s22 =	sadd.s32 $0x2200, s0;
	s8 =	sld [smem:$0x7F3]  }
0x26: {  	s23 =	sadd.s32 $0x2180, s0;
	s24 =	sadd.s32 $0x2100, s0;
	s25 =	sadd.s32 $0x2080, s0  }
0x27: {  	s5 =	sadd.s32 $0x1D80, s0;
	s20 =	sadd.s32 $0x1C00, s0;
	[smem:$0x7E6] =	sst s12  }
0x28: {  	s10 =	sld [smem:$0x7E6];
	p5 =	por !p6, !p1;
	p6 =	seq.s32 s8, $0x1  }
0x29: {  	s9 =	sadd.s32 $0x1C80, s0;
	s19 =	smov.u32 @p3 s11;
	p6 =	por !p6, p1  }
0x2a: {  	s7 =	smov.u32 @p5 s5;
	s8 =	simm.s32 @!p5 $0x0;
	s5 =	simm.s32 @!p6 $0x0  }
0x2b: {  	s20 =	smov.u32 @p6 s9;
	s5 =	simm.s32 @p6 $0x1;
	p6 =	seq.s32 s10, $0x1  }
0x2c: {  	s11 =	sld [smem:$0x7E9];
	s8 =	simm.s32 @p5 $0x1;
	p5 =	por p6, !p4  }
0x2d: {  	s26 =	sadd.s32 $0x2000, s0;
	s0 =	smax.u32 s4, $0x1;
	s4 =	simm.s32 @!p5 $0x0  }
0x2e: {  	s12 =	sld [smem:$0x7EB];
	s4 =	simm.s32 @p5 $0x1  }
0x2f: {  	p6 =	seq.s32 s11, $0x1;
	[smem:$0x7E7] =	sst s4;
	s4 =	simm.s32 @!p4 $0x0  }
0x30: {  	s4 =	simm.s32 @p4 $0x1;
	p4 =	por p6, p4  }
0x31: {  	p5 =	seq.s32 s12, $0x1;
	[smem:$0x7E8] =	sst s4;
	s4 =	simm.s32 @!p4 $0x0  }
0x32: {  	s13 =	sld [smem:$0x7EE];
	s4 =	simm.s32 @p4 $0x1;
	p4 =	por p5, !p3  }
0x33: {  	[smem:$0x7EA] =	sst s4;
	s4 =	simm.s32 @!p4 $0x0  }
0x34: {  	s14 =	sld [smem:$0x7F0];
	s4 =	simm.s32 @p4 $0x1  }
0x35: {  	p6 =	seq.s32 s13, $0x1;
	[smem:$0x7EC] =	sst s4;
	s4 =	simm.s32 @!p3 $0x0  }
0x36: {  	s4 =	simm.s32 @p3 $0x1;
	p3 =	por p6, p3  }
0x37: {  	p5 =	seq.s32 s14, $0x1;
	[smem:$0x7ED] =	sst s4;
	s4 =	simm.s32 @!p3 $0x0  }
0x38: {  	s15 =	sld [smem:$0x7F3];
	s4 =	simm.s32 @p3 $0x1;
	p3 =	por p5, !p1  }
0x39: {  	[smem:$0x7EF] =	sst s4;
	s4 =	simm.s32 @!p3 $0x0  }
0x3a: {  	s4 =	simm.s32 @p3 $0x1  }
0x3b: {  	p6 =	seq.s32 s15, $0x1;
	[smem:$0x7F1] =	sst s4;
	s4 =	simm.s32 @!p1 $0x0  }
0x3c: {  	s20 =	smov.u32 @p1 s7;
	s4 =	simm.s32 @p1 $0x1;
	p1 =	por p6, p1  }
0x3d: {  	[smem:$0x7F2] =	sst s4;
	s4 =	simm.s32 @!p1 $0x0  }
0x3e: {  	s4 =	simm.s32 @p1 $0x1;
	p1 =	sgt.s32 s6, $0x7  }
0x3f: {  	[smem:$0x7F4] =	sst s4;
	s4 =	simm.s32 @!p1 $0x0  }
0x40: {  	s4 =	simm.s32 @p1 $0x1;
	p1 =	sgt.s32 s6, $0x3  }
0x41: {  	[smem:$0x7F5] =	sst s4;
	s4 =	simm.s32 @!p1 $0x0  }
0x42: {  	s4 =	simm.s32 @p1 $0x1;
	p1 =	sgt.s32 s6, $0x1  }
0x43: {  	[smem:$0x7F6] =	sst s4;
	s4 =	simm.s32 @!p1 $0x0  }
0x44: {  	[smem:$0x7E4] =	sst s8;
	s4 =	simm.s32 @p1 $0x1;
	p1 =	sgt.s32 s6, $0xB  }
0x45: {  	s9 =	simm.s32 $0x100;
	[smem:$0x7F7] =	sst s4;
	s4 =	simm.s32 @!p1 $0x0  }
0x46: {  	s7 =	simm.s32 $0x80;
	s4 =	simm.s32 @p1 $0x1;
	p1 =	sgt.s32 s6, $0x17  }
0x47: {  	s10 =	simm.s32 $0x1;
	[smem:$0x7F8] =	sst s4;
	s4 =	simm.s32 @!p1 $0x0  }
0x48: {  	[smem:$0x7E5] =	sst s5;
	p3 =	sgt.s32 s6, $0x13;
	s4 =	simm.s32 @p1 $0x1  }
0x49: {  	s5 =	simm.s32 $0x40;
	[smem:$0x7F9] =	sst s4;
	s4 =	simm.s32 @!p3 $0x0  }
0x4a: {  	p6 =	sgt.s32 s6, $0xF;
	p1 =	sgt.s32 s6, $0x11;
	s4 =	simm.s32 @p3 $0x1  }
.Ltmp0:
0x4b: {  	[smem:$0x7FA] =	sst s4;
	s4 =	simm.s32 @!p1 $0x0;
	(pc) =	sbr.rel .LBB2_1-.Ltmp0, $4  }
0x4c: {  	s8 =	simm.s32 @!p6 $0x0;
	s4 =	simm.s32 @p1 $0x1;
	p1 =	seq.s32 @p1 s6, $0x12  }
0x4d: {  	s8 =	simm.s32 @p6 $0x1;
	[smem:$0x7FB] =	sst s4;
	s4 =	simm.s32 @!p1 $0x0  }
0x4e: {  	s11 =	simm.s32 $0x400;
	[smem:$0x7FD] =	sst s8;
	s4 =	simm.s32 @p1 $0x1  }
0x4f: {  	s13 =	simm.s32 $0x9000;
	[smem:$0x7FC] =	sst s4;
	s4 =	simm.s32 $0x2  }
.LBB2_17:
0x50: {  	p4 =	sgt.s32 s6, $0x1D  }
0x51: {  	p1 =	seq.s32 @p4 s6, $0x1E  }
0x52: {  	p6 =	por !p1, !p4  }
0x53: {  	v1 =	vlaneseq.u32 @!p6  }
0x54: {  	p3 =	por p1, !p4;
	v1 =	vmul.u32 @!p6 $0x600, v1  }
0x55: {  	v2 =	vlaneseq.u32 @!p3  }
0x56: {  	v2 =	vmul.u32 @!p3 $0x600, v2;
	v3 =	vor.u32 @!p6 $0xB3, v1;
	v4 =	vadd.s32 @!p6 $0x60B3, v1  }
0x57: {  	p5 =	seq.s32 @!p4 s6, $0x1C;
	v5 =	vadd.s32 @!p6 $0xC0B3, v1;
	v1 =	vadd.s32 @!p6 $0x120B3, v1;
	v3 =	vadd.s32 @!p6 v3, v0  }
0x58: {  	p1 =	por !p5, p4;
	v4 =	vadd.s32 @!p6 v4, v0;
	[tilespmem:$0x80] =	vst @!p6 v3;
	v3 =	vadd.s32 @!p6 v5, v0;
	v5 =	vor.u32 @!p3 $0xB9, v2  }
0x59: {  	v6 =	vadd.s32 @!p3 $0xC0B9, v2;
	[tilespmem:$0x90] =	vst @!p6 v4;
	v4 =	vadd.s32 @!p3 v5, v0;
	v5 =	vlaneseq.u32 @!p1  }
0x5a: {  	v1 =	vadd.s32 @!p6 v1, v0;
	[tilespmem:$0xA0] =	vst @!p6 v3;
	v3 =	vadd.s32 @!p3 $0x60B9, v2;
	v5 =	vmul.u32 @!p1 $0x600, v5  }
0x5b: {  	p5 =	por p5, p4;
	v2 =	vadd.s32 @!p3 $0x120B9, v2;
	[tilespmem:$0x80] =	vst @!p3 v4;
	v3 =	vadd.s32 @!p3 v3, v0;
	v4 =	vadd.s32 @!p3 v6, v0  }
0x5c: {  	v2 =	vadd.s32 @!p3 v2, v0;
	v6 =	vlaneseq.u32 @!p5;
	[tilespmem:$0x90] =	vst @!p3 v3;
	v3 =	vor.u32 @!p1 $0xA8, v5  }
0x5d: {  	s8 =	rddreg [dreg:$0xa];
	[tilespmem:$0xA0] =	vst @!p3 v4;
	v6 =	vmul.u32 @!p5 $0x600, v6;
	v4 =	vadd.s32 @!p1 $0x60A8, v5;
	v3 =	vadd.s32 @!p1 v3, v0  }
0x5e: {  	s14 =	rddreg [dreg:$0xc];
	[tilespmem:$0x80] =	vst @!p1 v3;
	v3 =	vadd.s32 @!p1 v4, v0;
	v4 =	vadd.s32 @!p1 $0xC0A8, v5;
	v5 =	vadd.s32 @!p1 $0x120A8, v5  }
0x5f: {  	s12 =	rddreg [dreg:$0x9];
	[tilespmem:$0x90] =	vst @!p1 v3;
	v3 =	vadd.s32 @!p1 v4, v0;
	v4 =	vadd.s32 @!p1 v5, v0;
	v5 =	vor.u32 @!p5 $0xAD, v6  }
0x60: {  	s15 =	sld [smem:$0x7FD];
	v7 =	vadd.s32 @!p5 $0x120AD, v6;
	[tilespmem:$0xA0] =	vst @!p1 v3;
	v3 =	vadd.s32 @!p5 v5, v0;
	v5 =	vadd.s32 @!p5 $0x60AD, v6  }
0x61: {  	s8 =	smov.u32 @p6 s12;
	s12 =	rddreg [dreg:$0xb];
	[tilespmem:$0x80] =	vst @!p5 v3;
	v3 =	vadd.s32 @!p5 v5, v0;
	v5 =	vadd.s32 @!p5 $0xC0AD, v6;
	v6 =	vadd.s32 @!p5 v7, v0  }
0x62: {  	s14 =	smov.u32 @p1 s12;
	v1 =	vpsel p6, v2, v1;
	[tilespmem:$0x90] =	vst @!p5 v3;
	v0 =	vadd.s32 @!p5 v5, v0;
	v2 =	vpsel p1, v6, v4  }
0x63: {  	s14 =	smov.u32 @p4 s8;
	p6 =	seq.s32 s15, $0x1;
	[tilespmem:$0xA0] =	vst @!p5 v0;
	v0 =	vpsel p4, v1, v2  }
.LBB2_18:
0x64: {  	[tilespmem:$0xB0] =	vst v0  }
0x65: {  	[tilespmem:s9], [sflag:$0x1] =	stream.indirect.gather [hbm4b:s2+s5], $0x80, s7, s5, $0xb8;
	[tilespmem:$0x2100] =	vst v63  }
0x66: {  	s0 =	sadd.s32 $0xFFFFFFFF, s0;
	_ =	swait.ge [sflag:s10], $0x2000  }
0x67: {  	p1 =	seq.s32 s0, $0x0;
	[sflag:s10] =	ssyncset.done $0x0  }
.Ltmp1:
0x68: {  	[sflag:s10] =	ssyncadd.s32 $0xFFFFE000;
	(pc) =	sbr.rel @p1 .LBB2_19-.Ltmp1, $4  }
0x69: {  	[hbm4b:s14+s11] =	stream.strided.scatter [tilespmem:s9], [sflag:$0x2], $0x2000, s13, s11, $0x38;
	[tilespmem:$0x2100] =	vst v63  }
0x6a: {  	_ =	swait.ge [sflag:s4], $0x2000  }
0x6b: {  	[sflag:s4] =	ssyncset.done $0x0  }
0x6c: {  	[sflag:s4] =	ssyncadd.s32 $0xFFFFE000  }
.LBB2_1:
0x6d: {  	[tilespmem:s3], [sflag:$0x2] =	stream.linear.gather [hbm4b:s1+s3], $0x80, $0x38;
	[tilespmem:$0x2100] =	vst v63  }
0x6e: {  	_ =	swait.ge [sflag:s4], $0x80  }
0x6f: {  	[sflag:s4] =	ssyncset.done $0x0  }
0x70: {  	[sflag:s4] =	ssyncadd.s32 $0xFFFFFF80  }
0x71: {  	v0 =	vld [tilespmem:$0x0]  }
.Ltmp2:
0x72: {  	_ = 	snop;
	(pc) =	sbr.rel @p6 .LBB2_11-.Ltmp2, $2  }
0x73: {  	_ =	sdelay $0x2  }
0x74: {  	v0 =	vmul.u32 $0x18, v0  }
0x75: {  	s8 =	sld [smem:$0x7F5];
	_ =	sdelay $0x2  }
0x76: {  	p1 =	seq.s32 s8, $0x1  }
.Ltmp3:
0x77: {  	_ = 	snop;
	(pc) =	sbr.rel @p1 .LBB2_8-.Ltmp3, $1  }
0x78: {  	_ =	sdelay $0x3  }
0x79: {  	s8 =	sld [smem:$0x7F6];
	_ =	sdelay $0x2  }
0x7a: {  	p1 =	seq.s32 s8, $0x1  }
.Ltmp4:
0x7b: {  	_ = 	snop;
	(pc) =	sbr.rel @p1 .LBB2_7-.Ltmp4, $1  }
0x7c: {  	_ =	sdelay $0x3  }
0x7d: {  	s8 =	sld [smem:$0x7F7];
	_ =	sdelay $0x2  }
0x7e: {  	p1 =	seq.s32 s8, $0x1  }
.Ltmp5:
0x7f: {  	_ = 	snop;
	(pc) =	sbr.rel @p1 .LBB2_6-.Ltmp5, $1  }
0x80: {  	_ =	sdelay $0x3  }
0x81: {  	v1 =	vlaneseq.u32 @p0  }
0x82: {  	v1 =	vmul.u32 @p0 $0x600, v1;
	_ =	sdelay $0x1  }
0x83: {  	v2 =	vadd.s32 @p0 v1, v0;
	v3 =	vadd.s32 @p0 $0x6000, v1  }
0x84: {  	[tilespmem:$0x80] =	vst @p0 v2;
	v2 =	vadd.s32 @p0 v3, v0;
	v3 =	vadd.s32 @p0 $0xC000, v1  }
0x85: {  	[tilespmem:$0x90] =	vst @p0 v2;
	v2 =	vadd.s32 @p0 v3, v0;
	v3 =	vadd.s32 @p0 $0x12000, v1  }
0x86: {  	[tilespmem:$0xA0] =	vst @p0 v2;
	v2 =	vadd.s32 @p0 v3, v0  }
0x87: {  	s14 =	simm.s32 @p0 $0x40;
	s8 =	simm.s32 @p0 $0x80;
	s12 =	simm.s32 @p0 $0x100;
	[tilespmem:$0xB0] =	vst @p0 v2  }
0x88: {  	[tilespmem:s12], [sflag:$0x1] =	stream.indirect.gather @p0 [hbm4b:s2+s14], $0x80, s8, s14, $0xb8;
	[tilespmem:$0x2100] =	vst v63  }
0x89: {  	s8 =	simm.s32 @p0 $0x1  }
0x8a: {  	_ =	swait.ge @p0 [sflag:s8], $0x2000  }
0x8b: {  	s14 =	simm.s32 @p0 $0x9000;
	[sflag:s8] =	ssyncset.done @p0 $0x0  }
0x8c: {  	s15 =	rddreg [dreg:$0x4];
	[sflag:s8] =	ssyncadd.s32 @p0 $0xFFFFE000;
	s8 =	simm.s32 @p0 $0x400  }
0x8d: {  	[hbm4b:s15+s8] =	stream.strided.scatter @p0 [tilespmem:s12], [sflag:$0x2], $0x2000, s14, s8, $0x38;
	[tilespmem:$0x2100] =	vst v63  }
0x8e: {  	s8 =	simm.s32 @p0 $0x2  }
0x8f: {  	_ =	swait.ge @p0 [sflag:s8], $0x2000  }
0x90: {  	v3 =	vlaneseq.u32 @!p0;
	v2 =	vor.u32 @p0 $0xC0, v1;
	[sflag:s8] =	ssyncset.done @p0 $0x0  }
0x91: {  	v4 =	vadd.s32 @p0 $0x60C0, v1;
	v3 =	vmul.u32 @!p0 $0x600, v3;
	v2 =	vadd.s32 @p0 v2, v0;
	[sflag:s8] =	ssyncadd.s32 @p0 $0xFFFFE000  }
0x92: {  	[tilespmem:$0x80] =	vst @p0 v2;
	v2 =	vadd.s32 @p0 v4, v0;
	v4 =	vadd.s32 @p0 $0xC0C0, v1  }
0x93: {  	[tilespmem:$0x90] =	vst @p0 v2;
	v2 =	vadd.s32 @p0 v4, v0;
	v4 =	vor.u32 @!p0 $0x5, v3  }
0x94: {  	[tilespmem:$0xA0] =	vst @p0 v2;
	v2 =	vadd.s32 @!p0 v4, v0;
	v4 =	vadd.s32 @!p0 $0x6005, v3  }
0x95: {  	[tilespmem:$0x80] =	vst @!p0 v2;
	v2 =	vadd.s32 @!p0 v4, v0;
	v4 =	vadd.s32 @!p0 $0xC005, v3  }
0x96: {  	[tilespmem:$0x90] =	vst @!p0 v2;
	v2 =	vadd.s32 @!p0 v4, v0;
	v4 =	vadd.s32 @!p0 $0x12005, v3  }
0x97: {  	[tilespmem:$0xA0] =	vst @!p0 v2;
	v2 =	vadd.s32 @!p0 v4, v0  }
0x98: {  	s12 =	simm.s32 @!p0 $0x80;
	s14 =	simm.s32 @!p0 $0x100;
	s8 =	simm.s32 @!p0 $0x40;
	[tilespmem:$0xB0] =	vst @!p0 v2  }
0x99: {  	[tilespmem:s14], [sflag:$0x1] =	stream.indirect.gather @!p0 [hbm4b:s2+s8], $0x80, s12, s8, $0xb8;
	[tilespmem:$0x2100] =	vst v63  }
0x9a: {  	s8 =	simm.s32 @!p0 $0x1  }
0x9b: {  	_ =	swait.ge @!p0 [sflag:s8], $0x2000  }
0x9c: {  	s12 =	simm.s32 @!p0 $0x9000;
	[sflag:s8] =	ssyncset.done @!p0 $0x0  }
0x9d: {  	s15 =	rddreg [dreg:$0x8];
	[sflag:s8] =	ssyncadd.s32 @!p0 $0xFFFFE000;
	s8 =	simm.s32 @!p0 $0x400  }
0x9e: {  	[hbm4b:s15+s8] =	stream.strided.scatter @!p0 [tilespmem:s14], [sflag:$0x2], $0x2000, s12, s8, $0x38;
	[tilespmem:$0x2100] =	vst v63  }
0x9f: {  	s8 =	simm.s32 @!p0 $0x2  }
0xa0: {  	_ =	swait.ge @!p0 [sflag:s8], $0x2000  }
.Ltmp6:
0xa1: {  	v2 =	vor.u32 @!p0 $0xC5, v3;
	[sflag:s8] =	ssyncset.done @!p0 $0x0;
	(pc) =	sbr.rel .LBB2_18-.Ltmp6, $4  }
0xa2: {  	v1 =	vadd.s32 @p0 $0x120C0, v1;
	v4 =	vadd.s32 @!p0 $0x60C5, v3;
	v2 =	vadd.s32 @!p0 v2, v0;
	[sflag:s8] =	ssyncadd.s32 @!p0 $0xFFFFE000  }
0xa3: {  	[tilespmem:$0x80] =	vst @!p0 v2;
	v2 =	vadd.s32 @!p0 v4, v0;
	v4 =	vadd.s32 @!p0 $0xC0C5, v3;
	v3 =	vadd.s32 @!p0 $0x120C5, v3  }
0xa4: {  	v1 =	vadd.s32 @p0 v1, v0;
	[tilespmem:$0x90] =	vst @!p0 v2;
	v2 =	vadd.s32 @!p0 v4, v0;
	v0 =	vadd.s32 @!p0 v3, v0  }
0xa5: {  	s14 =	smov.u32 s17;
	[tilespmem:$0xA0] =	vst @!p0 v2;
	v0 =	vpsel p0, v1, v0  }
.LBB2_11:
0xa6: {  	s8 =	sld [smem:$0x7F9];
	_ =	sdelay $0x2  }
0xa7: {  	p1 =	seq.s32 s8, $0x1  }
.Ltmp7:
0xa8: {  	_ = 	snop;
	(pc) =	sbr.rel @p1 .LBB2_15-.Ltmp7, $1  }
0xa9: {  	_ =	sdelay $0x3  }
0xaa: {  	s8 =	sld [smem:$0x7FA];
	_ =	sdelay $0x2  }
0xab: {  	p1 =	seq.s32 s8, $0x1  }
.Ltmp8:
0xac: {  	_ = 	snop;
	(pc) =	sbr.rel @p1 .LBB2_14-.Ltmp8, $1  }
0xad: {  	_ =	sdelay $0x3  }
0xae: {  	s8 =	sld [smem:$0x7FB]  }
0xaf: {  	s14 =	sld [smem:$0x7FC];
	_ =	sdelay $0x2  }
0xb0: {  	p3 =	seq.s32 s8, $0x1;
	p1 =	seq.s32 s14, $0x1  }
0xb1: {  	p4 =	por !p1, !p3  }
0xb2: {  	v1 =	vlaneseq.u32 @!p4  }
0xb3: {  	p5 =	por p1, !p3;
	v1 =	vmul.u32 @!p4 $0x600, v1  }
0xb4: {  	v2 =	vlaneseq.u32 @!p5  }
0xb5: {  	v2 =	vmul.u32 @!p5 $0x600, v2;
	v3 =	vor.u32 @!p4 $0x6B, v1;
	v4 =	vadd.s32 @!p4 $0x606B, v1  }
0xb6: {  	p1 =	seq.s32 @!p3 s6, $0x10;
	v5 =	vadd.s32 @!p4 $0xC06B, v1;
	v1 =	vadd.s32 @!p4 $0x1206B, v1;
	v3 =	vadd.s32 @!p4 v3, v0  }
0xb7: {  	p6 =	por !p1, p3;
	v4 =	vadd.s32 @!p4 v4, v0;
	[tilespmem:$0x80] =	vst @!p4 v3;
	v3 =	vadd.s32 @!p4 v5, v0;
	v5 =	vor.u32 @!p5 $0x71, v2  }
0xb8: {  	v6 =	vadd.s32 @!p5 $0xC071, v2;
	[tilespmem:$0x90] =	vst @!p4 v4;
	v4 =	vadd.s32 @!p5 v5, v0;
	v5 =	vlaneseq.u32 @!p6  }
0xb9: {  	v1 =	vadd.s32 @!p4 v1, v0;
	[tilespmem:$0xA0] =	vst @!p4 v3;
	v3 =	vadd.s32 @!p5 $0x6071, v2;
	v5 =	vmul.u32 @!p6 $0x600, v5  }
0xba: {  	p1 =	por p1, p3;
	v2 =	vadd.s32 @!p5 $0x12071, v2;
	[tilespmem:$0x80] =	vst @!p5 v4;
	v3 =	vadd.s32 @!p5 v3, v0;
	v4 =	vadd.s32 @!p5 v6, v0  }
0xbb: {  	v2 =	vadd.s32 @!p5 v2, v0;
	v6 =	vlaneseq.u32 @!p1;
	[tilespmem:$0x90] =	vst @!p5 v3;
	v3 =	vor.u32 @!p6 $0x60, v5  }
0xbc: {  	[tilespmem:$0xA0] =	vst @!p5 v4;
	v6 =	vmul.u32 @!p1 $0x600, v6;
	v4 =	vadd.s32 @!p6 $0x6060, v5;
	v3 =	vadd.s32 @!p6 v3, v0  }
0xbd: {  	[tilespmem:$0x80] =	vst @!p6 v3;
	v3 =	vadd.s32 @!p6 v4, v0;
	v4 =	vadd.s32 @!p6 $0xC060, v5;
	v5 =	vadd.s32 @!p6 $0x12060, v5  }
.Ltmp9:
0xbe: {  	[tilespmem:$0x90] =	vst @!p6 v3;
	v3 =	vadd.s32 @!p6 v4, v0;
	v4 =	vadd.s32 @!p6 v5, v0;
	v5 =	vor.u32 @!p1 $0x65, v6;
	(pc) =	sbr.rel .LBB2_18-.Ltmp9, $4  }
0xbf: {  	s15 =	sld [smem:$0x7FD];
	v7 =	vadd.s32 @!p1 $0x12065, v6;
	[tilespmem:$0xA0] =	vst @!p6 v3;
	v3 =	vadd.s32 @!p1 v5, v0;
	v5 =	vadd.s32 @!p1 $0x6065, v6  }
0xc0: {  	s8 =	smov.u32 s29;
	s14 =	smov.u32 s31;
	[tilespmem:$0x80] =	vst @!p1 v3;
	v3 =	vadd.s32 @!p1 v5, v0;
	v5 =	vadd.s32 @!p1 $0xC065, v6;
	v6 =	vadd.s32 @!p1 v7, v0  }
0xc1: {  	s8 =	smov.u32 @p4 s28;
	s14 =	smov.u32 @p6 s30;
	v1 =	vpsel p4, v2, v1;
	[tilespmem:$0x90] =	vst @!p1 v3;
	v0 =	vadd.s32 @!p1 v5, v0;
	v2 =	vpsel p6, v6, v4  }
0xc2: {  	s14 =	smov.u32 @p3 s8;
	p6 =	seq.s32 s15, $0x1;
	[tilespmem:$0xA0] =	vst @!p1 v0;
	v0 =	vpsel p3, v1, v2  }
.LBB2_8:
0xc3: {  	s8 =	sld [smem:$0x7F8];
	_ =	sdelay $0x2  }
0xc4: {  	p1 =	seq.s32 s8, $0x1  }
.Ltmp10:
0xc5: {  	_ = 	snop;
	(pc) =	sbr.rel @p1 .LBB2_10-.Ltmp10, $1  }
0xc6: {  	_ =	sdelay $0x3  }
0xc7: {  	s8 =	sld [smem:$0x7E2];
	_ =	sdelay $0x1  }
0xc8: {  	s15 =	sld [smem:$0x7EC]  }
0xc9: {  	p1 =	seq.s32 s8, $0x1  }
0xca: {  	v1 =	vlaneseq.u32 @!p1  }
0xcb: {  	p4 =	seq.s32 s15, $0x1;
	v1 =	vmul.u32 @!p1 $0x600, v1  }
0xcc: {  	s12 =	sld [smem:$0x7E3];
	v2 =	vlaneseq.u32 @!p4  }
0xcd: {  	v2 =	vmul.u32 @!p4 $0x600, v2;
	v3 =	vor.u32 @!p1 $0x3B, v1  }
0xce: {  	v4 =	vadd.s32 @!p1 $0x603B, v1;
	v5 =	vadd.s32 @!p1 $0xC03B, v1;
	v3 =	vadd.s32 @!p1 v3, v0  }
0xcf: {  	s14 =	sld [smem:$0x7EF];
	p3 =	seq.s32 s12, $0x1;
	v4 =	vadd.s32 @!p1 v4, v0;
	[tilespmem:$0x80] =	vst @!p1 v3;
	v3 =	vadd.s32 @!p1 v5, v0;
	v5 =	vor.u32 @!p4 $0x41, v2  }
0xd0: {  	[tilespmem:$0x90] =	vst @!p1 v4;
	v4 =	vadd.s32 @!p4 v5, v0;
	v5 =	vlaneseq.u32 @!p3  }
0xd1: {  	v1 =	vadd.s32 @!p1 $0x1203B, v1;
	[tilespmem:$0xA0] =	vst @!p1 v3;
	v3 =	vadd.s32 @!p4 $0x6041, v2;
	v5 =	vmul.u32 @!p3 $0x600, v5  }
0xd2: {  	p5 =	seq.s32 s14, $0x1;
	v6 =	vadd.s32 @!p4 $0xC041, v2;
	v1 =	vadd.s32 @!p1 v1, v0;
	[tilespmem:$0x80] =	vst @!p4 v4;
	v3 =	vadd.s32 @!p4 v3, v0  }
0xd3: {  	v4 =	vadd.s32 @!p4 v6, v0;
	v6 =	vlaneseq.u32 @!p5;
	[tilespmem:$0x90] =	vst @!p4 v3;
	v3 =	vor.u32 @!p3 $0x30, v5  }
0xd4: {  	[tilespmem:$0xA0] =	vst @!p4 v4;
	v6 =	vmul.u32 @!p5 $0x600, v6;
	v4 =	vadd.s32 @!p3 $0x6030, v5;
	v3 =	vadd.s32 @!p3 v3, v0  }
0xd5: {  	[tilespmem:$0x80] =	vst @!p3 v3;
	v3 =	vadd.s32 @!p3 v4, v0;
	v4 =	vadd.s32 @!p3 $0xC030, v5;
	v5 =	vadd.s32 @!p3 $0x12030, v5  }
0xd6: {  	[tilespmem:$0x90] =	vst @!p3 v3;
	v3 =	vadd.s32 @!p3 v4, v0;
	v4 =	vadd.s32 @!p3 v5, v0;
	v5 =	vor.u32 @!p5 $0x35, v6  }
.Ltmp11:
0xd7: {  	s15 =	sld [smem:$0x7ED];
	v2 =	vadd.s32 @!p4 $0x12041, v2;
	[tilespmem:$0xA0] =	vst @!p3 v3;
	v3 =	vadd.s32 @!p5 v5, v0;
	v5 =	vadd.s32 @!p5 $0x6035, v6;
	(pc) =	sbr.rel .LBB2_18-.Ltmp11, $4  }
0xd8: {  	v7 =	vadd.s32 @!p5 $0x12035, v6;
	[tilespmem:$0x80] =	vst @!p5 v3;
	v3 =	vadd.s32 @!p5 v5, v0;
	v5 =	vadd.s32 @!p5 $0xC035, v6  }
0xd9: {  	v2 =	vadd.s32 @!p4 v2, v0;
	v6 =	vadd.s32 @!p5 v7, v0;
	[tilespmem:$0x90] =	vst @!p5 v3;
	v0 =	vadd.s32 @!p5 v5, v0  }
0xda: {  	v1 =	vpsel p1, v2, v1;
	v2 =	vpsel p3, v6, v4;
	[tilespmem:$0xA0] =	vst @!p5 v0;
	p5 =	seq.s32 s15, $0x1  }
0xdb: {  	s14 =	smov.u32 s19;
	v0 =	vpsel p5, v1, v2  }
.LBB2_15:
0xdc: {  	p1 =	sgt.s32 s6, $0x1B  }
.Ltmp12:
0xdd: {  	_ = 	snop;
	(pc) =	sbr.rel @p1 .LBB2_17-.Ltmp12, $1  }
0xde: {  	_ =	sdelay $0x3  }
0xdf: {  	p4 =	sgt.s32 s6, $0x19  }
0xe0: {  	p1 =	seq.s32 @p4 s6, $0x1A  }
0xe1: {  	p6 =	por !p1, !p4  }
0xe2: {  	v1 =	vlaneseq.u32 @!p6  }
0xe3: {  	p3 =	por p1, !p4;
	v1 =	vmul.u32 @!p6 $0x600, v1  }
0xe4: {  	v2 =	vlaneseq.u32 @!p3  }
0xe5: {  	v2 =	vmul.u32 @!p3 $0x600, v2;
	v3 =	vor.u32 @!p6 $0x9B, v1;
	v4 =	vadd.s32 @!p6 $0x609B, v1  }
0xe6: {  	p5 =	seq.s32 @!p4 s6, $0x18;
	v5 =	vadd.s32 @!p6 $0xC09B, v1;
	v1 =	vadd.s32 @!p6 $0x1209B, v1;
	v3 =	vadd.s32 @!p6 v3, v0  }
0xe7: {  	p1 =	por !p5, p4;
	v4 =	vadd.s32 @!p6 v4, v0;
	[tilespmem:$0x80] =	vst @!p6 v3;
	v3 =	vadd.s32 @!p6 v5, v0;
	v5 =	vor.u32 @!p3 $0xA1, v2  }
0xe8: {  	v6 =	vadd.s32 @!p3 $0xC0A1, v2;
	[tilespmem:$0x90] =	vst @!p6 v4;
	v4 =	vadd.s32 @!p3 v5, v0;
	v5 =	vlaneseq.u32 @!p1  }
0xe9: {  	v1 =	vadd.s32 @!p6 v1, v0;
	[tilespmem:$0xA0] =	vst @!p6 v3;
	v3 =	vadd.s32 @!p3 $0x60A1, v2;
	v5 =	vmul.u32 @!p1 $0x600, v5  }
0xea: {  	p5 =	por p5, p4;
	v2 =	vadd.s32 @!p3 $0x120A1, v2;
	[tilespmem:$0x80] =	vst @!p3 v4;
	v3 =	vadd.s32 @!p3 v3, v0;
	v4 =	vadd.s32 @!p3 v6, v0  }
0xeb: {  	v2 =	vadd.s32 @!p3 v2, v0;
	v6 =	vlaneseq.u32 @!p5;
	[tilespmem:$0x90] =	vst @!p3 v3;
	v3 =	vor.u32 @!p1 $0x90, v5  }
0xec: {  	[tilespmem:$0xA0] =	vst @!p3 v4;
	v6 =	vmul.u32 @!p5 $0x600, v6;
	v4 =	vadd.s32 @!p1 $0x6090, v5;
	v3 =	vadd.s32 @!p1 v3, v0  }
0xed: {  	[tilespmem:$0x80] =	vst @!p1 v3;
	v3 =	vadd.s32 @!p1 v4, v0;
	v4 =	vadd.s32 @!p1 $0xC090, v5;
	v5 =	vadd.s32 @!p1 $0x12090, v5  }
.Ltmp13:
0xee: {  	[tilespmem:$0x90] =	vst @!p1 v3;
	v3 =	vadd.s32 @!p1 v4, v0;
	v4 =	vadd.s32 @!p1 v5, v0;
	v5 =	vor.u32 @!p5 $0x95, v6;
	(pc) =	sbr.rel .LBB2_18-.Ltmp13, $4  }
0xef: {  	s15 =	sld [smem:$0x7FD];
	v7 =	vadd.s32 @!p5 $0x12095, v6;
	[tilespmem:$0xA0] =	vst @!p1 v3;
	v3 =	vadd.s32 @!p5 v5, v0;
	v5 =	vadd.s32 @!p5 $0x6095, v6  }
0xf0: {  	s8 =	smov.u32 s16;
	s14 =	smov.u32 s22;
	s12 =	rddreg [dreg:$0xd];
	[tilespmem:$0x80] =	vst @!p5 v3;
	v3 =	vadd.s32 @!p5 v5, v0;
	v5 =	vadd.s32 @!p5 $0xC095, v6;
	v6 =	vadd.s32 @!p5 v7, v0  }
0xf1: {  	s8 =	smov.u32 @p6 s12;
	s14 =	smov.u32 @p1 s21;
	v1 =	vpsel p6, v2, v1;
	[tilespmem:$0x90] =	vst @!p5 v3;
	v0 =	vadd.s32 @!p5 v5, v0;
	v2 =	vpsel p1, v6, v4  }
0xf2: {  	s14 =	smov.u32 @p4 s8;
	p6 =	seq.s32 s15, $0x1;
	[tilespmem:$0xA0] =	vst @!p5 v0;
	v0 =	vpsel p4, v1, v2  }
.LBB2_7:
0xf3: {  	s8 =	sld [smem:$0x7E0];
	_ =	sdelay $0x1  }
0xf4: {  	s15 =	sld [smem:$0x7E7]  }
0xf5: {  	p1 =	seq.s32 s8, $0x1  }
0xf6: {  	v1 =	vlaneseq.u32 @!p1  }
0xf7: {  	p4 =	seq.s32 s15, $0x1;
	v1 =	vmul.u32 @!p1 $0x600, v1  }
0xf8: {  	s12 =	sld [smem:$0x7E1];
	v2 =	vlaneseq.u32 @!p4  }
0xf9: {  	v2 =	vmul.u32 @!p4 $0x600, v2;
	v3 =	vor.u32 @!p1 $0x23, v1  }
0xfa: {  	v4 =	vadd.s32 @!p1 $0x6023, v1;
	v5 =	vadd.s32 @!p1 $0xC023, v1;
	v3 =	vadd.s32 @!p1 v3, v0  }
0xfb: {  	s14 =	sld [smem:$0x7EA];
	p3 =	seq.s32 s12, $0x1;
	v4 =	vadd.s32 @!p1 v4, v0;
	[tilespmem:$0x80] =	vst @!p1 v3;
	v3 =	vadd.s32 @!p1 v5, v0;
	v5 =	vor.u32 @!p4 $0x29, v2  }
0xfc: {  	[tilespmem:$0x90] =	vst @!p1 v4;
	v4 =	vadd.s32 @!p4 v5, v0;
	v5 =	vlaneseq.u32 @!p3  }
0xfd: {  	v1 =	vadd.s32 @!p1 $0x12023, v1;
	[tilespmem:$0xA0] =	vst @!p1 v3;
	v3 =	vadd.s32 @!p4 $0x6029, v2;
	v5 =	vmul.u32 @!p3 $0x600, v5  }
0xfe: {  	p5 =	seq.s32 s14, $0x1;
	v6 =	vadd.s32 @!p4 $0xC029, v2;
	v1 =	vadd.s32 @!p1 v1, v0;
	[tilespmem:$0x80] =	vst @!p4 v4;
	v3 =	vadd.s32 @!p4 v3, v0  }
0xff: {  	v4 =	vadd.s32 @!p4 v6, v0;
	v6 =	vlaneseq.u32 @!p5;
	[tilespmem:$0x90] =	vst @!p4 v3;
	v3 =	vor.u32 @!p3 $0x18, v5  }
0x100: {  	[tilespmem:$0xA0] =	vst @!p4 v4;
	v6 =	vmul.u32 @!p5 $0x600, v6;
	v4 =	vadd.s32 @!p3 $0x6018, v5;
	v3 =	vadd.s32 @!p3 v3, v0  }
0x101: {  	[tilespmem:$0x80] =	vst @!p3 v3;
	v3 =	vadd.s32 @!p3 v4, v0;
	v4 =	vadd.s32 @!p3 $0xC018, v5;
	v5 =	vadd.s32 @!p3 $0x12018, v5  }
0x102: {  	[tilespmem:$0x90] =	vst @!p3 v3;
	v3 =	vadd.s32 @!p3 v4, v0;
	v4 =	vadd.s32 @!p3 v5, v0;
	v5 =	vor.u32 @!p5 $0x1D, v6  }
.Ltmp14:
0x103: {  	s15 =	sld [smem:$0x7E8];
	v2 =	vadd.s32 @!p4 $0x12029, v2;
	[tilespmem:$0xA0] =	vst @!p3 v3;
	v3 =	vadd.s32 @!p5 v5, v0;
	v5 =	vadd.s32 @!p5 $0x601D, v6;
	(pc) =	sbr.rel .LBB2_18-.Ltmp14, $4  }
0x104: {  	v7 =	vadd.s32 @!p5 $0x1201D, v6;
	[tilespmem:$0x80] =	vst @!p5 v3;
	v3 =	vadd.s32 @!p5 v5, v0;
	v5 =	vadd.s32 @!p5 $0xC01D, v6  }
0x105: {  	v2 =	vadd.s32 @!p4 v2, v0;
	v6 =	vadd.s32 @!p5 v7, v0;
	[tilespmem:$0x90] =	vst @!p5 v3;
	v0 =	vadd.s32 @!p5 v5, v0  }
0x106: {  	v1 =	vpsel p1, v2, v1;
	v2 =	vpsel p3, v6, v4;
	[tilespmem:$0xA0] =	vst @!p5 v0;
	p5 =	seq.s32 s15, $0x1  }
0x107: {  	s14 =	smov.u32 s18;
	v0 =	vpsel p5, v1, v2  }
.LBB2_14:
0x108: {  	p4 =	sgt.s32 s6, $0x15  }
0x109: {  	p1 =	seq.s32 @p4 s6, $0x16  }
0x10a: {  	p6 =	por !p1, !p4  }
0x10b: {  	v1 =	vlaneseq.u32 @!p6  }
0x10c: {  	p3 =	por p1, !p4;
	v1 =	vmul.u32 @!p6 $0x600, v1  }
0x10d: {  	v2 =	vlaneseq.u32 @!p3  }
0x10e: {  	v2 =	vmul.u32 @!p3 $0x600, v2;
	v3 =	vor.u32 @!p6 $0x83, v1;
	v4 =	vadd.s32 @!p6 $0x6083, v1  }
0x10f: {  	p5 =	seq.s32 @!p4 s6, $0x14;
	v5 =	vadd.s32 @!p6 $0xC083, v1;
	v1 =	vadd.s32 @!p6 $0x12083, v1;
	v3 =	vadd.s32 @!p6 v3, v0  }
0x110: {  	p1 =	por !p5, p4;
	v4 =	vadd.s32 @!p6 v4, v0;
	[tilespmem:$0x80] =	vst @!p6 v3;
	v3 =	vadd.s32 @!p6 v5, v0;
	v5 =	vor.u32 @!p3 $0x89, v2  }
0x111: {  	v6 =	vadd.s32 @!p3 $0xC089, v2;
	[tilespmem:$0x90] =	vst @!p6 v4;
	v4 =	vadd.s32 @!p3 v5, v0;
	v5 =	vlaneseq.u32 @!p1  }
0x112: {  	v1 =	vadd.s32 @!p6 v1, v0;
	[tilespmem:$0xA0] =	vst @!p6 v3;
	v3 =	vadd.s32 @!p3 $0x6089, v2;
	v5 =	vmul.u32 @!p1 $0x600, v5  }
0x113: {  	p5 =	por p5, p4;
	v2 =	vadd.s32 @!p3 $0x12089, v2;
	[tilespmem:$0x80] =	vst @!p3 v4;
	v3 =	vadd.s32 @!p3 v3, v0;
	v4 =	vadd.s32 @!p3 v6, v0  }
0x114: {  	v2 =	vadd.s32 @!p3 v2, v0;
	v6 =	vlaneseq.u32 @!p5;
	[tilespmem:$0x90] =	vst @!p3 v3;
	v3 =	vor.u32 @!p1 $0x78, v5  }
0x115: {  	[tilespmem:$0xA0] =	vst @!p3 v4;
	v6 =	vmul.u32 @!p5 $0x600, v6;
	v4 =	vadd.s32 @!p1 $0x6078, v5;
	v3 =	vadd.s32 @!p1 v3, v0  }
0x116: {  	[tilespmem:$0x80] =	vst @!p1 v3;
	v3 =	vadd.s32 @!p1 v4, v0;
	v4 =	vadd.s32 @!p1 $0xC078, v5;
	v5 =	vadd.s32 @!p1 $0x12078, v5  }
.Ltmp15:
0x117: {  	[tilespmem:$0x90] =	vst @!p1 v3;
	v3 =	vadd.s32 @!p1 v4, v0;
	v4 =	vadd.s32 @!p1 v5, v0;
	v5 =	vor.u32 @!p5 $0x7D, v6;
	(pc) =	sbr.rel .LBB2_18-.Ltmp15, $4  }
0x118: {  	s15 =	sld [smem:$0x7FD];
	v7 =	vadd.s32 @!p5 $0x1207D, v6;
	[tilespmem:$0xA0] =	vst @!p1 v3;
	v3 =	vadd.s32 @!p5 v5, v0;
	v5 =	vadd.s32 @!p5 $0x607D, v6  }
0x119: {  	s8 =	smov.u32 s24;
	s14 =	smov.u32 s26;
	[tilespmem:$0x80] =	vst @!p5 v3;
	v3 =	vadd.s32 @!p5 v5, v0;
	v5 =	vadd.s32 @!p5 $0xC07D, v6;
	v6 =	vadd.s32 @!p5 v7, v0  }
0x11a: {  	s8 =	smov.u32 @p6 s23;
	s14 =	smov.u32 @p1 s25;
	v1 =	vpsel p6, v2, v1;
	[tilespmem:$0x90] =	vst @!p5 v3;
	v0 =	vadd.s32 @!p5 v5, v0;
	v2 =	vpsel p1, v6, v4  }
0x11b: {  	s14 =	smov.u32 @p4 s8;
	p6 =	seq.s32 s15, $0x1;
	[tilespmem:$0xA0] =	vst @!p5 v0;
	v0 =	vpsel p4, v1, v2  }
.LBB2_10:
0x11c: {  	s8 =	sld [smem:$0x7E4];
	_ =	sdelay $0x1  }
0x11d: {  	s15 =	sld [smem:$0x7F1]  }
0x11e: {  	p1 =	seq.s32 s8, $0x1  }
0x11f: {  	v1 =	vlaneseq.u32 @!p1  }
0x120: {  	p4 =	seq.s32 s15, $0x1;
	v1 =	vmul.u32 @!p1 $0x600, v1  }
0x121: {  	s12 =	sld [smem:$0x7E5];
	v2 =	vlaneseq.u32 @!p4  }
0x122: {  	v2 =	vmul.u32 @!p4 $0x600, v2;
	v3 =	vor.u32 @!p1 $0x53, v1  }
0x123: {  	v4 =	vadd.s32 @!p1 $0x6053, v1;
	v5 =	vadd.s32 @!p1 $0xC053, v1;
	v3 =	vadd.s32 @!p1 v3, v0  }
0x124: {  	s14 =	sld [smem:$0x7F4];
	p3 =	seq.s32 s12, $0x1;
	v4 =	vadd.s32 @!p1 v4, v0;
	[tilespmem:$0x80] =	vst @!p1 v3;
	v3 =	vadd.s32 @!p1 v5, v0;
	v5 =	vor.u32 @!p4 $0x59, v2  }
0x125: {  	[tilespmem:$0x90] =	vst @!p1 v4;
	v4 =	vadd.s32 @!p4 v5, v0;
	v5 =	vlaneseq.u32 @!p3  }
0x126: {  	v1 =	vadd.s32 @!p1 $0x12053, v1;
	[tilespmem:$0xA0] =	vst @!p1 v3;
	v3 =	vadd.s32 @!p4 $0x6059, v2;
	v5 =	vmul.u32 @!p3 $0x600, v5  }
0x127: {  	p5 =	seq.s32 s14, $0x1;
	v6 =	vadd.s32 @!p4 $0xC059, v2;
	v1 =	vadd.s32 @!p1 v1, v0;
	[tilespmem:$0x80] =	vst @!p4 v4;
	v3 =	vadd.s32 @!p4 v3, v0  }
0x128: {  	v4 =	vadd.s32 @!p4 v6, v0;
	v6 =	vlaneseq.u32 @!p5;
	[tilespmem:$0x90] =	vst @!p4 v3;
	v3 =	vor.u32 @!p3 $0x48, v5  }
0x129: {  	[tilespmem:$0xA0] =	vst @!p4 v4;
	v6 =	vmul.u32 @!p5 $0x600, v6;
	v4 =	vadd.s32 @!p3 $0x6048, v5;
	v3 =	vadd.s32 @!p3 v3, v0  }
0x12a: {  	[tilespmem:$0x80] =	vst @!p3 v3;
	v3 =	vadd.s32 @!p3 v4, v0;
	v4 =	vadd.s32 @!p3 $0xC048, v5;
	v5 =	vadd.s32 @!p3 $0x12048, v5  }
0x12b: {  	[tilespmem:$0x90] =	vst @!p3 v3;
	v3 =	vadd.s32 @!p3 v4, v0;
	v4 =	vadd.s32 @!p3 v5, v0;
	v5 =	vor.u32 @!p5 $0x4D, v6  }
.Ltmp16:
0x12c: {  	s15 =	sld [smem:$0x7F2];
	v2 =	vadd.s32 @!p4 $0x12059, v2;
	[tilespmem:$0xA0] =	vst @!p3 v3;
	v3 =	vadd.s32 @!p5 v5, v0;
	v5 =	vadd.s32 @!p5 $0x604D, v6;
	(pc) =	sbr.rel .LBB2_18-.Ltmp16, $4  }
0x12d: {  	v7 =	vadd.s32 @!p5 $0x1204D, v6;
	[tilespmem:$0x80] =	vst @!p5 v3;
	v3 =	vadd.s32 @!p5 v5, v0;
	v5 =	vadd.s32 @!p5 $0xC04D, v6  }
0x12e: {  	v2 =	vadd.s32 @!p4 v2, v0;
	v6 =	vadd.s32 @!p5 v7, v0;
	[tilespmem:$0x90] =	vst @!p5 v3;
	v0 =	vadd.s32 @!p5 v5, v0  }
0x12f: {  	v1 =	vpsel p1, v2, v1;
	v2 =	vpsel p3, v6, v4;
	[tilespmem:$0xA0] =	vst @!p5 v0;
	p5 =	seq.s32 s15, $0x1  }
0x130: {  	s14 =	smov.u32 s20;
	v0 =	vpsel p5, v1, v2  }
.LBB2_6:
0x131: {  	v1 =	vlaneseq.u32 @p2  }
0x132: {  	v1 =	vmul.u32 @p2 $0x600, v1;
	_ =	sdelay $0x1  }
0x133: {  	v2 =	vor.u32 @p2 $0xB, v1  }
0x134: {  	v3 =	vadd.s32 @p2 $0x600B, v1;
	v2 =	vadd.s32 @p2 v2, v0  }
0x135: {  	[tilespmem:$0x80] =	vst @p2 v2;
	v2 =	vadd.s32 @p2 v3, v0;
	v3 =	vadd.s32 @p2 $0xC00B, v1  }
0x136: {  	[tilespmem:$0x90] =	vst @p2 v2;
	v2 =	vadd.s32 @p2 v3, v0;
	v3 =	vadd.s32 @p2 $0x1200B, v1  }
0x137: {  	[tilespmem:$0xA0] =	vst @p2 v2;
	v2 =	vadd.s32 @p2 v3, v0  }
0x138: {  	s8 =	simm.s32 @p2 $0x40;
	s12 =	simm.s32 @p2 $0x80;
	s14 =	simm.s32 @p2 $0x100;
	[tilespmem:$0xB0] =	vst @p2 v2  }
0x139: {  	[tilespmem:s14], [sflag:$0x1] =	stream.indirect.gather @p2 [hbm4b:s2+s8], $0x80, s12, s8, $0xb8;
	[tilespmem:$0x2100] =	vst v63  }
0x13a: {  	s8 =	simm.s32 @p2 $0x1  }
0x13b: {  	_ =	swait.ge @p2 [sflag:s8], $0x2000  }
0x13c: {  	s12 =	simm.s32 @p2 $0x9000;
	[sflag:s8] =	ssyncset.done @p2 $0x0  }
0x13d: {  	s15 =	rddreg [dreg:$0x7];
	[sflag:s8] =	ssyncadd.s32 @p2 $0xFFFFE000;
	s8 =	simm.s32 @p2 $0x400  }
0x13e: {  	[hbm4b:s15+s8] =	stream.strided.scatter @p2 [tilespmem:s14], [sflag:$0x2], $0x2000, s12, s8, $0x38;
	[tilespmem:$0x2100] =	vst v63  }
0x13f: {  	s8 =	simm.s32 @p2 $0x2  }
0x140: {  	_ =	swait.ge @p2 [sflag:s8], $0x2000  }
0x141: {  	v3 =	vlaneseq.u32 @!p2;
	v2 =	vor.u32 @p2 $0xCB, v1;
	[sflag:s8] =	ssyncset.done @p2 $0x0  }
0x142: {  	v4 =	vadd.s32 @p2 $0x60CB, v1;
	v3 =	vmul.u32 @!p2 $0x600, v3;
	v2 =	vadd.s32 @p2 v2, v0;
	[sflag:s8] =	ssyncadd.s32 @p2 $0xFFFFE000  }
0x143: {  	[tilespmem:$0x80] =	vst @p2 v2;
	v2 =	vadd.s32 @p2 v4, v0;
	v4 =	vadd.s32 @p2 $0xC0CB, v1  }
0x144: {  	[tilespmem:$0x90] =	vst @p2 v2;
	v2 =	vadd.s32 @p2 v4, v0;
	v4 =	vor.u32 @!p2 $0x11, v3  }
0x145: {  	[tilespmem:$0xA0] =	vst @p2 v2;
	v2 =	vadd.s32 @!p2 v4, v0;
	v4 =	vadd.s32 @!p2 $0x6011, v3  }
0x146: {  	[tilespmem:$0x80] =	vst @!p2 v2;
	v2 =	vadd.s32 @!p2 v4, v0;
	v4 =	vadd.s32 @!p2 $0xC011, v3  }
0x147: {  	[tilespmem:$0x90] =	vst @!p2 v2;
	v2 =	vadd.s32 @!p2 v4, v0;
	v4 =	vadd.s32 @!p2 $0x12011, v3  }
0x148: {  	[tilespmem:$0xA0] =	vst @!p2 v2;
	v2 =	vadd.s32 @!p2 v4, v0  }
0x149: {  	s12 =	simm.s32 @!p2 $0x80;
	s14 =	simm.s32 @!p2 $0x100;
	s8 =	simm.s32 @!p2 $0x40;
	[tilespmem:$0xB0] =	vst @!p2 v2  }
0x14a: {  	[tilespmem:s14], [sflag:$0x1] =	stream.indirect.gather @!p2 [hbm4b:s2+s8], $0x80, s12, s8, $0xb8;
	[tilespmem:$0x2100] =	vst v63  }
0x14b: {  	s8 =	simm.s32 @!p2 $0x1  }
0x14c: {  	_ =	swait.ge @!p2 [sflag:s8], $0x2000  }
0x14d: {  	s12 =	simm.s32 @!p2 $0x9000;
	[sflag:s8] =	ssyncset.done @!p2 $0x0  }
0x14e: {  	s15 =	rddreg [dreg:$0x5];
	[sflag:s8] =	ssyncadd.s32 @!p2 $0xFFFFE000;
	s8 =	simm.s32 @!p2 $0x400  }
0x14f: {  	[hbm4b:s15+s8] =	stream.strided.scatter @!p2 [tilespmem:s14], [sflag:$0x2], $0x2000, s12, s8, $0x38;
	[tilespmem:$0x2100] =	vst v63  }
0x150: {  	s8 =	simm.s32 @!p2 $0x2  }
0x151: {  	_ =	swait.ge @!p2 [sflag:s8], $0x2000  }
.Ltmp17:
0x152: {  	v2 =	vor.u32 @!p2 $0xD1, v3;
	[sflag:s8] =	ssyncset.done @!p2 $0x0;
	(pc) =	sbr.rel .LBB2_18-.Ltmp17, $4  }
0x153: {  	v1 =	vadd.s32 @p2 $0x120CB, v1;
	v4 =	vadd.s32 @!p2 $0x60D1, v3;
	v2 =	vadd.s32 @!p2 v2, v0;
	[sflag:s8] =	ssyncadd.s32 @!p2 $0xFFFFE000  }
0x154: {  	[tilespmem:$0x80] =	vst @!p2 v2;
	v2 =	vadd.s32 @!p2 v4, v0;
	v4 =	vadd.s32 @!p2 $0xC0D1, v3;
	v3 =	vadd.s32 @!p2 $0x120D1, v3  }
0x155: {  	v1 =	vadd.s32 @p2 v1, v0;
	[tilespmem:$0x90] =	vst @!p2 v2;
	v2 =	vadd.s32 @!p2 v4, v0;
	v0 =	vadd.s32 @!p2 v3, v0  }
0x156: {  	s14 =	rddreg [dreg:$0x6];
	[tilespmem:$0xA0] =	vst @!p2 v2;
	v0 =	vpsel p2, v1, v0  }
.LBB2_19:
0x157: {  	_ =	sfence.sel $0x180000  }
0x158: {  	[bflag:$0x0] =	sbarrier.arrive $0xFFFF  }
0x159: {  	_ =	strace $0x90000047  }
0x15a: {  	s0 =	stileid.u32;
	[bflag:$0x2] =	sbarrier.arrive $0xFFFF  }
0x15b: {  	p0 =	sne.s32 s0, $0x0;
	s0 =	rddreg [dreg:$0x3]  }
0x15c: {  	s0 =	sadd.s32 @!p0 $0x100000, s0  }
0x15d: {  	[sflag:s0] =	ssyncadd.tile.s32 @!p0 $0x1;
	_ =	shalt  }
.Lfunc_end2:
_tile_overlayer_lowered:
.L_overlay_start_2:
0x15e: {  	(tag) =	ssettag $0x2  }
0x15f: {  	s0 =	rddreg [dreg:$0x0];
	s2 =	stileid.u32  }
0x160: {  	s1 =	rddreg [dreg:$0x1];
	p0 =	sne.s32 s2, $0x0  }
0x161: {  	s3 =	rddreg [dreg:$0x2];
	[bflag:$0x3] =	sbarrier.arrive $0xFFFF;
	s2 =	simm.s32 @!p0 $0x1C02  }
0x162: {  	[timem:s3], [sflag:s2] =	dma.local @!p0 [hbm:s0], s1  }
0x163: {  	s0 =	simm.s32 @!p0 $0x2  }
0x164: {  	_ =	swait.ge @!p0 [sflag:s0], s1  }
0x165: {  	s1 =	ssub.s32 @!p0 $0x0, s1;
	[sflag:s0] =	ssyncset.done @!p0 $0x0  }
0x166: {  	[sflag:s0] =	ssyncadd.s32 @!p0 s1  }
0x167: {  	[bflag:$0x3] =	sbarrier.arrive $0xFFFF  }
0x168: {  	_ =	shalt  }

</sc_bundles>
